<compile_context>
chip_gen: v7x
topology: tpu7x:2x2x1
jax: 0.10.2.dev20260603
libtpu: 0.0.44.dev20260713+nightly
codegen_flags: <defaults>
</compile_context>

<pallas_src>
import functools

import jax
import jax.numpy as jnp
from jax import lax
from jax.experimental import pallas as pl
from jax.experimental.pallas import tpu as pltpu
from jax.experimental.pallas import tpu_sc as plsc

D = 128
NC = 2
NS = 16
CHUNK = 64
RPT = 640
ACC_ROWS = NS * RPT
NB = 3
G = 36
NG = 9


def _sc_scatter_add(feat, src5, dst5, zeros):
    mesh = plsc.VectorSubcoreMesh(core_axis_name="c", subcore_axis_name="s")

    @functools.partial(
        pl.kernel,
        mesh=mesh,
        out_type=jax.ShapeDtypeStruct((ACC_ROWS, D), jnp.float32),
        scratch_types=[
            *[pltpu.VMEM((2, G, CHUNK), jnp.int32) for _ in range(2)],
            *[pltpu.VMEM((CHUNK, D), jnp.float32) for _ in range(NB)],
            pltpu.VMEM_SHARED((ACC_ROWS, D), jnp.float32),
            *[pltpu.SemaphoreType.DMA for _ in range(NB + 3)],
        ],
    )
    def k(feat_h, src_h, dst_h, zeros_h, out_h, ib0, ib1, *rest):
        ibufs = (ib0, ib1)
        bufs = rest[:NB]
        acc_s = rest[NB]
        gsem = rest[NB + 1: 2 * NB + 1]
        isem = rest[2 * NB + 1: 2 * NB + 3]
        c = lax.axis_index("c")
        s = lax.axis_index("s")

        def idx_start(grp, par):
            pltpu.async_copy(src_h.at[s, grp], ibufs[par].at[0], isem[par])
            pltpu.async_copy(dst_h.at[s, grp], ibufs[par].at[1], isem[par])

        def idx_wait(grp, par):
            pltpu.make_async_copy(
                src_h.at[s, grp], ibufs[par].at[0], isem[par]
            ).wait()
            pltpu.make_async_copy(
                dst_h.at[s, grp], ibufs[par].at[1], isem[par]
            ).wait()

        @pl.when(c == 0)
        def _core0():
            zcopy = pltpu.async_copy(
                zeros_h.at[s], acc_s.at[pl.ds(s * RPT, RPT)], isem[1]
            )
            idx_start(0, 0)
            idx_wait(0, 0)
            zcopy.wait()
            plsc.subcore_barrier()

            for grp in range(NG):
                ib = ibufs[grp % 2]
                if grp > 0:
                    idx_wait(grp, grp % 2)
                if grp + 1 < NG:
                    idx_start(grp + 1, (grp + 1) % 2)
                for b in range(NB):
                    pltpu.async_copy(feat_h.at[ib.at[0, b]], bufs[b], gsem[b])

                def body(i, _):
                    for b in range(NB):
                        t = i * NB + b
                        pltpu.make_async_copy(
                            feat_h.at[ib.at[0, t]], bufs[b], gsem[b]
                        ).wait()
                        pltpu.sync_copy(bufs[b], acc_s.at[ib.at[1, t]],
                                        add=True)
                        pltpu.async_copy(
                            feat_h.at[ib.at[0, t + NB]], bufs[b], gsem[b]
                        )
                    return ()

                lax.fori_loop(0, (G - NB) // NB, body, ())
                for b in range(NB):
                    t = G - NB + b
                    pltpu.make_async_copy(
                        feat_h.at[ib.at[0, t]], bufs[b], gsem[b]
                    ).wait()
                    pltpu.sync_copy(bufs[b], acc_s.at[ib.at[1, t]], add=True)

            plsc.subcore_barrier()
            pltpu.sync_copy(
                acc_s.at[pl.ds(s * RPT, RPT)], out_h.at[pl.ds(s * RPT, RPT)]
            )

    return k(feat, src5, dst5, zeros)


def _tc_linear(acc, W, b, n_nodes):
    blk = 1000
    grid = n_nodes // blk

    def body(p_ref, w_ref, b_ref, o_ref):
        y = lax.dot_general(
            p_ref[...], w_ref[...], (((1,), (1,)), ((), ())),
            preferred_element_type=jnp.float32,
        )
        o_ref[...] = y + b_ref[...]

    return pl.pallas_call(
        body,
        grid=(grid,),
        in_specs=[
            pl.BlockSpec((blk, D), lambda i: (i, 0)),
            pl.BlockSpec((D, D), lambda i: (0, 0)),
            pl.BlockSpec((1, D), lambda i: (0, 0)),
        ],
        out_specs=pl.BlockSpec((blk, D), lambda i: (i, 0)),
        out_shape=jax.ShapeDtypeStruct((n_nodes, D), jnp.float32),
    )(acc, W, b.reshape(1, D))


def kernel(feat, edge_index, W, b):
    n_nodes = feat.shape[0]
    n_edges = edge_index.shape[1]
    src = edge_index[0].astype(jnp.int32)
    dst = edge_index[1].astype(jnp.int32)
    e_pad = NS * NG * G * CHUNK
    pad = e_pad - n_edges
    if pad:
        ar = jnp.arange(pad, dtype=jnp.int32)
        src = jnp.concatenate([src, ar % n_nodes])
        dst = jnp.concatenate([dst, n_nodes + ar % (ACC_ROWS - n_nodes)])
    s5 = src.reshape(NS, NG, G, CHUNK)
    d5 = dst.reshape(NS, NG, G, CHUNK)
    zeros = jnp.zeros((NS, RPT, D), jnp.float32)
    acc = _sc_scatter_add(feat, s5, d5, zeros)
    return _tc_linear(acc, W, b, n_nodes)

# --- scband reference (transcript-rebuilt; emitter-appended) ---
"""Pipeline reference for scband-ngram-conv-11158325035417 (READ-ONLY COPY).

The authoritative reference and input builder live on the scoring server;
editing this copy changes nothing except your own understanding.
"""

import jax, jax.numpy as jnp
import numpy as np

N_NODES = 10000
N_EDGES = 320000
IN_FEATS = 128
OUT_FEATS = 128


def setup_inputs(seed: int = 0) -> dict:
    key = jax.random.key(seed)
    k1, k2, k3, k4 = jax.random.split(key, 4)
    feat = jax.random.normal(k1, (N_NODES, IN_FEATS), dtype=jnp.float32)
    edge_index = jax.random.randint(k2, (2, N_EDGES), 0, N_NODES, dtype=jnp.int64)
    # Linear layer params (PyTorch nn.Linear: W [out, in], b [out])
    bound = 1.0 / np.sqrt(IN_FEATS)
    W = jax.random.uniform(k3, (OUT_FEATS, IN_FEATS), dtype=jnp.float32, minval=-bound, maxval=bound)
    b = jax.random.uniform(k4, (OUT_FEATS,), dtype=jnp.float32, minval=-bound, maxval=bound)
    return {"feat": feat, "edge_index": edge_index, "W": W, "b": b}


def reference(feat, edge_index, W, b):
    # DGL update_all(copy_u('h','m'), sum('m','h_sum')):
    # for each edge (src, dst), message m = feat[src]; h_sum[dst] = sum of messages.
    src = edge_index[0]
    dst = edge_index[1]
    messages = jnp.take(feat, src, axis=0)  # gather source node features [E, d]
    h_sum = jnp.zeros((feat.shape[0], feat.shape[1]), dtype=feat.dtype).at[dst].add(messages)
    # Linear layer
    out = h_sum @ W.T + b
    return out

if __name__ == "__main__":
    import jax
    _d = setup_inputs()
    print(jax.jit(kernel)(*tuple(_d.values())))

</pallas_src>

<mosaic_0001>
#map = affine_map<(d0, d1) -> (0, 0)>
#map1 = affine_map<(d0, d1) -> (0, 0, 0, 0)>
#map2 = affine_map<(d0, d1) -> (0, 0, 0)>
module attributes {stable_mosaic.version = 14 : i64} {
  func.func @k(%arg0: i32, %arg1: i32, %arg2: memref<10000x128xf32, #tpu.memory_space<hbm>>, %arg3: memref<16x9x36x64xi32, #tpu.memory_space<hbm>>, %arg4: memref<16x9x36x64xi32, #tpu.memory_space<hbm>>, %arg5: memref<16x640x128xf32, #tpu.memory_space<hbm>>, %arg6: memref<10240x128xf32, #tpu.memory_space<hbm>>, %arg7: memref<2x36x64xi32, #tpu.memory_space<vmem>>, %arg8: memref<2x36x64xi32, #tpu.memory_space<vmem>>, %arg9: memref<64x128xf32, #tpu.memory_space<vmem>>, %arg10: memref<64x128xf32, #tpu.memory_space<vmem>>, %arg11: memref<64x128xf32, #tpu.memory_space<vmem>>, %arg12: memref<10240x128xf32, #tpu.memory_space<vmem_shared>>, %arg13: memref<!tpu.dma_semaphore, #tpu.memory_space<semaphore_mem>>, %arg14: memref<!tpu.dma_semaphore, #tpu.memory_space<semaphore_mem>>, %arg15: memref<!tpu.dma_semaphore, #tpu.memory_space<semaphore_mem>>, %arg16: memref<!tpu.dma_semaphore, #tpu.memory_space<semaphore_mem>>, %arg17: memref<!tpu.dma_semaphore, #tpu.memory_space<semaphore_mem>>, %arg18: memref<!tpu.dma_semaphore, #tpu.memory_space<semaphore_mem>>) attributes {dimension_semantics = [#tpu.dimension_semantics<core_parallel>, #tpu.dimension_semantics<subcore_parallel>], iteration_bounds = array<i64: 2, 16>, scalar_prefetch = 0 : i64, scratch_operands = 12 : i64, tpu.core_type = #tpu.core_type<sc_vector_subcore>, window_params = [{transform_indices = #map}, {transform_indices = #map1}, {transform_indices = #map1}, {transform_indices = #map2}, {transform_indices = #map}]} {
    %eq3A = arith.constant 0 : i32
    %eq3A_0 = arith.cmpi eq, %arg0, %eq3A : i32
    %convert_element_type3A = arith.extui %eq3A_0 : i1 to i32
    %cond3A = arith.constant 0 : i32
    %cond3A_1 = arith.cmpi ne, %convert_element_type3A, %cond3A : i32
    scf.if %cond3A_1 {
      %mul3A = arith.constant 640 : i32
      %mul3A_2 = arith.muli %arg1, %mul3A : i32
      %dma_start3A = arith.constant 0 : i32
      %dma_start3A_3 = tpu.memref_slice %arg12[%mul3A_2, %dma_start3A] : memref<10240x128xf32, #tpu.memory_space<vmem_shared>> -> memref<640x128xf32, #tpu.memory_space<vmem_shared>>
      %dma_start3A_4 = arith.constant 0 : i32
      %dma_start3A_5 = arith.constant 0 : i32
      %dma_start3A_6 = tpu.memref_slice %arg5[%arg1, %dma_start3A_4, %dma_start3A_5] : memref<16x640x128xf32, #tpu.memory_space<hbm>> -> memref<1x640x128xf32, #tpu.memory_space<hbm>>
      %dma_start3A_7 = tpu.memref_squeeze %dma_start3A_6 : memref<1x640x128xf32, #tpu.memory_space<hbm>> -> memref<640x128xf32, #tpu.memory_space<hbm>>
      tpu.enqueue_dma source(%dma_start3A_7 : memref<640x128xf32, #tpu.memory_space<hbm>>) target(%dma_start3A_3 : memref<640x128xf32, #tpu.memory_space<vmem_shared>>) target_semaphore(%arg17 : memref<!tpu.dma_semaphore, #tpu.memory_space<semaphore_mem>>)
      %dma_start3A_8 = arith.constant 0 : i32
      %dma_start3A_9 = arith.constant 0 : i32
      %dma_start3A_10 = arith.constant 0 : i32
      %dma_start3A_11 = arith.constant 0 : i32
      %dma_start3A_12 = tpu.memref_slice %arg7[%dma_start3A_9, %dma_start3A_10, %dma_start3A_11] : memref<2x36x64xi32, #tpu.memory_space<vmem>> -> memref<1x36x64xi32, #tpu.memory_space<vmem>>
      %dma_start3A_13 = tpu.memref_squeeze %dma_start3A_12 : memref<1x36x64xi32, #tpu.memory_space<vmem>> -> memref<36x64xi32, #tpu.memory_space<vmem>>
      %dma_start3A_14 = arith.constant 0 : i32
      %dma_start3A_15 = arith.constant 0 : i32
      %dma_start3A_16 = tpu.memref_slice %arg3[%arg1, %dma_start3A_8, %dma_start3A_14, %dma_start3A_15] : memref<16x9x36x64xi32, #tpu.memory_space<hbm>> -> memref<1x1x36x64xi32, #tpu.memory_space<hbm>>
      %dma_start3A_17 = tpu.memref_squeeze %dma_start3A_16 : memref<1x1x36x64xi32, #tpu.memory_space<hbm>> -> memref<36x64xi32, #tpu.memory_space<hbm>>
      %dma_start3A_18 = arith.constant 0 : i32
      %dma_start3A_19 = arith.constant 0 : i32
      %dma_start3A_20 = tpu.memref_slice %arg7[%dma_start3A_9, %dma_start3A_18, %dma_start3A_19] : memref<2x36x64xi32, #tpu.memory_space<vmem>> -> memref<1x36x64xi32, #tpu.memory_space<vmem>>
      %dma_start3A_21 = tpu.memref_squeeze %dma_start3A_20 : memref<1x36x64xi32, #tpu.memory_space<vmem>> -> memref<36x64xi32, #tpu.memory_space<vmem>>
      %dma_start3A_22 = arith.constant 0 : i32
      %dma_start3A_23 = arith.constant 0 : i32
      %dma_start3A_24 = tpu.memref_slice %arg3[%arg1, %dma_start3A_8, %dma_start3A_22, %dma_start3A_23] : memref<16x9x36x64xi32, #tpu.memory_space<hbm>> -> memref<1x1x36x64xi32, #tpu.memory_space<hbm>>
      %dma_start3A_25 = tpu.memref_squeeze %dma_start3A_24 : memref<1x1x36x64xi32, #tpu.memory_space<hbm>> -> memref<36x64xi32, #tpu.memory_space<hbm>>
      tpu.enqueue_dma source(%dma_start3A_25 : memref<36x64xi32, #tpu.memory_space<hbm>>) target(%dma_start3A_21 : memref<36x64xi32, #tpu.memory_space<vmem>>) target_semaphore(%arg16 : memref<!tpu.dma_semaphore, #tpu.memory_space<semaphore_mem>>)
      %dma_start3A_26 = arith.constant 0 : i32
      %dma_start3A_27 = arith.constant 1 : i32
      %dma_start3A_28 = arith.constant 0 : i32
      %dma_start3A_29 = arith.constant 0 : i32
      %dma_start3A_30 = tpu.memref_slice %arg7[%dma_start3A_27, %dma_start3A_28, %dma_start3A_29] : memref<2x36x64xi32, #tpu.memory_space<vmem>> -> memref<1x36x64xi32, #tpu.memory_space<vmem>>
      %dma_start3A_31 = tpu.memref_squeeze %dma_start3A_30 : memref<1x36x64xi32, #tpu.memory_space<vmem>> -> memref<36x64xi32, #tpu.memory_space<vmem>>
      %dma_start3A_32 = arith.constant 0 : i32
      %dma_start3A_33 = arith.constant 0 : i32
      %dma_start3A_34 = tpu.memref_slice %arg4[%arg1, %dma_start3A_26, %dma_start3A_32, %dma_start3A_33] : memref<16x9x36x64xi32, #tpu.memory_space<hbm>> -> memref<1x1x36x64xi32, #tpu.memory_space<hbm>>
      %dma_start3A_35 = tpu.memref_squeeze %dma_start3A_34 : memref<1x1x36x64xi32, #tpu.memory_space<hbm>> -> memref<36x64xi32, #tpu.memory_space<hbm>>
      %dma_start3A_36 = arith.constant 0 : i32
      %dma_start3A_37 = arith.constant 0 : i32
      %dma_start3A_38 = tpu.memref_slice %arg7[%dma_start3A_27, %dma_start3A_36, %dma_start3A_37] : memref<2x36x64xi32, #tpu.memory_space<vmem>> -> memref<1x36x64xi32, #tpu.memory_space<vmem>>
      %dma_start3A_39 = tpu.memref_squeeze %dma_start3A_38 : memref<1x36x64xi32, #tpu.memory_space<vmem>> -> memref<36x64xi32, #tpu.memory_space<vmem>>
      %dma_start3A_40 = arith.constant 0 : i32
      %dma_start3A_41 = arith.constant 0 : i32
      %dma_start3A_42 = tpu.memref_slice %arg4[%arg1, %dma_start3A_26, %dma_start3A_40, %dma_start3A_41] : memref<16x9x36x64xi32, #tpu.memory_space<hbm>> -> memref<1x1x36x64xi32, #tpu.memory_space<hbm>>
      %dma_start3A_43 = tpu.memref_squeeze %dma_start3A_42 : memref<1x1x36x64xi32, #tpu.memory_space<hbm>> -> memref<36x64xi32, #tpu.memory_space<hbm>>
      tpu.enqueue_dma source(%dma_start3A_43 : memref<36x64xi32, #tpu.memory_space<hbm>>) target(%dma_start3A_39 : memref<36x64xi32, #tpu.memory_space<vmem>>) target_semaphore(%arg16 : memref<!tpu.dma_semaphore, #tpu.memory_space<semaphore_mem>>)
      %dma_wait3A = arith.constant 0 : i32
      %dma_wait3A_44 = arith.constant 0 : i32
      %dma_wait3A_45 = arith.constant 0 : i32
      %dma_wait3A_46 = arith.constant 0 : i32
      %dma_wait3A_47 = tpu.memref_slice %arg7[%dma_wait3A_44, %dma_wait3A_45, %dma_wait3A_46] : memref<2x36x64xi32, #tpu.memory_space<vmem>> -> memref<1x36x64xi32, #tpu.memory_space<vmem>>
      %dma_wait3A_48 = tpu.memref_squeeze %dma_wait3A_47 : memref<1x36x64xi32, #tpu.memory_space<vmem>> -> memref<36x64xi32, #tpu.memory_space<vmem>>
      %dma_wait3A_49 = arith.constant 0 : i32
      %dma_wait3A_50 = arith.constant 0 : i32
      %dma_wait3A_51 = tpu.memref_slice %arg3[%arg1, %dma_wait3A, %dma_wait3A_49, %dma_wait3A_50] : memref<16x9x36x64xi32, #tpu.memory_space<hbm>> -> memref<1x1x36x64xi32, #tpu.memory_space<hbm>>
      %dma_wait3A_52 = tpu.memref_squeeze %dma_wait3A_51 : memref<1x1x36x64xi32, #tpu.memory_space<hbm>> -> memref<36x64xi32, #tpu.memory_space<hbm>>
      %dma_wait3A_53 = arith.constant 0 : i32
      %dma_wait3A_54 = arith.constant 0 : i32
      %dma_wait3A_55 = tpu.memref_slice %arg7[%dma_wait3A_44, %dma_wait3A_53, %dma_wait3A_54] : memref<2x36x64xi32, #tpu.memory_space<vmem>> -> memref<1x36x64xi32, #tpu.memory_space<vmem>>
      %dma_wait3A_56 = tpu.memref_squeeze %dma_wait3A_55 : memref<1x36x64xi32, #tpu.memory_space<vmem>> -> memref<36x64xi32, #tpu.memory_space<vmem>>
      %dma_wait3A_57 = arith.constant 0 : i32
      %dma_wait3A_58 = arith.constant 0 : i32
      %dma_wait3A_59 = tpu.memref_slice %arg3[%arg1, %dma_wait3A, %dma_wait3A_57, %dma_wait3A_58] : memref<16x9x36x64xi32, #tpu.memory_space<hbm>> -> memref<1x1x36x64xi32, #tpu.memory_space<hbm>>
      %dma_wait3A_60 = tpu.memref_squeeze %dma_wait3A_59 : memref<1x1x36x64xi32, #tpu.memory_space<hbm>> -> memref<36x64xi32, #tpu.memory_space<hbm>>
      tpu.wait_dma2 semaphore(%arg16 : memref<!tpu.dma_semaphore, #tpu.memory_space<semaphore_mem>>) src(%dma_wait3A_60 : memref<36x64xi32, #tpu.memory_space<hbm>>) dst(%dma_wait3A_56 : memref<36x64xi32, #tpu.memory_space<vmem>>)
      %dma_wait3A_61 = arith.constant 0 : i32
      %dma_wait3A_62 = arith.constant 1 : i32
      %dma_wait3A_63 = arith.constant 0 : i32
      %dma_wait3A_64 = arith.constant 0 : i32
      %dma_wait3A_65 = tpu.memref_slice %arg7[%dma_wait3A_62, %dma_wait3A_63, %dma_wait3A_64] : memref<2x36x64xi32, #tpu.memory_space<vmem>> -> memref<1x36x64xi32, #tpu.memory_space<vmem>>
      %dma_wait3A_66 = tpu.memref_squeeze %dma_wait3A_65 : memref<1x36x64xi32, #tpu.memory_space<vmem>> -> memref<36x64xi32, #tpu.memory_space<vmem>>
      %dma_wait3A_67 = arith.constant 0 : i32
      %dma_wait3A_68 = arith.constant 0 : i32
      %dma_wait3A_69 = tpu.memref_slice %arg4[%arg1, %dma_wait3A_61, %dma_wait3A_67, %dma_wait3A_68] : memref<16x9x36x64xi32, #tpu.memory_space<hbm>> -> memref<1x1x36x64xi32, #tpu.memory_space<hbm>>
      %dma_wait3A_70 = tpu.memref_squeeze %dma_wait3A_69 : memref<1x1x36x64xi32, #tpu.memory_space<hbm>> -> memref<36x64xi32, #tpu.memory_space<hbm>>
      %dma_wait3A_71 = arith.constant 0 : i32
      %dma_wait3A_72 = arith.constant 0 : i32
      %dma_wait3A_73 = tpu.memref_slice %arg7[%dma_wait3A_62, %dma_wait3A_71, %dma_wait3A_72] : memref<2x36x64xi32, #tpu.memory_space<vmem>> -> memref<1x36x64xi32, #tpu.memory_space<vmem>>
      %dma_wait3A_74 = tpu.memref_squeeze %dma_wait3A_73 : memref<1x36x64xi32, #tpu.memory_space<vmem>> -> memref<36x64xi32, #tpu.memory_space<vmem>>
      %dma_wait3A_75 = arith.constant 0 : i32
      %dma_wait3A_76 = arith.constant 0 : i32
      %dma_wait3A_77 = tpu.memref_slice %arg4[%arg1, %dma_wait3A_61, %dma_wait3A_75, %dma_wait3A_76] : memref<16x9x36x64xi32, #tpu.memory_space<hbm>> -> memref<1x1x36x64xi32, #tpu.memory_space<hbm>>
      %dma_wait3A_78 = tpu.memref_squeeze %dma_wait3A_77 : memref<1x1x36x64xi32, #tpu.memory_space<hbm>> -> memref<36x64xi32, #tpu.memory_space<hbm>>
      tpu.wait_dma2 semaphore(%arg16 : memref<!tpu.dma_semaphore, #tpu.memory_space<semaphore_mem>>) src(%dma_wait3A_78 : memref<36x64xi32, #tpu.memory_space<hbm>>) dst(%dma_wait3A_74 : memref<36x64xi32, #tpu.memory_space<vmem>>)
      %dma_wait3A_79 = arith.constant 0 : i32
      %dma_wait3A_80 = tpu.memref_slice %arg12[%mul3A_2, %dma_wait3A_79] : memref<10240x128xf32, #tpu.memory_space<vmem_shared>> -> memref<640x128xf32, #tpu.memory_space<vmem_shared>>
      %dma_wait3A_81 = arith.constant 0 : i32
      %dma_wait3A_82 = arith.constant 0 : i32
      %dma_wait3A_83 = tpu.memref_slice %arg5[%arg1, %dma_wait3A_81, %dma_wait3A_82] : memref<16x640x128xf32, #tpu.memory_space<hbm>> -> memref<1x640x128xf32, #tpu.memory_space<hbm>>
      %dma_wait3A_84 = tpu.memref_squeeze %dma_wait3A_83 : memref<1x640x128xf32, #tpu.memory_space<hbm>> -> memref<640x128xf32, #tpu.memory_space<hbm>>
      tpu.wait_dma2 semaphore(%arg17 : memref<!tpu.dma_semaphore, #tpu.memory_space<semaphore_mem>>) src(%dma_wait3A_84 : memref<640x128xf32, #tpu.memory_space<hbm>>) dst(%dma_wait3A_80 : memref<640x128xf32, #tpu.memory_space<vmem_shared>>)
      %barrier3A = arith.constant 0 : index
      tpu.barrier barrier_id(%barrier3A)
      %dma_start3A_85 = arith.constant 1 : i32
      %dma_start3A_86 = arith.constant 0 : i32
      %dma_start3A_87 = arith.constant 0 : i32
      %dma_start3A_88 = arith.constant 0 : i32
      %dma_start3A_89 = tpu.memref_slice %arg8[%dma_start3A_86, %dma_start3A_87, %dma_start3A_88] : memref<2x36x64xi32, #tpu.memory_space<vmem>> -> memref<1x36x64xi32, #tpu.memory_space<vmem>>
      %dma_start3A_90 = tpu.memref_squeeze %dma_start3A_89 : memref<1x36x64xi32, #tpu.memory_space<vmem>> -> memref<36x64xi32, #tpu.memory_space<vmem>>
      %dma_start3A_91 = arith.constant 0 : i32
      %dma_start3A_92 = arith.constant 0 : i32
      %dma_start3A_93 = tpu.memref_slice %arg3[%arg1, %dma_start3A_85, %dma_start3A_91, %dma_start3A_92] : memref<16x9x36x64xi32, #tpu.memory_space<hbm>> -> memref<1x1x36x64xi32, #tpu.memory_space<hbm>>
      %dma_start3A_94 = tpu.memref_squeeze %dma_start3A_93 : memref<1x1x36x64xi32, #tpu.memory_space<hbm>> -> memref<36x64xi32, #tpu.memory_space<hbm>>
      %dma_start3A_95 = arith.constant 0 : i32
      %dma_start3A_96 = arith.constant 0 : i32
      %dma_start3A_97 = tpu.memref_slice %arg8[%dma_start3A_86, %dma_start3A_95, %dma_start3A_96] : memref<2x36x64xi32, #tpu.memory_space<vmem>> -> memref<1x36x64xi32, #tpu.memory_space<vmem>>
      %dma_start3A_98 = tpu.memref_squeeze %dma_start3A_97 : memref<1x36x64xi32, #tpu.memory_space<vmem>> -> memref<36x64xi32, #tpu.memory_space<vmem>>
      %dma_start3A_99 = arith.constant 0 : i32
      %dma_start3A_100 = arith.constant 0 : i32
      %dma_start3A_101 = tpu.memref_slice %arg3[%arg1, %dma_start3A_85, %dma_start3A_99, %dma_start3A_100] : memref<16x9x36x64xi32, #tpu.memory_space<hbm>> -> memref<1x1x36x64xi32, #tpu.memory_space<hbm>>
      %dma_start3A_102 = tpu.memref_squeeze %dma_start3A_101 : memref<1x1x36x64xi32, #tpu.memory_space<hbm>> -> memref<36x64xi32, #tpu.memory_space<hbm>>
      tpu.enqueue_dma source(%dma_start3A_102 : memref<36x64xi32, #tpu.memory_space<hbm>>) target(%dma_start3A_98 : memref<36x64xi32, #tpu.memory_space<vmem>>) target_semaphore(%arg17 : memref<!tpu.dma_semaphore, #tpu.memory_space<semaphore_mem>>)
      %dma_start3A_103 = arith.constant 1 : i32
      %dma_start3A_104 = arith.constant 1 : i32
      %dma_start3A_105 = arith.constant 0 : i32
      %dma_start3A_106 = arith.constant 0 : i32
      %dma_start3A_107 = tpu.memref_slice %arg8[%dma_start3A_104, %dma_start3A_105, %dma_start3A_106] : memref<2x36x64xi32, #tpu.memory_space<vmem>> -> memref<1x36x64xi32, #tpu.memory_space<vmem>>
      %dma_start3A_108 = tpu.memref_squeeze %dma_start3A_107 : memref<1x36x64xi32, #tpu.memory_space<vmem>> -> memref<36x64xi32, #tpu.memory_space<vmem>>
      %dma_start3A_109 = arith.constant 0 : i32
      %dma_start3A_110 = arith.constant 0 : i32
      %dma_start3A_111 = tpu.memref_slice %arg4[%arg1, %dma_start3A_103, %dma_start3A_109, %dma_start3A_110] : memref<16x9x36x64xi32, #tpu.memory_space<hbm>> -> memref<1x1x36x64xi32, #tpu.memory_space<hbm>>
      %dma_start3A_112 = tpu.memref_squeeze %dma_start3A_111 : memref<1x1x36x64xi32, #tpu.memory_space<hbm>> -> memref<36x64xi32, #tpu.memory_space<hbm>>
      %dma_start3A_113 = arith.constant 0 : i32
      %dma_start3A_114 = arith.constant 0 : i32
      %dma_start3A_115 = tpu.memref_slice %arg8[%dma_start3A_104, %dma_start3A_113, %dma_start3A_114] : memref<2x36x64xi32, #tpu.memory_space<vmem>> -> memref<1x36x64xi32, #tpu.memory_space<vmem>>
      %dma_start3A_116 = tpu.memref_squeeze %dma_start3A_115 : memref<1x36x64xi32, #tpu.memory_space<vmem>> -> memref<36x64xi32, #tpu.memory_space<vmem>>
      %dma_start3A_117 = arith.constant 0 : i32
      %dma_start3A_118 = arith.constant 0 : i32
      %dma_start3A_119 = tpu.memref_slice %arg4[%arg1, %dma_start3A_103, %dma_start3A_117, %dma_start3A_118] : memref<16x9x36x64xi32, #tpu.memory_space<hbm>> -> memref<1x1x36x64xi32, #tpu.memory_space<hbm>>
      %dma_start3A_120 = tpu.memref_squeeze %dma_start3A_119 : memref<1x1x36x64xi32, #tpu.memory_space<hbm>> -> memref<36x64xi32, #tpu.memory_space<hbm>>
      tpu.enqueue_dma source(%dma_start3A_120 : memref<36x64xi32, #tpu.memory_space<hbm>>) target(%dma_start3A_116 : memref<36x64xi32, #tpu.memory_space<vmem>>) target_semaphore(%arg17 : memref<!tpu.dma_semaphore, #tpu.memory_space<semaphore_mem>>)
      %dma_start3A_121 = arith.constant 0 : i32
      %dma_start3A_122 = arith.constant 0 : i32
      %dma_start3A_123 = arith.constant 0 : i32
      %dma_start3A_124 = tpu.memref_slice %arg7[%dma_start3A_121, %dma_start3A_122, %dma_start3A_123] : memref<2x36x64xi32, #tpu.memory_space<vmem>> -> memref<1x1x64xi32, #tpu.memory_space<vmem>>
      %dma_start3A_125 = tpu.memref_squeeze %dma_start3A_124 : memref<1x1x64xi32, #tpu.memory_space<vmem>> -> memref<64xi32, #tpu.memory_space<vmem>>
      %dma_start3A_126 = arith.constant 0 : i32
      %dma_start3A_127 = arith.constant 0 : i32
      %dma_start3A_128 = tpu.memref_slice %arg2[%dma_start3A_126, %dma_start3A_127] : memref<10000x128xf32, #tpu.memory_space<hbm>> -> memref<10000x128xf32, #tpu.memory_space<hbm>>
      tpu.enqueue_indirect_dma source(%dma_start3A_128 : memref<10000x128xf32, #tpu.memory_space<hbm>>) target(%arg9 : memref<64x128xf32, #tpu.memory_space<vmem>>) offsets(%dma_start3A_125 : memref<64xi32, #tpu.memory_space<vmem>>) semaphore(%arg13 : memref<!tpu.dma_semaphore, #tpu.memory_space<semaphore_mem>>)
      %dma_start3A_129 = arith.constant 0 : i32
      %dma_start3A_130 = arith.constant 1 : i32
      %dma_start3A_131 = arith.constant 0 : i32
      %dma_start3A_132 = tpu.memref_slice %arg7[%dma_start3A_129, %dma_start3A_130, %dma_start3A_131] : memref<2x36x64xi32, #tpu.memory_space<vmem>> -> memref<1x1x64xi32, #tpu.memory_space<vmem>>
      %dma_start3A_133 = tpu.memref_squeeze %dma_start3A_132 : memref<1x1x64xi32, #tpu.memory_space<vmem>> -> memref<64xi32, #tpu.memory_space<vmem>>
      %dma_start3A_134 = arith.constant 0 : i32
      %dma_start3A_135 = arith.constant 0 : i32
      %dma_start3A_136 = tpu.memref_slice %arg2[%dma_start3A_134, %dma_start3A_135] : memref<10000x128xf32, #tpu.memory_space<hbm>> -> memref<10000x128xf32, #tpu.memory_space<hbm>>
      tpu.enqueue_indirect_dma source(%dma_start3A_136 : memref<10000x128xf32, #tpu.memory_space<hbm>>) target(%arg10 : memref<64x128xf32, #tpu.memory_space<vmem>>) offsets(%dma_start3A_133 : memref<64xi32, #tpu.memory_space<vmem>>) semaphore(%arg14 : memref<!tpu.dma_semaphore, #tpu.memory_space<semaphore_mem>>)
      %dma_start3A_137 = arith.constant 0 : i32
      %dma_start3A_138 = arith.constant 2 : i32
      %dma_start3A_139 = arith.constant 0 : i32
      %dma_start3A_140 = tpu.memref_slice %arg7[%dma_start3A_137, %dma_start3A_138, %dma_start3A_139] : memref<2x36x64xi32, #tpu.memory_space<vmem>> -> memref<1x1x64xi32, #tpu.memory_space<vmem>>
      %dma_start3A_141 = tpu.memref_squeeze %dma_start3A_140 : memref<1x1x64xi32, #tpu.memory_space<vmem>> -> memref<64xi32, #tpu.memory_space<vmem>>
      %dma_start3A_142 = arith.constant 0 : i32
      %dma_start3A_143 = arith.constant 0 : i32
      %dma_start3A_144 = tpu.memref_slice %arg2[%dma_start3A_142, %dma_start3A_143] : memref<10000x128xf32, #tpu.memory_space<hbm>> -> memref<10000x128xf32, #tpu.memory_space<hbm>>
      tpu.enqueue_indirect_dma source(%dma_start3A_144 : memref<10000x128xf32, #tpu.memory_space<hbm>>) target(%arg11 : memref<64x128xf32, #tpu.memory_space<vmem>>) offsets(%dma_start3A_141 : memref<64xi32, #tpu.memory_space<vmem>>) semaphore(%arg15 : memref<!tpu.dma_semaphore, #tpu.memory_space<semaphore_mem>>)
      %scan3A = arith.constant 0 : i32
      %scan3A_145 = arith.constant 11 : i32
      %scan3A_146 = arith.addi %scan3A, %scan3A_145 : i32
      %scan3A_147 = arith.constant 1 : i32
      scf.for %scan3A_1195 = %scan3A to %scan3A_146 step %scan3A_147  : i32 {
        %mul3A_1196 = arith.constant 3 : i32
        %mul3A_1197 = arith.muli %scan3A_1195, %mul3A_1196 : i32
        %add3A = arith.constant 0 : i32
        %add3A_1198 = arith.addi %mul3A_1197, %add3A : i32
        %dma_wait3A_1199 = arith.constant 0 : i32
        %dma_wait3A_1200 = arith.constant 0 : i32
        %dma_wait3A_1201 = tpu.memref_slice %arg7[%dma_wait3A_1199, %add3A_1198, %dma_wait3A_1200] : memref<2x36x64xi32, #tpu.memory_space<vmem>> -> memref<1x1x64xi32, #tpu.memory_space<vmem>>
        %dma_wait3A_1202 = tpu.memref_squeeze %dma_wait3A_1201 : memref<1x1x64xi32, #tpu.memory_space<vmem>> -> memref<64xi32, #tpu.memory_space<vmem>>
        %dma_wait3A_1203 = arith.constant 0 : i32
        %dma_wait3A_1204 = arith.constant 0 : i32
        %dma_wait3A_1205 = tpu.memref_slice %arg2[%dma_wait3A_1203, %dma_wait3A_1204] : memref<10000x128xf32, #tpu.memory_space<hbm>> -> memref<10000x128xf32, #tpu.memory_space<hbm>>
        tpu.wait_indirect_dma semaphore(%arg13 : memref<!tpu.dma_semaphore, #tpu.memory_space<semaphore_mem>>) src(%dma_wait3A_1205 : memref<10000x128xf32, #tpu.memory_space<hbm>>) dst(%arg9 : memref<64x128xf32, #tpu.memory_space<vmem>>)
        %run_scoped3A_1206 = arith.constant 1 : i32
        "tpu.region"() ({
          %run_scoped3A_1258 = tpu.sem_alloc : memref<!tpu.dma_semaphore, #tpu.memory_space<semaphore_mem>>
          %dma_start3A_1259 = arith.constant 0 : i32
          %dma_start3A_1260 = tpu.memref_slice %arg7[%run_scoped3A_1206, %add3A_1198, %dma_start3A_1259] : memref<2x36x64xi32, #tpu.memory_space<vmem>> -> memref<1x1x64xi32, #tpu.memory_space<vmem>>
          %dma_start3A_1261 = tpu.memref_squeeze %dma_start3A_1260 : memref<1x1x64xi32, #tpu.memory_space<vmem>> -> memref<64xi32, #tpu.memory_space<vmem>>
          %dma_start3A_1262 = arith.constant 0 : i32
          %dma_start3A_1263 = arith.constant 0 : i32
          %dma_start3A_1264 = tpu.memref_slice %arg12[%dma_start3A_1262, %dma_start3A_1263] : memref<10240x128xf32, #tpu.memory_space<vmem_shared>> -> memref<10240x128xf32, #tpu.memory_space<vmem_shared>>
          tpu.enqueue_indirect_dma source(%arg9 : memref<64x128xf32, #tpu.memory_space<vmem>>) target(%dma_start3A_1264 : memref<10240x128xf32, #tpu.memory_space<vmem_shared>>) offsets(%dma_start3A_1261 : memref<64xi32, #tpu.memory_space<vmem>>) semaphore(%run_scoped3A_1258 : memref<!tpu.dma_semaphore, #tpu.memory_space<semaphore_mem>>) {add = true}
          %dma_wait3A_1265 = arith.constant 0 : i32
          %dma_wait3A_1266 = tpu.memref_slice %arg7[%run_scoped3A_1206, %add3A_1198, %dma_wait3A_1265] : memref<2x36x64xi32, #tpu.memory_space<vmem>> -> memref<1x1x64xi32, #tpu.memory_space<vmem>>
          %dma_wait3A_1267 = tpu.memref_squeeze %dma_wait3A_1266 : memref<1x1x64xi32, #tpu.memory_space<vmem>> -> memref<64xi32, #tpu.memory_space<vmem>>
          %dma_wait3A_1268 = arith.constant 0 : i32
          %dma_wait3A_1269 = arith.constant 0 : i32
          %dma_wait3A_1270 = tpu.memref_slice %arg12[%dma_wait3A_1268, %dma_wait3A_1269] : memref<10240x128xf32, #tpu.memory_space<vmem_shared>> -> memref<10240x128xf32, #tpu.memory_space<vmem_shared>>
          tpu.wait_indirect_dma semaphore(%run_scoped3A_1258 : memref<!tpu.dma_semaphore, #tpu.memory_space<semaphore_mem>>) src(%arg9 : memref<64x128xf32, #tpu.memory_space<vmem>>) dst(%dma_wait3A_1270 : memref<10240x128xf32, #tpu.memory_space<vmem_shared>>)
          tpu.yield
        }) : () -> ()
        %add3A_1207 = arith.constant 3 : i32
        %add3A_1208 = arith.addi %add3A_1198, %add3A_1207 : i32
        %dma_start3A_1209 = arith.constant 0 : i32
        %dma_start3A_1210 = arith.constant 0 : i32
        %dma_start3A_1211 = tpu.memref_slice %arg7[%dma_start3A_1209, %add3A_1208, %dma_start3A_1210] : memref<2x36x64xi32, #tpu.memory_space<vmem>> -> memref<1x1x64xi32, #tpu.memory_space<vmem>>
        %dma_start3A_1212 = tpu.memref_squeeze %dma_start3A_1211 : memref<1x1x64xi32, #tpu.memory_space<vmem>> -> memref<64xi32, #tpu.memory_space<vmem>>
        %dma_start3A_1213 = arith.constant 0 : i32
        %dma_start3A_1214 = arith.constant 0 : i32
        %dma_start3A_1215 = tpu.memref_slice %arg2[%dma_start3A_1213, %dma_start3A_1214] : memref<10000x128xf32, #tpu.memory_space<hbm>> -> memref<10000x128xf32, #tpu.memory_space<hbm>>
        tpu.enqueue_indirect_dma source(%dma_start3A_1215 : memref<10000x128xf32, #tpu.memory_space<hbm>>) target(%arg9 : memref<64x128xf32, #tpu.memory_space<vmem>>) offsets(%dma_start3A_1212 : memref<64xi32, #tpu.memory_space<vmem>>) semaphore(%arg13 : memref<!tpu.dma_semaphore, #tpu.memory_space<semaphore_mem>>)
        %mul3A_1216 = arith.constant 3 : i32
        %mul3A_1217 = arith.muli %scan3A_1195, %mul3A_1216 : i32
        %add3A_1218 = arith.constant 1 : i32
        %add3A_1219 = arith.addi %mul3A_1217, %add3A_1218 : i32
        %dma_wait3A_1220 = arith.constant 0 : i32
        %dma_wait3A_1221 = arith.constant 0 : i32
        %dma_wait3A_1222 = tpu.memref_slice %arg7[%dma_wait3A_1220, %add3A_1219, %dma_wait3A_1221] : memref<2x36x64xi32, #tpu.memory_space<vmem>> -> memref<1x1x64xi32, #tpu.memory_space<vmem>>
        %dma_wait3A_1223 = tpu.memref_squeeze %dma_wait3A_1222 : memref<1x1x64xi32, #tpu.memory_space<vmem>> -> memref<64xi32, #tpu.memory_space<vmem>>
        %dma_wait3A_1224 = arith.constant 0 : i32
        %dma_wait3A_1225 = arith.constant 0 : i32
        %dma_wait3A_1226 = tpu.memref_slice %arg2[%dma_wait3A_1224, %dma_wait3A_1225] : memref<10000x128xf32, #tpu.memory_space<hbm>> -> memref<10000x128xf32, #tpu.memory_space<hbm>>
        tpu.wait_indirect_dma semaphore(%arg14 : memref<!tpu.dma_semaphore, #tpu.memory_space<semaphore_mem>>) src(%dma_wait3A_1226 : memref<10000x128xf32, #tpu.memory_space<hbm>>) dst(%arg10 : memref<64x128xf32, #tpu.memory_space<vmem>>)
        %run_scoped3A_1227 = arith.constant 1 : i32
        "tpu.region"() ({
          %run_scoped3A_1258 = tpu.sem_alloc : memref<!tpu.dma_semaphore, #tpu.memory_space<semaphore_mem>>
          %dma_start3A_1259 = arith.constant 0 : i32
          %dma_start3A_1260 = tpu.memref_slice %arg7[%run_scoped3A_1227, %add3A_1219, %dma_start3A_1259] : memref<2x36x64xi32, #tpu.memory_space<vmem>> -> memref<1x1x64xi32, #tpu.memory_space<vmem>>
          %dma_start3A_1261 = tpu.memref_squeeze %dma_start3A_1260 : memref<1x1x64xi32, #tpu.memory_space<vmem>> -> memref<64xi32, #tpu.memory_space<vmem>>
          %dma_start3A_1262 = arith.constant 0 : i32
          %dma_start3A_1263 = arith.constant 0 : i32
          %dma_start3A_1264 = tpu.memref_slice %arg12[%dma_start3A_1262, %dma_start3A_1263] : memref<10240x128xf32, #tpu.memory_space<vmem_shared>> -> memref<10240x128xf32, #tpu.memory_space<vmem_shared>>
          tpu.enqueue_indirect_dma source(%arg10 : memref<64x128xf32, #tpu.memory_space<vmem>>) target(%dma_start3A_1264 : memref<10240x128xf32, #tpu.memory_space<vmem_shared>>) offsets(%dma_start3A_1261 : memref<64xi32, #tpu.memory_space<vmem>>) semaphore(%run_scoped3A_1258 : memref<!tpu.dma_semaphore, #tpu.memory_space<semaphore_mem>>) {add = true}
          %dma_wait3A_1265 = arith.constant 0 : i32
          %dma_wait3A_1266 = tpu.memref_slice %arg7[%run_scoped3A_1227, %add3A_1219, %dma_wait3A_1265] : memref<2x36x64xi32, #tpu.memory_space<vmem>> -> memref<1x1x64xi32, #tpu.memory_space<vmem>>
          %dma_wait3A_1267 = tpu.memref_squeeze %dma_wait3A_1266 : memref<1x1x64xi32, #tpu.memory_space<vmem>> -> memref<64xi32, #tpu.memory_space<vmem>>
          %dma_wait3A_1268 = arith.constant 0 : i32
          %dma_wait3A_1269 = arith.constant 0 : i32
          %dma_wait3A_1270 = tpu.memref_slice %arg12[%dma_wait3A_1268, %dma_wait3A_1269] : memref<10240x128xf32, #tpu.memory_space<vmem_shared>> -> memref<10240x128xf32, #tpu.memory_space<vmem_shared>>
          tpu.wait_indirect_dma semaphore(%run_scoped3A_1258 : memref<!tpu.dma_semaphore, #tpu.memory_space<semaphore_mem>>) src(%arg10 : memref<64x128xf32, #tpu.memory_space<vmem>>) dst(%dma_wait3A_1270 : memref<10240x128xf32, #tpu.memory_space<vmem_shared>>)
          tpu.yield
        }) : () -> ()
        %add3A_1228 = arith.constant 3 : i32
        %add3A_1229 = arith.addi %add3A_1219, %add3A_1228 : i32
        %dma_start3A_1230 = arith.constant 0 : i32
        %dma_start3A_1231 = arith.constant 0 : i32
        %dma_start3A_1232 = tpu.memref_slice %arg7[%dma_start3A_1230, %add3A_1229, %dma_start3A_1231] : memref<2x36x64xi32, #tpu.memory_space<vmem>> -> memref<1x1x64xi32, #tpu.memory_space<vmem>>
        %dma_start3A_1233 = tpu.memref_squeeze %dma_start3A_1232 : memref<1x1x64xi32, #tpu.memory_space<vmem>> -> memref<64xi32, #tpu.memory_space<vmem>>
        %dma_start3A_1234 = arith.constant 0 : i32
        %dma_start3A_1235 = arith.constant 0 : i32
        %dma_start3A_1236 = tpu.memref_slice %arg2[%dma_start3A_1234, %dma_start3A_1235] : memref<10000x128xf32, #tpu.memory_space<hbm>> -> memref<10000x128xf32, #tpu.memory_space<hbm>>
        tpu.enqueue_indirect_dma source(%dma_start3A_1236 : memref<10000x128xf32, #tpu.memory_space<hbm>>) target(%arg10 : memref<64x128xf32, #tpu.memory_space<vmem>>) offsets(%dma_start3A_1233 : memref<64xi32, #tpu.memory_space<vmem>>) semaphore(%arg14 : memref<!tpu.dma_semaphore, #tpu.memory_space<semaphore_mem>>)
        %mul3A_1237 = arith.constant 3 : i32
        %mul3A_1238 = arith.muli %scan3A_1195, %mul3A_1237 : i32
        %add3A_1239 = arith.constant 2 : i32
        %add3A_1240 = arith.addi %mul3A_1238, %add3A_1239 : i32
        %dma_wait3A_1241 = arith.constant 0 : i32
        %dma_wait3A_1242 = arith.constant 0 : i32
        %dma_wait3A_1243 = tpu.memref_slice %arg7[%dma_wait3A_1241, %add3A_1240, %dma_wait3A_1242] : memref<2x36x64xi32, #tpu.memory_space<vmem>> -> memref<1x1x64xi32, #tpu.memory_space<vmem>>
        %dma_wait3A_1244 = tpu.memref_squeeze %dma_wait3A_1243 : memref<1x1x64xi32, #tpu.memory_space<vmem>> -> memref<64xi32, #tpu.memory_space<vmem>>
        %dma_wait3A_1245 = arith.constant 0 : i32
        %dma_wait3A_1246 = arith.constant 0 : i32
        %dma_wait3A_1247 = tpu.memref_slice %arg2[%dma_wait3A_1245, %dma_wait3A_1246] : memref<10000x128xf32, #tpu.memory_space<hbm>> -> memref<10000x128xf32, #tpu.memory_space<hbm>>
        tpu.wait_indirect_dma semaphore(%arg15 : memref<!tpu.dma_semaphore, #tpu.memory_space<semaphore_mem>>) src(%dma_wait3A_1247 : memref<10000x128xf32, #tpu.memory_space<hbm>>) dst(%arg11 : memref<64x128xf32, #tpu.memory_space<vmem>>)
        %run_scoped3A_1248 = arith.constant 1 : i32
        "tpu.region"() ({
          %run_scoped3A_1258 = tpu.sem_alloc : memref<!tpu.dma_semaphore, #tpu.memory_space<semaphore_mem>>
          %dma_start3A_1259 = arith.constant 0 : i32
          %dma_start3A_1260 = tpu.memref_slice %arg7[%run_scoped3A_1248, %add3A_1240, %dma_start3A_1259] : memref<2x36x64xi32, #tpu.memory_space<vmem>> -> memref<1x1x64xi32, #tpu.memory_space<vmem>>
          %dma_start3A_1261 = tpu.memref_squeeze %dma_start3A_1260 : memref<1x1x64xi32, #tpu.memory_space<vmem>> -> memref<64xi32, #tpu.memory_space<vmem>>
          %dma_start3A_1262 = arith.constant 0 : i32
          %dma_start3A_1263 = arith.constant 0 : i32
          %dma_start3A_1264 = tpu.memref_slice %arg12[%dma_start3A_1262, %dma_start3A_1263] : memref<10240x128xf32, #tpu.memory_space<vmem_shared>> -> memref<10240x128xf32, #tpu.memory_space<vmem_shared>>
          tpu.enqueue_indirect_dma source(%arg11 : memref<64x128xf32, #tpu.memory_space<vmem>>) target(%dma_start3A_1264 : memref<10240x128xf32, #tpu.memory_space<vmem_shared>>) offsets(%dma_start3A_1261 : memref<64xi32, #tpu.memory_space<vmem>>) semaphore(%run_scoped3A_1258 : memref<!tpu.dma_semaphore, #tpu.memory_space<semaphore_mem>>) {add = true}
          %dma_wait3A_1265 = arith.constant 0 : i32
          %dma_wait3A_1266 = tpu.memref_slice %arg7[%run_scoped3A_1248, %add3A_1240, %dma_wait3A_1265] : memref<2x36x64xi32, #tpu.memory_space<vmem>> -> memref<1x1x64xi32, #tpu.memory_space<vmem>>
          %dma_wait3A_1267 = tpu.memref_squeeze %dma_wait3A_1266 : memref<1x1x64xi32, #tpu.memory_space<vmem>> -> memref<64xi32, #tpu.memory_space<vmem>>
          %dma_wait3A_1268 = arith.constant 0 : i32
          %dma_wait3A_1269 = arith.constant 0 : i32
          %dma_wait3A_1270 = tpu.memref_slice %arg12[%dma_wait3A_1268, %dma_wait3A_1269] : memref<10240x128xf32, #tpu.memory_space<vmem_shared>> -> memref<10240x128xf32, #tpu.memory_space<vmem_shared>>
          tpu.wait_indirect_dma semaphore(%run_scoped3A_1258 : memref<!tpu.dma_semaphore, #tpu.memory_space<semaphore_mem>>) src(%arg11 : memref<64x128xf32, #tpu.memory_space<vmem>>) dst(%dma_wait3A_1270 : memref<10240x128xf32, #tpu.memory_space<vmem_shared>>)
          tpu.yield
        }) : () -> ()
        %add3A_1249 = arith.constant 3 : i32
        %add3A_1250 = arith.addi %add3A_1240, %add3A_1249 : i32
        %dma_start3A_1251 = arith.constant 0 : i32
        %dma_start3A_1252 = arith.constant 0 : i32
        %dma_start3A_1253 = tpu.memref_slice %arg7[%dma_start3A_1251, %add3A_1250, %dma_start3A_1252] : memref<2x36x64xi32, #tpu.memory_space<vmem>> -> memref<1x1x64xi32, #tpu.memory_space<vmem>>
        %dma_start3A_1254 = tpu.memref_squeeze %dma_start3A_1253 : memref<1x1x64xi32, #tpu.memory_space<vmem>> -> memref<64xi32, #tpu.memory_space<vmem>>
        %dma_start3A_1255 = arith.constant 0 : i32
        %dma_start3A_1256 = arith.constant 0 : i32
        %dma_start3A_1257 = tpu.memref_slice %arg2[%dma_start3A_1255, %dma_start3A_1256] : memref<10000x128xf32, #tpu.memory_space<hbm>> -> memref<10000x128xf32, #tpu.memory_space<hbm>>
        tpu.enqueue_indirect_dma source(%dma_start3A_1257 : memref<10000x128xf32, #tpu.memory_space<hbm>>) target(%arg11 : memref<64x128xf32, #tpu.memory_space<vmem>>) offsets(%dma_start3A_1254 : memref<64xi32, #tpu.memory_space<vmem>>) semaphore(%arg15 : memref<!tpu.dma_semaphore, #tpu.memory_space<semaphore_mem>>)
      }
      %scan3A_148 = arith.constant 11 : i32
      %dma_wait3A_149 = arith.constant 0 : i32
      %dma_wait3A_150 = arith.constant 33 : i32
      %dma_wait3A_151 = arith.constant 0 : i32
      %dma_wait3A_152 = tpu.memref_slice %arg7[%dma_wait3A_149, %dma_wait3A_150, %dma_wait3A_151] : memref<2x36x64xi32, #tpu.memory_space<vmem>> -> memref<1x1x64xi32, #tpu.memory_space<vmem>>
      %dma_wait3A_153 = tpu.memref_squeeze %dma_wait3A_152 : memref<1x1x64xi32, #tpu.memory_space<vmem>> -> memref<64xi32, #tpu.memory_space<vmem>>
      %dma_wait3A_154 = arith.constant 0 : i32
      %dma_wait3A_155 = arith.constant 0 : i32
      %dma_wait3A_156 = tpu.memref_slice %arg2[%dma_wait3A_154, %dma_wait3A_155] : memref<10000x128xf32, #tpu.memory_space<hbm>> -> memref<10000x128xf32, #tpu.memory_space<hbm>>
      tpu.wait_indirect_dma semaphore(%arg13 : memref<!tpu.dma_semaphore, #tpu.memory_space<semaphore_mem>>) src(%dma_wait3A_156 : memref<10000x128xf32, #tpu.memory_space<hbm>>) dst(%arg9 : memref<64x128xf32, #tpu.memory_space<vmem>>)
      %run_scoped3A = arith.constant 1 : i32
      %run_scoped3A_157 = arith.constant 33 : i32
      "tpu.region"() ({
        %run_scoped3A_1195 = tpu.sem_alloc : memref<!tpu.dma_semaphore, #tpu.memory_space<semaphore_mem>>
        %dma_start3A_1196 = arith.constant 0 : i32
        %dma_start3A_1197 = tpu.memref_slice %arg7[%run_scoped3A, %run_scoped3A_157, %dma_start3A_1196] : memref<2x36x64xi32, #tpu.memory_space<vmem>> -> memref<1x1x64xi32, #tpu.memory_space<vmem>>
        %dma_start3A_1198 = tpu.memref_squeeze %dma_start3A_1197 : memref<1x1x64xi32, #tpu.memory_space<vmem>> -> memref<64xi32, #tpu.memory_space<vmem>>
        %dma_start3A_1199 = arith.constant 0 : i32
        %dma_start3A_1200 = arith.constant 0 : i32
        %dma_start3A_1201 = tpu.memref_slice %arg12[%dma_start3A_1199, %dma_start3A_1200] : memref<10240x128xf32, #tpu.memory_space<vmem_shared>> -> memref<10240x128xf32, #tpu.memory_space<vmem_shared>>
        tpu.enqueue_indirect_dma source(%arg9 : memref<64x128xf32, #tpu.memory_space<vmem>>) target(%dma_start3A_1201 : memref<10240x128xf32, #tpu.memory_space<vmem_shared>>) offsets(%dma_start3A_1198 : memref<64xi32, #tpu.memory_space<vmem>>) semaphore(%run_scoped3A_1195 : memref<!tpu.dma_semaphore, #tpu.memory_space<semaphore_mem>>) {add = true}
        %dma_wait3A_1202 = arith.constant 0 : i32
        %dma_wait3A_1203 = tpu.memref_slice %arg7[%run_scoped3A, %run_scoped3A_157, %dma_wait3A_1202] : memref<2x36x64xi32, #tpu.memory_space<vmem>> -> memref<1x1x64xi32, #tpu.memory_space<vmem>>
        %dma_wait3A_1204 = tpu.memref_squeeze %dma_wait3A_1203 : memref<1x1x64xi32, #tpu.memory_space<vmem>> -> memref<64xi32, #tpu.memory_space<vmem>>
        %dma_wait3A_1205 = arith.constant 0 : i32
        %dma_wait3A_1206 = arith.constant 0 : i32
        %dma_wait3A_1207 = tpu.memref_slice %arg12[%dma_wait3A_1205, %dma_wait3A_1206] : memref<10240x128xf32, #tpu.memory_space<vmem_shared>> -> memref<10240x128xf32, #tpu.memory_space<vmem_shared>>
        tpu.wait_indirect_dma semaphore(%run_scoped3A_1195 : memref<!tpu.dma_semaphore, #tpu.memory_space<semaphore_mem>>) src(%arg9 : memref<64x128xf32, #tpu.memory_space<vmem>>) dst(%dma_wait3A_1207 : memref<10240x128xf32, #tpu.memory_space<vmem_shared>>)
        tpu.yield
      }) : () -> ()
      %dma_wait3A_158 = arith.constant 0 : i32
      %dma_wait3A_159 = arith.constant 34 : i32
      %dma_wait3A_160 = arith.constant 0 : i32
      %dma_wait3A_161 = tpu.memref_slice %arg7[%dma_wait3A_158, %dma_wait3A_159, %dma_wait3A_160] : memref<2x36x64xi32, #tpu.memory_space<vmem>> -> memref<1x1x64xi32, #tpu.memory_space<vmem>>
      %dma_wait3A_162 = tpu.memref_squeeze %dma_wait3A_161 : memref<1x1x64xi32, #tpu.memory_space<vmem>> -> memref<64xi32, #tpu.memory_space<vmem>>
      %dma_wait3A_163 = arith.constant 0 : i32
      %dma_wait3A_164 = arith.constant 0 : i32
      %dma_wait3A_165 = tpu.memref_slice %arg2[%dma_wait3A_163, %dma_wait3A_164] : memref<10000x128xf32, #tpu.memory_space<hbm>> -> memref<10000x128xf32, #tpu.memory_space<hbm>>
      tpu.wait_indirect_dma semaphore(%arg14 : memref<!tpu.dma_semaphore, #tpu.memory_space<semaphore_mem>>) src(%dma_wait3A_165 : memref<10000x128xf32, #tpu.memory_space<hbm>>) dst(%arg10 : memref<64x128xf32, #tpu.memory_space<vmem>>)
      %run_scoped3A_166 = arith.constant 1 : i32
      %run_scoped3A_167 = arith.constant 34 : i32
      "tpu.region"() ({
        %run_scoped3A_1195 = tpu.sem_alloc : memref<!tpu.dma_semaphore, #tpu.memory_space<semaphore_mem>>
        %dma_start3A_1196 = arith.constant 0 : i32
        %dma_start3A_1197 = tpu.memref_slice %arg7[%run_scoped3A_166, %run_scoped3A_167, %dma_start3A_1196] : memref<2x36x64xi32, #tpu.memory_space<vmem>> -> memref<1x1x64xi32, #tpu.memory_space<vmem>>
        %dma_start3A_1198 = tpu.memref_squeeze %dma_start3A_1197 : memref<1x1x64xi32, #tpu.memory_space<vmem>> -> memref<64xi32, #tpu.memory_space<vmem>>
        %dma_start3A_1199 = arith.constant 0 : i32
        %dma_start3A_1200 = arith.constant 0 : i32
        %dma_start3A_1201 = tpu.memref_slice %arg12[%dma_start3A_1199, %dma_start3A_1200] : memref<10240x128xf32, #tpu.memory_space<vmem_shared>> -> memref<10240x128xf32, #tpu.memory_space<vmem_shared>>
        tpu.enqueue_indirect_dma source(%arg10 : memref<64x128xf32, #tpu.memory_space<vmem>>) target(%dma_start3A_1201 : memref<10240x128xf32, #tpu.memory_space<vmem_shared>>) offsets(%dma_start3A_1198 : memref<64xi32, #tpu.memory_space<vmem>>) semaphore(%run_scoped3A_1195 : memref<!tpu.dma_semaphore, #tpu.memory_space<semaphore_mem>>) {add = true}
        %dma_wait3A_1202 = arith.constant 0 : i32
        %dma_wait3A_1203 = tpu.memref_slice %arg7[%run_scoped3A_166, %run_scoped3A_167, %dma_wait3A_1202] : memref<2x36x64xi32, #tpu.memory_space<vmem>> -> memref<1x1x64xi32, #tpu.memory_space<vmem>>
        %dma_wait3A_1204 = tpu.memref_squeeze %dma_wait3A_1203 : memref<1x1x64xi32, #tpu.memory_space<vmem>> -> memref<64xi32, #tpu.memory_space<vmem>>
        %dma_wait3A_1205 = arith.constant 0 : i32
        %dma_wait3A_1206 = arith.constant 0 : i32
        %dma_wait3A_1207 = tpu.memref_slice %arg12[%dma_wait3A_1205, %dma_wait3A_1206] : memref<10240x128xf32, #tpu.memory_space<vmem_shared>> -> memref<10240x128xf32, #tpu.memory_space<vmem_shared>>
        tpu.wait_indirect_dma semaphore(%run_scoped3A_1195 : memref<!tpu.dma_semaphore, #tpu.memory_space<semaphore_mem>>) src(%arg10 : memref<64x128xf32, #tpu.memory_space<vmem>>) dst(%dma_wait3A_1207 : memref<10240x128xf32, #tpu.memory_space<vmem_shared>>)
        tpu.yield
      }) : () -> ()
      %dma_wait3A_168 = arith.constant 0 : i32
      %dma_wait3A_169 = arith.constant 35 : i32
      %dma_wait3A_170 = arith.constant 0 : i32
      %dma_wait3A_171 = tpu.memref_slice %arg7[%dma_wait3A_168, %dma_wait3A_169, %dma_wait3A_170] : memref<2x36x64xi32, #tpu.memory_space<vmem>> -> memref<1x1x64xi32, #tpu.memory_space<vmem>>
      %dma_wait3A_172 = tpu.memref_squeeze %dma_wait3A_171 : memref<1x1x64xi32, #tpu.memory_space<vmem>> -> memref<64xi32, #tpu.memory_space<vmem>>
      %dma_wait3A_173 = arith.constant 0 : i32
      %dma_wait3A_174 = arith.constant 0 : i32
      %dma_wait3A_175 = tpu.memref_slice %arg2[%dma_wait3A_173, %dma_wait3A_174] : memref<10000x128xf32, #tpu.memory_space<hbm>> -> memref<10000x128xf32, #tpu.memory_space<hbm>>
      tpu.wait_indirect_dma semaphore(%arg15 : memref<!tpu.dma_semaphore, #tpu.memory_space<semaphore_mem>>) src(%dma_wait3A_175 : memref<10000x128xf32, #tpu.memory_space<hbm>>) dst(%arg11 : memref<64x128xf32, #tpu.memory_space<vmem>>)
      %run_scoped3A_176 = arith.constant 1 : i32
      %run_scoped3A_177 = arith.constant 35 : i32
      "tpu.region"() ({
        %run_scoped3A_1195 = tpu.sem_alloc : memref<!tpu.dma_semaphore, #tpu.memory_space<semaphore_mem>>
        %dma_start3A_1196 = arith.constant 0 : i32
        %dma_start3A_1197 = tpu.memref_slice %arg7[%run_scoped3A_176, %run_scoped3A_177, %dma_start3A_1196] : memref<2x36x64xi32, #tpu.memory_space<vmem>> -> memref<1x1x64xi32, #tpu.memory_space<vmem>>
        %dma_start3A_1198 = tpu.memref_squeeze %dma_start3A_1197 : memref<1x1x64xi32, #tpu.memory_space<vmem>> -> memref<64xi32, #tpu.memory_space<vmem>>
        %dma_start3A_1199 = arith.constant 0 : i32
        %dma_start3A_1200 = arith.constant 0 : i32
        %dma_start3A_1201 = tpu.memref_slice %arg12[%dma_start3A_1199, %dma_start3A_1200] : memref<10240x128xf32, #tpu.memory_space<vmem_shared>> -> memref<10240x128xf32, #tpu.memory_space<vmem_shared>>
        tpu.enqueue_indirect_dma source(%arg11 : memref<64x128xf32, #tpu.memory_space<vmem>>) target(%dma_start3A_1201 : memref<10240x128xf32, #tpu.memory_space<vmem_shared>>) offsets(%dma_start3A_1198 : memref<64xi32, #tpu.memory_space<vmem>>) semaphore(%run_scoped3A_1195 : memref<!tpu.dma_semaphore, #tpu.memory_space<semaphore_mem>>) {add = true}
        %dma_wait3A_1202 = arith.constant 0 : i32
        %dma_wait3A_1203 = tpu.memref_slice %arg7[%run_scoped3A_176, %run_scoped3A_177, %dma_wait3A_1202] : memref<2x36x64xi32, #tpu.memory_space<vmem>> -> memref<1x1x64xi32, #tpu.memory_space<vmem>>
        %dma_wait3A_1204 = tpu.memref_squeeze %dma_wait3A_1203 : memref<1x1x64xi32, #tpu.memory_space<vmem>> -> memref<64xi32, #tpu.memory_space<vmem>>
        %dma_wait3A_1205 = arith.constant 0 : i32
        %dma_wait3A_1206 = arith.constant 0 : i32
        %dma_wait3A_1207 = tpu.memref_slice %arg12[%dma_wait3A_1205, %dma_wait3A_1206] : memref<10240x128xf32, #tpu.memory_space<vmem_shared>> -> memref<10240x128xf32, #tpu.memory_space<vmem_shared>>
        tpu.wait_indirect_dma semaphore(%run_scoped3A_1195 : memref<!tpu.dma_semaphore, #tpu.memory_space<semaphore_mem>>) src(%arg11 : memref<64x128xf32, #tpu.memory_space<vmem>>) dst(%dma_wait3A_1207 : memref<10240x128xf32, #tpu.memory_space<vmem_shared>>)
        tpu.yield
      }) : () -> ()
      %dma_wait3A_178 = arith.constant 1 : i32
      %dma_wait3A_179 = arith.constant 0 : i32
      %dma_wait3A_180 = arith.constant 0 : i32
      %dma_wait3A_181 = arith.constant 0 : i32
      %dma_wait3A_182 = tpu.memref_slice %arg8[%dma_wait3A_179, %dma_wait3A_180, %dma_wait3A_181] : memref<2x36x64xi32, #tpu.memory_space<vmem>> -> memref<1x36x64xi32, #tpu.memory_space<vmem>>
      %dma_wait3A_183 = tpu.memref_squeeze %dma_wait3A_182 : memref<1x36x64xi32, #tpu.memory_space<vmem>> -> memref<36x64xi32, #tpu.memory_space<vmem>>
      %dma_wait3A_184 = arith.constant 0 : i32
      %dma_wait3A_185 = arith.constant 0 : i32
      %dma_wait3A_186 = tpu.memref_slice %arg3[%arg1, %dma_wait3A_178, %dma_wait3A_184, %dma_wait3A_185] : memref<16x9x36x64xi32, #tpu.memory_space<hbm>> -> memref<1x1x36x64xi32, #tpu.memory_space<hbm>>
      %dma_wait3A_187 = tpu.memref_squeeze %dma_wait3A_186 : memref<1x1x36x64xi32, #tpu.memory_space<hbm>> -> memref<36x64xi32, #tpu.memory_space<hbm>>
      %dma_wait3A_188 = arith.constant 0 : i32
      %dma_wait3A_189 = arith.constant 0 : i32
      %dma_wait3A_190 = tpu.memref_slice %arg8[%dma_wait3A_179, %dma_wait3A_188, %dma_wait3A_189] : memref<2x36x64xi32, #tpu.memory_space<vmem>> -> memref<1x36x64xi32, #tpu.memory_space<vmem>>
      %dma_wait3A_191 = tpu.memref_squeeze %dma_wait3A_190 : memref<1x36x64xi32, #tpu.memory_space<vmem>> -> memref<36x64xi32, #tpu.memory_space<vmem>>
      %dma_wait3A_192 = arith.constant 0 : i32
      %dma_wait3A_193 = arith.constant 0 : i32
      %dma_wait3A_194 = tpu.memref_slice %arg3[%arg1, %dma_wait3A_178, %dma_wait3A_192, %dma_wait3A_193] : memref<16x9x36x64xi32, #tpu.memory_space<hbm>> -> memref<1x1x36x64xi32, #tpu.memory_space<hbm>>
      %dma_wait3A_195 = tpu.memref_squeeze %dma_wait3A_194 : memref<1x1x36x64xi32, #tpu.memory_space<hbm>> -> memref<36x64xi32, #tpu.memory_space<hbm>>
      tpu.wait_dma2 semaphore(%arg17 : memref<!tpu.dma_semaphore, #tpu.memory_space<semaphore_mem>>) src(%dma_wait3A_195 : memref<36x64xi32, #tpu.memory_space<hbm>>) dst(%dma_wait3A_191 : memref<36x64xi32, #tpu.memory_space<vmem>>)
      %dma_wait3A_196 = arith.constant 1 : i32
      %dma_wait3A_197 = arith.constant 1 : i32
      %dma_wait3A_198 = arith.constant 0 : i32
      %dma_wait3A_199 = arith.constant 0 : i32
      %dma_wait3A_200 = tpu.memref_slice %arg8[%dma_wait3A_197, %dma_wait3A_198, %dma_wait3A_199] : memref<2x36x64xi32, #tpu.memory_space<vmem>> -> memref<1x36x64xi32, #tpu.memory_space<vmem>>
      %dma_wait3A_201 = tpu.memref_squeeze %dma_wait3A_200 : memref<1x36x64xi32, #tpu.memory_space<vmem>> -> memref<36x64xi32, #tpu.memory_space<vmem>>
      %dma_wait3A_202 = arith.constant 0 : i32
      %dma_wait3A_203 = arith.constant 0 : i32
      %dma_wait3A_204 = tpu.memref_slice %arg4[%arg1, %dma_wait3A_196, %dma_wait3A_202, %dma_wait3A_203] : memref<16x9x36x64xi32, #tpu.memory_space<hbm>> -> memref<1x1x36x64xi32, #tpu.memory_space<hbm>>
      %dma_wait3A_205 = tpu.memref_squeeze %dma_wait3A_204 : memref<1x1x36x64xi32, #tpu.memory_space<hbm>> -> memref<36x64xi32, #tpu.memory_space<hbm>>
      %dma_wait3A_206 = arith.constant 0 : i32
      %dma_wait3A_207 = arith.constant 0 : i32
      %dma_wait3A_208 = tpu.memref_slice %arg8[%dma_wait3A_197, %dma_wait3A_206, %dma_wait3A_207] : memref<2x36x64xi32, #tpu.memory_space<vmem>> -> memref<1x36x64xi32, #tpu.memory_space<vmem>>
      %dma_wait3A_209 = tpu.memref_squeeze %dma_wait3A_208 : memref<1x36x64xi32, #tpu.memory_space<vmem>> -> memref<36x64xi32, #tpu.memory_space<vmem>>
      %dma_wait3A_210 = arith.constant 0 : i32
      %dma_wait3A_211 = arith.constant 0 : i32
      %dma_wait3A_212 = tpu.memref_slice %arg4[%arg1, %dma_wait3A_196, %dma_wait3A_210, %dma_wait3A_211] : memref<16x9x36x64xi32, #tpu.memory_space<hbm>> -> memref<1x1x36x64xi32, #tpu.memory_space<hbm>>
      %dma_wait3A_213 = tpu.memref_squeeze %dma_wait3A_212 : memref<1x1x36x64xi32, #tpu.memory_space<hbm>> -> memref<36x64xi32, #tpu.memory_space<hbm>>
      tpu.wait_dma2 semaphore(%arg17 : memref<!tpu.dma_semaphore, #tpu.memory_space<semaphore_mem>>) src(%dma_wait3A_213 : memref<36x64xi32, #tpu.memory_space<hbm>>) dst(%dma_wait3A_209 : memref<36x64xi32, #tpu.memory_space<vmem>>)
      %dma_start3A_214 = arith.constant 2 : i32
      %dma_start3A_215 = arith.constant 0 : i32
      %dma_start3A_216 = arith.constant 0 : i32
      %dma_start3A_217 = arith.constant 0 : i32
      %dma_start3A_218 = tpu.memref_slice %arg7[%dma_start3A_215, %dma_start3A_216, %dma_start3A_217] : memref<2x36x64xi32, #tpu.memory_space<vmem>> -> memref<1x36x64xi32, #tpu.memory_space<vmem>>
      %dma_start3A_219 = tpu.memref_squeeze %dma_start3A_218 : memref<1x36x64xi32, #tpu.memory_space<vmem>> -> memref<36x64xi32, #tpu.memory_space<vmem>>
      %dma_start3A_220 = arith.constant 0 : i32
      %dma_start3A_221 = arith.constant 0 : i32
      %dma_start3A_222 = tpu.memref_slice %arg3[%arg1, %dma_start3A_214, %dma_start3A_220, %dma_start3A_221] : memref<16x9x36x64xi32, #tpu.memory_space<hbm>> -> memref<1x1x36x64xi32, #tpu.memory_space<hbm>>
      %dma_start3A_223 = tpu.memref_squeeze %dma_start3A_222 : memref<1x1x36x64xi32, #tpu.memory_space<hbm>> -> memref<36x64xi32, #tpu.memory_space<hbm>>
      %dma_start3A_224 = arith.constant 0 : i32
      %dma_start3A_225 = arith.constant 0 : i32
      %dma_start3A_226 = tpu.memref_slice %arg7[%dma_start3A_215, %dma_start3A_224, %dma_start3A_225] : memref<2x36x64xi32, #tpu.memory_space<vmem>> -> memref<1x36x64xi32, #tpu.memory_space<vmem>>
      %dma_start3A_227 = tpu.memref_squeeze %dma_start3A_226 : memref<1x36x64xi32, #tpu.memory_space<vmem>> -> memref<36x64xi32, #tpu.memory_space<vmem>>
      %dma_start3A_228 = arith.constant 0 : i32
      %dma_start3A_229 = arith.constant 0 : i32
      %dma_start3A_230 = tpu.memref_slice %arg3[%arg1, %dma_start3A_214, %dma_start3A_228, %dma_start3A_229] : memref<16x9x36x64xi32, #tpu.memory_space<hbm>> -> memref<1x1x36x64xi32, #tpu.memory_space<hbm>>
      %dma_start3A_231 = tpu.memref_squeeze %dma_start3A_230 : memref<1x1x36x64xi32, #tpu.memory_space<hbm>> -> memref<36x64xi32, #tpu.memory_space<hbm>>
      tpu.enqueue_dma source(%dma_start3A_231 : memref<36x64xi32, #tpu.memory_space<hbm>>) target(%dma_start3A_227 : memref<36x64xi32, #tpu.memory_space<vmem>>) target_semaphore(%arg16 : memref<!tpu.dma_semaphore, #tpu.memory_space<semaphore_mem>>)
      %dma_start3A_232 = arith.constant 2 : i32
      %dma_start3A_233 = arith.constant 1 : i32
      %dma_start3A_234 = arith.constant 0 : i32
      %dma_start3A_235 = arith.constant 0 : i32
      %dma_start3A_236 = tpu.memref_slice %arg7[%dma_start3A_233, %dma_start3A_234, %dma_start3A_235] : memref<2x36x64xi32, #tpu.memory_space<vmem>> -> memref<1x36x64xi32, #tpu.memory_space<vmem>>
      %dma_start3A_237 = tpu.memref_squeeze %dma_start3A_236 : memref<1x36x64xi32, #tpu.memory_space<vmem>> -> memref<36x64xi32, #tpu.memory_space<vmem>>
      %dma_start3A_238 = arith.constant 0 : i32
      %dma_start3A_239 = arith.constant 0 : i32
      %dma_start3A_240 = tpu.memref_slice %arg4[%arg1, %dma_start3A_232, %dma_start3A_238, %dma_start3A_239] : memref<16x9x36x64xi32, #tpu.memory_space<hbm>> -> memref<1x1x36x64xi32, #tpu.memory_space<hbm>>
      %dma_start3A_241 = tpu.memref_squeeze %dma_start3A_240 : memref<1x1x36x64xi32, #tpu.memory_space<hbm>> -> memref<36x64xi32, #tpu.memory_space<hbm>>
      %dma_start3A_242 = arith.constant 0 : i32
      %dma_start3A_243 = arith.constant 0 : i32
      %dma_start3A_244 = tpu.memref_slice %arg7[%dma_start3A_233, %dma_start3A_242, %dma_start3A_243] : memref<2x36x64xi32, #tpu.memory_space<vmem>> -> memref<1x36x64xi32, #tpu.memory_space<vmem>>
      %dma_start3A_245 = tpu.memref_squeeze %dma_start3A_244 : memref<1x36x64xi32, #tpu.memory_space<vmem>> -> memref<36x64xi32, #tpu.memory_space<vmem>>
      %dma_start3A_246 = arith.constant 0 : i32
      %dma_start3A_247 = arith.constant 0 : i32
      %dma_start3A_248 = tpu.memref_slice %arg4[%arg1, %dma_start3A_232, %dma_start3A_246, %dma_start3A_247] : memref<16x9x36x64xi32, #tpu.memory_space<hbm>> -> memref<1x1x36x64xi32, #tpu.memory_space<hbm>>
      %dma_start3A_249 = tpu.memref_squeeze %dma_start3A_248 : memref<1x1x36x64xi32, #tpu.memory_space<hbm>> -> memref<36x64xi32, #tpu.memory_space<hbm>>
      tpu.enqueue_dma source(%dma_start3A_249 : memref<36x64xi32, #tpu.memory_space<hbm>>) target(%dma_start3A_245 : memref<36x64xi32, #tpu.memory_space<vmem>>) target_semaphore(%arg16 : memref<!tpu.dma_semaphore, #tpu.memory_space<semaphore_mem>>)
      %dma_start3A_250 = arith.constant 0 : i32
      %dma_start3A_251 = arith.constant 0 : i32
      %dma_start3A_252 = arith.constant 0 : i32
      %dma_start3A_253 = tpu.memref_slice %arg8[%dma_start3A_250, %dma_start3A_251, %dma_start3A_252] : memref<2x36x64xi32, #tpu.memory_space<vmem>> -> memref<1x1x64xi32, #tpu.memory_space<vmem>>
      %dma_start3A_254 = tpu.memref_squeeze %dma_start3A_253 : memref<1x1x64xi32, #tpu.memory_space<vmem>> -> memref<64xi32, #tpu.memory_space<vmem>>
      %dma_start3A_255 = arith.constant 0 : i32
      %dma_start3A_256 = arith.constant 0 : i32
      %dma_start3A_257 = tpu.memref_slice %arg2[%dma_start3A_255, %dma_start3A_256] : memref<10000x128xf32, #tpu.memory_space<hbm>> -> memref<10000x128xf32, #tpu.memory_space<hbm>>
      tpu.enqueue_indirect_dma source(%dma_start3A_257 : memref<10000x128xf32, #tpu.memory_space<hbm>>) target(%arg9 : memref<64x128xf32, #tpu.memory_space<vmem>>) offsets(%dma_start3A_254 : memref<64xi32, #tpu.memory_space<vmem>>) semaphore(%arg13 : memref<!tpu.dma_semaphore, #tpu.memory_space<semaphore_mem>>)
      %dma_start3A_258 = arith.constant 0 : i32
      %dma_start3A_259 = arith.constant 1 : i32
      %dma_start3A_260 = arith.constant 0 : i32
      %dma_start3A_261 = tpu.memref_slice %arg8[%dma_start3A_258, %dma_start3A_259, %dma_start3A_260] : memref<2x36x64xi32, #tpu.memory_space<vmem>> -> memref<1x1x64xi32, #tpu.memory_space<vmem>>
      %dma_start3A_262 = tpu.memref_squeeze %dma_start3A_261 : memref<1x1x64xi32, #tpu.memory_space<vmem>> -> memref<64xi32, #tpu.memory_space<vmem>>
      %dma_start3A_263 = arith.constant 0 : i32
      %dma_start3A_264 = arith.constant 0 : i32
      %dma_start3A_265 = tpu.memref_slice %arg2[%dma_start3A_263, %dma_start3A_264] : memref<10000x128xf32, #tpu.memory_space<hbm>> -> memref<10000x128xf32, #tpu.memory_space<hbm>>
      tpu.enqueue_indirect_dma source(%dma_start3A_265 : memref<10000x128xf32, #tpu.memory_space<hbm>>) target(%arg10 : memref<64x128xf32, #tpu.memory_space<vmem>>) offsets(%dma_start3A_262 : memref<64xi32, #tpu.memory_space<vmem>>) semaphore(%arg14 : memref<!tpu.dma_semaphore, #tpu.memory_space<semaphore_mem>>)
      %dma_start3A_266 = arith.constant 0 : i32
      %dma_start3A_267 = arith.constant 2 : i32
      %dma_start3A_268 = arith.constant 0 : i32
      %dma_start3A_269 = tpu.memref_slice %arg8[%dma_start3A_266, %dma_start3A_267, %dma_start3A_268] : memref<2x36x64xi32, #tpu.memory_space<vmem>> -> memref<1x1x64xi32, #tpu.memory_space<vmem>>
      %dma_start3A_270 = tpu.memref_squeeze %dma_start3A_269 : memref<1x1x64xi32, #tpu.memory_space<vmem>> -> memref<64xi32, #tpu.memory_space<vmem>>
      %dma_start3A_271 = arith.constant 0 : i32
      %dma_start3A_272 = arith.constant 0 : i32
      %dma_start3A_273 = tpu.memref_slice %arg2[%dma_start3A_271, %dma_start3A_272] : memref<10000x128xf32, #tpu.memory_space<hbm>> -> memref<10000x128xf32, #tpu.memory_space<hbm>>
      tpu.enqueue_indirect_dma source(%dma_start3A_273 : memref<10000x128xf32, #tpu.memory_space<hbm>>) target(%arg11 : memref<64x128xf32, #tpu.memory_space<vmem>>) offsets(%dma_start3A_270 : memref<64xi32, #tpu.memory_space<vmem>>) semaphore(%arg15 : memref<!tpu.dma_semaphore, #tpu.memory_space<semaphore_mem>>)
      %scan3A_274 = arith.constant 0 : i32
      %scan3A_275 = arith.constant 11 : i32
      %scan3A_276 = arith.addi %scan3A_274, %scan3A_275 : i32
      %scan3A_277 = arith.constant 1 : i32
      scf.for %scan3A_1195 = %scan3A_274 to %scan3A_276 step %scan3A_277  : i32 {
        %mul3A_1196 = arith.constant 3 : i32
        %mul3A_1197 = arith.muli %scan3A_1195, %mul3A_1196 : i32
        %add3A = arith.constant 0 : i32
        %add3A_1198 = arith.addi %mul3A_1197, %add3A : i32
        %dma_wait3A_1199 = arith.constant 0 : i32
        %dma_wait3A_1200 = arith.constant 0 : i32
        %dma_wait3A_1201 = tpu.memref_slice %arg8[%dma_wait3A_1199, %add3A_1198, %dma_wait3A_1200] : memref<2x36x64xi32, #tpu.memory_space<vmem>> -> memref<1x1x64xi32, #tpu.memory_space<vmem>>
        %dma_wait3A_1202 = tpu.memref_squeeze %dma_wait3A_1201 : memref<1x1x64xi32, #tpu.memory_space<vmem>> -> memref<64xi32, #tpu.memory_space<vmem>>
        %dma_wait3A_1203 = arith.constant 0 : i32
        %dma_wait3A_1204 = arith.constant 0 : i32
        %dma_wait3A_1205 = tpu.memref_slice %arg2[%dma_wait3A_1203, %dma_wait3A_1204] : memref<10000x128xf32, #tpu.memory_space<hbm>> -> memref<10000x128xf32, #tpu.memory_space<hbm>>
        tpu.wait_indirect_dma semaphore(%arg13 : memref<!tpu.dma_semaphore, #tpu.memory_space<semaphore_mem>>) src(%dma_wait3A_1205 : memref<10000x128xf32, #tpu.memory_space<hbm>>) dst(%arg9 : memref<64x128xf32, #tpu.memory_space<vmem>>)
        %run_scoped3A_1206 = arith.constant 1 : i32
        "tpu.region"() ({
          %run_scoped3A_1258 = tpu.sem_alloc : memref<!tpu.dma_semaphore, #tpu.memory_space<semaphore_mem>>
          %dma_start3A_1259 = arith.constant 0 : i32
          %dma_start3A_1260 = tpu.memref_slice %arg8[%run_scoped3A_1206, %add3A_1198, %dma_start3A_1259] : memref<2x36x64xi32, #tpu.memory_space<vmem>> -> memref<1x1x64xi32, #tpu.memory_space<vmem>>
          %dma_start3A_1261 = tpu.memref_squeeze %dma_start3A_1260 : memref<1x1x64xi32, #tpu.memory_space<vmem>> -> memref<64xi32, #tpu.memory_space<vmem>>
          %dma_start3A_1262 = arith.constant 0 : i32
          %dma_start3A_1263 = arith.constant 0 : i32
          %dma_start3A_1264 = tpu.memref_slice %arg12[%dma_start3A_1262, %dma_start3A_1263] : memref<10240x128xf32, #tpu.memory_space<vmem_shared>> -> memref<10240x128xf32, #tpu.memory_space<vmem_shared>>
          tpu.enqueue_indirect_dma source(%arg9 : memref<64x128xf32, #tpu.memory_space<vmem>>) target(%dma_start3A_1264 : memref<10240x128xf32, #tpu.memory_space<vmem_shared>>) offsets(%dma_start3A_1261 : memref<64xi32, #tpu.memory_space<vmem>>) semaphore(%run_scoped3A_1258 : memref<!tpu.dma_semaphore, #tpu.memory_space<semaphore_mem>>) {add = true}
          %dma_wait3A_1265 = arith.constant 0 : i32
          %dma_wait3A_1266 = tpu.memref_slice %arg8[%run_scoped3A_1206, %add3A_1198, %dma_wait3A_1265] : memref<2x36x64xi32, #tpu.memory_space<vmem>> -> memref<1x1x64xi32, #tpu.memory_space<vmem>>
          %dma_wait3A_1267 = tpu.memref_squeeze %dma_wait3A_1266 : memref<1x1x64xi32, #tpu.memory_space<vmem>> -> memref<64xi32, #tpu.memory_space<vmem>>
          %dma_wait3A_1268 = arith.constant 0 : i32
          %dma_wait3A_1269 = arith.constant 0 : i32
          %dma_wait3A_1270 = tpu.memref_slice %arg12[%dma_wait3A_1268, %dma_wait3A_1269] : memref<10240x128xf32, #tpu.memory_space<vmem_shared>> -> memref<10240x128xf32, #tpu.memory_space<vmem_shared>>
          tpu.wait_indirect_dma semaphore(%run_scoped3A_1258 : memref<!tpu.dma_semaphore, #tpu.memory_space<semaphore_mem>>) src(%arg9 : memref<64x128xf32, #tpu.memory_space<vmem>>) dst(%dma_wait3A_1270 : memref<10240x128xf32, #tpu.memory_space<vmem_shared>>)
          tpu.yield
        }) : () -> ()
        %add3A_1207 = arith.constant 3 : i32
        %add3A_1208 = arith.addi %add3A_1198, %add3A_1207 : i32
        %dma_start3A_1209 = arith.constant 0 : i32
        %dma_start3A_1210 = arith.constant 0 : i32
        %dma_start3A_1211 = tpu.memref_slice %arg8[%dma_start3A_1209, %add3A_1208, %dma_start3A_1210] : memref<2x36x64xi32, #tpu.memory_space<vmem>> -> memref<1x1x64xi32, #tpu.memory_space<vmem>>
        %dma_start3A_1212 = tpu.memref_squeeze %dma_start3A_1211 : memref<1x1x64xi32, #tpu.memory_space<vmem>> -> memref<64xi32, #tpu.memory_space<vmem>>
        %dma_start3A_1213 = arith.constant 0 : i32
        %dma_start3A_1214 = arith.constant 0 : i32
        %dma_start3A_1215 = tpu.memref_slice %arg2[%dma_start3A_1213, %dma_start3A_1214] : memref<10000x128xf32, #tpu.memory_space<hbm>> -> memref<10000x128xf32, #tpu.memory_space<hbm>>
        tpu.enqueue_indirect_dma source(%dma_start3A_1215 : memref<10000x128xf32, #tpu.memory_space<hbm>>) target(%arg9 : memref<64x128xf32, #tpu.memory_space<vmem>>) offsets(%dma_start3A_1212 : memref<64xi32, #tpu.memory_space<vmem>>) semaphore(%arg13 : memref<!tpu.dma_semaphore, #tpu.memory_space<semaphore_mem>>)
        %mul3A_1216 = arith.constant 3 : i32
        %mul3A_1217 = arith.muli %scan3A_1195, %mul3A_1216 : i32
        %add3A_1218 = arith.constant 1 : i32
        %add3A_1219 = arith.addi %mul3A_1217, %add3A_1218 : i32
        %dma_wait3A_1220 = arith.constant 0 : i32
        %dma_wait3A_1221 = arith.constant 0 : i32
        %dma_wait3A_1222 = tpu.memref_slice %arg8[%dma_wait3A_1220, %add3A_1219, %dma_wait3A_1221] : memref<2x36x64xi32, #tpu.memory_space<vmem>> -> memref<1x1x64xi32, #tpu.memory_space<vmem>>
        %dma_wait3A_1223 = tpu.memref_squeeze %dma_wait3A_1222 : memref<1x1x64xi32, #tpu.memory_space<vmem>> -> memref<64xi32, #tpu.memory_space<vmem>>
        %dma_wait3A_1224 = arith.constant 0 : i32
        %dma_wait3A_1225 = arith.constant 0 : i32
        %dma_wait3A_1226 = tpu.memref_slice %arg2[%dma_wait3A_1224, %dma_wait3A_1225] : memref<10000x128xf32, #tpu.memory_space<hbm>> -> memref<10000x128xf32, #tpu.memory_space<hbm>>
        tpu.wait_indirect_dma semaphore(%arg14 : memref<!tpu.dma_semaphore, #tpu.memory_space<semaphore_mem>>) src(%dma_wait3A_1226 : memref<10000x128xf32, #tpu.memory_space<hbm>>) dst(%arg10 : memref<64x128xf32, #tpu.memory_space<vmem>>)
        %run_scoped3A_1227 = arith.constant 1 : i32
        "tpu.region"() ({
          %run_scoped3A_1258 = tpu.sem_alloc : memref<!tpu.dma_semaphore, #tpu.memory_space<semaphore_mem>>
          %dma_start3A_1259 = arith.constant 0 : i32
          %dma_start3A_1260 = tpu.memref_slice %arg8[%run_scoped3A_1227, %add3A_1219, %dma_start3A_1259] : memref<2x36x64xi32, #tpu.memory_space<vmem>> -> memref<1x1x64xi32, #tpu.memory_space<vmem>>
          %dma_start3A_1261 = tpu.memref_squeeze %dma_start3A_1260 : memref<1x1x64xi32, #tpu.memory_space<vmem>> -> memref<64xi32, #tpu.memory_space<vmem>>
          %dma_start3A_1262 = arith.constant 0 : i32
          %dma_start3A_1263 = arith.constant 0 : i32
          %dma_start3A_1264 = tpu.memref_slice %arg12[%dma_start3A_1262, %dma_start3A_1263] : memref<10240x128xf32, #tpu.memory_space<vmem_shared>> -> memref<10240x128xf32, #tpu.memory_space<vmem_shared>>
          tpu.enqueue_indirect_dma source(%arg10 : memref<64x128xf32, #tpu.memory_space<vmem>>) target(%dma_start3A_1264 : memref<10240x128xf32, #tpu.memory_space<vmem_shared>>) offsets(%dma_start3A_1261 : memref<64xi32, #tpu.memory_space<vmem>>) semaphore(%run_scoped3A_1258 : memref<!tpu.dma_semaphore, #tpu.memory_space<semaphore_mem>>) {add = true}
          %dma_wait3A_1265 = arith.constant 0 : i32
          %dma_wait3A_1266 = tpu.memref_slice %arg8[%run_scoped3A_1227, %add3A_1219, %dma_wait3A_1265] : memref<2x36x64xi32, #tpu.memory_space<vmem>> -> memref<1x1x64xi32, #tpu.memory_space<vmem>>
          %dma_wait3A_1267 = tpu.memref_squeeze %dma_wait3A_1266 : memref<1x1x64xi32, #tpu.memory_space<vmem>> -> memref<64xi32, #tpu.memory_space<vmem>>
          %dma_wait3A_1268 = arith.constant 0 : i32
          %dma_wait3A_1269 = arith.constant 0 : i32
          %dma_wait3A_1270 = tpu.memref_slice %arg12[%dma_wait3A_1268, %dma_wait3A_1269] : memref<10240x128xf32, #tpu.memory_space<vmem_shared>> -> memref<10240x128xf32, #tpu.memory_space<vmem_shared>>
          tpu.wait_indirect_dma semaphore(%run_scoped3A_1258 : memref<!tpu.dma_semaphore, #tpu.memory_space<semaphore_mem>>) src(%arg10 : memref<64x128xf32, #tpu.memory_space<vmem>>) dst(%dma_wait3A_1270 : memref<10240x128xf32, #tpu.memory_space<vmem_shared>>)
          tpu.yield
        }) : () -> ()
        %add3A_1228 = arith.constant 3 : i32
        %add3A_1229 = arith.addi %add3A_1219, %add3A_1228 : i32
        %dma_start3A_1230 = arith.constant 0 : i32
        %dma_start3A_1231 = arith.constant 0 : i32
        %dma_start3A_1232 = tpu.memref_slice %arg8[%dma_start3A_1230, %add3A_1229, %dma_start3A_1231] : memref<2x36x64xi32, #tpu.memory_space<vmem>> -> memref<1x1x64xi32, #tpu.memory_space<vmem>>
        %dma_start3A_1233 = tpu.memref_squeeze %dma_start3A_1232 : memref<1x1x64xi32, #tpu.memory_space<vmem>> -> memref<64xi32, #tpu.memory_space<vmem>>
        %dma_start3A_1234 = arith.constant 0 : i32
        %dma_start3A_1235 = arith.constant 0 : i32
        %dma_start3A_1236 = tpu.memref_slice %arg2[%dma_start3A_1234, %dma_start3A_1235] : memref<10000x128xf32, #tpu.memory_space<hbm>> -> memref<10000x128xf32, #tpu.memory_space<hbm>>
        tpu.enqueue_indirect_dma source(%dma_start3A_1236 : memref<10000x128xf32, #tpu.memory_space<hbm>>) target(%arg10 : memref<64x128xf32, #tpu.memory_space<vmem>>) offsets(%dma_start3A_1233 : memref<64xi32, #tpu.memory_space<vmem>>) semaphore(%arg14 : memref<!tpu.dma_semaphore, #tpu.memory_space<semaphore_mem>>)
        %mul3A_1237 = arith.constant 3 : i32
        %mul3A_1238 = arith.muli %scan3A_1195, %mul3A_1237 : i32
        %add3A_1239 = arith.constant 2 : i32
        %add3A_1240 = arith.addi %mul3A_1238, %add3A_1239 : i32
        %dma_wait3A_1241 = arith.constant 0 : i32
        %dma_wait3A_1242 = arith.constant 0 : i32
        %dma_wait3A_1243 = tpu.memref_slice %arg8[%dma_wait3A_1241, %add3A_1240, %dma_wait3A_1242] : memref<2x36x64xi32, #tpu.memory_space<vmem>> -> memref<1x1x64xi32, #tpu.memory_space<vmem>>
        %dma_wait3A_1244 = tpu.memref_squeeze %dma_wait3A_1243 : memref<1x1x64xi32, #tpu.memory_space<vmem>> -> memref<64xi32, #tpu.memory_space<vmem>>
        %dma_wait3A_1245 = arith.constant 0 : i32
        %dma_wait3A_1246 = arith.constant 0 : i32
        %dma_wait3A_1247 = tpu.memref_slice %arg2[%dma_wait3A_1245, %dma_wait3A_1246] : memref<10000x128xf32, #tpu.memory_space<hbm>> -> memref<10000x128xf32, #tpu.memory_space<hbm>>
        tpu.wait_indirect_dma semaphore(%arg15 : memref<!tpu.dma_semaphore, #tpu.memory_space<semaphore_mem>>) src(%dma_wait3A_1247 : memref<10000x128xf32, #tpu.memory_space<hbm>>) dst(%arg11 : memref<64x128xf32, #tpu.memory_space<vmem>>)
        %run_scoped3A_1248 = arith.constant 1 : i32
        "tpu.region"() ({
          %run_scoped3A_1258 = tpu.sem_alloc : memref<!tpu.dma_semaphore, #tpu.memory_space<semaphore_mem>>
          %dma_start3A_1259 = arith.constant 0 : i32
          %dma_start3A_1260 = tpu.memref_slice %arg8[%run_scoped3A_1248, %add3A_1240, %dma_start3A_1259] : memref<2x36x64xi32, #tpu.memory_space<vmem>> -> memref<1x1x64xi32, #tpu.memory_space<vmem>>
          %dma_start3A_1261 = tpu.memref_squeeze %dma_start3A_1260 : memref<1x1x64xi32, #tpu.memory_space<vmem>> -> memref<64xi32, #tpu.memory_space<vmem>>
          %dma_start3A_1262 = arith.constant 0 : i32
          %dma_start3A_1263 = arith.constant 0 : i32
          %dma_start3A_1264 = tpu.memref_slice %arg12[%dma_start3A_1262, %dma_start3A_1263] : memref<10240x128xf32, #tpu.memory_space<vmem_shared>> -> memref<10240x128xf32, #tpu.memory_space<vmem_shared>>
          tpu.enqueue_indirect_dma source(%arg11 : memref<64x128xf32, #tpu.memory_space<vmem>>) target(%dma_start3A_1264 : memref<10240x128xf32, #tpu.memory_space<vmem_shared>>) offsets(%dma_start3A_1261 : memref<64xi32, #tpu.memory_space<vmem>>) semaphore(%run_scoped3A_1258 : memref<!tpu.dma_semaphore, #tpu.memory_space<semaphore_mem>>) {add = true}
          %dma_wait3A_1265 = arith.constant 0 : i32
          %dma_wait3A_1266 = tpu.memref_slice %arg8[%run_scoped3A_1248, %add3A_1240, %dma_wait3A_1265] : memref<2x36x64xi32, #tpu.memory_space<vmem>> -> memref<1x1x64xi32, #tpu.memory_space<vmem>>
          %dma_wait3A_1267 = tpu.memref_squeeze %dma_wait3A_1266 : memref<1x1x64xi32, #tpu.memory_space<vmem>> -> memref<64xi32, #tpu.memory_space<vmem>>
          %dma_wait3A_1268 = arith.constant 0 : i32
          %dma_wait3A_1269 = arith.constant 0 : i32
          %dma_wait3A_1270 = tpu.memref_slice %arg12[%dma_wait3A_1268, %dma_wait3A_1269] : memref<10240x128xf32, #tpu.memory_space<vmem_shared>> -> memref<10240x128xf32, #tpu.memory_space<vmem_shared>>
          tpu.wait_indirect_dma semaphore(%run_scoped3A_1258 : memref<!tpu.dma_semaphore, #tpu.memory_space<semaphore_mem>>) src(%arg11 : memref<64x128xf32, #tpu.memory_space<vmem>>) dst(%dma_wait3A_1270 : memref<10240x128xf32, #tpu.memory_space<vmem_shared>>)
          tpu.yield
        }) : () -> ()
        %add3A_1249 = arith.constant 3 : i32
        %add3A_1250 = arith.addi %add3A_1240, %add3A_1249 : i32
        %dma_start3A_1251 = arith.constant 0 : i32
        %dma_start3A_1252 = arith.constant 0 : i32
        %dma_start3A_1253 = tpu.memref_slice %arg8[%dma_start3A_1251, %add3A_1250, %dma_start3A_1252] : memref<2x36x64xi32, #tpu.memory_space<vmem>> -> memref<1x1x64xi32, #tpu.memory_space<vmem>>
        %dma_start3A_1254 = tpu.memref_squeeze %dma_start3A_1253 : memref<1x1x64xi32, #tpu.memory_space<vmem>> -> memref<64xi32, #tpu.memory_space<vmem>>
        %dma_start3A_1255 = arith.constant 0 : i32
        %dma_start3A_1256 = arith.constant 0 : i32
        %dma_start3A_1257 = tpu.memref_slice %arg2[%dma_start3A_1255, %dma_start3A_1256] : memref<10000x128xf32, #tpu.memory_space<hbm>> -> memref<10000x128xf32, #tpu.memory_space<hbm>>
        tpu.enqueue_indirect_dma source(%dma_start3A_1257 : memref<10000x128xf32, #tpu.memory_space<hbm>>) target(%arg11 : memref<64x128xf32, #tpu.memory_space<vmem>>) offsets(%dma_start3A_1254 : memref<64xi32, #tpu.memory_space<vmem>>) semaphore(%arg15 : memref<!tpu.dma_semaphore, #tpu.memory_space<semaphore_mem>>)
      }
      %scan3A_278 = arith.constant 11 : i32
      %dma_wait3A_279 = arith.constant 0 : i32
      %dma_wait3A_280 = arith.constant 33 : i32
      %dma_wait3A_281 = arith.constant 0 : i32
      %dma_wait3A_282 = tpu.memref_slice %arg8[%dma_wait3A_279, %dma_wait3A_280, %dma_wait3A_281] : memref<2x36x64xi32, #tpu.memory_space<vmem>> -> memref<1x1x64xi32, #tpu.memory_space<vmem>>
      %dma_wait3A_283 = tpu.memref_squeeze %dma_wait3A_282 : memref<1x1x64xi32, #tpu.memory_space<vmem>> -> memref<64xi32, #tpu.memory_space<vmem>>
      %dma_wait3A_284 = arith.constant 0 : i32
      %dma_wait3A_285 = arith.constant 0 : i32
      %dma_wait3A_286 = tpu.memref_slice %arg2[%dma_wait3A_284, %dma_wait3A_285] : memref<10000x128xf32, #tpu.memory_space<hbm>> -> memref<10000x128xf32, #tpu.memory_space<hbm>>
      tpu.wait_indirect_dma semaphore(%arg13 : memref<!tpu.dma_semaphore, #tpu.memory_space<semaphore_mem>>) src(%dma_wait3A_286 : memref<10000x128xf32, #tpu.memory_space<hbm>>) dst(%arg9 : memref<64x128xf32, #tpu.memory_space<vmem>>)
      %run_scoped3A_287 = arith.constant 1 : i32
      %run_scoped3A_288 = arith.constant 33 : i32
      "tpu.region"() ({
        %run_scoped3A_1195 = tpu.sem_alloc : memref<!tpu.dma_semaphore, #tpu.memory_space<semaphore_mem>>
        %dma_start3A_1196 = arith.constant 0 : i32
        %dma_start3A_1197 = tpu.memref_slice %arg8[%run_scoped3A_287, %run_scoped3A_288, %dma_start3A_1196] : memref<2x36x64xi32, #tpu.memory_space<vmem>> -> memref<1x1x64xi32, #tpu.memory_space<vmem>>
        %dma_start3A_1198 = tpu.memref_squeeze %dma_start3A_1197 : memref<1x1x64xi32, #tpu.memory_space<vmem>> -> memref<64xi32, #tpu.memory_space<vmem>>
        %dma_start3A_1199 = arith.constant 0 : i32
        %dma_start3A_1200 = arith.constant 0 : i32
        %dma_start3A_1201 = tpu.memref_slice %arg12[%dma_start3A_1199, %dma_start3A_1200] : memref<10240x128xf32, #tpu.memory_space<vmem_shared>> -> memref<10240x128xf32, #tpu.memory_space<vmem_shared>>
        tpu.enqueue_indirect_dma source(%arg9 : memref<64x128xf32, #tpu.memory_space<vmem>>) target(%dma_start3A_1201 : memref<10240x128xf32, #tpu.memory_space<vmem_shared>>) offsets(%dma_start3A_1198 : memref<64xi32, #tpu.memory_space<vmem>>) semaphore(%run_scoped3A_1195 : memref<!tpu.dma_semaphore, #tpu.memory_space<semaphore_mem>>) {add = true}
        %dma_wait3A_1202 = arith.constant 0 : i32
        %dma_wait3A_1203 = tpu.memref_slice %arg8[%run_scoped3A_287, %run_scoped3A_288, %dma_wait3A_1202] : memref<2x36x64xi32, #tpu.memory_space<vmem>> -> memref<1x1x64xi32, #tpu.memory_space<vmem>>
        %dma_wait3A_1204 = tpu.memref_squeeze %dma_wait3A_1203 : memref<1x1x64xi32, #tpu.memory_space<vmem>> -> memref<64xi32, #tpu.memory_space<vmem>>
        %dma_wait3A_1205 = arith.constant 0 : i32
        %dma_wait3A_1206 = arith.constant 0 : i32
        %dma_wait3A_1207 = tpu.memref_slice %arg12[%dma_wait3A_1205, %dma_wait3A_1206] : memref<10240x128xf32, #tpu.memory_space<vmem_shared>> -> memref<10240x128xf32, #tpu.memory_space<vmem_shared>>
        tpu.wait_indirect_dma semaphore(%run_scoped3A_1195 : memref<!tpu.dma_semaphore, #tpu.memory_space<semaphore_mem>>) src(%arg9 : memref<64x128xf32, #tpu.memory_space<vmem>>) dst(%dma_wait3A_1207 : memref<10240x128xf32, #tpu.memory_space<vmem_shared>>)
        tpu.yield
      }) : () -> ()
      %dma_wait3A_289 = arith.constant 0 : i32
      %dma_wait3A_290 = arith.constant 34 : i32
      %dma_wait3A_291 = arith.constant 0 : i32
      %dma_wait3A_292 = tpu.memref_slice %arg8[%dma_wait3A_289, %dma_wait3A_290, %dma_wait3A_291] : memref<2x36x64xi32, #tpu.memory_space<vmem>> -> memref<1x1x64xi32, #tpu.memory_space<vmem>>
      %dma_wait3A_293 = tpu.memref_squeeze %dma_wait3A_292 : memref<1x1x64xi32, #tpu.memory_space<vmem>> -> memref<64xi32, #tpu.memory_space<vmem>>
      %dma_wait3A_294 = arith.constant 0 : i32
      %dma_wait3A_295 = arith.constant 0 : i32
      %dma_wait3A_296 = tpu.memref_slice %arg2[%dma_wait3A_294, %dma_wait3A_295] : memref<10000x128xf32, #tpu.memory_space<hbm>> -> memref<10000x128xf32, #tpu.memory_space<hbm>>
      tpu.wait_indirect_dma semaphore(%arg14 : memref<!tpu.dma_semaphore, #tpu.memory_space<semaphore_mem>>) src(%dma_wait3A_296 : memref<10000x128xf32, #tpu.memory_space<hbm>>) dst(%arg10 : memref<64x128xf32, #tpu.memory_space<vmem>>)
      %run_scoped3A_297 = arith.constant 1 : i32
      %run_scoped3A_298 = arith.constant 34 : i32
      "tpu.region"() ({
        %run_scoped3A_1195 = tpu.sem_alloc : memref<!tpu.dma_semaphore, #tpu.memory_space<semaphore_mem>>
        %dma_start3A_1196 = arith.constant 0 : i32
        %dma_start3A_1197 = tpu.memref_slice %arg8[%run_scoped3A_297, %run_scoped3A_298, %dma_start3A_1196] : memref<2x36x64xi32, #tpu.memory_space<vmem>> -> memref<1x1x64xi32, #tpu.memory_space<vmem>>
        %dma_start3A_1198 = tpu.memref_squeeze %dma_start3A_1197 : memref<1x1x64xi32, #tpu.memory_space<vmem>> -> memref<64xi32, #tpu.memory_space<vmem>>
        %dma_start3A_1199 = arith.constant 0 : i32
        %dma_start3A_1200 = arith.constant 0 : i32
        %dma_start3A_1201 = tpu.memref_slice %arg12[%dma_start3A_1199, %dma_start3A_1200] : memref<10240x128xf32, #tpu.memory_space<vmem_shared>> -> memref<10240x128xf32, #tpu.memory_space<vmem_shared>>
        tpu.enqueue_indirect_dma source(%arg10 : memref<64x128xf32, #tpu.memory_space<vmem>>) target(%dma_start3A_1201 : memref<10240x128xf32, #tpu.memory_space<vmem_shared>>) offsets(%dma_start3A_1198 : memref<64xi32, #tpu.memory_space<vmem>>) semaphore(%run_scoped3A_1195 : memref<!tpu.dma_semaphore, #tpu.memory_space<semaphore_mem>>) {add = true}
        %dma_wait3A_1202 = arith.constant 0 : i32
        %dma_wait3A_1203 = tpu.memref_slice %arg8[%run_scoped3A_297, %run_scoped3A_298, %dma_wait3A_1202] : memref<2x36x64xi32, #tpu.memory_space<vmem>> -> memref<1x1x64xi32, #tpu.memory_space<vmem>>
        %dma_wait3A_1204 = tpu.memref_squeeze %dma_wait3A_1203 : memref<1x1x64xi32, #tpu.memory_space<vmem>> -> memref<64xi32, #tpu.memory_space<vmem>>
        %dma_wait3A_1205 = arith.constant 0 : i32
        %dma_wait3A_1206 = arith.constant 0 : i32
        %dma_wait3A_1207 = tpu.memref_slice %arg12[%dma_wait3A_1205, %dma_wait3A_1206] : memref<10240x128xf32, #tpu.memory_space<vmem_shared>> -> memref<10240x128xf32, #tpu.memory_space<vmem_shared>>
        tpu.wait_indirect_dma semaphore(%run_scoped3A_1195 : memref<!tpu.dma_semaphore, #tpu.memory_space<semaphore_mem>>) src(%arg10 : memref<64x128xf32, #tpu.memory_space<vmem>>) dst(%dma_wait3A_1207 : memref<10240x128xf32, #tpu.memory_space<vmem_shared>>)
        tpu.yield
      }) : () -> ()
      %dma_wait3A_299 = arith.constant 0 : i32
      %dma_wait3A_300 = arith.constant 35 : i32
      %dma_wait3A_301 = arith.constant 0 : i32
      %dma_wait3A_302 = tpu.memref_slice %arg8[%dma_wait3A_299, %dma_wait3A_300, %dma_wait3A_301] : memref<2x36x64xi32, #tpu.memory_space<vmem>> -> memref<1x1x64xi32, #tpu.memory_space<vmem>>
      %dma_wait3A_303 = tpu.memref_squeeze %dma_wait3A_302 : memref<1x1x64xi32, #tpu.memory_space<vmem>> -> memref<64xi32, #tpu.memory_space<vmem>>
      %dma_wait3A_304 = arith.constant 0 : i32
      %dma_wait3A_305 = arith.constant 0 : i32
      %dma_wait3A_306 = tpu.memref_slice %arg2[%dma_wait3A_304, %dma_wait3A_305] : memref<10000x128xf32, #tpu.memory_space<hbm>> -> memref<10000x128xf32, #tpu.memory_space<hbm>>
      tpu.wait_indirect_dma semaphore(%arg15 : memref<!tpu.dma_semaphore, #tpu.memory_space<semaphore_mem>>) src(%dma_wait3A_306 : memref<10000x128xf32, #tpu.memory_space<hbm>>) dst(%arg11 : memref<64x128xf32, #tpu.memory_space<vmem>>)
      %run_scoped3A_307 = arith.constant 1 : i32
      %run_scoped3A_308 = arith.constant 35 : i32
      "tpu.region"() ({
        %run_scoped3A_1195 = tpu.sem_alloc : memref<!tpu.dma_semaphore, #tpu.memory_space<semaphore_mem>>
        %dma_start3A_1196 = arith.constant 0 : i32
        %dma_start3A_1197 = tpu.memref_slice %arg8[%run_scoped3A_307, %run_scoped3A_308, %dma_start3A_1196] : memref<2x36x64xi32, #tpu.memory_space<vmem>> -> memref<1x1x64xi32, #tpu.memory_space<vmem>>
        %dma_start3A_1198 = tpu.memref_squeeze %dma_start3A_1197 : memref<1x1x64xi32, #tpu.memory_space<vmem>> -> memref<64xi32, #tpu.memory_space<vmem>>
        %dma_start3A_1199 = arith.constant 0 : i32
        %dma_start3A_1200 = arith.constant 0 : i32
        %dma_start3A_1201 = tpu.memref_slice %arg12[%dma_start3A_1199, %dma_start3A_1200] : memref<10240x128xf32, #tpu.memory_space<vmem_shared>> -> memref<10240x128xf32, #tpu.memory_space<vmem_shared>>
        tpu.enqueue_indirect_dma source(%arg11 : memref<64x128xf32, #tpu.memory_space<vmem>>) target(%dma_start3A_1201 : memref<10240x128xf32, #tpu.memory_space<vmem_shared>>) offsets(%dma_start3A_1198 : memref<64xi32, #tpu.memory_space<vmem>>) semaphore(%run_scoped3A_1195 : memref<!tpu.dma_semaphore, #tpu.memory_space<semaphore_mem>>) {add = true}
        %dma_wait3A_1202 = arith.constant 0 : i32
        %dma_wait3A_1203 = tpu.memref_slice %arg8[%run_scoped3A_307, %run_scoped3A_308, %dma_wait3A_1202] : memref<2x36x64xi32, #tpu.memory_space<vmem>> -> memref<1x1x64xi32, #tpu.memory_space<vmem>>
        %dma_wait3A_1204 = tpu.memref_squeeze %dma_wait3A_1203 : memref<1x1x64xi32, #tpu.memory_space<vmem>> -> memref<64xi32, #tpu.memory_space<vmem>>
        %dma_wait3A_1205 = arith.constant 0 : i32
        %dma_wait3A_1206 = arith.constant 0 : i32
        %dma_wait3A_1207 = tpu.memref_slice %arg12[%dma_wait3A_1205, %dma_wait3A_1206] : memref<10240x128xf32, #tpu.memory_space<vmem_shared>> -> memref<10240x128xf32, #tpu.memory_space<vmem_shared>>
        tpu.wait_indirect_dma semaphore(%run_scoped3A_1195 : memref<!tpu.dma_semaphore, #tpu.memory_space<semaphore_mem>>) src(%arg11 : memref<64x128xf32, #tpu.memory_space<vmem>>) dst(%dma_wait3A_1207 : memref<10240x128xf32, #tpu.memory_space<vmem_shared>>)
        tpu.yield
      }) : () -> ()
      %dma_wait3A_309 = arith.constant 2 : i32
      %dma_wait3A_310 = arith.constant 0 : i32
      %dma_wait3A_311 = arith.constant 0 : i32
      %dma_wait3A_312 = arith.constant 0 : i32
      %dma_wait3A_313 = tpu.memref_slice %arg7[%dma_wait3A_310, %dma_wait3A_311, %dma_wait3A_312] : memref<2x36x64xi32, #tpu.memory_space<vmem>> -> memref<1x36x64xi32, #tpu.memory_space<vmem>>
      %dma_wait3A_314 = tpu.memref_squeeze %dma_wait3A_313 : memref<1x36x64xi32, #tpu.memory_space<vmem>> -> memref<36x64xi32, #tpu.memory_space<vmem>>
      %dma_wait3A_315 = arith.constant 0 : i32
      %dma_wait3A_316 = arith.constant 0 : i32
      %dma_wait3A_317 = tpu.memref_slice %arg3[%arg1, %dma_wait3A_309, %dma_wait3A_315, %dma_wait3A_316] : memref<16x9x36x64xi32, #tpu.memory_space<hbm>> -> memref<1x1x36x64xi32, #tpu.memory_space<hbm>>
      %dma_wait3A_318 = tpu.memref_squeeze %dma_wait3A_317 : memref<1x1x36x64xi32, #tpu.memory_space<hbm>> -> memref<36x64xi32, #tpu.memory_space<hbm>>
      %dma_wait3A_319 = arith.constant 0 : i32
      %dma_wait3A_320 = arith.constant 0 : i32
      %dma_wait3A_321 = tpu.memref_slice %arg7[%dma_wait3A_310, %dma_wait3A_319, %dma_wait3A_320] : memref<2x36x64xi32, #tpu.memory_space<vmem>> -> memref<1x36x64xi32, #tpu.memory_space<vmem>>
      %dma_wait3A_322 = tpu.memref_squeeze %dma_wait3A_321 : memref<1x36x64xi32, #tpu.memory_space<vmem>> -> memref<36x64xi32, #tpu.memory_space<vmem>>
      %dma_wait3A_323 = arith.constant 0 : i32
      %dma_wait3A_324 = arith.constant 0 : i32
      %dma_wait3A_325 = tpu.memref_slice %arg3[%arg1, %dma_wait3A_309, %dma_wait3A_323, %dma_wait3A_324] : memref<16x9x36x64xi32, #tpu.memory_space<hbm>> -> memref<1x1x36x64xi32, #tpu.memory_space<hbm>>
      %dma_wait3A_326 = tpu.memref_squeeze %dma_wait3A_325 : memref<1x1x36x64xi32, #tpu.memory_space<hbm>> -> memref<36x64xi32, #tpu.memory_space<hbm>>
      tpu.wait_dma2 semaphore(%arg16 : memref<!tpu.dma_semaphore, #tpu.memory_space<semaphore_mem>>) src(%dma_wait3A_326 : memref<36x64xi32, #tpu.memory_space<hbm>>) dst(%dma_wait3A_322 : memref<36x64xi32, #tpu.memory_space<vmem>>)
      %dma_wait3A_327 = arith.constant 2 : i32
      %dma_wait3A_328 = arith.constant 1 : i32
      %dma_wait3A_329 = arith.constant 0 : i32
      %dma_wait3A_330 = arith.constant 0 : i32
      %dma_wait3A_331 = tpu.memref_slice %arg7[%dma_wait3A_328, %dma_wait3A_329, %dma_wait3A_330] : memref<2x36x64xi32, #tpu.memory_space<vmem>> -> memref<1x36x64xi32, #tpu.memory_space<vmem>>
      %dma_wait3A_332 = tpu.memref_squeeze %dma_wait3A_331 : memref<1x36x64xi32, #tpu.memory_space<vmem>> -> memref<36x64xi32, #tpu.memory_space<vmem>>
      %dma_wait3A_333 = arith.constant 0 : i32
      %dma_wait3A_334 = arith.constant 0 : i32
      %dma_wait3A_335 = tpu.memref_slice %arg4[%arg1, %dma_wait3A_327, %dma_wait3A_333, %dma_wait3A_334] : memref<16x9x36x64xi32, #tpu.memory_space<hbm>> -> memref<1x1x36x64xi32, #tpu.memory_space<hbm>>
      %dma_wait3A_336 = tpu.memref_squeeze %dma_wait3A_335 : memref<1x1x36x64xi32, #tpu.memory_space<hbm>> -> memref<36x64xi32, #tpu.memory_space<hbm>>
      %dma_wait3A_337 = arith.constant 0 : i32
      %dma_wait3A_338 = arith.constant 0 : i32
      %dma_wait3A_339 = tpu.memref_slice %arg7[%dma_wait3A_328, %dma_wait3A_337, %dma_wait3A_338] : memref<2x36x64xi32, #tpu.memory_space<vmem>> -> memref<1x36x64xi32, #tpu.memory_space<vmem>>
      %dma_wait3A_340 = tpu.memref_squeeze %dma_wait3A_339 : memref<1x36x64xi32, #tpu.memory_space<vmem>> -> memref<36x64xi32, #tpu.memory_space<vmem>>
      %dma_wait3A_341 = arith.constant 0 : i32
      %dma_wait3A_342 = arith.constant 0 : i32
      %dma_wait3A_343 = tpu.memref_slice %arg4[%arg1, %dma_wait3A_327, %dma_wait3A_341, %dma_wait3A_342] : memref<16x9x36x64xi32, #tpu.memory_space<hbm>> -> memref<1x1x36x64xi32, #tpu.memory_space<hbm>>
      %dma_wait3A_344 = tpu.memref_squeeze %dma_wait3A_343 : memref<1x1x36x64xi32, #tpu.memory_space<hbm>> -> memref<36x64xi32, #tpu.memory_space<hbm>>
      tpu.wait_dma2 semaphore(%arg16 : memref<!tpu.dma_semaphore, #tpu.memory_space<semaphore_mem>>) src(%dma_wait3A_344 : memref<36x64xi32, #tpu.memory_space<hbm>>) dst(%dma_wait3A_340 : memref<36x64xi32, #tpu.memory_space<vmem>>)
      %dma_start3A_345 = arith.constant 3 : i32
      %dma_start3A_346 = arith.constant 0 : i32
      %dma_start3A_347 = arith.constant 0 : i32
      %dma_start3A_348 = arith.constant 0 : i32
      %dma_start3A_349 = tpu.memref_slice %arg8[%dma_start3A_346, %dma_start3A_347, %dma_start3A_348] : memref<2x36x64xi32, #tpu.memory_space<vmem>> -> memref<1x36x64xi32, #tpu.memory_space<vmem>>
      %dma_start3A_350 = tpu.memref_squeeze %dma_start3A_349 : memref<1x36x64xi32, #tpu.memory_space<vmem>> -> memref<36x64xi32, #tpu.memory_space<vmem>>
      %dma_start3A_351 = arith.constant 0 : i32
      %dma_start3A_352 = arith.constant 0 : i32
      %dma_start3A_353 = tpu.memref_slice %arg3[%arg1, %dma_start3A_345, %dma_start3A_351, %dma_start3A_352] : memref<16x9x36x64xi32, #tpu.memory_space<hbm>> -> memref<1x1x36x64xi32, #tpu.memory_space<hbm>>
      %dma_start3A_354 = tpu.memref_squeeze %dma_start3A_353 : memref<1x1x36x64xi32, #tpu.memory_space<hbm>> -> memref<36x64xi32, #tpu.memory_space<hbm>>
      %dma_start3A_355 = arith.constant 0 : i32
      %dma_start3A_356 = arith.constant 0 : i32
      %dma_start3A_357 = tpu.memref_slice %arg8[%dma_start3A_346, %dma_start3A_355, %dma_start3A_356] : memref<2x36x64xi32, #tpu.memory_space<vmem>> -> memref<1x36x64xi32, #tpu.memory_space<vmem>>
      %dma_start3A_358 = tpu.memref_squeeze %dma_start3A_357 : memref<1x36x64xi32, #tpu.memory_space<vmem>> -> memref<36x64xi32, #tpu.memory_space<vmem>>
      %dma_start3A_359 = arith.constant 0 : i32
      %dma_start3A_360 = arith.constant 0 : i32
      %dma_start3A_361 = tpu.memref_slice %arg3[%arg1, %dma_start3A_345, %dma_start3A_359, %dma_start3A_360] : memref<16x9x36x64xi32, #tpu.memory_space<hbm>> -> memref<1x1x36x64xi32, #tpu.memory_space<hbm>>
      %dma_start3A_362 = tpu.memref_squeeze %dma_start3A_361 : memref<1x1x36x64xi32, #tpu.memory_space<hbm>> -> memref<36x64xi32, #tpu.memory_space<hbm>>
      tpu.enqueue_dma source(%dma_start3A_362 : memref<36x64xi32, #tpu.memory_space<hbm>>) target(%dma_start3A_358 : memref<36x64xi32, #tpu.memory_space<vmem>>) target_semaphore(%arg17 : memref<!tpu.dma_semaphore, #tpu.memory_space<semaphore_mem>>)
      %dma_start3A_363 = arith.constant 3 : i32
      %dma_start3A_364 = arith.constant 1 : i32
      %dma_start3A_365 = arith.constant 0 : i32
      %dma_start3A_366 = arith.constant 0 : i32
      %dma_start3A_367 = tpu.memref_slice %arg8[%dma_start3A_364, %dma_start3A_365, %dma_start3A_366] : memref<2x36x64xi32, #tpu.memory_space<vmem>> -> memref<1x36x64xi32, #tpu.memory_space<vmem>>
      %dma_start3A_368 = tpu.memref_squeeze %dma_start3A_367 : memref<1x36x64xi32, #tpu.memory_space<vmem>> -> memref<36x64xi32, #tpu.memory_space<vmem>>
      %dma_start3A_369 = arith.constant 0 : i32
      %dma_start3A_370 = arith.constant 0 : i32
      %dma_start3A_371 = tpu.memref_slice %arg4[%arg1, %dma_start3A_363, %dma_start3A_369, %dma_start3A_370] : memref<16x9x36x64xi32, #tpu.memory_space<hbm>> -> memref<1x1x36x64xi32, #tpu.memory_space<hbm>>
      %dma_start3A_372 = tpu.memref_squeeze %dma_start3A_371 : memref<1x1x36x64xi32, #tpu.memory_space<hbm>> -> memref<36x64xi32, #tpu.memory_space<hbm>>
      %dma_start3A_373 = arith.constant 0 : i32
      %dma_start3A_374 = arith.constant 0 : i32
      %dma_start3A_375 = tpu.memref_slice %arg8[%dma_start3A_364, %dma_start3A_373, %dma_start3A_374] : memref<2x36x64xi32, #tpu.memory_space<vmem>> -> memref<1x36x64xi32, #tpu.memory_space<vmem>>
      %dma_start3A_376 = tpu.memref_squeeze %dma_start3A_375 : memref<1x36x64xi32, #tpu.memory_space<vmem>> -> memref<36x64xi32, #tpu.memory_space<vmem>>
      %dma_start3A_377 = arith.constant 0 : i32
      %dma_start3A_378 = arith.constant 0 : i32
      %dma_start3A_379 = tpu.memref_slice %arg4[%arg1, %dma_start3A_363, %dma_start3A_377, %dma_start3A_378] : memref<16x9x36x64xi32, #tpu.memory_space<hbm>> -> memref<1x1x36x64xi32, #tpu.memory_space<hbm>>
      %dma_start3A_380 = tpu.memref_squeeze %dma_start3A_379 : memref<1x1x36x64xi32, #tpu.memory_space<hbm>> -> memref<36x64xi32, #tpu.memory_space<hbm>>
      tpu.enqueue_dma source(%dma_start3A_380 : memref<36x64xi32, #tpu.memory_space<hbm>>) target(%dma_start3A_376 : memref<36x64xi32, #tpu.memory_space<vmem>>) target_semaphore(%arg17 : memref<!tpu.dma_semaphore, #tpu.memory_space<semaphore_mem>>)
      %dma_start3A_381 = arith.constant 0 : i32
      %dma_start3A_382 = arith.constant 0 : i32
      %dma_start3A_383 = arith.constant 0 : i32
      %dma_start3A_384 = tpu.memref_slice %arg7[%dma_start3A_381, %dma_start3A_382, %dma_start3A_383] : memref<2x36x64xi32, #tpu.memory_space<vmem>> -> memref<1x1x64xi32, #tpu.memory_space<vmem>>
      %dma_start3A_385 = tpu.memref_squeeze %dma_start3A_384 : memref<1x1x64xi32, #tpu.memory_space<vmem>> -> memref<64xi32, #tpu.memory_space<vmem>>
      %dma_start3A_386 = arith.constant 0 : i32
      %dma_start3A_387 = arith.constant 0 : i32
      %dma_start3A_388 = tpu.memref_slice %arg2[%dma_start3A_386, %dma_start3A_387] : memref<10000x128xf32, #tpu.memory_space<hbm>> -> memref<10000x128xf32, #tpu.memory_space<hbm>>
      tpu.enqueue_indirect_dma source(%dma_start3A_388 : memref<10000x128xf32, #tpu.memory_space<hbm>>) target(%arg9 : memref<64x128xf32, #tpu.memory_space<vmem>>) offsets(%dma_start3A_385 : memref<64xi32, #tpu.memory_space<vmem>>) semaphore(%arg13 : memref<!tpu.dma_semaphore, #tpu.memory_space<semaphore_mem>>)
      %dma_start3A_389 = arith.constant 0 : i32
      %dma_start3A_390 = arith.constant 1 : i32
      %dma_start3A_391 = arith.constant 0 : i32
      %dma_start3A_392 = tpu.memref_slice %arg7[%dma_start3A_389, %dma_start3A_390, %dma_start3A_391] : memref<2x36x64xi32, #tpu.memory_space<vmem>> -> memref<1x1x64xi32, #tpu.memory_space<vmem>>
      %dma_start3A_393 = tpu.memref_squeeze %dma_start3A_392 : memref<1x1x64xi32, #tpu.memory_space<vmem>> -> memref<64xi32, #tpu.memory_space<vmem>>
      %dma_start3A_394 = arith.constant 0 : i32
      %dma_start3A_395 = arith.constant 0 : i32
      %dma_start3A_396 = tpu.memref_slice %arg2[%dma_start3A_394, %dma_start3A_395] : memref<10000x128xf32, #tpu.memory_space<hbm>> -> memref<10000x128xf32, #tpu.memory_space<hbm>>
      tpu.enqueue_indirect_dma source(%dma_start3A_396 : memref<10000x128xf32, #tpu.memory_space<hbm>>) target(%arg10 : memref<64x128xf32, #tpu.memory_space<vmem>>) offsets(%dma_start3A_393 : memref<64xi32, #tpu.memory_space<vmem>>) semaphore(%arg14 : memref<!tpu.dma_semaphore, #tpu.memory_space<semaphore_mem>>)
      %dma_start3A_397 = arith.constant 0 : i32
      %dma_start3A_398 = arith.constant 2 : i32
      %dma_start3A_399 = arith.constant 0 : i32
      %dma_start3A_400 = tpu.memref_slice %arg7[%dma_start3A_397, %dma_start3A_398, %dma_start3A_399] : memref<2x36x64xi32, #tpu.memory_space<vmem>> -> memref<1x1x64xi32, #tpu.memory_space<vmem>>
      %dma_start3A_401 = tpu.memref_squeeze %dma_start3A_400 : memref<1x1x64xi32, #tpu.memory_space<vmem>> -> memref<64xi32, #tpu.memory_space<vmem>>
      %dma_start3A_402 = arith.constant 0 : i32
      %dma_start3A_403 = arith.constant 0 : i32
      %dma_start3A_404 = tpu.memref_slice %arg2[%dma_start3A_402, %dma_start3A_403] : memref<10000x128xf32, #tpu.memory_space<hbm>> -> memref<10000x128xf32, #tpu.memory_space<hbm>>
      tpu.enqueue_indirect_dma source(%dma_start3A_404 : memref<10000x128xf32, #tpu.memory_space<hbm>>) target(%arg11 : memref<64x128xf32, #tpu.memory_space<vmem>>) offsets(%dma_start3A_401 : memref<64xi32, #tpu.memory_space<vmem>>) semaphore(%arg15 : memref<!tpu.dma_semaphore, #tpu.memory_space<semaphore_mem>>)
      %scan3A_405 = arith.constant 0 : i32
      %scan3A_406 = arith.constant 11 : i32
      %scan3A_407 = arith.addi %scan3A_405, %scan3A_406 : i32
      %scan3A_408 = arith.constant 1 : i32
      scf.for %scan3A_1195 = %scan3A_405 to %scan3A_407 step %scan3A_408  : i32 {
        %mul3A_1196 = arith.constant 3 : i32
        %mul3A_1197 = arith.muli %scan3A_1195, %mul3A_1196 : i32
        %add3A = arith.constant 0 : i32
        %add3A_1198 = arith.addi %mul3A_1197, %add3A : i32
        %dma_wait3A_1199 = arith.constant 0 : i32
        %dma_wait3A_1200 = arith.constant 0 : i32
        %dma_wait3A_1201 = tpu.memref_slice %arg7[%dma_wait3A_1199, %add3A_1198, %dma_wait3A_1200] : memref<2x36x64xi32, #tpu.memory_space<vmem>> -> memref<1x1x64xi32, #tpu.memory_space<vmem>>
        %dma_wait3A_1202 = tpu.memref_squeeze %dma_wait3A_1201 : memref<1x1x64xi32, #tpu.memory_space<vmem>> -> memref<64xi32, #tpu.memory_space<vmem>>
        %dma_wait3A_1203 = arith.constant 0 : i32
        %dma_wait3A_1204 = arith.constant 0 : i32
        %dma_wait3A_1205 = tpu.memref_slice %arg2[%dma_wait3A_1203, %dma_wait3A_1204] : memref<10000x128xf32, #tpu.memory_space<hbm>> -> memref<10000x128xf32, #tpu.memory_space<hbm>>
        tpu.wait_indirect_dma semaphore(%arg13 : memref<!tpu.dma_semaphore, #tpu.memory_space<semaphore_mem>>) src(%dma_wait3A_1205 : memref<10000x128xf32, #tpu.memory_space<hbm>>) dst(%arg9 : memref<64x128xf32, #tpu.memory_space<vmem>>)
        %run_scoped3A_1206 = arith.constant 1 : i32
        "tpu.region"() ({
          %run_scoped3A_1258 = tpu.sem_alloc : memref<!tpu.dma_semaphore, #tpu.memory_space<semaphore_mem>>
          %dma_start3A_1259 = arith.constant 0 : i32
          %dma_start3A_1260 = tpu.memref_slice %arg7[%run_scoped3A_1206, %add3A_1198, %dma_start3A_1259] : memref<2x36x64xi32, #tpu.memory_space<vmem>> -> memref<1x1x64xi32, #tpu.memory_space<vmem>>
          %dma_start3A_1261 = tpu.memref_squeeze %dma_start3A_1260 : memref<1x1x64xi32, #tpu.memory_space<vmem>> -> memref<64xi32, #tpu.memory_space<vmem>>
          %dma_start3A_1262 = arith.constant 0 : i32
          %dma_start3A_1263 = arith.constant 0 : i32
          %dma_start3A_1264 = tpu.memref_slice %arg12[%dma_start3A_1262, %dma_start3A_1263] : memref<10240x128xf32, #tpu.memory_space<vmem_shared>> -> memref<10240x128xf32, #tpu.memory_space<vmem_shared>>
          tpu.enqueue_indirect_dma source(%arg9 : memref<64x128xf32, #tpu.memory_space<vmem>>) target(%dma_start3A_1264 : memref<10240x128xf32, #tpu.memory_space<vmem_shared>>) offsets(%dma_start3A_1261 : memref<64xi32, #tpu.memory_space<vmem>>) semaphore(%run_scoped3A_1258 : memref<!tpu.dma_semaphore, #tpu.memory_space<semaphore_mem>>) {add = true}
          %dma_wait3A_1265 = arith.constant 0 : i32
          %dma_wait3A_1266 = tpu.memref_slice %arg7[%run_scoped3A_1206, %add3A_1198, %dma_wait3A_1265] : memref<2x36x64xi32, #tpu.memory_space<vmem>> -> memref<1x1x64xi32, #tpu.memory_space<vmem>>
          %dma_wait3A_1267 = tpu.memref_squeeze %dma_wait3A_1266 : memref<1x1x64xi32, #tpu.memory_space<vmem>> -> memref<64xi32, #tpu.memory_space<vmem>>
          %dma_wait3A_1268 = arith.constant 0 : i32
          %dma_wait3A_1269 = arith.constant 0 : i32
          %dma_wait3A_1270 = tpu.memref_slice %arg12[%dma_wait3A_1268, %dma_wait3A_1269] : memref<10240x128xf32, #tpu.memory_space<vmem_shared>> -> memref<10240x128xf32, #tpu.memory_space<vmem_shared>>
          tpu.wait_indirect_dma semaphore(%run_scoped3A_1258 : memref<!tpu.dma_semaphore, #tpu.memory_space<semaphore_mem>>) src(%arg9 : memref<64x128xf32, #tpu.memory_space<vmem>>) dst(%dma_wait3A_1270 : memref<10240x128xf32, #tpu.memory_space<vmem_shared>>)
          tpu.yield
        }) : () -> ()
        %add3A_1207 = arith.constant 3 : i32
        %add3A_1208 = arith.addi %add3A_1198, %add3A_1207 : i32
        %dma_start3A_1209 = arith.constant 0 : i32
        %dma_start3A_1210 = arith.constant 0 : i32
        %dma_start3A_1211 = tpu.memref_slice %arg7[%dma_start3A_1209, %add3A_1208, %dma_start3A_1210] : memref<2x36x64xi32, #tpu.memory_space<vmem>> -> memref<1x1x64xi32, #tpu.memory_space<vmem>>
        %dma_start3A_1212 = tpu.memref_squeeze %dma_start3A_1211 : memref<1x1x64xi32, #tpu.memory_space<vmem>> -> memref<64xi32, #tpu.memory_space<vmem>>
        %dma_start3A_1213 = arith.constant 0 : i32
        %dma_start3A_1214 = arith.constant 0 : i32
        %dma_start3A_1215 = tpu.memref_slice %arg2[%dma_start3A_1213, %dma_start3A_1214] : memref<10000x128xf32, #tpu.memory_space<hbm>> -> memref<10000x128xf32, #tpu.memory_space<hbm>>
        tpu.enqueue_indirect_dma source(%dma_start3A_1215 : memref<10000x128xf32, #tpu.memory_space<hbm>>) target(%arg9 : memref<64x128xf32, #tpu.memory_space<vmem>>) offsets(%dma_start3A_1212 : memref<64xi32, #tpu.memory_space<vmem>>) semaphore(%arg13 : memref<!tpu.dma_semaphore, #tpu.memory_space<semaphore_mem>>)
        %mul3A_1216 = arith.constant 3 : i32
        %mul3A_1217 = arith.muli %scan3A_1195, %mul3A_1216 : i32
        %add3A_1218 = arith.constant 1 : i32
        %add3A_1219 = arith.addi %mul3A_1217, %add3A_1218 : i32
        %dma_wait3A_1220 = arith.constant 0 : i32
        %dma_wait3A_1221 = arith.constant 0 : i32
        %dma_wait3A_1222 = tpu.memref_slice %arg7[%dma_wait3A_1220, %add3A_1219, %dma_wait3A_1221] : memref<2x36x64xi32, #tpu.memory_space<vmem>> -> memref<1x1x64xi32, #tpu.memory_space<vmem>>
        %dma_wait3A_1223 = tpu.memref_squeeze %dma_wait3A_1222 : memref<1x1x64xi32, #tpu.memory_space<vmem>> -> memref<64xi32, #tpu.memory_space<vmem>>
        %dma_wait3A_1224 = arith.constant 0 : i32
        %dma_wait3A_1225 = arith.constant 0 : i32
        %dma_wait3A_1226 = tpu.memref_slice %arg2[%dma_wait3A_1224, %dma_wait3A_1225] : memref<10000x128xf32, #tpu.memory_space<hbm>> -> memref<10000x128xf32, #tpu.memory_space<hbm>>
        tpu.wait_indirect_dma semaphore(%arg14 : memref<!tpu.dma_semaphore, #tpu.memory_space<semaphore_mem>>) src(%dma_wait3A_1226 : memref<10000x128xf32, #tpu.memory_space<hbm>>) dst(%arg10 : memref<64x128xf32, #tpu.memory_space<vmem>>)
        %run_scoped3A_1227 = arith.constant 1 : i32
        "tpu.region"() ({
          %run_scoped3A_1258 = tpu.sem_alloc : memref<!tpu.dma_semaphore, #tpu.memory_space<semaphore_mem>>
          %dma_start3A_1259 = arith.constant 0 : i32
          %dma_start3A_1260 = tpu.memref_slice %arg7[%run_scoped3A_1227, %add3A_1219, %dma_start3A_1259] : memref<2x36x64xi32, #tpu.memory_space<vmem>> -> memref<1x1x64xi32, #tpu.memory_space<vmem>>
          %dma_start3A_1261 = tpu.memref_squeeze %dma_start3A_1260 : memref<1x1x64xi32, #tpu.memory_space<vmem>> -> memref<64xi32, #tpu.memory_space<vmem>>
          %dma_start3A_1262 = arith.constant 0 : i32
          %dma_start3A_1263 = arith.constant 0 : i32
          %dma_start3A_1264 = tpu.memref_slice %arg12[%dma_start3A_1262, %dma_start3A_1263] : memref<10240x128xf32, #tpu.memory_space<vmem_shared>> -> memref<10240x128xf32, #tpu.memory_space<vmem_shared>>
          tpu.enqueue_indirect_dma source(%arg10 : memref<64x128xf32, #tpu.memory_space<vmem>>) target(%dma_start3A_1264 : memref<10240x128xf32, #tpu.memory_space<vmem_shared>>) offsets(%dma_start3A_1261 : memref<64xi32, #tpu.memory_space<vmem>>) semaphore(%run_scoped3A_1258 : memref<!tpu.dma_semaphore, #tpu.memory_space<semaphore_mem>>) {add = true}
          %dma_wait3A_1265 = arith.constant 0 : i32
          %dma_wait3A_1266 = tpu.memref_slice %arg7[%run_scoped3A_1227, %add3A_1219, %dma_wait3A_1265] : memref<2x36x64xi32, #tpu.memory_space<vmem>> -> memref<1x1x64xi32, #tpu.memory_space<vmem>>
          %dma_wait3A_1267 = tpu.memref_squeeze %dma_wait3A_1266 : memref<1x1x64xi32, #tpu.memory_space<vmem>> -> memref<64xi32, #tpu.memory_space<vmem>>
          %dma_wait3A_1268 = arith.constant 0 : i32
          %dma_wait3A_1269 = arith.constant 0 : i32
          %dma_wait3A_1270 = tpu.memref_slice %arg12[%dma_wait3A_1268, %dma_wait3A_1269] : memref<10240x128xf32, #tpu.memory_space<vmem_shared>> -> memref<10240x128xf32, #tpu.memory_space<vmem_shared>>
          tpu.wait_indirect_dma semaphore(%run_scoped3A_1258 : memref<!tpu.dma_semaphore, #tpu.memory_space<semaphore_mem>>) src(%arg10 : memref<64x128xf32, #tpu.memory_space<vmem>>) dst(%dma_wait3A_1270 : memref<10240x128xf32, #tpu.memory_space<vmem_shared>>)
          tpu.yield
        }) : () -> ()
        %add3A_1228 = arith.constant 3 : i32
        %add3A_1229 = arith.addi %add3A_1219, %add3A_1228 : i32
        %dma_start3A_1230 = arith.constant 0 : i32
        %dma_start3A_1231 = arith.constant 0 : i32
        %dma_start3A_1232 = tpu.memref_slice %arg7[%dma_start3A_1230, %add3A_1229, %dma_start3A_1231] : memref<2x36x64xi32, #tpu.memory_space<vmem>> -> memref<1x1x64xi32, #tpu.memory_space<vmem>>
        %dma_start3A_1233 = tpu.memref_squeeze %dma_start3A_1232 : memref<1x1x64xi32, #tpu.memory_space<vmem>> -> memref<64xi32, #tpu.memory_space<vmem>>
        %dma_start3A_1234 = arith.constant 0 : i32
        %dma_start3A_1235 = arith.constant 0 : i32
        %dma_start3A_1236 = tpu.memref_slice %arg2[%dma_start3A_1234, %dma_start3A_1235] : memref<10000x128xf32, #tpu.memory_space<hbm>> -> memref<10000x128xf32, #tpu.memory_space<hbm>>
        tpu.enqueue_indirect_dma source(%dma_start3A_1236 : memref<10000x128xf32, #tpu.memory_space<hbm>>) target(%arg10 : memref<64x128xf32, #tpu.memory_space<vmem>>) offsets(%dma_start3A_1233 : memref<64xi32, #tpu.memory_space<vmem>>) semaphore(%arg14 : memref<!tpu.dma_semaphore, #tpu.memory_space<semaphore_mem>>)
        %mul3A_1237 = arith.constant 3 : i32
        %mul3A_1238 = arith.muli %scan3A_1195, %mul3A_1237 : i32
        %add3A_1239 = arith.constant 2 : i32
        %add3A_1240 = arith.addi %mul3A_1238, %add3A_1239 : i32
        %dma_wait3A_1241 = arith.constant 0 : i32
        %dma_wait3A_1242 = arith.constant 0 : i32
        %dma_wait3A_1243 = tpu.memref_slice %arg7[%dma_wait3A_1241, %add3A_1240, %dma_wait3A_1242] : memref<2x36x64xi32, #tpu.memory_space<vmem>> -> memref<1x1x64xi32, #tpu.memory_space<vmem>>
        %dma_wait3A_1244 = tpu.memref_squeeze %dma_wait3A_1243 : memref<1x1x64xi32, #tpu.memory_space<vmem>> -> memref<64xi32, #tpu.memory_space<vmem>>
        %dma_wait3A_1245 = arith.constant 0 : i32
        %dma_wait3A_1246 = arith.constant 0 : i32
        %dma_wait3A_1247 = tpu.memref_slice %arg2[%dma_wait3A_1245, %dma_wait3A_1246] : memref<10000x128xf32, #tpu.memory_space<hbm>> -> memref<10000x128xf32, #tpu.memory_space<hbm>>
        tpu.wait_indirect_dma semaphore(%arg15 : memref<!tpu.dma_semaphore, #tpu.memory_space<semaphore_mem>>) src(%dma_wait3A_1247 : memref<10000x128xf32, #tpu.memory_space<hbm>>) dst(%arg11 : memref<64x128xf32, #tpu.memory_space<vmem>>)
        %run_scoped3A_1248 = arith.constant 1 : i32
        "tpu.region"() ({
          %run_scoped3A_1258 = tpu.sem_alloc : memref<!tpu.dma_semaphore, #tpu.memory_space<semaphore_mem>>
          %dma_start3A_1259 = arith.constant 0 : i32
          %dma_start3A_1260 = tpu.memref_slice %arg7[%run_scoped3A_1248, %add3A_1240, %dma_start3A_1259] : memref<2x36x64xi32, #tpu.memory_space<vmem>> -> memref<1x1x64xi32, #tpu.memory_space<vmem>>
          %dma_start3A_1261 = tpu.memref_squeeze %dma_start3A_1260 : memref<1x1x64xi32, #tpu.memory_space<vmem>> -> memref<64xi32, #tpu.memory_space<vmem>>
          %dma_start3A_1262 = arith.constant 0 : i32
          %dma_start3A_1263 = arith.constant 0 : i32
          %dma_start3A_1264 = tpu.memref_slice %arg12[%dma_start3A_1262, %dma_start3A_1263] : memref<10240x128xf32, #tpu.memory_space<vmem_shared>> -> memref<10240x128xf32, #tpu.memory_space<vmem_shared>>
          tpu.enqueue_indirect_dma source(%arg11 : memref<64x128xf32, #tpu.memory_space<vmem>>) target(%dma_start3A_1264 : memref<10240x128xf32, #tpu.memory_space<vmem_shared>>) offsets(%dma_start3A_1261 : memref<64xi32, #tpu.memory_space<vmem>>) semaphore(%run_scoped3A_1258 : memref<!tpu.dma_semaphore, #tpu.memory_space<semaphore_mem>>) {add = true}
          %dma_wait3A_1265 = arith.constant 0 : i32
          %dma_wait3A_1266 = tpu.memref_slice %arg7[%run_scoped3A_1248, %add3A_1240, %dma_wait3A_1265] : memref<2x36x64xi32, #tpu.memory_space<vmem>> -> memref<1x1x64xi32, #tpu.memory_space<vmem>>
          %dma_wait3A_1267 = tpu.memref_squeeze %dma_wait3A_1266 : memref<1x1x64xi32, #tpu.memory_space<vmem>> -> memref<64xi32, #tpu.memory_space<vmem>>
          %dma_wait3A_1268 = arith.constant 0 : i32
          %dma_wait3A_1269 = arith.constant 0 : i32
          %dma_wait3A_1270 = tpu.memref_slice %arg12[%dma_wait3A_1268, %dma_wait3A_1269] : memref<10240x128xf32, #tpu.memory_space<vmem_shared>> -> memref<10240x128xf32, #tpu.memory_space<vmem_shared>>
          tpu.wait_indirect_dma semaphore(%run_scoped3A_1258 : memref<!tpu.dma_semaphore, #tpu.memory_space<semaphore_mem>>) src(%arg11 : memref<64x128xf32, #tpu.memory_space<vmem>>) dst(%dma_wait3A_1270 : memref<10240x128xf32, #tpu.memory_space<vmem_shared>>)
          tpu.yield
        }) : () -> ()
        %add3A_1249 = arith.constant 3 : i32
        %add3A_1250 = arith.addi %add3A_1240, %add3A_1249 : i32
        %dma_start3A_1251 = arith.constant 0 : i32
        %dma_start3A_1252 = arith.constant 0 : i32
        %dma_start3A_1253 = tpu.memref_slice %arg7[%dma_start3A_1251, %add3A_1250, %dma_start3A_1252] : memref<2x36x64xi32, #tpu.memory_space<vmem>> -> memref<1x1x64xi32, #tpu.memory_space<vmem>>
        %dma_start3A_1254 = tpu.memref_squeeze %dma_start3A_1253 : memref<1x1x64xi32, #tpu.memory_space<vmem>> -> memref<64xi32, #tpu.memory_space<vmem>>
        %dma_start3A_1255 = arith.constant 0 : i32
        %dma_start3A_1256 = arith.constant 0 : i32
        %dma_start3A_1257 = tpu.memref_slice %arg2[%dma_start3A_1255, %dma_start3A_1256] : memref<10000x128xf32, #tpu.memory_space<hbm>> -> memref<10000x128xf32, #tpu.memory_space<hbm>>
        tpu.enqueue_indirect_dma source(%dma_start3A_1257 : memref<10000x128xf32, #tpu.memory_space<hbm>>) target(%arg11 : memref<64x128xf32, #tpu.memory_space<vmem>>) offsets(%dma_start3A_1254 : memref<64xi32, #tpu.memory_space<vmem>>) semaphore(%arg15 : memref<!tpu.dma_semaphore, #tpu.memory_space<semaphore_mem>>)
      }
      %scan3A_409 = arith.constant 11 : i32
      %dma_wait3A_410 = arith.constant 0 : i32
      %dma_wait3A_411 = arith.constant 33 : i32
      %dma_wait3A_412 = arith.constant 0 : i32
      %dma_wait3A_413 = tpu.memref_slice %arg7[%dma_wait3A_410, %dma_wait3A_411, %dma_wait3A_412] : memref<2x36x64xi32, #tpu.memory_space<vmem>> -> memref<1x1x64xi32, #tpu.memory_space<vmem>>
      %dma_wait3A_414 = tpu.memref_squeeze %dma_wait3A_413 : memref<1x1x64xi32, #tpu.memory_space<vmem>> -> memref<64xi32, #tpu.memory_space<vmem>>
      %dma_wait3A_415 = arith.constant 0 : i32
      %dma_wait3A_416 = arith.constant 0 : i32
      %dma_wait3A_417 = tpu.memref_slice %arg2[%dma_wait3A_415, %dma_wait3A_416] : memref<10000x128xf32, #tpu.memory_space<hbm>> -> memref<10000x128xf32, #tpu.memory_space<hbm>>
      tpu.wait_indirect_dma semaphore(%arg13 : memref<!tpu.dma_semaphore, #tpu.memory_space<semaphore_mem>>) src(%dma_wait3A_417 : memref<10000x128xf32, #tpu.memory_space<hbm>>) dst(%arg9 : memref<64x128xf32, #tpu.memory_space<vmem>>)
      %run_scoped3A_418 = arith.constant 1 : i32
      %run_scoped3A_419 = arith.constant 33 : i32
      "tpu.region"() ({
        %run_scoped3A_1195 = tpu.sem_alloc : memref<!tpu.dma_semaphore, #tpu.memory_space<semaphore_mem>>
        %dma_start3A_1196 = arith.constant 0 : i32
        %dma_start3A_1197 = tpu.memref_slice %arg7[%run_scoped3A_418, %run_scoped3A_419, %dma_start3A_1196] : memref<2x36x64xi32, #tpu.memory_space<vmem>> -> memref<1x1x64xi32, #tpu.memory_space<vmem>>
        %dma_start3A_1198 = tpu.memref_squeeze %dma_start3A_1197 : memref<1x1x64xi32, #tpu.memory_space<vmem>> -> memref<64xi32, #tpu.memory_space<vmem>>
        %dma_start3A_1199 = arith.constant 0 : i32
        %dma_start3A_1200 = arith.constant 0 : i32
        %dma_start3A_1201 = tpu.memref_slice %arg12[%dma_start3A_1199, %dma_start3A_1200] : memref<10240x128xf32, #tpu.memory_space<vmem_shared>> -> memref<10240x128xf32, #tpu.memory_space<vmem_shared>>
        tpu.enqueue_indirect_dma source(%arg9 : memref<64x128xf32, #tpu.memory_space<vmem>>) target(%dma_start3A_1201 : memref<10240x128xf32, #tpu.memory_space<vmem_shared>>) offsets(%dma_start3A_1198 : memref<64xi32, #tpu.memory_space<vmem>>) semaphore(%run_scoped3A_1195 : memref<!tpu.dma_semaphore, #tpu.memory_space<semaphore_mem>>) {add = true}
        %dma_wait3A_1202 = arith.constant 0 : i32
        %dma_wait3A_1203 = tpu.memref_slice %arg7[%run_scoped3A_418, %run_scoped3A_419, %dma_wait3A_1202] : memref<2x36x64xi32, #tpu.memory_space<vmem>> -> memref<1x1x64xi32, #tpu.memory_space<vmem>>
        %dma_wait3A_1204 = tpu.memref_squeeze %dma_wait3A_1203 : memref<1x1x64xi32, #tpu.memory_space<vmem>> -> memref<64xi32, #tpu.memory_space<vmem>>
        %dma_wait3A_1205 = arith.constant 0 : i32
        %dma_wait3A_1206 = arith.constant 0 : i32
        %dma_wait3A_1207 = tpu.memref_slice %arg12[%dma_wait3A_1205, %dma_wait3A_1206] : memref<10240x128xf32, #tpu.memory_space<vmem_shared>> -> memref<10240x128xf32, #tpu.memory_space<vmem_shared>>
        tpu.wait_indirect_dma semaphore(%run_scoped3A_1195 : memref<!tpu.dma_semaphore, #tpu.memory_space<semaphore_mem>>) src(%arg9 : memref<64x128xf32, #tpu.memory_space<vmem>>) dst(%dma_wait3A_1207 : memref<10240x128xf32, #tpu.memory_space<vmem_shared>>)
        tpu.yield
      }) : () -> ()
      %dma_wait3A_420 = arith.constant 0 : i32
      %dma_wait3A_421 = arith.constant 34 : i32
      %dma_wait3A_422 = arith.constant 0 : i32
      %dma_wait3A_423 = tpu.memref_slice %arg7[%dma_wait3A_420, %dma_wait3A_421, %dma_wait3A_422] : memref<2x36x64xi32, #tpu.memory_space<vmem>> -> memref<1x1x64xi32, #tpu.memory_space<vmem>>
      %dma_wait3A_424 = tpu.memref_squeeze %dma_wait3A_423 : memref<1x1x64xi32, #tpu.memory_space<vmem>> -> memref<64xi32, #tpu.memory_space<vmem>>
      %dma_wait3A_425 = arith.constant 0 : i32
      %dma_wait3A_426 = arith.constant 0 : i32
      %dma_wait3A_427 = tpu.memref_slice %arg2[%dma_wait3A_425, %dma_wait3A_426] : memref<10000x128xf32, #tpu.memory_space<hbm>> -> memref<10000x128xf32, #tpu.memory_space<hbm>>
      tpu.wait_indirect_dma semaphore(%arg14 : memref<!tpu.dma_semaphore, #tpu.memory_space<semaphore_mem>>) src(%dma_wait3A_427 : memref<10000x128xf32, #tpu.memory_space<hbm>>) dst(%arg10 : memref<64x128xf32, #tpu.memory_space<vmem>>)
      %run_scoped3A_428 = arith.constant 1 : i32
      %run_scoped3A_429 = arith.constant 34 : i32
      "tpu.region"() ({
        %run_scoped3A_1195 = tpu.sem_alloc : memref<!tpu.dma_semaphore, #tpu.memory_space<semaphore_mem>>
        %dma_start3A_1196 = arith.constant 0 : i32
        %dma_start3A_1197 = tpu.memref_slice %arg7[%run_scoped3A_428, %run_scoped3A_429, %dma_start3A_1196] : memref<2x36x64xi32, #tpu.memory_space<vmem>> -> memref<1x1x64xi32, #tpu.memory_space<vmem>>
        %dma_start3A_1198 = tpu.memref_squeeze %dma_start3A_1197 : memref<1x1x64xi32, #tpu.memory_space<vmem>> -> memref<64xi32, #tpu.memory_space<vmem>>
        %dma_start3A_1199 = arith.constant 0 : i32
        %dma_start3A_1200 = arith.constant 0 : i32
        %dma_start3A_1201 = tpu.memref_slice %arg12[%dma_start3A_1199, %dma_start3A_1200] : memref<10240x128xf32, #tpu.memory_space<vmem_shared>> -> memref<10240x128xf32, #tpu.memory_space<vmem_shared>>
        tpu.enqueue_indirect_dma source(%arg10 : memref<64x128xf32, #tpu.memory_space<vmem>>) target(%dma_start3A_1201 : memref<10240x128xf32, #tpu.memory_space<vmem_shared>>) offsets(%dma_start3A_1198 : memref<64xi32, #tpu.memory_space<vmem>>) semaphore(%run_scoped3A_1195 : memref<!tpu.dma_semaphore, #tpu.memory_space<semaphore_mem>>) {add = true}
        %dma_wait3A_1202 = arith.constant 0 : i32
        %dma_wait3A_1203 = tpu.memref_slice %arg7[%run_scoped3A_428, %run_scoped3A_429, %dma_wait3A_1202] : memref<2x36x64xi32, #tpu.memory_space<vmem>> -> memref<1x1x64xi32, #tpu.memory_space<vmem>>
        %dma_wait3A_1204 = tpu.memref_squeeze %dma_wait3A_1203 : memref<1x1x64xi32, #tpu.memory_space<vmem>> -> memref<64xi32, #tpu.memory_space<vmem>>
        %dma_wait3A_1205 = arith.constant 0 : i32
        %dma_wait3A_1206 = arith.constant 0 : i32
        %dma_wait3A_1207 = tpu.memref_slice %arg12[%dma_wait3A_1205, %dma_wait3A_1206] : memref<10240x128xf32, #tpu.memory_space<vmem_shared>> -> memref<10240x128xf32, #tpu.memory_space<vmem_shared>>
        tpu.wait_indirect_dma semaphore(%run_scoped3A_1195 : memref<!tpu.dma_semaphore, #tpu.memory_space<semaphore_mem>>) src(%arg10 : memref<64x128xf32, #tpu.memory_space<vmem>>) dst(%dma_wait3A_1207 : memref<10240x128xf32, #tpu.memory_space<vmem_shared>>)
        tpu.yield
      }) : () -> ()
      %dma_wait3A_430 = arith.constant 0 : i32
      %dma_wait3A_431 = arith.constant 35 : i32
      %dma_wait3A_432 = arith.constant 0 : i32
      %dma_wait3A_433 = tpu.memref_slice %arg7[%dma_wait3A_430, %dma_wait3A_431, %dma_wait3A_432] : memref<2x36x64xi32, #tpu.memory_space<vmem>> -> memref<1x1x64xi32, #tpu.memory_space<vmem>>
      %dma_wait3A_434 = tpu.memref_squeeze %dma_wait3A_433 : memref<1x1x64xi32, #tpu.memory_space<vmem>> -> memref<64xi32, #tpu.memory_space<vmem>>
      %dma_wait3A_435 = arith.constant 0 : i32
      %dma_wait3A_436 = arith.constant 0 : i32
      %dma_wait3A_437 = tpu.memref_slice %arg2[%dma_wait3A_435, %dma_wait3A_436] : memref<10000x128xf32, #tpu.memory_space<hbm>> -> memref<10000x128xf32, #tpu.memory_space<hbm>>
      tpu.wait_indirect_dma semaphore(%arg15 : memref<!tpu.dma_semaphore, #tpu.memory_space<semaphore_mem>>) src(%dma_wait3A_437 : memref<10000x128xf32, #tpu.memory_space<hbm>>) dst(%arg11 : memref<64x128xf32, #tpu.memory_space<vmem>>)
      %run_scoped3A_438 = arith.constant 1 : i32
      %run_scoped3A_439 = arith.constant 35 : i32
      "tpu.region"() ({
        %run_scoped3A_1195 = tpu.sem_alloc : memref<!tpu.dma_semaphore, #tpu.memory_space<semaphore_mem>>
        %dma_start3A_1196 = arith.constant 0 : i32
        %dma_start3A_1197 = tpu.memref_slice %arg7[%run_scoped3A_438, %run_scoped3A_439, %dma_start3A_1196] : memref<2x36x64xi32, #tpu.memory_space<vmem>> -> memref<1x1x64xi32, #tpu.memory_space<vmem>>
        %dma_start3A_1198 = tpu.memref_squeeze %dma_start3A_1197 : memref<1x1x64xi32, #tpu.memory_space<vmem>> -> memref<64xi32, #tpu.memory_space<vmem>>
        %dma_start3A_1199 = arith.constant 0 : i32
        %dma_start3A_1200 = arith.constant 0 : i32
        %dma_start3A_1201 = tpu.memref_slice %arg12[%dma_start3A_1199, %dma_start3A_1200] : memref<10240x128xf32, #tpu.memory_space<vmem_shared>> -> memref<10240x128xf32, #tpu.memory_space<vmem_shared>>
        tpu.enqueue_indirect_dma source(%arg11 : memref<64x128xf32, #tpu.memory_space<vmem>>) target(%dma_start3A_1201 : memref<10240x128xf32, #tpu.memory_space<vmem_shared>>) offsets(%dma_start3A_1198 : memref<64xi32, #tpu.memory_space<vmem>>) semaphore(%run_scoped3A_1195 : memref<!tpu.dma_semaphore, #tpu.memory_space<semaphore_mem>>) {add = true}
        %dma_wait3A_1202 = arith.constant 0 : i32
        %dma_wait3A_1203 = tpu.memref_slice %arg7[%run_scoped3A_438, %run_scoped3A_439, %dma_wait3A_1202] : memref<2x36x64xi32, #tpu.memory_space<vmem>> -> memref<1x1x64xi32, #tpu.memory_space<vmem>>
        %dma_wait3A_1204 = tpu.memref_squeeze %dma_wait3A_1203 : memref<1x1x64xi32, #tpu.memory_space<vmem>> -> memref<64xi32, #tpu.memory_space<vmem>>
        %dma_wait3A_1205 = arith.constant 0 : i32
        %dma_wait3A_1206 = arith.constant 0 : i32
        %dma_wait3A_1207 = tpu.memref_slice %arg12[%dma_wait3A_1205, %dma_wait3A_1206] : memref<10240x128xf32, #tpu.memory_space<vmem_shared>> -> memref<10240x128xf32, #tpu.memory_space<vmem_shared>>
        tpu.wait_indirect_dma semaphore(%run_scoped3A_1195 : memref<!tpu.dma_semaphore, #tpu.memory_space<semaphore_mem>>) src(%arg11 : memref<64x128xf32, #tpu.memory_space<vmem>>) dst(%dma_wait3A_1207 : memref<10240x128xf32, #tpu.memory_space<vmem_shared>>)
        tpu.yield
      }) : () -> ()
      %dma_wait3A_440 = arith.constant 3 : i32
      %dma_wait3A_441 = arith.constant 0 : i32
      %dma_wait3A_442 = arith.constant 0 : i32
      %dma_wait3A_443 = arith.constant 0 : i32
      %dma_wait3A_444 = tpu.memref_slice %arg8[%dma_wait3A_441, %dma_wait3A_442, %dma_wait3A_443] : memref<2x36x64xi32, #tpu.memory_space<vmem>> -> memref<1x36x64xi32, #tpu.memory_space<vmem>>
      %dma_wait3A_445 = tpu.memref_squeeze %dma_wait3A_444 : memref<1x36x64xi32, #tpu.memory_space<vmem>> -> memref<36x64xi32, #tpu.memory_space<vmem>>
      %dma_wait3A_446 = arith.constant 0 : i32
      %dma_wait3A_447 = arith.constant 0 : i32
      %dma_wait3A_448 = tpu.memref_slice %arg3[%arg1, %dma_wait3A_440, %dma_wait3A_446, %dma_wait3A_447] : memref<16x9x36x64xi32, #tpu.memory_space<hbm>> -> memref<1x1x36x64xi32, #tpu.memory_space<hbm>>
      %dma_wait3A_449 = tpu.memref_squeeze %dma_wait3A_448 : memref<1x1x36x64xi32, #tpu.memory_space<hbm>> -> memref<36x64xi32, #tpu.memory_space<hbm>>
      %dma_wait3A_450 = arith.constant 0 : i32
      %dma_wait3A_451 = arith.constant 0 : i32
      %dma_wait3A_452 = tpu.memref_slice %arg8[%dma_wait3A_441, %dma_wait3A_450, %dma_wait3A_451] : memref<2x36x64xi32, #tpu.memory_space<vmem>> -> memref<1x36x64xi32, #tpu.memory_space<vmem>>
      %dma_wait3A_453 = tpu.memref_squeeze %dma_wait3A_452 : memref<1x36x64xi32, #tpu.memory_space<vmem>> -> memref<36x64xi32, #tpu.memory_space<vmem>>
      %dma_wait3A_454 = arith.constant 0 : i32
      %dma_wait3A_455 = arith.constant 0 : i32
      %dma_wait3A_456 = tpu.memref_slice %arg3[%arg1, %dma_wait3A_440, %dma_wait3A_454, %dma_wait3A_455] : memref<16x9x36x64xi32, #tpu.memory_space<hbm>> -> memref<1x1x36x64xi32, #tpu.memory_space<hbm>>
      %dma_wait3A_457 = tpu.memref_squeeze %dma_wait3A_456 : memref<1x1x36x64xi32, #tpu.memory_space<hbm>> -> memref<36x64xi32, #tpu.memory_space<hbm>>
      tpu.wait_dma2 semaphore(%arg17 : memref<!tpu.dma_semaphore, #tpu.memory_space<semaphore_mem>>) src(%dma_wait3A_457 : memref<36x64xi32, #tpu.memory_space<hbm>>) dst(%dma_wait3A_453 : memref<36x64xi32, #tpu.memory_space<vmem>>)
      %dma_wait3A_458 = arith.constant 3 : i32
      %dma_wait3A_459 = arith.constant 1 : i32
      %dma_wait3A_460 = arith.constant 0 : i32
      %dma_wait3A_461 = arith.constant 0 : i32
      %dma_wait3A_462 = tpu.memref_slice %arg8[%dma_wait3A_459, %dma_wait3A_460, %dma_wait3A_461] : memref<2x36x64xi32, #tpu.memory_space<vmem>> -> memref<1x36x64xi32, #tpu.memory_space<vmem>>
      %dma_wait3A_463 = tpu.memref_squeeze %dma_wait3A_462 : memref<1x36x64xi32, #tpu.memory_space<vmem>> -> memref<36x64xi32, #tpu.memory_space<vmem>>
      %dma_wait3A_464 = arith.constant 0 : i32
      %dma_wait3A_465 = arith.constant 0 : i32
      %dma_wait3A_466 = tpu.memref_slice %arg4[%arg1, %dma_wait3A_458, %dma_wait3A_464, %dma_wait3A_465] : memref<16x9x36x64xi32, #tpu.memory_space<hbm>> -> memref<1x1x36x64xi32, #tpu.memory_space<hbm>>
      %dma_wait3A_467 = tpu.memref_squeeze %dma_wait3A_466 : memref<1x1x36x64xi32, #tpu.memory_space<hbm>> -> memref<36x64xi32, #tpu.memory_space<hbm>>
      %dma_wait3A_468 = arith.constant 0 : i32
      %dma_wait3A_469 = arith.constant 0 : i32
      %dma_wait3A_470 = tpu.memref_slice %arg8[%dma_wait3A_459, %dma_wait3A_468, %dma_wait3A_469] : memref<2x36x64xi32, #tpu.memory_space<vmem>> -> memref<1x36x64xi32, #tpu.memory_space<vmem>>
      %dma_wait3A_471 = tpu.memref_squeeze %dma_wait3A_470 : memref<1x36x64xi32, #tpu.memory_space<vmem>> -> memref<36x64xi32, #tpu.memory_space<vmem>>
      %dma_wait3A_472 = arith.constant 0 : i32
      %dma_wait3A_473 = arith.constant 0 : i32
      %dma_wait3A_474 = tpu.memref_slice %arg4[%arg1, %dma_wait3A_458, %dma_wait3A_472, %dma_wait3A_473] : memref<16x9x36x64xi32, #tpu.memory_space<hbm>> -> memref<1x1x36x64xi32, #tpu.memory_space<hbm>>
      %dma_wait3A_475 = tpu.memref_squeeze %dma_wait3A_474 : memref<1x1x36x64xi32, #tpu.memory_space<hbm>> -> memref<36x64xi32, #tpu.memory_space<hbm>>
      tpu.wait_dma2 semaphore(%arg17 : memref<!tpu.dma_semaphore, #tpu.memory_space<semaphore_mem>>) src(%dma_wait3A_475 : memref<36x64xi32, #tpu.memory_space<hbm>>) dst(%dma_wait3A_471 : memref<36x64xi32, #tpu.memory_space<vmem>>)
      %dma_start3A_476 = arith.constant 4 : i32
      %dma_start3A_477 = arith.constant 0 : i32
      %dma_start3A_478 = arith.constant 0 : i32
      %dma_start3A_479 = arith.constant 0 : i32
      %dma_start3A_480 = tpu.memref_slice %arg7[%dma_start3A_477, %dma_start3A_478, %dma_start3A_479] : memref<2x36x64xi32, #tpu.memory_space<vmem>> -> memref<1x36x64xi32, #tpu.memory_space<vmem>>
      %dma_start3A_481 = tpu.memref_squeeze %dma_start3A_480 : memref<1x36x64xi32, #tpu.memory_space<vmem>> -> memref<36x64xi32, #tpu.memory_space<vmem>>
      %dma_start3A_482 = arith.constant 0 : i32
      %dma_start3A_483 = arith.constant 0 : i32
      %dma_start3A_484 = tpu.memref_slice %arg3[%arg1, %dma_start3A_476, %dma_start3A_482, %dma_start3A_483] : memref<16x9x36x64xi32, #tpu.memory_space<hbm>> -> memref<1x1x36x64xi32, #tpu.memory_space<hbm>>
      %dma_start3A_485 = tpu.memref_squeeze %dma_start3A_484 : memref<1x1x36x64xi32, #tpu.memory_space<hbm>> -> memref<36x64xi32, #tpu.memory_space<hbm>>
      %dma_start3A_486 = arith.constant 0 : i32
      %dma_start3A_487 = arith.constant 0 : i32
      %dma_start3A_488 = tpu.memref_slice %arg7[%dma_start3A_477, %dma_start3A_486, %dma_start3A_487] : memref<2x36x64xi32, #tpu.memory_space<vmem>> -> memref<1x36x64xi32, #tpu.memory_space<vmem>>
      %dma_start3A_489 = tpu.memref_squeeze %dma_start3A_488 : memref<1x36x64xi32, #tpu.memory_space<vmem>> -> memref<36x64xi32, #tpu.memory_space<vmem>>
      %dma_start3A_490 = arith.constant 0 : i32
      %dma_start3A_491 = arith.constant 0 : i32
      %dma_start3A_492 = tpu.memref_slice %arg3[%arg1, %dma_start3A_476, %dma_start3A_490, %dma_start3A_491] : memref<16x9x36x64xi32, #tpu.memory_space<hbm>> -> memref<1x1x36x64xi32, #tpu.memory_space<hbm>>
      %dma_start3A_493 = tpu.memref_squeeze %dma_start3A_492 : memref<1x1x36x64xi32, #tpu.memory_space<hbm>> -> memref<36x64xi32, #tpu.memory_space<hbm>>
      tpu.enqueue_dma source(%dma_start3A_493 : memref<36x64xi32, #tpu.memory_space<hbm>>) target(%dma_start3A_489 : memref<36x64xi32, #tpu.memory_space<vmem>>) target_semaphore(%arg16 : memref<!tpu.dma_semaphore, #tpu.memory_space<semaphore_mem>>)
      %dma_start3A_494 = arith.constant 4 : i32
      %dma_start3A_495 = arith.constant 1 : i32
      %dma_start3A_496 = arith.constant 0 : i32
      %dma_start3A_497 = arith.constant 0 : i32
      %dma_start3A_498 = tpu.memref_slice %arg7[%dma_start3A_495, %dma_start3A_496, %dma_start3A_497] : memref<2x36x64xi32, #tpu.memory_space<vmem>> -> memref<1x36x64xi32, #tpu.memory_space<vmem>>
      %dma_start3A_499 = tpu.memref_squeeze %dma_start3A_498 : memref<1x36x64xi32, #tpu.memory_space<vmem>> -> memref<36x64xi32, #tpu.memory_space<vmem>>
      %dma_start3A_500 = arith.constant 0 : i32
      %dma_start3A_501 = arith.constant 0 : i32
      %dma_start3A_502 = tpu.memref_slice %arg4[%arg1, %dma_start3A_494, %dma_start3A_500, %dma_start3A_501] : memref<16x9x36x64xi32, #tpu.memory_space<hbm>> -> memref<1x1x36x64xi32, #tpu.memory_space<hbm>>
      %dma_start3A_503 = tpu.memref_squeeze %dma_start3A_502 : memref<1x1x36x64xi32, #tpu.memory_space<hbm>> -> memref<36x64xi32, #tpu.memory_space<hbm>>
      %dma_start3A_504 = arith.constant 0 : i32
      %dma_start3A_505 = arith.constant 0 : i32
      %dma_start3A_506 = tpu.memref_slice %arg7[%dma_start3A_495, %dma_start3A_504, %dma_start3A_505] : memref<2x36x64xi32, #tpu.memory_space<vmem>> -> memref<1x36x64xi32, #tpu.memory_space<vmem>>
      %dma_start3A_507 = tpu.memref_squeeze %dma_start3A_506 : memref<1x36x64xi32, #tpu.memory_space<vmem>> -> memref<36x64xi32, #tpu.memory_space<vmem>>
      %dma_start3A_508 = arith.constant 0 : i32
      %dma_start3A_509 = arith.constant 0 : i32
      %dma_start3A_510 = tpu.memref_slice %arg4[%arg1, %dma_start3A_494, %dma_start3A_508, %dma_start3A_509] : memref<16x9x36x64xi32, #tpu.memory_space<hbm>> -> memref<1x1x36x64xi32, #tpu.memory_space<hbm>>
      %dma_start3A_511 = tpu.memref_squeeze %dma_start3A_510 : memref<1x1x36x64xi32, #tpu.memory_space<hbm>> -> memref<36x64xi32, #tpu.memory_space<hbm>>
      tpu.enqueue_dma source(%dma_start3A_511 : memref<36x64xi32, #tpu.memory_space<hbm>>) target(%dma_start3A_507 : memref<36x64xi32, #tpu.memory_space<vmem>>) target_semaphore(%arg16 : memref<!tpu.dma_semaphore, #tpu.memory_space<semaphore_mem>>)
      %dma_start3A_512 = arith.constant 0 : i32
      %dma_start3A_513 = arith.constant 0 : i32
      %dma_start3A_514 = arith.constant 0 : i32
      %dma_start3A_515 = tpu.memref_slice %arg8[%dma_start3A_512, %dma_start3A_513, %dma_start3A_514] : memref<2x36x64xi32, #tpu.memory_space<vmem>> -> memref<1x1x64xi32, #tpu.memory_space<vmem>>
      %dma_start3A_516 = tpu.memref_squeeze %dma_start3A_515 : memref<1x1x64xi32, #tpu.memory_space<vmem>> -> memref<64xi32, #tpu.memory_space<vmem>>
      %dma_start3A_517 = arith.constant 0 : i32
      %dma_start3A_518 = arith.constant 0 : i32
      %dma_start3A_519 = tpu.memref_slice %arg2[%dma_start3A_517, %dma_start3A_518] : memref<10000x128xf32, #tpu.memory_space<hbm>> -> memref<10000x128xf32, #tpu.memory_space<hbm>>
      tpu.enqueue_indirect_dma source(%dma_start3A_519 : memref<10000x128xf32, #tpu.memory_space<hbm>>) target(%arg9 : memref<64x128xf32, #tpu.memory_space<vmem>>) offsets(%dma_start3A_516 : memref<64xi32, #tpu.memory_space<vmem>>) semaphore(%arg13 : memref<!tpu.dma_semaphore, #tpu.memory_space<semaphore_mem>>)
      %dma_start3A_520 = arith.constant 0 : i32
      %dma_start3A_521 = arith.constant 1 : i32
      %dma_start3A_522 = arith.constant 0 : i32
      %dma_start3A_523 = tpu.memref_slice %arg8[%dma_start3A_520, %dma_start3A_521, %dma_start3A_522] : memref<2x36x64xi32, #tpu.memory_space<vmem>> -> memref<1x1x64xi32, #tpu.memory_space<vmem>>
      %dma_start3A_524 = tpu.memref_squeeze %dma_start3A_523 : memref<1x1x64xi32, #tpu.memory_space<vmem>> -> memref<64xi32, #tpu.memory_space<vmem>>
      %dma_start3A_525 = arith.constant 0 : i32
      %dma_start3A_526 = arith.constant 0 : i32
      %dma_start3A_527 = tpu.memref_slice %arg2[%dma_start3A_525, %dma_start3A_526] : memref<10000x128xf32, #tpu.memory_space<hbm>> -> memref<10000x128xf32, #tpu.memory_space<hbm>>
      tpu.enqueue_indirect_dma source(%dma_start3A_527 : memref<10000x128xf32, #tpu.memory_space<hbm>>) target(%arg10 : memref<64x128xf32, #tpu.memory_space<vmem>>) offsets(%dma_start3A_524 : memref<64xi32, #tpu.memory_space<vmem>>) semaphore(%arg14 : memref<!tpu.dma_semaphore, #tpu.memory_space<semaphore_mem>>)
      %dma_start3A_528 = arith.constant 0 : i32
      %dma_start3A_529 = arith.constant 2 : i32
      %dma_start3A_530 = arith.constant 0 : i32
      %dma_start3A_531 = tpu.memref_slice %arg8[%dma_start3A_528, %dma_start3A_529, %dma_start3A_530] : memref<2x36x64xi32, #tpu.memory_space<vmem>> -> memref<1x1x64xi32, #tpu.memory_space<vmem>>
      %dma_start3A_532 = tpu.memref_squeeze %dma_start3A_531 : memref<1x1x64xi32, #tpu.memory_space<vmem>> -> memref<64xi32, #tpu.memory_space<vmem>>
      %dma_start3A_533 = arith.constant 0 : i32
      %dma_start3A_534 = arith.constant 0 : i32
      %dma_start3A_535 = tpu.memref_slice %arg2[%dma_start3A_533, %dma_start3A_534] : memref<10000x128xf32, #tpu.memory_space<hbm>> -> memref<10000x128xf32, #tpu.memory_space<hbm>>
      tpu.enqueue_indirect_dma source(%dma_start3A_535 : memref<10000x128xf32, #tpu.memory_space<hbm>>) target(%arg11 : memref<64x128xf32, #tpu.memory_space<vmem>>) offsets(%dma_start3A_532 : memref<64xi32, #tpu.memory_space<vmem>>) semaphore(%arg15 : memref<!tpu.dma_semaphore, #tpu.memory_space<semaphore_mem>>)
      %scan3A_536 = arith.constant 0 : i32
      %scan3A_537 = arith.constant 11 : i32
      %scan3A_538 = arith.addi %scan3A_536, %scan3A_537 : i32
      %scan3A_539 = arith.constant 1 : i32
      scf.for %scan3A_1195 = %scan3A_536 to %scan3A_538 step %scan3A_539  : i32 {
        %mul3A_1196 = arith.constant 3 : i32
        %mul3A_1197 = arith.muli %scan3A_1195, %mul3A_1196 : i32
        %add3A = arith.constant 0 : i32
        %add3A_1198 = arith.addi %mul3A_1197, %add3A : i32
        %dma_wait3A_1199 = arith.constant 0 : i32
        %dma_wait3A_1200 = arith.constant 0 : i32
        %dma_wait3A_1201 = tpu.memref_slice %arg8[%dma_wait3A_1199, %add3A_1198, %dma_wait3A_1200] : memref<2x36x64xi32, #tpu.memory_space<vmem>> -> memref<1x1x64xi32, #tpu.memory_space<vmem>>
        %dma_wait3A_1202 = tpu.memref_squeeze %dma_wait3A_1201 : memref<1x1x64xi32, #tpu.memory_space<vmem>> -> memref<64xi32, #tpu.memory_space<vmem>>
        %dma_wait3A_1203 = arith.constant 0 : i32
        %dma_wait3A_1204 = arith.constant 0 : i32
        %dma_wait3A_1205 = tpu.memref_slice %arg2[%dma_wait3A_1203, %dma_wait3A_1204] : memref<10000x128xf32, #tpu.memory_space<hbm>> -> memref<10000x128xf32, #tpu.memory_space<hbm>>
        tpu.wait_indirect_dma semaphore(%arg13 : memref<!tpu.dma_semaphore, #tpu.memory_space<semaphore_mem>>) src(%dma_wait3A_1205 : memref<10000x128xf32, #tpu.memory_space<hbm>>) dst(%arg9 : memref<64x128xf32, #tpu.memory_space<vmem>>)
        %run_scoped3A_1206 = arith.constant 1 : i32
        "tpu.region"() ({
          %run_scoped3A_1258 = tpu.sem_alloc : memref<!tpu.dma_semaphore, #tpu.memory_space<semaphore_mem>>
          %dma_start3A_1259 = arith.constant 0 : i32
          %dma_start3A_1260 = tpu.memref_slice %arg8[%run_scoped3A_1206, %add3A_1198, %dma_start3A_1259] : memref<2x36x64xi32, #tpu.memory_space<vmem>> -> memref<1x1x64xi32, #tpu.memory_space<vmem>>
          %dma_start3A_1261 = tpu.memref_squeeze %dma_start3A_1260 : memref<1x1x64xi32, #tpu.memory_space<vmem>> -> memref<64xi32, #tpu.memory_space<vmem>>
          %dma_start3A_1262 = arith.constant 0 : i32
          %dma_start3A_1263 = arith.constant 0 : i32
          %dma_start3A_1264 = tpu.memref_slice %arg12[%dma_start3A_1262, %dma_start3A_1263] : memref<10240x128xf32, #tpu.memory_space<vmem_shared>> -> memref<10240x128xf32, #tpu.memory_space<vmem_shared>>
          tpu.enqueue_indirect_dma source(%arg9 : memref<64x128xf32, #tpu.memory_space<vmem>>) target(%dma_start3A_1264 : memref<10240x128xf32, #tpu.memory_space<vmem_shared>>) offsets(%dma_start3A_1261 : memref<64xi32, #tpu.memory_space<vmem>>) semaphore(%run_scoped3A_1258 : memref<!tpu.dma_semaphore, #tpu.memory_space<semaphore_mem>>) {add = true}
          %dma_wait3A_1265 = arith.constant 0 : i32
          %dma_wait3A_1266 = tpu.memref_slice %arg8[%run_scoped3A_1206, %add3A_1198, %dma_wait3A_1265] : memref<2x36x64xi32, #tpu.memory_space<vmem>> -> memref<1x1x64xi32, #tpu.memory_space<vmem>>
          %dma_wait3A_1267 = tpu.memref_squeeze %dma_wait3A_1266 : memref<1x1x64xi32, #tpu.memory_space<vmem>> -> memref<64xi32, #tpu.memory_space<vmem>>
          %dma_wait3A_1268 = arith.constant 0 : i32
          %dma_wait3A_1269 = arith.constant 0 : i32
          %dma_wait3A_1270 = tpu.memref_slice %arg12[%dma_wait3A_1268, %dma_wait3A_1269] : memref<10240x128xf32, #tpu.memory_space<vmem_shared>> -> memref<10240x128xf32, #tpu.memory_space<vmem_shared>>
          tpu.wait_indirect_dma semaphore(%run_scoped3A_1258 : memref<!tpu.dma_semaphore, #tpu.memory_space<semaphore_mem>>) src(%arg9 : memref<64x128xf32, #tpu.memory_space<vmem>>) dst(%dma_wait3A_1270 : memref<10240x128xf32, #tpu.memory_space<vmem_shared>>)
          tpu.yield
        }) : () -> ()
        %add3A_1207 = arith.constant 3 : i32
        %add3A_1208 = arith.addi %add3A_1198, %add3A_1207 : i32
        %dma_start3A_1209 = arith.constant 0 : i32
        %dma_start3A_1210 = arith.constant 0 : i32
        %dma_start3A_1211 = tpu.memref_slice %arg8[%dma_start3A_1209, %add3A_1208, %dma_start3A_1210] : memref<2x36x64xi32, #tpu.memory_space<vmem>> -> memref<1x1x64xi32, #tpu.memory_space<vmem>>
        %dma_start3A_1212 = tpu.memref_squeeze %dma_start3A_1211 : memref<1x1x64xi32, #tpu.memory_space<vmem>> -> memref<64xi32, #tpu.memory_space<vmem>>
        %dma_start3A_1213 = arith.constant 0 : i32
        %dma_start3A_1214 = arith.constant 0 : i32
        %dma_start3A_1215 = tpu.memref_slice %arg2[%dma_start3A_1213, %dma_start3A_1214] : memref<10000x128xf32, #tpu.memory_space<hbm>> -> memref<10000x128xf32, #tpu.memory_space<hbm>>
        tpu.enqueue_indirect_dma source(%dma_start3A_1215 : memref<10000x128xf32, #tpu.memory_space<hbm>>) target(%arg9 : memref<64x128xf32, #tpu.memory_space<vmem>>) offsets(%dma_start3A_1212 : memref<64xi32, #tpu.memory_space<vmem>>) semaphore(%arg13 : memref<!tpu.dma_semaphore, #tpu.memory_space<semaphore_mem>>)
        %mul3A_1216 = arith.constant 3 : i32
        %mul3A_1217 = arith.muli %scan3A_1195, %mul3A_1216 : i32
        %add3A_1218 = arith.constant 1 : i32
        %add3A_1219 = arith.addi %mul3A_1217, %add3A_1218 : i32
        %dma_wait3A_1220 = arith.constant 0 : i32
        %dma_wait3A_1221 = arith.constant 0 : i32
        %dma_wait3A_1222 = tpu.memref_slice %arg8[%dma_wait3A_1220, %add3A_1219, %dma_wait3A_1221] : memref<2x36x64xi32, #tpu.memory_space<vmem>> -> memref<1x1x64xi32, #tpu.memory_space<vmem>>
        %dma_wait3A_1223 = tpu.memref_squeeze %dma_wait3A_1222 : memref<1x1x64xi32, #tpu.memory_space<vmem>> -> memref<64xi32, #tpu.memory_space<vmem>>
        %dma_wait3A_1224 = arith.constant 0 : i32
        %dma_wait3A_1225 = arith.constant 0 : i32
        %dma_wait3A_1226 = tpu.memref_slice %arg2[%dma_wait3A_1224, %dma_wait3A_1225] : memref<10000x128xf32, #tpu.memory_space<hbm>> -> memref<10000x128xf32, #tpu.memory_space<hbm>>
        tpu.wait_indirect_dma semaphore(%arg14 : memref<!tpu.dma_semaphore, #tpu.memory_space<semaphore_mem>>) src(%dma_wait3A_1226 : memref<10000x128xf32, #tpu.memory_space<hbm>>) dst(%arg10 : memref<64x128xf32, #tpu.memory_space<vmem>>)
        %run_scoped3A_1227 = arith.constant 1 : i32
        "tpu.region"() ({
          %run_scoped3A_1258 = tpu.sem_alloc : memref<!tpu.dma_semaphore, #tpu.memory_space<semaphore_mem>>
          %dma_start3A_1259 = arith.constant 0 : i32
          %dma_start3A_1260 = tpu.memref_slice %arg8[%run_scoped3A_1227, %add3A_1219, %dma_start3A_1259] : memref<2x36x64xi32, #tpu.memory_space<vmem>> -> memref<1x1x64xi32, #tpu.memory_space<vmem>>
          %dma_start3A_1261 = tpu.memref_squeeze %dma_start3A_1260 : memref<1x1x64xi32, #tpu.memory_space<vmem>> -> memref<64xi32, #tpu.memory_space<vmem>>
          %dma_start3A_1262 = arith.constant 0 : i32
          %dma_start3A_1263 = arith.constant 0 : i32
          %dma_start3A_1264 = tpu.memref_slice %arg12[%dma_start3A_1262, %dma_start3A_1263] : memref<10240x128xf32, #tpu.memory_space<vmem_shared>> -> memref<10240x128xf32, #tpu.memory_space<vmem_shared>>
          tpu.enqueue_indirect_dma source(%arg10 : memref<64x128xf32, #tpu.memory_space<vmem>>) target(%dma_start3A_1264 : memref<10240x128xf32, #tpu.memory_space<vmem_shared>>) offsets(%dma_start3A_1261 : memref<64xi32, #tpu.memory_space<vmem>>) semaphore(%run_scoped3A_1258 : memref<!tpu.dma_semaphore, #tpu.memory_space<semaphore_mem>>) {add = true}
          %dma_wait3A_1265 = arith.constant 0 : i32
          %dma_wait3A_1266 = tpu.memref_slice %arg8[%run_scoped3A_1227, %add3A_1219, %dma_wait3A_1265] : memref<2x36x64xi32, #tpu.memory_space<vmem>> -> memref<1x1x64xi32, #tpu.memory_space<vmem>>
          %dma_wait3A_1267 = tpu.memref_squeeze %dma_wait3A_1266 : memref<1x1x64xi32, #tpu.memory_space<vmem>> -> memref<64xi32, #tpu.memory_space<vmem>>
          %dma_wait3A_1268 = arith.constant 0 : i32
          %dma_wait3A_1269 = arith.constant 0 : i32
          %dma_wait3A_1270 = tpu.memref_slice %arg12[%dma_wait3A_1268, %dma_wait3A_1269] : memref<10240x128xf32, #tpu.memory_space<vmem_shared>> -> memref<10240x128xf32, #tpu.memory_space<vmem_shared>>
          tpu.wait_indirect_dma semaphore(%run_scoped3A_1258 : memref<!tpu.dma_semaphore, #tpu.memory_space<semaphore_mem>>) src(%arg10 : memref<64x128xf32, #tpu.memory_space<vmem>>) dst(%dma_wait3A_1270 : memref<10240x128xf32, #tpu.memory_space<vmem_shared>>)
          tpu.yield
        }) : () -> ()
        %add3A_1228 = arith.constant 3 : i32
        %add3A_1229 = arith.addi %add3A_1219, %add3A_1228 : i32
        %dma_start3A_1230 = arith.constant 0 : i32
        %dma_start3A_1231 = arith.constant 0 : i32
        %dma_start3A_1232 = tpu.memref_slice %arg8[%dma_start3A_1230, %add3A_1229, %dma_start3A_1231] : memref<2x36x64xi32, #tpu.memory_space<vmem>> -> memref<1x1x64xi32, #tpu.memory_space<vmem>>
        %dma_start3A_1233 = tpu.memref_squeeze %dma_start3A_1232 : memref<1x1x64xi32, #tpu.memory_space<vmem>> -> memref<64xi32, #tpu.memory_space<vmem>>
        %dma_start3A_1234 = arith.constant 0 : i32
        %dma_start3A_1235 = arith.constant 0 : i32
        %dma_start3A_1236 = tpu.memref_slice %arg2[%dma_start3A_1234, %dma_start3A_1235] : memref<10000x128xf32, #tpu.memory_space<hbm>> -> memref<10000x128xf32, #tpu.memory_space<hbm>>
        tpu.enqueue_indirect_dma source(%dma_start3A_1236 : memref<10000x128xf32, #tpu.memory_space<hbm>>) target(%arg10 : memref<64x128xf32, #tpu.memory_space<vmem>>) offsets(%dma_start3A_1233 : memref<64xi32, #tpu.memory_space<vmem>>) semaphore(%arg14 : memref<!tpu.dma_semaphore, #tpu.memory_space<semaphore_mem>>)
        %mul3A_1237 = arith.constant 3 : i32
        %mul3A_1238 = arith.muli %scan3A_1195, %mul3A_1237 : i32
        %add3A_1239 = arith.constant 2 : i32
        %add3A_1240 = arith.addi %mul3A_1238, %add3A_1239 : i32
        %dma_wait3A_1241 = arith.constant 0 : i32
        %dma_wait3A_1242 = arith.constant 0 : i32
        %dma_wait3A_1243 = tpu.memref_slice %arg8[%dma_wait3A_1241, %add3A_1240, %dma_wait3A_1242] : memref<2x36x64xi32, #tpu.memory_space<vmem>> -> memref<1x1x64xi32, #tpu.memory_space<vmem>>
        %dma_wait3A_1244 = tpu.memref_squeeze %dma_wait3A_1243 : memref<1x1x64xi32, #tpu.memory_space<vmem>> -> memref<64xi32, #tpu.memory_space<vmem>>
        %dma_wait3A_1245 = arith.constant 0 : i32
        %dma_wait3A_1246 = arith.constant 0 : i32
        %dma_wait3A_1247 = tpu.memref_slice %arg2[%dma_wait3A_1245, %dma_wait3A_1246] : memref<10000x128xf32, #tpu.memory_space<hbm>> -> memref<10000x128xf32, #tpu.memory_space<hbm>>
        tpu.wait_indirect_dma semaphore(%arg15 : memref<!tpu.dma_semaphore, #tpu.memory_space<semaphore_mem>>) src(%dma_wait3A_1247 : memref<10000x128xf32, #tpu.memory_space<hbm>>) dst(%arg11 : memref<64x128xf32, #tpu.memory_space<vmem>>)
        %run_scoped3A_1248 = arith.constant 1 : i32
        "tpu.region"() ({
          %run_scoped3A_1258 = tpu.sem_alloc : memref<!tpu.dma_semaphore, #tpu.memory_space<semaphore_mem>>
          %dma_start3A_1259 = arith.constant 0 : i32
          %dma_start3A_1260 = tpu.memref_slice %arg8[%run_scoped3A_1248, %add3A_1240, %dma_start3A_1259] : memref<2x36x64xi32, #tpu.memory_space<vmem>> -> memref<1x1x64xi32, #tpu.memory_space<vmem>>
          %dma_start3A_1261 = tpu.memref_squeeze %dma_start3A_1260 : memref<1x1x64xi32, #tpu.memory_space<vmem>> -> memref<64xi32, #tpu.memory_space<vmem>>
          %dma_start3A_1262 = arith.constant 0 : i32
          %dma_start3A_1263 = arith.constant 0 : i32
          %dma_start3A_1264 = tpu.memref_slice %arg12[%dma_start3A_1262, %dma_start3A_1263] : memref<10240x128xf32, #tpu.memory_space<vmem_shared>> -> memref<10240x128xf32, #tpu.memory_space<vmem_shared>>
          tpu.enqueue_indirect_dma source(%arg11 : memref<64x128xf32, #tpu.memory_space<vmem>>) target(%dma_start3A_1264 : memref<10240x128xf32, #tpu.memory_space<vmem_shared>>) offsets(%dma_start3A_1261 : memref<64xi32, #tpu.memory_space<vmem>>) semaphore(%run_scoped3A_1258 : memref<!tpu.dma_semaphore, #tpu.memory_space<semaphore_mem>>) {add = true}
          %dma_wait3A_1265 = arith.constant 0 : i32
          %dma_wait3A_1266 = tpu.memref_slice %arg8[%run_scoped3A_1248, %add3A_1240, %dma_wait3A_1265] : memref<2x36x64xi32, #tpu.memory_space<vmem>> -> memref<1x1x64xi32, #tpu.memory_space<vmem>>
          %dma_wait3A_1267 = tpu.memref_squeeze %dma_wait3A_1266 : memref<1x1x64xi32, #tpu.memory_space<vmem>> -> memref<64xi32, #tpu.memory_space<vmem>>
          %dma_wait3A_1268 = arith.constant 0 : i32
          %dma_wait3A_1269 = arith.constant 0 : i32
          %dma_wait3A_1270 = tpu.memref_slice %arg12[%dma_wait3A_1268, %dma_wait3A_1269] : memref<10240x128xf32, #tpu.memory_space<vmem_shared>> -> memref<10240x128xf32, #tpu.memory_space<vmem_shared>>
          tpu.wait_indirect_dma semaphore(%run_scoped3A_1258 : memref<!tpu.dma_semaphore, #tpu.memory_space<semaphore_mem>>) src(%arg11 : memref<64x128xf32, #tpu.memory_space<vmem>>) dst(%dma_wait3A_1270 : memref<10240x128xf32, #tpu.memory_space<vmem_shared>>)
          tpu.yield
        }) : () -> ()
        %add3A_1249 = arith.constant 3 : i32
        %add3A_1250 = arith.addi %add3A_1240, %add3A_1249 : i32
        %dma_start3A_1251 = arith.constant 0 : i32
        %dma_start3A_1252 = arith.constant 0 : i32
        %dma_start3A_1253 = tpu.memref_slice %arg8[%dma_start3A_1251, %add3A_1250, %dma_start3A_1252] : memref<2x36x64xi32, #tpu.memory_space<vmem>> -> memref<1x1x64xi32, #tpu.memory_space<vmem>>
        %dma_start3A_1254 = tpu.memref_squeeze %dma_start3A_1253 : memref<1x1x64xi32, #tpu.memory_space<vmem>> -> memref<64xi32, #tpu.memory_space<vmem>>
        %dma_start3A_1255 = arith.constant 0 : i32
        %dma_start3A_1256 = arith.constant 0 : i32
        %dma_start3A_1257 = tpu.memref_slice %arg2[%dma_start3A_1255, %dma_start3A_1256] : memref<10000x128xf32, #tpu.memory_space<hbm>> -> memref<10000x128xf32, #tpu.memory_space<hbm>>
        tpu.enqueue_indirect_dma source(%dma_start3A_1257 : memref<10000x128xf32, #tpu.memory_space<hbm>>) target(%arg11 : memref<64x128xf32, #tpu.memory_space<vmem>>) offsets(%dma_start3A_1254 : memref<64xi32, #tpu.memory_space<vmem>>) semaphore(%arg15 : memref<!tpu.dma_semaphore, #tpu.memory_space<semaphore_mem>>)
      }
      %scan3A_540 = arith.constant 11 : i32
      %dma_wait3A_541 = arith.constant 0 : i32
      %dma_wait3A_542 = arith.constant 33 : i32
      %dma_wait3A_543 = arith.constant 0 : i32
      %dma_wait3A_544 = tpu.memref_slice %arg8[%dma_wait3A_541, %dma_wait3A_542, %dma_wait3A_543] : memref<2x36x64xi32, #tpu.memory_space<vmem>> -> memref<1x1x64xi32, #tpu.memory_space<vmem>>
      %dma_wait3A_545 = tpu.memref_squeeze %dma_wait3A_544 : memref<1x1x64xi32, #tpu.memory_space<vmem>> -> memref<64xi32, #tpu.memory_space<vmem>>
      %dma_wait3A_546 = arith.constant 0 : i32
      %dma_wait3A_547 = arith.constant 0 : i32
      %dma_wait3A_548 = tpu.memref_slice %arg2[%dma_wait3A_546, %dma_wait3A_547] : memref<10000x128xf32, #tpu.memory_space<hbm>> -> memref<10000x128xf32, #tpu.memory_space<hbm>>
      tpu.wait_indirect_dma semaphore(%arg13 : memref<!tpu.dma_semaphore, #tpu.memory_space<semaphore_mem>>) src(%dma_wait3A_548 : memref<10000x128xf32, #tpu.memory_space<hbm>>) dst(%arg9 : memref<64x128xf32, #tpu.memory_space<vmem>>)
      %run_scoped3A_549 = arith.constant 1 : i32
      %run_scoped3A_550 = arith.constant 33 : i32
      "tpu.region"() ({
        %run_scoped3A_1195 = tpu.sem_alloc : memref<!tpu.dma_semaphore, #tpu.memory_space<semaphore_mem>>
        %dma_start3A_1196 = arith.constant 0 : i32
        %dma_start3A_1197 = tpu.memref_slice %arg8[%run_scoped3A_549, %run_scoped3A_550, %dma_start3A_1196] : memref<2x36x64xi32, #tpu.memory_space<vmem>> -> memref<1x1x64xi32, #tpu.memory_space<vmem>>
        %dma_start3A_1198 = tpu.memref_squeeze %dma_start3A_1197 : memref<1x1x64xi32, #tpu.memory_space<vmem>> -> memref<64xi32, #tpu.memory_space<vmem>>
        %dma_start3A_1199 = arith.constant 0 : i32
        %dma_start3A_1200 = arith.constant 0 : i32
        %dma_start3A_1201 = tpu.memref_slice %arg12[%dma_start3A_1199, %dma_start3A_1200] : memref<10240x128xf32, #tpu.memory_space<vmem_shared>> -> memref<10240x128xf32, #tpu.memory_space<vmem_shared>>
        tpu.enqueue_indirect_dma source(%arg9 : memref<64x128xf32, #tpu.memory_space<vmem>>) target(%dma_start3A_1201 : memref<10240x128xf32, #tpu.memory_space<vmem_shared>>) offsets(%dma_start3A_1198 : memref<64xi32, #tpu.memory_space<vmem>>) semaphore(%run_scoped3A_1195 : memref<!tpu.dma_semaphore, #tpu.memory_space<semaphore_mem>>) {add = true}
        %dma_wait3A_1202 = arith.constant 0 : i32
        %dma_wait3A_1203 = tpu.memref_slice %arg8[%run_scoped3A_549, %run_scoped3A_550, %dma_wait3A_1202] : memref<2x36x64xi32, #tpu.memory_space<vmem>> -> memref<1x1x64xi32, #tpu.memory_space<vmem>>
        %dma_wait3A_1204 = tpu.memref_squeeze %dma_wait3A_1203 : memref<1x1x64xi32, #tpu.memory_space<vmem>> -> memref<64xi32, #tpu.memory_space<vmem>>
        %dma_wait3A_1205 = arith.constant 0 : i32
        %dma_wait3A_1206 = arith.constant 0 : i32
        %dma_wait3A_1207 = tpu.memref_slice %arg12[%dma_wait3A_1205, %dma_wait3A_1206] : memref<10240x128xf32, #tpu.memory_space<vmem_shared>> -> memref<10240x128xf32, #tpu.memory_space<vmem_shared>>
        tpu.wait_indirect_dma semaphore(%run_scoped3A_1195 : memref<!tpu.dma_semaphore, #tpu.memory_space<semaphore_mem>>) src(%arg9 : memref<64x128xf32, #tpu.memory_space<vmem>>) dst(%dma_wait3A_1207 : memref<10240x128xf32, #tpu.memory_space<vmem_shared>>)
        tpu.yield
      }) : () -> ()
      %dma_wait3A_551 = arith.constant 0 : i32
      %dma_wait3A_552 = arith.constant 34 : i32
      %dma_wait3A_553 = arith.constant 0 : i32
      %dma_wait3A_554 = tpu.memref_slice %arg8[%dma_wait3A_551, %dma_wait3A_552, %dma_wait3A_553] : memref<2x36x64xi32, #tpu.memory_space<vmem>> -> memref<1x1x64xi32, #tpu.memory_space<vmem>>
      %dma_wait3A_555 = tpu.memref_squeeze %dma_wait3A_554 : memref<1x1x64xi32, #tpu.memory_space<vmem>> -> memref<64xi32, #tpu.memory_space<vmem>>
      %dma_wait3A_556 = arith.constant 0 : i32
      %dma_wait3A_557 = arith.constant 0 : i32
      %dma_wait3A_558 = tpu.memref_slice %arg2[%dma_wait3A_556, %dma_wait3A_557] : memref<10000x128xf32, #tpu.memory_space<hbm>> -> memref<10000x128xf32, #tpu.memory_space<hbm>>
      tpu.wait_indirect_dma semaphore(%arg14 : memref<!tpu.dma_semaphore, #tpu.memory_space<semaphore_mem>>) src(%dma_wait3A_558 : memref<10000x128xf32, #tpu.memory_space<hbm>>) dst(%arg10 : memref<64x128xf32, #tpu.memory_space<vmem>>)
      %run_scoped3A_559 = arith.constant 1 : i32
      %run_scoped3A_560 = arith.constant 34 : i32
      "tpu.region"() ({
        %run_scoped3A_1195 = tpu.sem_alloc : memref<!tpu.dma_semaphore, #tpu.memory_space<semaphore_mem>>
        %dma_start3A_1196 = arith.constant 0 : i32
        %dma_start3A_1197 = tpu.memref_slice %arg8[%run_scoped3A_559, %run_scoped3A_560, %dma_start3A_1196] : memref<2x36x64xi32, #tpu.memory_space<vmem>> -> memref<1x1x64xi32, #tpu.memory_space<vmem>>
        %dma_start3A_1198 = tpu.memref_squeeze %dma_start3A_1197 : memref<1x1x64xi32, #tpu.memory_space<vmem>> -> memref<64xi32, #tpu.memory_space<vmem>>
        %dma_start3A_1199 = arith.constant 0 : i32
        %dma_start3A_1200 = arith.constant 0 : i32
        %dma_start3A_1201 = tpu.memref_slice %arg12[%dma_start3A_1199, %dma_start3A_1200] : memref<10240x128xf32, #tpu.memory_space<vmem_shared>> -> memref<10240x128xf32, #tpu.memory_space<vmem_shared>>
        tpu.enqueue_indirect_dma source(%arg10 : memref<64x128xf32, #tpu.memory_space<vmem>>) target(%dma_start3A_1201 : memref<10240x128xf32, #tpu.memory_space<vmem_shared>>) offsets(%dma_start3A_1198 : memref<64xi32, #tpu.memory_space<vmem>>) semaphore(%run_scoped3A_1195 : memref<!tpu.dma_semaphore, #tpu.memory_space<semaphore_mem>>) {add = true}
        %dma_wait3A_1202 = arith.constant 0 : i32
        %dma_wait3A_1203 = tpu.memref_slice %arg8[%run_scoped3A_559, %run_scoped3A_560, %dma_wait3A_1202] : memref<2x36x64xi32, #tpu.memory_space<vmem>> -> memref<1x1x64xi32, #tpu.memory_space<vmem>>
        %dma_wait3A_1204 = tpu.memref_squeeze %dma_wait3A_1203 : memref<1x1x64xi32, #tpu.memory_space<vmem>> -> memref<64xi32, #tpu.memory_space<vmem>>
        %dma_wait3A_1205 = arith.constant 0 : i32
        %dma_wait3A_1206 = arith.constant 0 : i32
        %dma_wait3A_1207 = tpu.memref_slice %arg12[%dma_wait3A_1205, %dma_wait3A_1206] : memref<10240x128xf32, #tpu.memory_space<vmem_shared>> -> memref<10240x128xf32, #tpu.memory_space<vmem_shared>>
        tpu.wait_indirect_dma semaphore(%run_scoped3A_1195 : memref<!tpu.dma_semaphore, #tpu.memory_space<semaphore_mem>>) src(%arg10 : memref<64x128xf32, #tpu.memory_space<vmem>>) dst(%dma_wait3A_1207 : memref<10240x128xf32, #tpu.memory_space<vmem_shared>>)
        tpu.yield
      }) : () -> ()
      %dma_wait3A_561 = arith.constant 0 : i32
      %dma_wait3A_562 = arith.constant 35 : i32
      %dma_wait3A_563 = arith.constant 0 : i32
      %dma_wait3A_564 = tpu.memref_slice %arg8[%dma_wait3A_561, %dma_wait3A_562, %dma_wait3A_563] : memref<2x36x64xi32, #tpu.memory_space<vmem>> -> memref<1x1x64xi32, #tpu.memory_space<vmem>>
      %dma_wait3A_565 = tpu.memref_squeeze %dma_wait3A_564 : memref<1x1x64xi32, #tpu.memory_space<vmem>> -> memref<64xi32, #tpu.memory_space<vmem>>
      %dma_wait3A_566 = arith.constant 0 : i32
      %dma_wait3A_567 = arith.constant 0 : i32
      %dma_wait3A_568 = tpu.memref_slice %arg2[%dma_wait3A_566, %dma_wait3A_567] : memref<10000x128xf32, #tpu.memory_space<hbm>> -> memref<10000x128xf32, #tpu.memory_space<hbm>>
      tpu.wait_indirect_dma semaphore(%arg15 : memref<!tpu.dma_semaphore, #tpu.memory_space<semaphore_mem>>) src(%dma_wait3A_568 : memref<10000x128xf32, #tpu.memory_space<hbm>>) dst(%arg11 : memref<64x128xf32, #tpu.memory_space<vmem>>)
      %run_scoped3A_569 = arith.constant 1 : i32
      %run_scoped3A_570 = arith.constant 35 : i32
      "tpu.region"() ({
        %run_scoped3A_1195 = tpu.sem_alloc : memref<!tpu.dma_semaphore, #tpu.memory_space<semaphore_mem>>
        %dma_start3A_1196 = arith.constant 0 : i32
        %dma_start3A_1197 = tpu.memref_slice %arg8[%run_scoped3A_569, %run_scoped3A_570, %dma_start3A_1196] : memref<2x36x64xi32, #tpu.memory_space<vmem>> -> memref<1x1x64xi32, #tpu.memory_space<vmem>>
        %dma_start3A_1198 = tpu.memref_squeeze %dma_start3A_1197 : memref<1x1x64xi32, #tpu.memory_space<vmem>> -> memref<64xi32, #tpu.memory_space<vmem>>
        %dma_start3A_1199 = arith.constant 0 : i32
        %dma_start3A_1200 = arith.constant 0 : i32
        %dma_start3A_1201 = tpu.memref_slice %arg12[%dma_start3A_1199, %dma_start3A_1200] : memref<10240x128xf32, #tpu.memory_space<vmem_shared>> -> memref<10240x128xf32, #tpu.memory_space<vmem_shared>>
        tpu.enqueue_indirect_dma source(%arg11 : memref<64x128xf32, #tpu.memory_space<vmem>>) target(%dma_start3A_1201 : memref<10240x128xf32, #tpu.memory_space<vmem_shared>>) offsets(%dma_start3A_1198 : memref<64xi32, #tpu.memory_space<vmem>>) semaphore(%run_scoped3A_1195 : memref<!tpu.dma_semaphore, #tpu.memory_space<semaphore_mem>>) {add = true}
        %dma_wait3A_1202 = arith.constant 0 : i32
        %dma_wait3A_1203 = tpu.memref_slice %arg8[%run_scoped3A_569, %run_scoped3A_570, %dma_wait3A_1202] : memref<2x36x64xi32, #tpu.memory_space<vmem>> -> memref<1x1x64xi32, #tpu.memory_space<vmem>>
        %dma_wait3A_1204 = tpu.memref_squeeze %dma_wait3A_1203 : memref<1x1x64xi32, #tpu.memory_space<vmem>> -> memref<64xi32, #tpu.memory_space<vmem>>
        %dma_wait3A_1205 = arith.constant 0 : i32
        %dma_wait3A_1206 = arith.constant 0 : i32
        %dma_wait3A_1207 = tpu.memref_slice %arg12[%dma_wait3A_1205, %dma_wait3A_1206] : memref<10240x128xf32, #tpu.memory_space<vmem_shared>> -> memref<10240x128xf32, #tpu.memory_space<vmem_shared>>
        tpu.wait_indirect_dma semaphore(%run_scoped3A_1195 : memref<!tpu.dma_semaphore, #tpu.memory_space<semaphore_mem>>) src(%arg11 : memref<64x128xf32, #tpu.memory_space<vmem>>) dst(%dma_wait3A_1207 : memref<10240x128xf32, #tpu.memory_space<vmem_shared>>)
        tpu.yield
      }) : () -> ()
      %dma_wait3A_571 = arith.constant 4 : i32
      %dma_wait3A_572 = arith.constant 0 : i32
      %dma_wait3A_573 = arith.constant 0 : i32
      %dma_wait3A_574 = arith.constant 0 : i32
      %dma_wait3A_575 = tpu.memref_slice %arg7[%dma_wait3A_572, %dma_wait3A_573, %dma_wait3A_574] : memref<2x36x64xi32, #tpu.memory_space<vmem>> -> memref<1x36x64xi32, #tpu.memory_space<vmem>>
      %dma_wait3A_576 = tpu.memref_squeeze %dma_wait3A_575 : memref<1x36x64xi32, #tpu.memory_space<vmem>> -> memref<36x64xi32, #tpu.memory_space<vmem>>
      %dma_wait3A_577 = arith.constant 0 : i32
      %dma_wait3A_578 = arith.constant 0 : i32
      %dma_wait3A_579 = tpu.memref_slice %arg3[%arg1, %dma_wait3A_571, %dma_wait3A_577, %dma_wait3A_578] : memref<16x9x36x64xi32, #tpu.memory_space<hbm>> -> memref<1x1x36x64xi32, #tpu.memory_space<hbm>>
      %dma_wait3A_580 = tpu.memref_squeeze %dma_wait3A_579 : memref<1x1x36x64xi32, #tpu.memory_space<hbm>> -> memref<36x64xi32, #tpu.memory_space<hbm>>
      %dma_wait3A_581 = arith.constant 0 : i32
      %dma_wait3A_582 = arith.constant 0 : i32
      %dma_wait3A_583 = tpu.memref_slice %arg7[%dma_wait3A_572, %dma_wait3A_581, %dma_wait3A_582] : memref<2x36x64xi32, #tpu.memory_space<vmem>> -> memref<1x36x64xi32, #tpu.memory_space<vmem>>
      %dma_wait3A_584 = tpu.memref_squeeze %dma_wait3A_583 : memref<1x36x64xi32, #tpu.memory_space<vmem>> -> memref<36x64xi32, #tpu.memory_space<vmem>>
      %dma_wait3A_585 = arith.constant 0 : i32
      %dma_wait3A_586 = arith.constant 0 : i32
      %dma_wait3A_587 = tpu.memref_slice %arg3[%arg1, %dma_wait3A_571, %dma_wait3A_585, %dma_wait3A_586] : memref<16x9x36x64xi32, #tpu.memory_space<hbm>> -> memref<1x1x36x64xi32, #tpu.memory_space<hbm>>
      %dma_wait3A_588 = tpu.memref_squeeze %dma_wait3A_587 : memref<1x1x36x64xi32, #tpu.memory_space<hbm>> -> memref<36x64xi32, #tpu.memory_space<hbm>>
      tpu.wait_dma2 semaphore(%arg16 : memref<!tpu.dma_semaphore, #tpu.memory_space<semaphore_mem>>) src(%dma_wait3A_588 : memref<36x64xi32, #tpu.memory_space<hbm>>) dst(%dma_wait3A_584 : memref<36x64xi32, #tpu.memory_space<vmem>>)
      %dma_wait3A_589 = arith.constant 4 : i32
      %dma_wait3A_590 = arith.constant 1 : i32
      %dma_wait3A_591 = arith.constant 0 : i32
      %dma_wait3A_592 = arith.constant 0 : i32
      %dma_wait3A_593 = tpu.memref_slice %arg7[%dma_wait3A_590, %dma_wait3A_591, %dma_wait3A_592] : memref<2x36x64xi32, #tpu.memory_space<vmem>> -> memref<1x36x64xi32, #tpu.memory_space<vmem>>
      %dma_wait3A_594 = tpu.memref_squeeze %dma_wait3A_593 : memref<1x36x64xi32, #tpu.memory_space<vmem>> -> memref<36x64xi32, #tpu.memory_space<vmem>>
      %dma_wait3A_595 = arith.constant 0 : i32
      %dma_wait3A_596 = arith.constant 0 : i32
      %dma_wait3A_597 = tpu.memref_slice %arg4[%arg1, %dma_wait3A_589, %dma_wait3A_595, %dma_wait3A_596] : memref<16x9x36x64xi32, #tpu.memory_space<hbm>> -> memref<1x1x36x64xi32, #tpu.memory_space<hbm>>
      %dma_wait3A_598 = tpu.memref_squeeze %dma_wait3A_597 : memref<1x1x36x64xi32, #tpu.memory_space<hbm>> -> memref<36x64xi32, #tpu.memory_space<hbm>>
      %dma_wait3A_599 = arith.constant 0 : i32
      %dma_wait3A_600 = arith.constant 0 : i32
      %dma_wait3A_601 = tpu.memref_slice %arg7[%dma_wait3A_590, %dma_wait3A_599, %dma_wait3A_600] : memref<2x36x64xi32, #tpu.memory_space<vmem>> -> memref<1x36x64xi32, #tpu.memory_space<vmem>>
      %dma_wait3A_602 = tpu.memref_squeeze %dma_wait3A_601 : memref<1x36x64xi32, #tpu.memory_space<vmem>> -> memref<36x64xi32, #tpu.memory_space<vmem>>
      %dma_wait3A_603 = arith.constant 0 : i32
      %dma_wait3A_604 = arith.constant 0 : i32
      %dma_wait3A_605 = tpu.memref_slice %arg4[%arg1, %dma_wait3A_589, %dma_wait3A_603, %dma_wait3A_604] : memref<16x9x36x64xi32, #tpu.memory_space<hbm>> -> memref<1x1x36x64xi32, #tpu.memory_space<hbm>>
      %dma_wait3A_606 = tpu.memref_squeeze %dma_wait3A_605 : memref<1x1x36x64xi32, #tpu.memory_space<hbm>> -> memref<36x64xi32, #tpu.memory_space<hbm>>
      tpu.wait_dma2 semaphore(%arg16 : memref<!tpu.dma_semaphore, #tpu.memory_space<semaphore_mem>>) src(%dma_wait3A_606 : memref<36x64xi32, #tpu.memory_space<hbm>>) dst(%dma_wait3A_602 : memref<36x64xi32, #tpu.memory_space<vmem>>)
      %dma_start3A_607 = arith.constant 5 : i32
      %dma_start3A_608 = arith.constant 0 : i32
      %dma_start3A_609 = arith.constant 0 : i32
      %dma_start3A_610 = arith.constant 0 : i32
      %dma_start3A_611 = tpu.memref_slice %arg8[%dma_start3A_608, %dma_start3A_609, %dma_start3A_610] : memref<2x36x64xi32, #tpu.memory_space<vmem>> -> memref<1x36x64xi32, #tpu.memory_space<vmem>>
      %dma_start3A_612 = tpu.memref_squeeze %dma_start3A_611 : memref<1x36x64xi32, #tpu.memory_space<vmem>> -> memref<36x64xi32, #tpu.memory_space<vmem>>
      %dma_start3A_613 = arith.constant 0 : i32
      %dma_start3A_614 = arith.constant 0 : i32
      %dma_start3A_615 = tpu.memref_slice %arg3[%arg1, %dma_start3A_607, %dma_start3A_613, %dma_start3A_614] : memref<16x9x36x64xi32, #tpu.memory_space<hbm>> -> memref<1x1x36x64xi32, #tpu.memory_space<hbm>>
      %dma_start3A_616 = tpu.memref_squeeze %dma_start3A_615 : memref<1x1x36x64xi32, #tpu.memory_space<hbm>> -> memref<36x64xi32, #tpu.memory_space<hbm>>
      %dma_start3A_617 = arith.constant 0 : i32
      %dma_start3A_618 = arith.constant 0 : i32
      %dma_start3A_619 = tpu.memref_slice %arg8[%dma_start3A_608, %dma_start3A_617, %dma_start3A_618] : memref<2x36x64xi32, #tpu.memory_space<vmem>> -> memref<1x36x64xi32, #tpu.memory_space<vmem>>
      %dma_start3A_620 = tpu.memref_squeeze %dma_start3A_619 : memref<1x36x64xi32, #tpu.memory_space<vmem>> -> memref<36x64xi32, #tpu.memory_space<vmem>>
      %dma_start3A_621 = arith.constant 0 : i32
      %dma_start3A_622 = arith.constant 0 : i32
      %dma_start3A_623 = tpu.memref_slice %arg3[%arg1, %dma_start3A_607, %dma_start3A_621, %dma_start3A_622] : memref<16x9x36x64xi32, #tpu.memory_space<hbm>> -> memref<1x1x36x64xi32, #tpu.memory_space<hbm>>
      %dma_start3A_624 = tpu.memref_squeeze %dma_start3A_623 : memref<1x1x36x64xi32, #tpu.memory_space<hbm>> -> memref<36x64xi32, #tpu.memory_space<hbm>>
      tpu.enqueue_dma source(%dma_start3A_624 : memref<36x64xi32, #tpu.memory_space<hbm>>) target(%dma_start3A_620 : memref<36x64xi32, #tpu.memory_space<vmem>>) target_semaphore(%arg17 : memref<!tpu.dma_semaphore, #tpu.memory_space<semaphore_mem>>)
      %dma_start3A_625 = arith.constant 5 : i32
      %dma_start3A_626 = arith.constant 1 : i32
      %dma_start3A_627 = arith.constant 0 : i32
      %dma_start3A_628 = arith.constant 0 : i32
      %dma_start3A_629 = tpu.memref_slice %arg8[%dma_start3A_626, %dma_start3A_627, %dma_start3A_628] : memref<2x36x64xi32, #tpu.memory_space<vmem>> -> memref<1x36x64xi32, #tpu.memory_space<vmem>>
      %dma_start3A_630 = tpu.memref_squeeze %dma_start3A_629 : memref<1x36x64xi32, #tpu.memory_space<vmem>> -> memref<36x64xi32, #tpu.memory_space<vmem>>
      %dma_start3A_631 = arith.constant 0 : i32
      %dma_start3A_632 = arith.constant 0 : i32
      %dma_start3A_633 = tpu.memref_slice %arg4[%arg1, %dma_start3A_625, %dma_start3A_631, %dma_start3A_632] : memref<16x9x36x64xi32, #tpu.memory_space<hbm>> -> memref<1x1x36x64xi32, #tpu.memory_space<hbm>>
      %dma_start3A_634 = tpu.memref_squeeze %dma_start3A_633 : memref<1x1x36x64xi32, #tpu.memory_space<hbm>> -> memref<36x64xi32, #tpu.memory_space<hbm>>
      %dma_start3A_635 = arith.constant 0 : i32
      %dma_start3A_636 = arith.constant 0 : i32
      %dma_start3A_637 = tpu.memref_slice %arg8[%dma_start3A_626, %dma_start3A_635, %dma_start3A_636] : memref<2x36x64xi32, #tpu.memory_space<vmem>> -> memref<1x36x64xi32, #tpu.memory_space<vmem>>
      %dma_start3A_638 = tpu.memref_squeeze %dma_start3A_637 : memref<1x36x64xi32, #tpu.memory_space<vmem>> -> memref<36x64xi32, #tpu.memory_space<vmem>>
      %dma_start3A_639 = arith.constant 0 : i32
      %dma_start3A_640 = arith.constant 0 : i32
      %dma_start3A_641 = tpu.memref_slice %arg4[%arg1, %dma_start3A_625, %dma_start3A_639, %dma_start3A_640] : memref<16x9x36x64xi32, #tpu.memory_space<hbm>> -> memref<1x1x36x64xi32, #tpu.memory_space<hbm>>
      %dma_start3A_642 = tpu.memref_squeeze %dma_start3A_641 : memref<1x1x36x64xi32, #tpu.memory_space<hbm>> -> memref<36x64xi32, #tpu.memory_space<hbm>>
      tpu.enqueue_dma source(%dma_start3A_642 : memref<36x64xi32, #tpu.memory_space<hbm>>) target(%dma_start3A_638 : memref<36x64xi32, #tpu.memory_space<vmem>>) target_semaphore(%arg17 : memref<!tpu.dma_semaphore, #tpu.memory_space<semaphore_mem>>)
      %dma_start3A_643 = arith.constant 0 : i32
      %dma_start3A_644 = arith.constant 0 : i32
      %dma_start3A_645 = arith.constant 0 : i32
      %dma_start3A_646 = tpu.memref_slice %arg7[%dma_start3A_643, %dma_start3A_644, %dma_start3A_645] : memref<2x36x64xi32, #tpu.memory_space<vmem>> -> memref<1x1x64xi32, #tpu.memory_space<vmem>>
      %dma_start3A_647 = tpu.memref_squeeze %dma_start3A_646 : memref<1x1x64xi32, #tpu.memory_space<vmem>> -> memref<64xi32, #tpu.memory_space<vmem>>
      %dma_start3A_648 = arith.constant 0 : i32
      %dma_start3A_649 = arith.constant 0 : i32
      %dma_start3A_650 = tpu.memref_slice %arg2[%dma_start3A_648, %dma_start3A_649] : memref<10000x128xf32, #tpu.memory_space<hbm>> -> memref<10000x128xf32, #tpu.memory_space<hbm>>
      tpu.enqueue_indirect_dma source(%dma_start3A_650 : memref<10000x128xf32, #tpu.memory_space<hbm>>) target(%arg9 : memref<64x128xf32, #tpu.memory_space<vmem>>) offsets(%dma_start3A_647 : memref<64xi32, #tpu.memory_space<vmem>>) semaphore(%arg13 : memref<!tpu.dma_semaphore, #tpu.memory_space<semaphore_mem>>)
      %dma_start3A_651 = arith.constant 0 : i32
      %dma_start3A_652 = arith.constant 1 : i32
      %dma_start3A_653 = arith.constant 0 : i32
      %dma_start3A_654 = tpu.memref_slice %arg7[%dma_start3A_651, %dma_start3A_652, %dma_start3A_653] : memref<2x36x64xi32, #tpu.memory_space<vmem>> -> memref<1x1x64xi32, #tpu.memory_space<vmem>>
      %dma_start3A_655 = tpu.memref_squeeze %dma_start3A_654 : memref<1x1x64xi32, #tpu.memory_space<vmem>> -> memref<64xi32, #tpu.memory_space<vmem>>
      %dma_start3A_656 = arith.constant 0 : i32
      %dma_start3A_657 = arith.constant 0 : i32
      %dma_start3A_658 = tpu.memref_slice %arg2[%dma_start3A_656, %dma_start3A_657] : memref<10000x128xf32, #tpu.memory_space<hbm>> -> memref<10000x128xf32, #tpu.memory_space<hbm>>
      tpu.enqueue_indirect_dma source(%dma_start3A_658 : memref<10000x128xf32, #tpu.memory_space<hbm>>) target(%arg10 : memref<64x128xf32, #tpu.memory_space<vmem>>) offsets(%dma_start3A_655 : memref<64xi32, #tpu.memory_space<vmem>>) semaphore(%arg14 : memref<!tpu.dma_semaphore, #tpu.memory_space<semaphore_mem>>)
      %dma_start3A_659 = arith.constant 0 : i32
      %dma_start3A_660 = arith.constant 2 : i32
      %dma_start3A_661 = arith.constant 0 : i32
      %dma_start3A_662 = tpu.memref_slice %arg7[%dma_start3A_659, %dma_start3A_660, %dma_start3A_661] : memref<2x36x64xi32, #tpu.memory_space<vmem>> -> memref<1x1x64xi32, #tpu.memory_space<vmem>>
      %dma_start3A_663 = tpu.memref_squeeze %dma_start3A_662 : memref<1x1x64xi32, #tpu.memory_space<vmem>> -> memref<64xi32, #tpu.memory_space<vmem>>
      %dma_start3A_664 = arith.constant 0 : i32
      %dma_start3A_665 = arith.constant 0 : i32
      %dma_start3A_666 = tpu.memref_slice %arg2[%dma_start3A_664, %dma_start3A_665] : memref<10000x128xf32, #tpu.memory_space<hbm>> -> memref<10000x128xf32, #tpu.memory_space<hbm>>
      tpu.enqueue_indirect_dma source(%dma_start3A_666 : memref<10000x128xf32, #tpu.memory_space<hbm>>) target(%arg11 : memref<64x128xf32, #tpu.memory_space<vmem>>) offsets(%dma_start3A_663 : memref<64xi32, #tpu.memory_space<vmem>>) semaphore(%arg15 : memref<!tpu.dma_semaphore, #tpu.memory_space<semaphore_mem>>)
      %scan3A_667 = arith.constant 0 : i32
      %scan3A_668 = arith.constant 11 : i32
      %scan3A_669 = arith.addi %scan3A_667, %scan3A_668 : i32
      %scan3A_670 = arith.constant 1 : i32
      scf.for %scan3A_1195 = %scan3A_667 to %scan3A_669 step %scan3A_670  : i32 {
        %mul3A_1196 = arith.constant 3 : i32
        %mul3A_1197 = arith.muli %scan3A_1195, %mul3A_1196 : i32
        %add3A = arith.constant 0 : i32
        %add3A_1198 = arith.addi %mul3A_1197, %add3A : i32
        %dma_wait3A_1199 = arith.constant 0 : i32
        %dma_wait3A_1200 = arith.constant 0 : i32
        %dma_wait3A_1201 = tpu.memref_slice %arg7[%dma_wait3A_1199, %add3A_1198, %dma_wait3A_1200] : memref<2x36x64xi32, #tpu.memory_space<vmem>> -> memref<1x1x64xi32, #tpu.memory_space<vmem>>
        %dma_wait3A_1202 = tpu.memref_squeeze %dma_wait3A_1201 : memref<1x1x64xi32, #tpu.memory_space<vmem>> -> memref<64xi32, #tpu.memory_space<vmem>>
        %dma_wait3A_1203 = arith.constant 0 : i32
        %dma_wait3A_1204 = arith.constant 0 : i32
        %dma_wait3A_1205 = tpu.memref_slice %arg2[%dma_wait3A_1203, %dma_wait3A_1204] : memref<10000x128xf32, #tpu.memory_space<hbm>> -> memref<10000x128xf32, #tpu.memory_space<hbm>>
        tpu.wait_indirect_dma semaphore(%arg13 : memref<!tpu.dma_semaphore, #tpu.memory_space<semaphore_mem>>) src(%dma_wait3A_1205 : memref<10000x128xf32, #tpu.memory_space<hbm>>) dst(%arg9 : memref<64x128xf32, #tpu.memory_space<vmem>>)
        %run_scoped3A_1206 = arith.constant 1 : i32
        "tpu.region"() ({
          %run_scoped3A_1258 = tpu.sem_alloc : memref<!tpu.dma_semaphore, #tpu.memory_space<semaphore_mem>>
          %dma_start3A_1259 = arith.constant 0 : i32
          %dma_start3A_1260 = tpu.memref_slice %arg7[%run_scoped3A_1206, %add3A_1198, %dma_start3A_1259] : memref<2x36x64xi32, #tpu.memory_space<vmem>> -> memref<1x1x64xi32, #tpu.memory_space<vmem>>
          %dma_start3A_1261 = tpu.memref_squeeze %dma_start3A_1260 : memref<1x1x64xi32, #tpu.memory_space<vmem>> -> memref<64xi32, #tpu.memory_space<vmem>>
          %dma_start3A_1262 = arith.constant 0 : i32
          %dma_start3A_1263 = arith.constant 0 : i32
          %dma_start3A_1264 = tpu.memref_slice %arg12[%dma_start3A_1262, %dma_start3A_1263] : memref<10240x128xf32, #tpu.memory_space<vmem_shared>> -> memref<10240x128xf32, #tpu.memory_space<vmem_shared>>
          tpu.enqueue_indirect_dma source(%arg9 : memref<64x128xf32, #tpu.memory_space<vmem>>) target(%dma_start3A_1264 : memref<10240x128xf32, #tpu.memory_space<vmem_shared>>) offsets(%dma_start3A_1261 : memref<64xi32, #tpu.memory_space<vmem>>) semaphore(%run_scoped3A_1258 : memref<!tpu.dma_semaphore, #tpu.memory_space<semaphore_mem>>) {add = true}
          %dma_wait3A_1265 = arith.constant 0 : i32
          %dma_wait3A_1266 = tpu.memref_slice %arg7[%run_scoped3A_1206, %add3A_1198, %dma_wait3A_1265] : memref<2x36x64xi32, #tpu.memory_space<vmem>> -> memref<1x1x64xi32, #tpu.memory_space<vmem>>
          %dma_wait3A_1267 = tpu.memref_squeeze %dma_wait3A_1266 : memref<1x1x64xi32, #tpu.memory_space<vmem>> -> memref<64xi32, #tpu.memory_space<vmem>>
          %dma_wait3A_1268 = arith.constant 0 : i32
          %dma_wait3A_1269 = arith.constant 0 : i32
          %dma_wait3A_1270 = tpu.memref_slice %arg12[%dma_wait3A_1268, %dma_wait3A_1269] : memref<10240x128xf32, #tpu.memory_space<vmem_shared>> -> memref<10240x128xf32, #tpu.memory_space<vmem_shared>>
          tpu.wait_indirect_dma semaphore(%run_scoped3A_1258 : memref<!tpu.dma_semaphore, #tpu.memory_space<semaphore_mem>>) src(%arg9 : memref<64x128xf32, #tpu.memory_space<vmem>>) dst(%dma_wait3A_1270 : memref<10240x128xf32, #tpu.memory_space<vmem_shared>>)
          tpu.yield
        }) : () -> ()
        %add3A_1207 = arith.constant 3 : i32
        %add3A_1208 = arith.addi %add3A_1198, %add3A_1207 : i32
        %dma_start3A_1209 = arith.constant 0 : i32
        %dma_start3A_1210 = arith.constant 0 : i32
        %dma_start3A_1211 = tpu.memref_slice %arg7[%dma_start3A_1209, %add3A_1208, %dma_start3A_1210] : memref<2x36x64xi32, #tpu.memory_space<vmem>> -> memref<1x1x64xi32, #tpu.memory_space<vmem>>
        %dma_start3A_1212 = tpu.memref_squeeze %dma_start3A_1211 : memref<1x1x64xi32, #tpu.memory_space<vmem>> -> memref<64xi32, #tpu.memory_space<vmem>>
        %dma_start3A_1213 = arith.constant 0 : i32
        %dma_start3A_1214 = arith.constant 0 : i32
        %dma_start3A_1215 = tpu.memref_slice %arg2[%dma_start3A_1213, %dma_start3A_1214] : memref<10000x128xf32, #tpu.memory_space<hbm>> -> memref<10000x128xf32, #tpu.memory_space<hbm>>
        tpu.enqueue_indirect_dma source(%dma_start3A_1215 : memref<10000x128xf32, #tpu.memory_space<hbm>>) target(%arg9 : memref<64x128xf32, #tpu.memory_space<vmem>>) offsets(%dma_start3A_1212 : memref<64xi32, #tpu.memory_space<vmem>>) semaphore(%arg13 : memref<!tpu.dma_semaphore, #tpu.memory_space<semaphore_mem>>)
        %mul3A_1216 = arith.constant 3 : i32
        %mul3A_1217 = arith.muli %scan3A_1195, %mul3A_1216 : i32
        %add3A_1218 = arith.constant 1 : i32
        %add3A_1219 = arith.addi %mul3A_1217, %add3A_1218 : i32
        %dma_wait3A_1220 = arith.constant 0 : i32
        %dma_wait3A_1221 = arith.constant 0 : i32
        %dma_wait3A_1222 = tpu.memref_slice %arg7[%dma_wait3A_1220, %add3A_1219, %dma_wait3A_1221] : memref<2x36x64xi32, #tpu.memory_space<vmem>> -> memref<1x1x64xi32, #tpu.memory_space<vmem>>
        %dma_wait3A_1223 = tpu.memref_squeeze %dma_wait3A_1222 : memref<1x1x64xi32, #tpu.memory_space<vmem>> -> memref<64xi32, #tpu.memory_space<vmem>>
        %dma_wait3A_1224 = arith.constant 0 : i32
        %dma_wait3A_1225 = arith.constant 0 : i32
        %dma_wait3A_1226 = tpu.memref_slice %arg2[%dma_wait3A_1224, %dma_wait3A_1225] : memref<10000x128xf32, #tpu.memory_space<hbm>> -> memref<10000x128xf32, #tpu.memory_space<hbm>>
        tpu.wait_indirect_dma semaphore(%arg14 : memref<!tpu.dma_semaphore, #tpu.memory_space<semaphore_mem>>) src(%dma_wait3A_1226 : memref<10000x128xf32, #tpu.memory_space<hbm>>) dst(%arg10 : memref<64x128xf32, #tpu.memory_space<vmem>>)
        %run_scoped3A_1227 = arith.constant 1 : i32
        "tpu.region"() ({
          %run_scoped3A_1258 = tpu.sem_alloc : memref<!tpu.dma_semaphore, #tpu.memory_space<semaphore_mem>>
          %dma_start3A_1259 = arith.constant 0 : i32
          %dma_start3A_1260 = tpu.memref_slice %arg7[%run_scoped3A_1227, %add3A_1219, %dma_start3A_1259] : memref<2x36x64xi32, #tpu.memory_space<vmem>> -> memref<1x1x64xi32, #tpu.memory_space<vmem>>
          %dma_start3A_1261 = tpu.memref_squeeze %dma_start3A_1260 : memref<1x1x64xi32, #tpu.memory_space<vmem>> -> memref<64xi32, #tpu.memory_space<vmem>>
          %dma_start3A_1262 = arith.constant 0 : i32
          %dma_start3A_1263 = arith.constant 0 : i32
          %dma_start3A_1264 = tpu.memref_slice %arg12[%dma_start3A_1262, %dma_start3A_1263] : memref<10240x128xf32, #tpu.memory_space<vmem_shared>> -> memref<10240x128xf32, #tpu.memory_space<vmem_shared>>
          tpu.enqueue_indirect_dma source(%arg10 : memref<64x128xf32, #tpu.memory_space<vmem>>) target(%dma_start3A_1264 : memref<10240x128xf32, #tpu.memory_space<vmem_shared>>) offsets(%dma_start3A_1261 : memref<64xi32, #tpu.memory_space<vmem>>) semaphore(%run_scoped3A_1258 : memref<!tpu.dma_semaphore, #tpu.memory_space<semaphore_mem>>) {add = true}
          %dma_wait3A_1265 = arith.constant 0 : i32
          %dma_wait3A_1266 = tpu.memref_slice %arg7[%run_scoped3A_1227, %add3A_1219, %dma_wait3A_1265] : memref<2x36x64xi32, #tpu.memory_space<vmem>> -> memref<1x1x64xi32, #tpu.memory_space<vmem>>
          %dma_wait3A_1267 = tpu.memref_squeeze %dma_wait3A_1266 : memref<1x1x64xi32, #tpu.memory_space<vmem>> -> memref<64xi32, #tpu.memory_space<vmem>>
          %dma_wait3A_1268 = arith.constant 0 : i32
          %dma_wait3A_1269 = arith.constant 0 : i32
          %dma_wait3A_1270 = tpu.memref_slice %arg12[%dma_wait3A_1268, %dma_wait3A_1269] : memref<10240x128xf32, #tpu.memory_space<vmem_shared>> -> memref<10240x128xf32, #tpu.memory_space<vmem_shared>>
          tpu.wait_indirect_dma semaphore(%run_scoped3A_1258 : memref<!tpu.dma_semaphore, #tpu.memory_space<semaphore_mem>>) src(%arg10 : memref<64x128xf32, #tpu.memory_space<vmem>>) dst(%dma_wait3A_1270 : memref<10240x128xf32, #tpu.memory_space<vmem_shared>>)
          tpu.yield
        }) : () -> ()
        %add3A_1228 = arith.constant 3 : i32
        %add3A_1229 = arith.addi %add3A_1219, %add3A_1228 : i32
        %dma_start3A_1230 = arith.constant 0 : i32
        %dma_start3A_1231 = arith.constant 0 : i32
        %dma_start3A_1232 = tpu.memref_slice %arg7[%dma_start3A_1230, %add3A_1229, %dma_start3A_1231] : memref<2x36x64xi32, #tpu.memory_space<vmem>> -> memref<1x1x64xi32, #tpu.memory_space<vmem>>
        %dma_start3A_1233 = tpu.memref_squeeze %dma_start3A_1232 : memref<1x1x64xi32, #tpu.memory_space<vmem>> -> memref<64xi32, #tpu.memory_space<vmem>>
        %dma_start3A_1234 = arith.constant 0 : i32
        %dma_start3A_1235 = arith.constant 0 : i32
        %dma_start3A_1236 = tpu.memref_slice %arg2[%dma_start3A_1234, %dma_start3A_1235] : memref<10000x128xf32, #tpu.memory_space<hbm>> -> memref<10000x128xf32, #tpu.memory_space<hbm>>
        tpu.enqueue_indirect_dma source(%dma_start3A_1236 : memref<10000x128xf32, #tpu.memory_space<hbm>>) target(%arg10 : memref<64x128xf32, #tpu.memory_space<vmem>>) offsets(%dma_start3A_1233 : memref<64xi32, #tpu.memory_space<vmem>>) semaphore(%arg14 : memref<!tpu.dma_semaphore, #tpu.memory_space<semaphore_mem>>)
        %mul3A_1237 = arith.constant 3 : i32
        %mul3A_1238 = arith.muli %scan3A_1195, %mul3A_1237 : i32
        %add3A_1239 = arith.constant 2 : i32
        %add3A_1240 = arith.addi %mul3A_1238, %add3A_1239 : i32
        %dma_wait3A_1241 = arith.constant 0 : i32
        %dma_wait3A_1242 = arith.constant 0 : i32
        %dma_wait3A_1243 = tpu.memref_slice %arg7[%dma_wait3A_1241, %add3A_1240, %dma_wait3A_1242] : memref<2x36x64xi32, #tpu.memory_space<vmem>> -> memref<1x1x64xi32, #tpu.memory_space<vmem>>
        %dma_wait3A_1244 = tpu.memref_squeeze %dma_wait3A_1243 : memref<1x1x64xi32, #tpu.memory_space<vmem>> -> memref<64xi32, #tpu.memory_space<vmem>>
        %dma_wait3A_1245 = arith.constant 0 : i32
        %dma_wait3A_1246 = arith.constant 0 : i32
        %dma_wait3A_1247 = tpu.memref_slice %arg2[%dma_wait3A_1245, %dma_wait3A_1246] : memref<10000x128xf32, #tpu.memory_space<hbm>> -> memref<10000x128xf32, #tpu.memory_space<hbm>>
        tpu.wait_indirect_dma semaphore(%arg15 : memref<!tpu.dma_semaphore, #tpu.memory_space<semaphore_mem>>) src(%dma_wait3A_1247 : memref<10000x128xf32, #tpu.memory_space<hbm>>) dst(%arg11 : memref<64x128xf32, #tpu.memory_space<vmem>>)
        %run_scoped3A_1248 = arith.constant 1 : i32
        "tpu.region"() ({
          %run_scoped3A_1258 = tpu.sem_alloc : memref<!tpu.dma_semaphore, #tpu.memory_space<semaphore_mem>>
          %dma_start3A_1259 = arith.constant 0 : i32
          %dma_start3A_1260 = tpu.memref_slice %arg7[%run_scoped3A_1248, %add3A_1240, %dma_start3A_1259] : memref<2x36x64xi32, #tpu.memory_space<vmem>> -> memref<1x1x64xi32, #tpu.memory_space<vmem>>
          %dma_start3A_1261 = tpu.memref_squeeze %dma_start3A_1260 : memref<1x1x64xi32, #tpu.memory_space<vmem>> -> memref<64xi32, #tpu.memory_space<vmem>>
          %dma_start3A_1262 = arith.constant 0 : i32
          %dma_start3A_1263 = arith.constant 0 : i32
          %dma_start3A_1264 = tpu.memref_slice %arg12[%dma_start3A_1262, %dma_start3A_1263] : memref<10240x128xf32, #tpu.memory_space<vmem_shared>> -> memref<10240x128xf32, #tpu.memory_space<vmem_shared>>
          tpu.enqueue_indirect_dma source(%arg11 : memref<64x128xf32, #tpu.memory_space<vmem>>) target(%dma_start3A_1264 : memref<10240x128xf32, #tpu.memory_space<vmem_shared>>) offsets(%dma_start3A_1261 : memref<64xi32, #tpu.memory_space<vmem>>) semaphore(%run_scoped3A_1258 : memref<!tpu.dma_semaphore, #tpu.memory_space<semaphore_mem>>) {add = true}
          %dma_wait3A_1265 = arith.constant 0 : i32
          %dma_wait3A_1266 = tpu.memref_slice %arg7[%run_scoped3A_1248, %add3A_1240, %dma_wait3A_1265] : memref<2x36x64xi32, #tpu.memory_space<vmem>> -> memref<1x1x64xi32, #tpu.memory_space<vmem>>
          %dma_wait3A_1267 = tpu.memref_squeeze %dma_wait3A_1266 : memref<1x1x64xi32, #tpu.memory_space<vmem>> -> memref<64xi32, #tpu.memory_space<vmem>>
          %dma_wait3A_1268 = arith.constant 0 : i32
          %dma_wait3A_1269 = arith.constant 0 : i32
          %dma_wait3A_1270 = tpu.memref_slice %arg12[%dma_wait3A_1268, %dma_wait3A_1269] : memref<10240x128xf32, #tpu.memory_space<vmem_shared>> -> memref<10240x128xf32, #tpu.memory_space<vmem_shared>>
          tpu.wait_indirect_dma semaphore(%run_scoped3A_1258 : memref<!tpu.dma_semaphore, #tpu.memory_space<semaphore_mem>>) src(%arg11 : memref<64x128xf32, #tpu.memory_space<vmem>>) dst(%dma_wait3A_1270 : memref<10240x128xf32, #tpu.memory_space<vmem_shared>>)
          tpu.yield
        }) : () -> ()
        %add3A_1249 = arith.constant 3 : i32
        %add3A_1250 = arith.addi %add3A_1240, %add3A_1249 : i32
        %dma_start3A_1251 = arith.constant 0 : i32
        %dma_start3A_1252 = arith.constant 0 : i32
        %dma_start3A_1253 = tpu.memref_slice %arg7[%dma_start3A_1251, %add3A_1250, %dma_start3A_1252] : memref<2x36x64xi32, #tpu.memory_space<vmem>> -> memref<1x1x64xi32, #tpu.memory_space<vmem>>
        %dma_start3A_1254 = tpu.memref_squeeze %dma_start3A_1253 : memref<1x1x64xi32, #tpu.memory_space<vmem>> -> memref<64xi32, #tpu.memory_space<vmem>>
        %dma_start3A_1255 = arith.constant 0 : i32
        %dma_start3A_1256 = arith.constant 0 : i32
        %dma_start3A_1257 = tpu.memref_slice %arg2[%dma_start3A_1255, %dma_start3A_1256] : memref<10000x128xf32, #tpu.memory_space<hbm>> -> memref<10000x128xf32, #tpu.memory_space<hbm>>
        tpu.enqueue_indirect_dma source(%dma_start3A_1257 : memref<10000x128xf32, #tpu.memory_space<hbm>>) target(%arg11 : memref<64x128xf32, #tpu.memory_space<vmem>>) offsets(%dma_start3A_1254 : memref<64xi32, #tpu.memory_space<vmem>>) semaphore(%arg15 : memref<!tpu.dma_semaphore, #tpu.memory_space<semaphore_mem>>)
      }
      %scan3A_671 = arith.constant 11 : i32
      %dma_wait3A_672 = arith.constant 0 : i32
      %dma_wait3A_673 = arith.constant 33 : i32
      %dma_wait3A_674 = arith.constant 0 : i32
      %dma_wait3A_675 = tpu.memref_slice %arg7[%dma_wait3A_672, %dma_wait3A_673, %dma_wait3A_674] : memref<2x36x64xi32, #tpu.memory_space<vmem>> -> memref<1x1x64xi32, #tpu.memory_space<vmem>>
      %dma_wait3A_676 = tpu.memref_squeeze %dma_wait3A_675 : memref<1x1x64xi32, #tpu.memory_space<vmem>> -> memref<64xi32, #tpu.memory_space<vmem>>
      %dma_wait3A_677 = arith.constant 0 : i32
      %dma_wait3A_678 = arith.constant 0 : i32
      %dma_wait3A_679 = tpu.memref_slice %arg2[%dma_wait3A_677, %dma_wait3A_678] : memref<10000x128xf32, #tpu.memory_space<hbm>> -> memref<10000x128xf32, #tpu.memory_space<hbm>>
      tpu.wait_indirect_dma semaphore(%arg13 : memref<!tpu.dma_semaphore, #tpu.memory_space<semaphore_mem>>) src(%dma_wait3A_679 : memref<10000x128xf32, #tpu.memory_space<hbm>>) dst(%arg9 : memref<64x128xf32, #tpu.memory_space<vmem>>)
      %run_scoped3A_680 = arith.constant 1 : i32
      %run_scoped3A_681 = arith.constant 33 : i32
      "tpu.region"() ({
        %run_scoped3A_1195 = tpu.sem_alloc : memref<!tpu.dma_semaphore, #tpu.memory_space<semaphore_mem>>
        %dma_start3A_1196 = arith.constant 0 : i32
        %dma_start3A_1197 = tpu.memref_slice %arg7[%run_scoped3A_680, %run_scoped3A_681, %dma_start3A_1196] : memref<2x36x64xi32, #tpu.memory_space<vmem>> -> memref<1x1x64xi32, #tpu.memory_space<vmem>>
        %dma_start3A_1198 = tpu.memref_squeeze %dma_start3A_1197 : memref<1x1x64xi32, #tpu.memory_space<vmem>> -> memref<64xi32, #tpu.memory_space<vmem>>
        %dma_start3A_1199 = arith.constant 0 : i32
        %dma_start3A_1200 = arith.constant 0 : i32
        %dma_start3A_1201 = tpu.memref_slice %arg12[%dma_start3A_1199, %dma_start3A_1200] : memref<10240x128xf32, #tpu.memory_space<vmem_shared>> -> memref<10240x128xf32, #tpu.memory_space<vmem_shared>>
        tpu.enqueue_indirect_dma source(%arg9 : memref<64x128xf32, #tpu.memory_space<vmem>>) target(%dma_start3A_1201 : memref<10240x128xf32, #tpu.memory_space<vmem_shared>>) offsets(%dma_start3A_1198 : memref<64xi32, #tpu.memory_space<vmem>>) semaphore(%run_scoped3A_1195 : memref<!tpu.dma_semaphore, #tpu.memory_space<semaphore_mem>>) {add = true}
        %dma_wait3A_1202 = arith.constant 0 : i32
        %dma_wait3A_1203 = tpu.memref_slice %arg7[%run_scoped3A_680, %run_scoped3A_681, %dma_wait3A_1202] : memref<2x36x64xi32, #tpu.memory_space<vmem>> -> memref<1x1x64xi32, #tpu.memory_space<vmem>>
        %dma_wait3A_1204 = tpu.memref_squeeze %dma_wait3A_1203 : memref<1x1x64xi32, #tpu.memory_space<vmem>> -> memref<64xi32, #tpu.memory_space<vmem>>
        %dma_wait3A_1205 = arith.constant 0 : i32
        %dma_wait3A_1206 = arith.constant 0 : i32
        %dma_wait3A_1207 = tpu.memref_slice %arg12[%dma_wait3A_1205, %dma_wait3A_1206] : memref<10240x128xf32, #tpu.memory_space<vmem_shared>> -> memref<10240x128xf32, #tpu.memory_space<vmem_shared>>
        tpu.wait_indirect_dma semaphore(%run_scoped3A_1195 : memref<!tpu.dma_semaphore, #tpu.memory_space<semaphore_mem>>) src(%arg9 : memref<64x128xf32, #tpu.memory_space<vmem>>) dst(%dma_wait3A_1207 : memref<10240x128xf32, #tpu.memory_space<vmem_shared>>)
        tpu.yield
      }) : () -> ()
      %dma_wait3A_682 = arith.constant 0 : i32
      %dma_wait3A_683 = arith.constant 34 : i32
      %dma_wait3A_684 = arith.constant 0 : i32
      %dma_wait3A_685 = tpu.memref_slice %arg7[%dma_wait3A_682, %dma_wait3A_683, %dma_wait3A_684] : memref<2x36x64xi32, #tpu.memory_space<vmem>> -> memref<1x1x64xi32, #tpu.memory_space<vmem>>
      %dma_wait3A_686 = tpu.memref_squeeze %dma_wait3A_685 : memref<1x1x64xi32, #tpu.memory_space<vmem>> -> memref<64xi32, #tpu.memory_space<vmem>>
      %dma_wait3A_687 = arith.constant 0 : i32
      %dma_wait3A_688 = arith.constant 0 : i32
      %dma_wait3A_689 = tpu.memref_slice %arg2[%dma_wait3A_687, %dma_wait3A_688] : memref<10000x128xf32, #tpu.memory_space<hbm>> -> memref<10000x128xf32, #tpu.memory_space<hbm>>
      tpu.wait_indirect_dma semaphore(%arg14 : memref<!tpu.dma_semaphore, #tpu.memory_space<semaphore_mem>>) src(%dma_wait3A_689 : memref<10000x128xf32, #tpu.memory_space<hbm>>) dst(%arg10 : memref<64x128xf32, #tpu.memory_space<vmem>>)
      %run_scoped3A_690 = arith.constant 1 : i32
      %run_scoped3A_691 = arith.constant 34 : i32
      "tpu.region"() ({
        %run_scoped3A_1195 = tpu.sem_alloc : memref<!tpu.dma_semaphore, #tpu.memory_space<semaphore_mem>>
        %dma_start3A_1196 = arith.constant 0 : i32
        %dma_start3A_1197 = tpu.memref_slice %arg7[%run_scoped3A_690, %run_scoped3A_691, %dma_start3A_1196] : memref<2x36x64xi32, #tpu.memory_space<vmem>> -> memref<1x1x64xi32, #tpu.memory_space<vmem>>
        %dma_start3A_1198 = tpu.memref_squeeze %dma_start3A_1197 : memref<1x1x64xi32, #tpu.memory_space<vmem>> -> memref<64xi32, #tpu.memory_space<vmem>>
        %dma_start3A_1199 = arith.constant 0 : i32
        %dma_start3A_1200 = arith.constant 0 : i32
        %dma_start3A_1201 = tpu.memref_slice %arg12[%dma_start3A_1199, %dma_start3A_1200] : memref<10240x128xf32, #tpu.memory_space<vmem_shared>> -> memref<10240x128xf32, #tpu.memory_space<vmem_shared>>
        tpu.enqueue_indirect_dma source(%arg10 : memref<64x128xf32, #tpu.memory_space<vmem>>) target(%dma_start3A_1201 : memref<10240x128xf32, #tpu.memory_space<vmem_shared>>) offsets(%dma_start3A_1198 : memref<64xi32, #tpu.memory_space<vmem>>) semaphore(%run_scoped3A_1195 : memref<!tpu.dma_semaphore, #tpu.memory_space<semaphore_mem>>) {add = true}
        %dma_wait3A_1202 = arith.constant 0 : i32
        %dma_wait3A_1203 = tpu.memref_slice %arg7[%run_scoped3A_690, %run_scoped3A_691, %dma_wait3A_1202] : memref<2x36x64xi32, #tpu.memory_space<vmem>> -> memref<1x1x64xi32, #tpu.memory_space<vmem>>
        %dma_wait3A_1204 = tpu.memref_squeeze %dma_wait3A_1203 : memref<1x1x64xi32, #tpu.memory_space<vmem>> -> memref<64xi32, #tpu.memory_space<vmem>>
        %dma_wait3A_1205 = arith.constant 0 : i32
        %dma_wait3A_1206 = arith.constant 0 : i32
        %dma_wait3A_1207 = tpu.memref_slice %arg12[%dma_wait3A_1205, %dma_wait3A_1206] : memref<10240x128xf32, #tpu.memory_space<vmem_shared>> -> memref<10240x128xf32, #tpu.memory_space<vmem_shared>>
        tpu.wait_indirect_dma semaphore(%run_scoped3A_1195 : memref<!tpu.dma_semaphore, #tpu.memory_space<semaphore_mem>>) src(%arg10 : memref<64x128xf32, #tpu.memory_space<vmem>>) dst(%dma_wait3A_1207 : memref<10240x128xf32, #tpu.memory_space<vmem_shared>>)
        tpu.yield
      }) : () -> ()
      %dma_wait3A_692 = arith.constant 0 : i32
      %dma_wait3A_693 = arith.constant 35 : i32
      %dma_wait3A_694 = arith.constant 0 : i32
      %dma_wait3A_695 = tpu.memref_slice %arg7[%dma_wait3A_692, %dma_wait3A_693, %dma_wait3A_694] : memref<2x36x64xi32, #tpu.memory_space<vmem>> -> memref<1x1x64xi32, #tpu.memory_space<vmem>>
      %dma_wait3A_696 = tpu.memref_squeeze %dma_wait3A_695 : memref<1x1x64xi32, #tpu.memory_space<vmem>> -> memref<64xi32, #tpu.memory_space<vmem>>
      %dma_wait3A_697 = arith.constant 0 : i32
      %dma_wait3A_698 = arith.constant 0 : i32
      %dma_wait3A_699 = tpu.memref_slice %arg2[%dma_wait3A_697, %dma_wait3A_698] : memref<10000x128xf32, #tpu.memory_space<hbm>> -> memref<10000x128xf32, #tpu.memory_space<hbm>>
      tpu.wait_indirect_dma semaphore(%arg15 : memref<!tpu.dma_semaphore, #tpu.memory_space<semaphore_mem>>) src(%dma_wait3A_699 : memref<10000x128xf32, #tpu.memory_space<hbm>>) dst(%arg11 : memref<64x128xf32, #tpu.memory_space<vmem>>)
      %run_scoped3A_700 = arith.constant 1 : i32
      %run_scoped3A_701 = arith.constant 35 : i32
      "tpu.region"() ({
        %run_scoped3A_1195 = tpu.sem_alloc : memref<!tpu.dma_semaphore, #tpu.memory_space<semaphore_mem>>
        %dma_start3A_1196 = arith.constant 0 : i32
        %dma_start3A_1197 = tpu.memref_slice %arg7[%run_scoped3A_700, %run_scoped3A_701, %dma_start3A_1196] : memref<2x36x64xi32, #tpu.memory_space<vmem>> -> memref<1x1x64xi32, #tpu.memory_space<vmem>>
        %dma_start3A_1198 = tpu.memref_squeeze %dma_start3A_1197 : memref<1x1x64xi32, #tpu.memory_space<vmem>> -> memref<64xi32, #tpu.memory_space<vmem>>
        %dma_start3A_1199 = arith.constant 0 : i32
        %dma_start3A_1200 = arith.constant 0 : i32
        %dma_start3A_1201 = tpu.memref_slice %arg12[%dma_start3A_1199, %dma_start3A_1200] : memref<10240x128xf32, #tpu.memory_space<vmem_shared>> -> memref<10240x128xf32, #tpu.memory_space<vmem_shared>>
        tpu.enqueue_indirect_dma source(%arg11 : memref<64x128xf32, #tpu.memory_space<vmem>>) target(%dma_start3A_1201 : memref<10240x128xf32, #tpu.memory_space<vmem_shared>>) offsets(%dma_start3A_1198 : memref<64xi32, #tpu.memory_space<vmem>>) semaphore(%run_scoped3A_1195 : memref<!tpu.dma_semaphore, #tpu.memory_space<semaphore_mem>>) {add = true}
        %dma_wait3A_1202 = arith.constant 0 : i32
        %dma_wait3A_1203 = tpu.memref_slice %arg7[%run_scoped3A_700, %run_scoped3A_701, %dma_wait3A_1202] : memref<2x36x64xi32, #tpu.memory_space<vmem>> -> memref<1x1x64xi32, #tpu.memory_space<vmem>>
        %dma_wait3A_1204 = tpu.memref_squeeze %dma_wait3A_1203 : memref<1x1x64xi32, #tpu.memory_space<vmem>> -> memref<64xi32, #tpu.memory_space<vmem>>
        %dma_wait3A_1205 = arith.constant 0 : i32
        %dma_wait3A_1206 = arith.constant 0 : i32
        %dma_wait3A_1207 = tpu.memref_slice %arg12[%dma_wait3A_1205, %dma_wait3A_1206] : memref<10240x128xf32, #tpu.memory_space<vmem_shared>> -> memref<10240x128xf32, #tpu.memory_space<vmem_shared>>
        tpu.wait_indirect_dma semaphore(%run_scoped3A_1195 : memref<!tpu.dma_semaphore, #tpu.memory_space<semaphore_mem>>) src(%arg11 : memref<64x128xf32, #tpu.memory_space<vmem>>) dst(%dma_wait3A_1207 : memref<10240x128xf32, #tpu.memory_space<vmem_shared>>)
        tpu.yield
      }) : () -> ()
      %dma_wait3A_702 = arith.constant 5 : i32
      %dma_wait3A_703 = arith.constant 0 : i32
      %dma_wait3A_704 = arith.constant 0 : i32
      %dma_wait3A_705 = arith.constant 0 : i32
      %dma_wait3A_706 = tpu.memref_slice %arg8[%dma_wait3A_703, %dma_wait3A_704, %dma_wait3A_705] : memref<2x36x64xi32, #tpu.memory_space<vmem>> -> memref<1x36x64xi32, #tpu.memory_space<vmem>>
      %dma_wait3A_707 = tpu.memref_squeeze %dma_wait3A_706 : memref<1x36x64xi32, #tpu.memory_space<vmem>> -> memref<36x64xi32, #tpu.memory_space<vmem>>
      %dma_wait3A_708 = arith.constant 0 : i32
      %dma_wait3A_709 = arith.constant 0 : i32
      %dma_wait3A_710 = tpu.memref_slice %arg3[%arg1, %dma_wait3A_702, %dma_wait3A_708, %dma_wait3A_709] : memref<16x9x36x64xi32, #tpu.memory_space<hbm>> -> memref<1x1x36x64xi32, #tpu.memory_space<hbm>>
      %dma_wait3A_711 = tpu.memref_squeeze %dma_wait3A_710 : memref<1x1x36x64xi32, #tpu.memory_space<hbm>> -> memref<36x64xi32, #tpu.memory_space<hbm>>
      %dma_wait3A_712 = arith.constant 0 : i32
      %dma_wait3A_713 = arith.constant 0 : i32
      %dma_wait3A_714 = tpu.memref_slice %arg8[%dma_wait3A_703, %dma_wait3A_712, %dma_wait3A_713] : memref<2x36x64xi32, #tpu.memory_space<vmem>> -> memref<1x36x64xi32, #tpu.memory_space<vmem>>
      %dma_wait3A_715 = tpu.memref_squeeze %dma_wait3A_714 : memref<1x36x64xi32, #tpu.memory_space<vmem>> -> memref<36x64xi32, #tpu.memory_space<vmem>>
      %dma_wait3A_716 = arith.constant 0 : i32
      %dma_wait3A_717 = arith.constant 0 : i32
      %dma_wait3A_718 = tpu.memref_slice %arg3[%arg1, %dma_wait3A_702, %dma_wait3A_716, %dma_wait3A_717] : memref<16x9x36x64xi32, #tpu.memory_space<hbm>> -> memref<1x1x36x64xi32, #tpu.memory_space<hbm>>
      %dma_wait3A_719 = tpu.memref_squeeze %dma_wait3A_718 : memref<1x1x36x64xi32, #tpu.memory_space<hbm>> -> memref<36x64xi32, #tpu.memory_space<hbm>>
      tpu.wait_dma2 semaphore(%arg17 : memref<!tpu.dma_semaphore, #tpu.memory_space<semaphore_mem>>) src(%dma_wait3A_719 : memref<36x64xi32, #tpu.memory_space<hbm>>) dst(%dma_wait3A_715 : memref<36x64xi32, #tpu.memory_space<vmem>>)
      %dma_wait3A_720 = arith.constant 5 : i32
      %dma_wait3A_721 = arith.constant 1 : i32
      %dma_wait3A_722 = arith.constant 0 : i32
      %dma_wait3A_723 = arith.constant 0 : i32
      %dma_wait3A_724 = tpu.memref_slice %arg8[%dma_wait3A_721, %dma_wait3A_722, %dma_wait3A_723] : memref<2x36x64xi32, #tpu.memory_space<vmem>> -> memref<1x36x64xi32, #tpu.memory_space<vmem>>
      %dma_wait3A_725 = tpu.memref_squeeze %dma_wait3A_724 : memref<1x36x64xi32, #tpu.memory_space<vmem>> -> memref<36x64xi32, #tpu.memory_space<vmem>>
      %dma_wait3A_726 = arith.constant 0 : i32
      %dma_wait3A_727 = arith.constant 0 : i32
      %dma_wait3A_728 = tpu.memref_slice %arg4[%arg1, %dma_wait3A_720, %dma_wait3A_726, %dma_wait3A_727] : memref<16x9x36x64xi32, #tpu.memory_space<hbm>> -> memref<1x1x36x64xi32, #tpu.memory_space<hbm>>
      %dma_wait3A_729 = tpu.memref_squeeze %dma_wait3A_728 : memref<1x1x36x64xi32, #tpu.memory_space<hbm>> -> memref<36x64xi32, #tpu.memory_space<hbm>>
      %dma_wait3A_730 = arith.constant 0 : i32
      %dma_wait3A_731 = arith.constant 0 : i32
      %dma_wait3A_732 = tpu.memref_slice %arg8[%dma_wait3A_721, %dma_wait3A_730, %dma_wait3A_731] : memref<2x36x64xi32, #tpu.memory_space<vmem>> -> memref<1x36x64xi32, #tpu.memory_space<vmem>>
      %dma_wait3A_733 = tpu.memref_squeeze %dma_wait3A_732 : memref<1x36x64xi32, #tpu.memory_space<vmem>> -> memref<36x64xi32, #tpu.memory_space<vmem>>
      %dma_wait3A_734 = arith.constant 0 : i32
      %dma_wait3A_735 = arith.constant 0 : i32
      %dma_wait3A_736 = tpu.memref_slice %arg4[%arg1, %dma_wait3A_720, %dma_wait3A_734, %dma_wait3A_735] : memref<16x9x36x64xi32, #tpu.memory_space<hbm>> -> memref<1x1x36x64xi32, #tpu.memory_space<hbm>>
      %dma_wait3A_737 = tpu.memref_squeeze %dma_wait3A_736 : memref<1x1x36x64xi32, #tpu.memory_space<hbm>> -> memref<36x64xi32, #tpu.memory_space<hbm>>
      tpu.wait_dma2 semaphore(%arg17 : memref<!tpu.dma_semaphore, #tpu.memory_space<semaphore_mem>>) src(%dma_wait3A_737 : memref<36x64xi32, #tpu.memory_space<hbm>>) dst(%dma_wait3A_733 : memref<36x64xi32, #tpu.memory_space<vmem>>)
      %dma_start3A_738 = arith.constant 6 : i32
      %dma_start3A_739 = arith.constant 0 : i32
      %dma_start3A_740 = arith.constant 0 : i32
      %dma_start3A_741 = arith.constant 0 : i32
      %dma_start3A_742 = tpu.memref_slice %arg7[%dma_start3A_739, %dma_start3A_740, %dma_start3A_741] : memref<2x36x64xi32, #tpu.memory_space<vmem>> -> memref<1x36x64xi32, #tpu.memory_space<vmem>>
      %dma_start3A_743 = tpu.memref_squeeze %dma_start3A_742 : memref<1x36x64xi32, #tpu.memory_space<vmem>> -> memref<36x64xi32, #tpu.memory_space<vmem>>
      %dma_start3A_744 = arith.constant 0 : i32
      %dma_start3A_745 = arith.constant 0 : i32
      %dma_start3A_746 = tpu.memref_slice %arg3[%arg1, %dma_start3A_738, %dma_start3A_744, %dma_start3A_745] : memref<16x9x36x64xi32, #tpu.memory_space<hbm>> -> memref<1x1x36x64xi32, #tpu.memory_space<hbm>>
      %dma_start3A_747 = tpu.memref_squeeze %dma_start3A_746 : memref<1x1x36x64xi32, #tpu.memory_space<hbm>> -> memref<36x64xi32, #tpu.memory_space<hbm>>
      %dma_start3A_748 = arith.constant 0 : i32
      %dma_start3A_749 = arith.constant 0 : i32
      %dma_start3A_750 = tpu.memref_slice %arg7[%dma_start3A_739, %dma_start3A_748, %dma_start3A_749] : memref<2x36x64xi32, #tpu.memory_space<vmem>> -> memref<1x36x64xi32, #tpu.memory_space<vmem>>
      %dma_start3A_751 = tpu.memref_squeeze %dma_start3A_750 : memref<1x36x64xi32, #tpu.memory_space<vmem>> -> memref<36x64xi32, #tpu.memory_space<vmem>>
      %dma_start3A_752 = arith.constant 0 : i32
      %dma_start3A_753 = arith.constant 0 : i32
      %dma_start3A_754 = tpu.memref_slice %arg3[%arg1, %dma_start3A_738, %dma_start3A_752, %dma_start3A_753] : memref<16x9x36x64xi32, #tpu.memory_space<hbm>> -> memref<1x1x36x64xi32, #tpu.memory_space<hbm>>
      %dma_start3A_755 = tpu.memref_squeeze %dma_start3A_754 : memref<1x1x36x64xi32, #tpu.memory_space<hbm>> -> memref<36x64xi32, #tpu.memory_space<hbm>>
      tpu.enqueue_dma source(%dma_start3A_755 : memref<36x64xi32, #tpu.memory_space<hbm>>) target(%dma_start3A_751 : memref<36x64xi32, #tpu.memory_space<vmem>>) target_semaphore(%arg16 : memref<!tpu.dma_semaphore, #tpu.memory_space<semaphore_mem>>)
      %dma_start3A_756 = arith.constant 6 : i32
      %dma_start3A_757 = arith.constant 1 : i32
      %dma_start3A_758 = arith.constant 0 : i32
      %dma_start3A_759 = arith.constant 0 : i32
      %dma_start3A_760 = tpu.memref_slice %arg7[%dma_start3A_757, %dma_start3A_758, %dma_start3A_759] : memref<2x36x64xi32, #tpu.memory_space<vmem>> -> memref<1x36x64xi32, #tpu.memory_space<vmem>>
      %dma_start3A_761 = tpu.memref_squeeze %dma_start3A_760 : memref<1x36x64xi32, #tpu.memory_space<vmem>> -> memref<36x64xi32, #tpu.memory_space<vmem>>
      %dma_start3A_762 = arith.constant 0 : i32
      %dma_start3A_763 = arith.constant 0 : i32
      %dma_start3A_764 = tpu.memref_slice %arg4[%arg1, %dma_start3A_756, %dma_start3A_762, %dma_start3A_763] : memref<16x9x36x64xi32, #tpu.memory_space<hbm>> -> memref<1x1x36x64xi32, #tpu.memory_space<hbm>>
      %dma_start3A_765 = tpu.memref_squeeze %dma_start3A_764 : memref<1x1x36x64xi32, #tpu.memory_space<hbm>> -> memref<36x64xi32, #tpu.memory_space<hbm>>
      %dma_start3A_766 = arith.constant 0 : i32
      %dma_start3A_767 = arith.constant 0 : i32
      %dma_start3A_768 = tpu.memref_slice %arg7[%dma_start3A_757, %dma_start3A_766, %dma_start3A_767] : memref<2x36x64xi32, #tpu.memory_space<vmem>> -> memref<1x36x64xi32, #tpu.memory_space<vmem>>
      %dma_start3A_769 = tpu.memref_squeeze %dma_start3A_768 : memref<1x36x64xi32, #tpu.memory_space<vmem>> -> memref<36x64xi32, #tpu.memory_space<vmem>>
      %dma_start3A_770 = arith.constant 0 : i32
      %dma_start3A_771 = arith.constant 0 : i32
      %dma_start3A_772 = tpu.memref_slice %arg4[%arg1, %dma_start3A_756, %dma_start3A_770, %dma_start3A_771] : memref<16x9x36x64xi32, #tpu.memory_space<hbm>> -> memref<1x1x36x64xi32, #tpu.memory_space<hbm>>
      %dma_start3A_773 = tpu.memref_squeeze %dma_start3A_772 : memref<1x1x36x64xi32, #tpu.memory_space<hbm>> -> memref<36x64xi32, #tpu.memory_space<hbm>>
      tpu.enqueue_dma source(%dma_start3A_773 : memref<36x64xi32, #tpu.memory_space<hbm>>) target(%dma_start3A_769 : memref<36x64xi32, #tpu.memory_space<vmem>>) target_semaphore(%arg16 : memref<!tpu.dma_semaphore, #tpu.memory_space<semaphore_mem>>)
      %dma_start3A_774 = arith.constant 0 : i32
      %dma_start3A_775 = arith.constant 0 : i32
      %dma_start3A_776 = arith.constant 0 : i32
      %dma_start3A_777 = tpu.memref_slice %arg8[%dma_start3A_774, %dma_start3A_775, %dma_start3A_776] : memref<2x36x64xi32, #tpu.memory_space<vmem>> -> memref<1x1x64xi32, #tpu.memory_space<vmem>>
      %dma_start3A_778 = tpu.memref_squeeze %dma_start3A_777 : memref<1x1x64xi32, #tpu.memory_space<vmem>> -> memref<64xi32, #tpu.memory_space<vmem>>
      %dma_start3A_779 = arith.constant 0 : i32
      %dma_start3A_780 = arith.constant 0 : i32
      %dma_start3A_781 = tpu.memref_slice %arg2[%dma_start3A_779, %dma_start3A_780] : memref<10000x128xf32, #tpu.memory_space<hbm>> -> memref<10000x128xf32, #tpu.memory_space<hbm>>
      tpu.enqueue_indirect_dma source(%dma_start3A_781 : memref<10000x128xf32, #tpu.memory_space<hbm>>) target(%arg9 : memref<64x128xf32, #tpu.memory_space<vmem>>) offsets(%dma_start3A_778 : memref<64xi32, #tpu.memory_space<vmem>>) semaphore(%arg13 : memref<!tpu.dma_semaphore, #tpu.memory_space<semaphore_mem>>)
      %dma_start3A_782 = arith.constant 0 : i32
      %dma_start3A_783 = arith.constant 1 : i32
      %dma_start3A_784 = arith.constant 0 : i32
      %dma_start3A_785 = tpu.memref_slice %arg8[%dma_start3A_782, %dma_start3A_783, %dma_start3A_784] : memref<2x36x64xi32, #tpu.memory_space<vmem>> -> memref<1x1x64xi32, #tpu.memory_space<vmem>>
      %dma_start3A_786 = tpu.memref_squeeze %dma_start3A_785 : memref<1x1x64xi32, #tpu.memory_space<vmem>> -> memref<64xi32, #tpu.memory_space<vmem>>
      %dma_start3A_787 = arith.constant 0 : i32
      %dma_start3A_788 = arith.constant 0 : i32
      %dma_start3A_789 = tpu.memref_slice %arg2[%dma_start3A_787, %dma_start3A_788] : memref<10000x128xf32, #tpu.memory_space<hbm>> -> memref<10000x128xf32, #tpu.memory_space<hbm>>
      tpu.enqueue_indirect_dma source(%dma_start3A_789 : memref<10000x128xf32, #tpu.memory_space<hbm>>) target(%arg10 : memref<64x128xf32, #tpu.memory_space<vmem>>) offsets(%dma_start3A_786 : memref<64xi32, #tpu.memory_space<vmem>>) semaphore(%arg14 : memref<!tpu.dma_semaphore, #tpu.memory_space<semaphore_mem>>)
      %dma_start3A_790 = arith.constant 0 : i32
      %dma_start3A_791 = arith.constant 2 : i32
      %dma_start3A_792 = arith.constant 0 : i32
      %dma_start3A_793 = tpu.memref_slice %arg8[%dma_start3A_790, %dma_start3A_791, %dma_start3A_792] : memref<2x36x64xi32, #tpu.memory_space<vmem>> -> memref<1x1x64xi32, #tpu.memory_space<vmem>>
      %dma_start3A_794 = tpu.memref_squeeze %dma_start3A_793 : memref<1x1x64xi32, #tpu.memory_space<vmem>> -> memref<64xi32, #tpu.memory_space<vmem>>
      %dma_start3A_795 = arith.constant 0 : i32
      %dma_start3A_796 = arith.constant 0 : i32
      %dma_start3A_797 = tpu.memref_slice %arg2[%dma_start3A_795, %dma_start3A_796] : memref<10000x128xf32, #tpu.memory_space<hbm>> -> memref<10000x128xf32, #tpu.memory_space<hbm>>
      tpu.enqueue_indirect_dma source(%dma_start3A_797 : memref<10000x128xf32, #tpu.memory_space<hbm>>) target(%arg11 : memref<64x128xf32, #tpu.memory_space<vmem>>) offsets(%dma_start3A_794 : memref<64xi32, #tpu.memory_space<vmem>>) semaphore(%arg15 : memref<!tpu.dma_semaphore, #tpu.memory_space<semaphore_mem>>)
      %scan3A_798 = arith.constant 0 : i32
      %scan3A_799 = arith.constant 11 : i32
      %scan3A_800 = arith.addi %scan3A_798, %scan3A_799 : i32
      %scan3A_801 = arith.constant 1 : i32
      scf.for %scan3A_1195 = %scan3A_798 to %scan3A_800 step %scan3A_801  : i32 {
        %mul3A_1196 = arith.constant 3 : i32
        %mul3A_1197 = arith.muli %scan3A_1195, %mul3A_1196 : i32
        %add3A = arith.constant 0 : i32
        %add3A_1198 = arith.addi %mul3A_1197, %add3A : i32
        %dma_wait3A_1199 = arith.constant 0 : i32
        %dma_wait3A_1200 = arith.constant 0 : i32
        %dma_wait3A_1201 = tpu.memref_slice %arg8[%dma_wait3A_1199, %add3A_1198, %dma_wait3A_1200] : memref<2x36x64xi32, #tpu.memory_space<vmem>> -> memref<1x1x64xi32, #tpu.memory_space<vmem>>
        %dma_wait3A_1202 = tpu.memref_squeeze %dma_wait3A_1201 : memref<1x1x64xi32, #tpu.memory_space<vmem>> -> memref<64xi32, #tpu.memory_space<vmem>>
        %dma_wait3A_1203 = arith.constant 0 : i32
        %dma_wait3A_1204 = arith.constant 0 : i32
        %dma_wait3A_1205 = tpu.memref_slice %arg2[%dma_wait3A_1203, %dma_wait3A_1204] : memref<10000x128xf32, #tpu.memory_space<hbm>> -> memref<10000x128xf32, #tpu.memory_space<hbm>>
        tpu.wait_indirect_dma semaphore(%arg13 : memref<!tpu.dma_semaphore, #tpu.memory_space<semaphore_mem>>) src(%dma_wait3A_1205 : memref<10000x128xf32, #tpu.memory_space<hbm>>) dst(%arg9 : memref<64x128xf32, #tpu.memory_space<vmem>>)
        %run_scoped3A_1206 = arith.constant 1 : i32
        "tpu.region"() ({
          %run_scoped3A_1258 = tpu.sem_alloc : memref<!tpu.dma_semaphore, #tpu.memory_space<semaphore_mem>>
          %dma_start3A_1259 = arith.constant 0 : i32
          %dma_start3A_1260 = tpu.memref_slice %arg8[%run_scoped3A_1206, %add3A_1198, %dma_start3A_1259] : memref<2x36x64xi32, #tpu.memory_space<vmem>> -> memref<1x1x64xi32, #tpu.memory_space<vmem>>
          %dma_start3A_1261 = tpu.memref_squeeze %dma_start3A_1260 : memref<1x1x64xi32, #tpu.memory_space<vmem>> -> memref<64xi32, #tpu.memory_space<vmem>>
          %dma_start3A_1262 = arith.constant 0 : i32
          %dma_start3A_1263 = arith.constant 0 : i32
          %dma_start3A_1264 = tpu.memref_slice %arg12[%dma_start3A_1262, %dma_start3A_1263] : memref<10240x128xf32, #tpu.memory_space<vmem_shared>> -> memref<10240x128xf32, #tpu.memory_space<vmem_shared>>
          tpu.enqueue_indirect_dma source(%arg9 : memref<64x128xf32, #tpu.memory_space<vmem>>) target(%dma_start3A_1264 : memref<10240x128xf32, #tpu.memory_space<vmem_shared>>) offsets(%dma_start3A_1261 : memref<64xi32, #tpu.memory_space<vmem>>) semaphore(%run_scoped3A_1258 : memref<!tpu.dma_semaphore, #tpu.memory_space<semaphore_mem>>) {add = true}
          %dma_wait3A_1265 = arith.constant 0 : i32
          %dma_wait3A_1266 = tpu.memref_slice %arg8[%run_scoped3A_1206, %add3A_1198, %dma_wait3A_1265] : memref<2x36x64xi32, #tpu.memory_space<vmem>> -> memref<1x1x64xi32, #tpu.memory_space<vmem>>
          %dma_wait3A_1267 = tpu.memref_squeeze %dma_wait3A_1266 : memref<1x1x64xi32, #tpu.memory_space<vmem>> -> memref<64xi32, #tpu.memory_space<vmem>>
          %dma_wait3A_1268 = arith.constant 0 : i32
          %dma_wait3A_1269 = arith.constant 0 : i32
          %dma_wait3A_1270 = tpu.memref_slice %arg12[%dma_wait3A_1268, %dma_wait3A_1269] : memref<10240x128xf32, #tpu.memory_space<vmem_shared>> -> memref<10240x128xf32, #tpu.memory_space<vmem_shared>>
          tpu.wait_indirect_dma semaphore(%run_scoped3A_1258 : memref<!tpu.dma_semaphore, #tpu.memory_space<semaphore_mem>>) src(%arg9 : memref<64x128xf32, #tpu.memory_space<vmem>>) dst(%dma_wait3A_1270 : memref<10240x128xf32, #tpu.memory_space<vmem_shared>>)
          tpu.yield
        }) : () -> ()
        %add3A_1207 = arith.constant 3 : i32
        %add3A_1208 = arith.addi %add3A_1198, %add3A_1207 : i32
        %dma_start3A_1209 = arith.constant 0 : i32
        %dma_start3A_1210 = arith.constant 0 : i32
        %dma_start3A_1211 = tpu.memref_slice %arg8[%dma_start3A_1209, %add3A_1208, %dma_start3A_1210] : memref<2x36x64xi32, #tpu.memory_space<vmem>> -> memref<1x1x64xi32, #tpu.memory_space<vmem>>
        %dma_start3A_1212 = tpu.memref_squeeze %dma_start3A_1211 : memref<1x1x64xi32, #tpu.memory_space<vmem>> -> memref<64xi32, #tpu.memory_space<vmem>>
        %dma_start3A_1213 = arith.constant 0 : i32
        %dma_start3A_1214 = arith.constant 0 : i32
        %dma_start3A_1215 = tpu.memref_slice %arg2[%dma_start3A_1213, %dma_start3A_1214] : memref<10000x128xf32, #tpu.memory_space<hbm>> -> memref<10000x128xf32, #tpu.memory_space<hbm>>
        tpu.enqueue_indirect_dma source(%dma_start3A_1215 : memref<10000x128xf32, #tpu.memory_space<hbm>>) target(%arg9 : memref<64x128xf32, #tpu.memory_space<vmem>>) offsets(%dma_start3A_1212 : memref<64xi32, #tpu.memory_space<vmem>>) semaphore(%arg13 : memref<!tpu.dma_semaphore, #tpu.memory_space<semaphore_mem>>)
        %mul3A_1216 = arith.constant 3 : i32
        %mul3A_1217 = arith.muli %scan3A_1195, %mul3A_1216 : i32
        %add3A_1218 = arith.constant 1 : i32
        %add3A_1219 = arith.addi %mul3A_1217, %add3A_1218 : i32
        %dma_wait3A_1220 = arith.constant 0 : i32
        %dma_wait3A_1221 = arith.constant 0 : i32
        %dma_wait3A_1222 = tpu.memref_slice %arg8[%dma_wait3A_1220, %add3A_1219, %dma_wait3A_1221] : memref<2x36x64xi32, #tpu.memory_space<vmem>> -> memref<1x1x64xi32, #tpu.memory_space<vmem>>
        %dma_wait3A_1223 = tpu.memref_squeeze %dma_wait3A_1222 : memref<1x1x64xi32, #tpu.memory_space<vmem>> -> memref<64xi32, #tpu.memory_space<vmem>>
        %dma_wait3A_1224 = arith.constant 0 : i32
        %dma_wait3A_1225 = arith.constant 0 : i32
        %dma_wait3A_1226 = tpu.memref_slice %arg2[%dma_wait3A_1224, %dma_wait3A_1225] : memref<10000x128xf32, #tpu.memory_space<hbm>> -> memref<10000x128xf32, #tpu.memory_space<hbm>>
        tpu.wait_indirect_dma semaphore(%arg14 : memref<!tpu.dma_semaphore, #tpu.memory_space<semaphore_mem>>) src(%dma_wait3A_1226 : memref<10000x128xf32, #tpu.memory_space<hbm>>) dst(%arg10 : memref<64x128xf32, #tpu.memory_space<vmem>>)
        %run_scoped3A_1227 = arith.constant 1 : i32
        "tpu.region"() ({
          %run_scoped3A_1258 = tpu.sem_alloc : memref<!tpu.dma_semaphore, #tpu.memory_space<semaphore_mem>>
          %dma_start3A_1259 = arith.constant 0 : i32
          %dma_start3A_1260 = tpu.memref_slice %arg8[%run_scoped3A_1227, %add3A_1219, %dma_start3A_1259] : memref<2x36x64xi32, #tpu.memory_space<vmem>> -> memref<1x1x64xi32, #tpu.memory_space<vmem>>
          %dma_start3A_1261 = tpu.memref_squeeze %dma_start3A_1260 : memref<1x1x64xi32, #tpu.memory_space<vmem>> -> memref<64xi32, #tpu.memory_space<vmem>>
          %dma_start3A_1262 = arith.constant 0 : i32
          %dma_start3A_1263 = arith.constant 0 : i32
          %dma_start3A_1264 = tpu.memref_slice %arg12[%dma_start3A_1262, %dma_start3A_1263] : memref<10240x128xf32, #tpu.memory_space<vmem_shared>> -> memref<10240x128xf32, #tpu.memory_space<vmem_shared>>
          tpu.enqueue_indirect_dma source(%arg10 : memref<64x128xf32, #tpu.memory_space<vmem>>) target(%dma_start3A_1264 : memref<10240x128xf32, #tpu.memory_space<vmem_shared>>) offsets(%dma_start3A_1261 : memref<64xi32, #tpu.memory_space<vmem>>) semaphore(%run_scoped3A_1258 : memref<!tpu.dma_semaphore, #tpu.memory_space<semaphore_mem>>) {add = true}
          %dma_wait3A_1265 = arith.constant 0 : i32
          %dma_wait3A_1266 = tpu.memref_slice %arg8[%run_scoped3A_1227, %add3A_1219, %dma_wait3A_1265] : memref<2x36x64xi32, #tpu.memory_space<vmem>> -> memref<1x1x64xi32, #tpu.memory_space<vmem>>
          %dma_wait3A_1267 = tpu.memref_squeeze %dma_wait3A_1266 : memref<1x1x64xi32, #tpu.memory_space<vmem>> -> memref<64xi32, #tpu.memory_space<vmem>>
          %dma_wait3A_1268 = arith.constant 0 : i32
          %dma_wait3A_1269 = arith.constant 0 : i32
          %dma_wait3A_1270 = tpu.memref_slice %arg12[%dma_wait3A_1268, %dma_wait3A_1269] : memref<10240x128xf32, #tpu.memory_space<vmem_shared>> -> memref<10240x128xf32, #tpu.memory_space<vmem_shared>>
          tpu.wait_indirect_dma semaphore(%run_scoped3A_1258 : memref<!tpu.dma_semaphore, #tpu.memory_space<semaphore_mem>>) src(%arg10 : memref<64x128xf32, #tpu.memory_space<vmem>>) dst(%dma_wait3A_1270 : memref<10240x128xf32, #tpu.memory_space<vmem_shared>>)
          tpu.yield
        }) : () -> ()
        %add3A_1228 = arith.constant 3 : i32
        %add3A_1229 = arith.addi %add3A_1219, %add3A_1228 : i32
        %dma_start3A_1230 = arith.constant 0 : i32
        %dma_start3A_1231 = arith.constant 0 : i32
        %dma_start3A_1232 = tpu.memref_slice %arg8[%dma_start3A_1230, %add3A_1229, %dma_start3A_1231] : memref<2x36x64xi32, #tpu.memory_space<vmem>> -> memref<1x1x64xi32, #tpu.memory_space<vmem>>
        %dma_start3A_1233 = tpu.memref_squeeze %dma_start3A_1232 : memref<1x1x64xi32, #tpu.memory_space<vmem>> -> memref<64xi32, #tpu.memory_space<vmem>>
        %dma_start3A_1234 = arith.constant 0 : i32
        %dma_start3A_1235 = arith.constant 0 : i32
        %dma_start3A_1236 = tpu.memref_slice %arg2[%dma_start3A_1234, %dma_start3A_1235] : memref<10000x128xf32, #tpu.memory_space<hbm>> -> memref<10000x128xf32, #tpu.memory_space<hbm>>
        tpu.enqueue_indirect_dma source(%dma_start3A_1236 : memref<10000x128xf32, #tpu.memory_space<hbm>>) target(%arg10 : memref<64x128xf32, #tpu.memory_space<vmem>>) offsets(%dma_start3A_1233 : memref<64xi32, #tpu.memory_space<vmem>>) semaphore(%arg14 : memref<!tpu.dma_semaphore, #tpu.memory_space<semaphore_mem>>)
        %mul3A_1237 = arith.constant 3 : i32
        %mul3A_1238 = arith.muli %scan3A_1195, %mul3A_1237 : i32
        %add3A_1239 = arith.constant 2 : i32
        %add3A_1240 = arith.addi %mul3A_1238, %add3A_1239 : i32
        %dma_wait3A_1241 = arith.constant 0 : i32
        %dma_wait3A_1242 = arith.constant 0 : i32
        %dma_wait3A_1243 = tpu.memref_slice %arg8[%dma_wait3A_1241, %add3A_1240, %dma_wait3A_1242] : memref<2x36x64xi32, #tpu.memory_space<vmem>> -> memref<1x1x64xi32, #tpu.memory_space<vmem>>
        %dma_wait3A_1244 = tpu.memref_squeeze %dma_wait3A_1243 : memref<1x1x64xi32, #tpu.memory_space<vmem>> -> memref<64xi32, #tpu.memory_space<vmem>>
        %dma_wait3A_1245 = arith.constant 0 : i32
        %dma_wait3A_1246 = arith.constant 0 : i32
        %dma_wait3A_1247 = tpu.memref_slice %arg2[%dma_wait3A_1245, %dma_wait3A_1246] : memref<10000x128xf32, #tpu.memory_space<hbm>> -> memref<10000x128xf32, #tpu.memory_space<hbm>>
        tpu.wait_indirect_dma semaphore(%arg15 : memref<!tpu.dma_semaphore, #tpu.memory_space<semaphore_mem>>) src(%dma_wait3A_1247 : memref<10000x128xf32, #tpu.memory_space<hbm>>) dst(%arg11 : memref<64x128xf32, #tpu.memory_space<vmem>>)
        %run_scoped3A_1248 = arith.constant 1 : i32
        "tpu.region"() ({
          %run_scoped3A_1258 = tpu.sem_alloc : memref<!tpu.dma_semaphore, #tpu.memory_space<semaphore_mem>>
          %dma_start3A_1259 = arith.constant 0 : i32
          %dma_start3A_1260 = tpu.memref_slice %arg8[%run_scoped3A_1248, %add3A_1240, %dma_start3A_1259] : memref<2x36x64xi32, #tpu.memory_space<vmem>> -> memref<1x1x64xi32, #tpu.memory_space<vmem>>
          %dma_start3A_1261 = tpu.memref_squeeze %dma_start3A_1260 : memref<1x1x64xi32, #tpu.memory_space<vmem>> -> memref<64xi32, #tpu.memory_space<vmem>>
          %dma_start3A_1262 = arith.constant 0 : i32
          %dma_start3A_1263 = arith.constant 0 : i32
          %dma_start3A_1264 = tpu.memref_slice %arg12[%dma_start3A_1262, %dma_start3A_1263] : memref<10240x128xf32, #tpu.memory_space<vmem_shared>> -> memref<10240x128xf32, #tpu.memory_space<vmem_shared>>
          tpu.enqueue_indirect_dma source(%arg11 : memref<64x128xf32, #tpu.memory_space<vmem>>) target(%dma_start3A_1264 : memref<10240x128xf32, #tpu.memory_space<vmem_shared>>) offsets(%dma_start3A_1261 : memref<64xi32, #tpu.memory_space<vmem>>) semaphore(%run_scoped3A_1258 : memref<!tpu.dma_semaphore, #tpu.memory_space<semaphore_mem>>) {add = true}
          %dma_wait3A_1265 = arith.constant 0 : i32
          %dma_wait3A_1266 = tpu.memref_slice %arg8[%run_scoped3A_1248, %add3A_1240, %dma_wait3A_1265] : memref<2x36x64xi32, #tpu.memory_space<vmem>> -> memref<1x1x64xi32, #tpu.memory_space<vmem>>
          %dma_wait3A_1267 = tpu.memref_squeeze %dma_wait3A_1266 : memref<1x1x64xi32, #tpu.memory_space<vmem>> -> memref<64xi32, #tpu.memory_space<vmem>>
          %dma_wait3A_1268 = arith.constant 0 : i32
          %dma_wait3A_1269 = arith.constant 0 : i32
          %dma_wait3A_1270 = tpu.memref_slice %arg12[%dma_wait3A_1268, %dma_wait3A_1269] : memref<10240x128xf32, #tpu.memory_space<vmem_shared>> -> memref<10240x128xf32, #tpu.memory_space<vmem_shared>>
          tpu.wait_indirect_dma semaphore(%run_scoped3A_1258 : memref<!tpu.dma_semaphore, #tpu.memory_space<semaphore_mem>>) src(%arg11 : memref<64x128xf32, #tpu.memory_space<vmem>>) dst(%dma_wait3A_1270 : memref<10240x128xf32, #tpu.memory_space<vmem_shared>>)
          tpu.yield
        }) : () -> ()
        %add3A_1249 = arith.constant 3 : i32
        %add3A_1250 = arith.addi %add3A_1240, %add3A_1249 : i32
        %dma_start3A_1251 = arith.constant 0 : i32
        %dma_start3A_1252 = arith.constant 0 : i32
        %dma_start3A_1253 = tpu.memref_slice %arg8[%dma_start3A_1251, %add3A_1250, %dma_start3A_1252] : memref<2x36x64xi32, #tpu.memory_space<vmem>> -> memref<1x1x64xi32, #tpu.memory_space<vmem>>
        %dma_start3A_1254 = tpu.memref_squeeze %dma_start3A_1253 : memref<1x1x64xi32, #tpu.memory_space<vmem>> -> memref<64xi32, #tpu.memory_space<vmem>>
        %dma_start3A_1255 = arith.constant 0 : i32
        %dma_start3A_1256 = arith.constant 0 : i32
        %dma_start3A_1257 = tpu.memref_slice %arg2[%dma_start3A_1255, %dma_start3A_1256] : memref<10000x128xf32, #tpu.memory_space<hbm>> -> memref<10000x128xf32, #tpu.memory_space<hbm>>
        tpu.enqueue_indirect_dma source(%dma_start3A_1257 : memref<10000x128xf32, #tpu.memory_space<hbm>>) target(%arg11 : memref<64x128xf32, #tpu.memory_space<vmem>>) offsets(%dma_start3A_1254 : memref<64xi32, #tpu.memory_space<vmem>>) semaphore(%arg15 : memref<!tpu.dma_semaphore, #tpu.memory_space<semaphore_mem>>)
      }
      %scan3A_802 = arith.constant 11 : i32
      %dma_wait3A_803 = arith.constant 0 : i32
      %dma_wait3A_804 = arith.constant 33 : i32
      %dma_wait3A_805 = arith.constant 0 : i32
      %dma_wait3A_806 = tpu.memref_slice %arg8[%dma_wait3A_803, %dma_wait3A_804, %dma_wait3A_805] : memref<2x36x64xi32, #tpu.memory_space<vmem>> -> memref<1x1x64xi32, #tpu.memory_space<vmem>>
      %dma_wait3A_807 = tpu.memref_squeeze %dma_wait3A_806 : memref<1x1x64xi32, #tpu.memory_space<vmem>> -> memref<64xi32, #tpu.memory_space<vmem>>
      %dma_wait3A_808 = arith.constant 0 : i32
      %dma_wait3A_809 = arith.constant 0 : i32
      %dma_wait3A_810 = tpu.memref_slice %arg2[%dma_wait3A_808, %dma_wait3A_809] : memref<10000x128xf32, #tpu.memory_space<hbm>> -> memref<10000x128xf32, #tpu.memory_space<hbm>>
      tpu.wait_indirect_dma semaphore(%arg13 : memref<!tpu.dma_semaphore, #tpu.memory_space<semaphore_mem>>) src(%dma_wait3A_810 : memref<10000x128xf32, #tpu.memory_space<hbm>>) dst(%arg9 : memref<64x128xf32, #tpu.memory_space<vmem>>)
      %run_scoped3A_811 = arith.constant 1 : i32
      %run_scoped3A_812 = arith.constant 33 : i32
      "tpu.region"() ({
        %run_scoped3A_1195 = tpu.sem_alloc : memref<!tpu.dma_semaphore, #tpu.memory_space<semaphore_mem>>
        %dma_start3A_1196 = arith.constant 0 : i32
        %dma_start3A_1197 = tpu.memref_slice %arg8[%run_scoped3A_811, %run_scoped3A_812, %dma_start3A_1196] : memref<2x36x64xi32, #tpu.memory_space<vmem>> -> memref<1x1x64xi32, #tpu.memory_space<vmem>>
        %dma_start3A_1198 = tpu.memref_squeeze %dma_start3A_1197 : memref<1x1x64xi32, #tpu.memory_space<vmem>> -> memref<64xi32, #tpu.memory_space<vmem>>
        %dma_start3A_1199 = arith.constant 0 : i32
        %dma_start3A_1200 = arith.constant 0 : i32
        %dma_start3A_1201 = tpu.memref_slice %arg12[%dma_start3A_1199, %dma_start3A_1200] : memref<10240x128xf32, #tpu.memory_space<vmem_shared>> -> memref<10240x128xf32, #tpu.memory_space<vmem_shared>>
        tpu.enqueue_indirect_dma source(%arg9 : memref<64x128xf32, #tpu.memory_space<vmem>>) target(%dma_start3A_1201 : memref<10240x128xf32, #tpu.memory_space<vmem_shared>>) offsets(%dma_start3A_1198 : memref<64xi32, #tpu.memory_space<vmem>>) semaphore(%run_scoped3A_1195 : memref<!tpu.dma_semaphore, #tpu.memory_space<semaphore_mem>>) {add = true}
        %dma_wait3A_1202 = arith.constant 0 : i32
        %dma_wait3A_1203 = tpu.memref_slice %arg8[%run_scoped3A_811, %run_scoped3A_812, %dma_wait3A_1202] : memref<2x36x64xi32, #tpu.memory_space<vmem>> -> memref<1x1x64xi32, #tpu.memory_space<vmem>>
        %dma_wait3A_1204 = tpu.memref_squeeze %dma_wait3A_1203 : memref<1x1x64xi32, #tpu.memory_space<vmem>> -> memref<64xi32, #tpu.memory_space<vmem>>
        %dma_wait3A_1205 = arith.constant 0 : i32
        %dma_wait3A_1206 = arith.constant 0 : i32
        %dma_wait3A_1207 = tpu.memref_slice %arg12[%dma_wait3A_1205, %dma_wait3A_1206] : memref<10240x128xf32, #tpu.memory_space<vmem_shared>> -> memref<10240x128xf32, #tpu.memory_space<vmem_shared>>
        tpu.wait_indirect_dma semaphore(%run_scoped3A_1195 : memref<!tpu.dma_semaphore, #tpu.memory_space<semaphore_mem>>) src(%arg9 : memref<64x128xf32, #tpu.memory_space<vmem>>) dst(%dma_wait3A_1207 : memref<10240x128xf32, #tpu.memory_space<vmem_shared>>)
        tpu.yield
      }) : () -> ()
      %dma_wait3A_813 = arith.constant 0 : i32
      %dma_wait3A_814 = arith.constant 34 : i32
      %dma_wait3A_815 = arith.constant 0 : i32
      %dma_wait3A_816 = tpu.memref_slice %arg8[%dma_wait3A_813, %dma_wait3A_814, %dma_wait3A_815] : memref<2x36x64xi32, #tpu.memory_space<vmem>> -> memref<1x1x64xi32, #tpu.memory_space<vmem>>
      %dma_wait3A_817 = tpu.memref_squeeze %dma_wait3A_816 : memref<1x1x64xi32, #tpu.memory_space<vmem>> -> memref<64xi32, #tpu.memory_space<vmem>>
      %dma_wait3A_818 = arith.constant 0 : i32
      %dma_wait3A_819 = arith.constant 0 : i32
      %dma_wait3A_820 = tpu.memref_slice %arg2[%dma_wait3A_818, %dma_wait3A_819] : memref<10000x128xf32, #tpu.memory_space<hbm>> -> memref<10000x128xf32, #tpu.memory_space<hbm>>
      tpu.wait_indirect_dma semaphore(%arg14 : memref<!tpu.dma_semaphore, #tpu.memory_space<semaphore_mem>>) src(%dma_wait3A_820 : memref<10000x128xf32, #tpu.memory_space<hbm>>) dst(%arg10 : memref<64x128xf32, #tpu.memory_space<vmem>>)
      %run_scoped3A_821 = arith.constant 1 : i32
      %run_scoped3A_822 = arith.constant 34 : i32
      "tpu.region"() ({
        %run_scoped3A_1195 = tpu.sem_alloc : memref<!tpu.dma_semaphore, #tpu.memory_space<semaphore_mem>>
        %dma_start3A_1196 = arith.constant 0 : i32
        %dma_start3A_1197 = tpu.memref_slice %arg8[%run_scoped3A_821, %run_scoped3A_822, %dma_start3A_1196] : memref<2x36x64xi32, #tpu.memory_space<vmem>> -> memref<1x1x64xi32, #tpu.memory_space<vmem>>
        %dma_start3A_1198 = tpu.memref_squeeze %dma_start3A_1197 : memref<1x1x64xi32, #tpu.memory_space<vmem>> -> memref<64xi32, #tpu.memory_space<vmem>>
        %dma_start3A_1199 = arith.constant 0 : i32
        %dma_start3A_1200 = arith.constant 0 : i32
        %dma_start3A_1201 = tpu.memref_slice %arg12[%dma_start3A_1199, %dma_start3A_1200] : memref<10240x128xf32, #tpu.memory_space<vmem_shared>> -> memref<10240x128xf32, #tpu.memory_space<vmem_shared>>
        tpu.enqueue_indirect_dma source(%arg10 : memref<64x128xf32, #tpu.memory_space<vmem>>) target(%dma_start3A_1201 : memref<10240x128xf32, #tpu.memory_space<vmem_shared>>) offsets(%dma_start3A_1198 : memref<64xi32, #tpu.memory_space<vmem>>) semaphore(%run_scoped3A_1195 : memref<!tpu.dma_semaphore, #tpu.memory_space<semaphore_mem>>) {add = true}
        %dma_wait3A_1202 = arith.constant 0 : i32
        %dma_wait3A_1203 = tpu.memref_slice %arg8[%run_scoped3A_821, %run_scoped3A_822, %dma_wait3A_1202] : memref<2x36x64xi32, #tpu.memory_space<vmem>> -> memref<1x1x64xi32, #tpu.memory_space<vmem>>
        %dma_wait3A_1204 = tpu.memref_squeeze %dma_wait3A_1203 : memref<1x1x64xi32, #tpu.memory_space<vmem>> -> memref<64xi32, #tpu.memory_space<vmem>>
        %dma_wait3A_1205 = arith.constant 0 : i32
        %dma_wait3A_1206 = arith.constant 0 : i32
        %dma_wait3A_1207 = tpu.memref_slice %arg12[%dma_wait3A_1205, %dma_wait3A_1206] : memref<10240x128xf32, #tpu.memory_space<vmem_shared>> -> memref<10240x128xf32, #tpu.memory_space<vmem_shared>>
        tpu.wait_indirect_dma semaphore(%run_scoped3A_1195 : memref<!tpu.dma_semaphore, #tpu.memory_space<semaphore_mem>>) src(%arg10 : memref<64x128xf32, #tpu.memory_space<vmem>>) dst(%dma_wait3A_1207 : memref<10240x128xf32, #tpu.memory_space<vmem_shared>>)
        tpu.yield
      }) : () -> ()
      %dma_wait3A_823 = arith.constant 0 : i32
      %dma_wait3A_824 = arith.constant 35 : i32
      %dma_wait3A_825 = arith.constant 0 : i32
      %dma_wait3A_826 = tpu.memref_slice %arg8[%dma_wait3A_823, %dma_wait3A_824, %dma_wait3A_825] : memref<2x36x64xi32, #tpu.memory_space<vmem>> -> memref<1x1x64xi32, #tpu.memory_space<vmem>>
      %dma_wait3A_827 = tpu.memref_squeeze %dma_wait3A_826 : memref<1x1x64xi32, #tpu.memory_space<vmem>> -> memref<64xi32, #tpu.memory_space<vmem>>
      %dma_wait3A_828 = arith.constant 0 : i32
      %dma_wait3A_829 = arith.constant 0 : i32
      %dma_wait3A_830 = tpu.memref_slice %arg2[%dma_wait3A_828, %dma_wait3A_829] : memref<10000x128xf32, #tpu.memory_space<hbm>> -> memref<10000x128xf32, #tpu.memory_space<hbm>>
      tpu.wait_indirect_dma semaphore(%arg15 : memref<!tpu.dma_semaphore, #tpu.memory_space<semaphore_mem>>) src(%dma_wait3A_830 : memref<10000x128xf32, #tpu.memory_space<hbm>>) dst(%arg11 : memref<64x128xf32, #tpu.memory_space<vmem>>)
      %run_scoped3A_831 = arith.constant 1 : i32
      %run_scoped3A_832 = arith.constant 35 : i32
      "tpu.region"() ({
        %run_scoped3A_1195 = tpu.sem_alloc : memref<!tpu.dma_semaphore, #tpu.memory_space<semaphore_mem>>
        %dma_start3A_1196 = arith.constant 0 : i32
        %dma_start3A_1197 = tpu.memref_slice %arg8[%run_scoped3A_831, %run_scoped3A_832, %dma_start3A_1196] : memref<2x36x64xi32, #tpu.memory_space<vmem>> -> memref<1x1x64xi32, #tpu.memory_space<vmem>>
        %dma_start3A_1198 = tpu.memref_squeeze %dma_start3A_1197 : memref<1x1x64xi32, #tpu.memory_space<vmem>> -> memref<64xi32, #tpu.memory_space<vmem>>
        %dma_start3A_1199 = arith.constant 0 : i32
        %dma_start3A_1200 = arith.constant 0 : i32
        %dma_start3A_1201 = tpu.memref_slice %arg12[%dma_start3A_1199, %dma_start3A_1200] : memref<10240x128xf32, #tpu.memory_space<vmem_shared>> -> memref<10240x128xf32, #tpu.memory_space<vmem_shared>>
        tpu.enqueue_indirect_dma source(%arg11 : memref<64x128xf32, #tpu.memory_space<vmem>>) target(%dma_start3A_1201 : memref<10240x128xf32, #tpu.memory_space<vmem_shared>>) offsets(%dma_start3A_1198 : memref<64xi32, #tpu.memory_space<vmem>>) semaphore(%run_scoped3A_1195 : memref<!tpu.dma_semaphore, #tpu.memory_space<semaphore_mem>>) {add = true}
        %dma_wait3A_1202 = arith.constant 0 : i32
        %dma_wait3A_1203 = tpu.memref_slice %arg8[%run_scoped3A_831, %run_scoped3A_832, %dma_wait3A_1202] : memref<2x36x64xi32, #tpu.memory_space<vmem>> -> memref<1x1x64xi32, #tpu.memory_space<vmem>>
        %dma_wait3A_1204 = tpu.memref_squeeze %dma_wait3A_1203 : memref<1x1x64xi32, #tpu.memory_space<vmem>> -> memref<64xi32, #tpu.memory_space<vmem>>
        %dma_wait3A_1205 = arith.constant 0 : i32
        %dma_wait3A_1206 = arith.constant 0 : i32
        %dma_wait3A_1207 = tpu.memref_slice %arg12[%dma_wait3A_1205, %dma_wait3A_1206] : memref<10240x128xf32, #tpu.memory_space<vmem_shared>> -> memref<10240x128xf32, #tpu.memory_space<vmem_shared>>
        tpu.wait_indirect_dma semaphore(%run_scoped3A_1195 : memref<!tpu.dma_semaphore, #tpu.memory_space<semaphore_mem>>) src(%arg11 : memref<64x128xf32, #tpu.memory_space<vmem>>) dst(%dma_wait3A_1207 : memref<10240x128xf32, #tpu.memory_space<vmem_shared>>)
        tpu.yield
      }) : () -> ()
      %dma_wait3A_833 = arith.constant 6 : i32
      %dma_wait3A_834 = arith.constant 0 : i32
      %dma_wait3A_835 = arith.constant 0 : i32
      %dma_wait3A_836 = arith.constant 0 : i32
      %dma_wait3A_837 = tpu.memref_slice %arg7[%dma_wait3A_834, %dma_wait3A_835, %dma_wait3A_836] : memref<2x36x64xi32, #tpu.memory_space<vmem>> -> memref<1x36x64xi32, #tpu.memory_space<vmem>>
      %dma_wait3A_838 = tpu.memref_squeeze %dma_wait3A_837 : memref<1x36x64xi32, #tpu.memory_space<vmem>> -> memref<36x64xi32, #tpu.memory_space<vmem>>
      %dma_wait3A_839 = arith.constant 0 : i32
      %dma_wait3A_840 = arith.constant 0 : i32
      %dma_wait3A_841 = tpu.memref_slice %arg3[%arg1, %dma_wait3A_833, %dma_wait3A_839, %dma_wait3A_840] : memref<16x9x36x64xi32, #tpu.memory_space<hbm>> -> memref<1x1x36x64xi32, #tpu.memory_space<hbm>>
      %dma_wait3A_842 = tpu.memref_squeeze %dma_wait3A_841 : memref<1x1x36x64xi32, #tpu.memory_space<hbm>> -> memref<36x64xi32, #tpu.memory_space<hbm>>
      %dma_wait3A_843 = arith.constant 0 : i32
      %dma_wait3A_844 = arith.constant 0 : i32
      %dma_wait3A_845 = tpu.memref_slice %arg7[%dma_wait3A_834, %dma_wait3A_843, %dma_wait3A_844] : memref<2x36x64xi32, #tpu.memory_space<vmem>> -> memref<1x36x64xi32, #tpu.memory_space<vmem>>
      %dma_wait3A_846 = tpu.memref_squeeze %dma_wait3A_845 : memref<1x36x64xi32, #tpu.memory_space<vmem>> -> memref<36x64xi32, #tpu.memory_space<vmem>>
      %dma_wait3A_847 = arith.constant 0 : i32
      %dma_wait3A_848 = arith.constant 0 : i32
      %dma_wait3A_849 = tpu.memref_slice %arg3[%arg1, %dma_wait3A_833, %dma_wait3A_847, %dma_wait3A_848] : memref<16x9x36x64xi32, #tpu.memory_space<hbm>> -> memref<1x1x36x64xi32, #tpu.memory_space<hbm>>
      %dma_wait3A_850 = tpu.memref_squeeze %dma_wait3A_849 : memref<1x1x36x64xi32, #tpu.memory_space<hbm>> -> memref<36x64xi32, #tpu.memory_space<hbm>>
      tpu.wait_dma2 semaphore(%arg16 : memref<!tpu.dma_semaphore, #tpu.memory_space<semaphore_mem>>) src(%dma_wait3A_850 : memref<36x64xi32, #tpu.memory_space<hbm>>) dst(%dma_wait3A_846 : memref<36x64xi32, #tpu.memory_space<vmem>>)
      %dma_wait3A_851 = arith.constant 6 : i32
      %dma_wait3A_852 = arith.constant 1 : i32
      %dma_wait3A_853 = arith.constant 0 : i32
      %dma_wait3A_854 = arith.constant 0 : i32
      %dma_wait3A_855 = tpu.memref_slice %arg7[%dma_wait3A_852, %dma_wait3A_853, %dma_wait3A_854] : memref<2x36x64xi32, #tpu.memory_space<vmem>> -> memref<1x36x64xi32, #tpu.memory_space<vmem>>
      %dma_wait3A_856 = tpu.memref_squeeze %dma_wait3A_855 : memref<1x36x64xi32, #tpu.memory_space<vmem>> -> memref<36x64xi32, #tpu.memory_space<vmem>>
      %dma_wait3A_857 = arith.constant 0 : i32
      %dma_wait3A_858 = arith.constant 0 : i32
      %dma_wait3A_859 = tpu.memref_slice %arg4[%arg1, %dma_wait3A_851, %dma_wait3A_857, %dma_wait3A_858] : memref<16x9x36x64xi32, #tpu.memory_space<hbm>> -> memref<1x1x36x64xi32, #tpu.memory_space<hbm>>
      %dma_wait3A_860 = tpu.memref_squeeze %dma_wait3A_859 : memref<1x1x36x64xi32, #tpu.memory_space<hbm>> -> memref<36x64xi32, #tpu.memory_space<hbm>>
      %dma_wait3A_861 = arith.constant 0 : i32
      %dma_wait3A_862 = arith.constant 0 : i32
      %dma_wait3A_863 = tpu.memref_slice %arg7[%dma_wait3A_852, %dma_wait3A_861, %dma_wait3A_862] : memref<2x36x64xi32, #tpu.memory_space<vmem>> -> memref<1x36x64xi32, #tpu.memory_space<vmem>>
      %dma_wait3A_864 = tpu.memref_squeeze %dma_wait3A_863 : memref<1x36x64xi32, #tpu.memory_space<vmem>> -> memref<36x64xi32, #tpu.memory_space<vmem>>
      %dma_wait3A_865 = arith.constant 0 : i32
      %dma_wait3A_866 = arith.constant 0 : i32
      %dma_wait3A_867 = tpu.memref_slice %arg4[%arg1, %dma_wait3A_851, %dma_wait3A_865, %dma_wait3A_866] : memref<16x9x36x64xi32, #tpu.memory_space<hbm>> -> memref<1x1x36x64xi32, #tpu.memory_space<hbm>>
      %dma_wait3A_868 = tpu.memref_squeeze %dma_wait3A_867 : memref<1x1x36x64xi32, #tpu.memory_space<hbm>> -> memref<36x64xi32, #tpu.memory_space<hbm>>
      tpu.wait_dma2 semaphore(%arg16 : memref<!tpu.dma_semaphore, #tpu.memory_space<semaphore_mem>>) src(%dma_wait3A_868 : memref<36x64xi32, #tpu.memory_space<hbm>>) dst(%dma_wait3A_864 : memref<36x64xi32, #tpu.memory_space<vmem>>)
      %dma_start3A_869 = arith.constant 7 : i32
      %dma_start3A_870 = arith.constant 0 : i32
      %dma_start3A_871 = arith.constant 0 : i32
      %dma_start3A_872 = arith.constant 0 : i32
      %dma_start3A_873 = tpu.memref_slice %arg8[%dma_start3A_870, %dma_start3A_871, %dma_start3A_872] : memref<2x36x64xi32, #tpu.memory_space<vmem>> -> memref<1x36x64xi32, #tpu.memory_space<vmem>>
      %dma_start3A_874 = tpu.memref_squeeze %dma_start3A_873 : memref<1x36x64xi32, #tpu.memory_space<vmem>> -> memref<36x64xi32, #tpu.memory_space<vmem>>
      %dma_start3A_875 = arith.constant 0 : i32
      %dma_start3A_876 = arith.constant 0 : i32
      %dma_start3A_877 = tpu.memref_slice %arg3[%arg1, %dma_start3A_869, %dma_start3A_875, %dma_start3A_876] : memref<16x9x36x64xi32, #tpu.memory_space<hbm>> -> memref<1x1x36x64xi32, #tpu.memory_space<hbm>>
      %dma_start3A_878 = tpu.memref_squeeze %dma_start3A_877 : memref<1x1x36x64xi32, #tpu.memory_space<hbm>> -> memref<36x64xi32, #tpu.memory_space<hbm>>
      %dma_start3A_879 = arith.constant 0 : i32
      %dma_start3A_880 = arith.constant 0 : i32
      %dma_start3A_881 = tpu.memref_slice %arg8[%dma_start3A_870, %dma_start3A_879, %dma_start3A_880] : memref<2x36x64xi32, #tpu.memory_space<vmem>> -> memref<1x36x64xi32, #tpu.memory_space<vmem>>
      %dma_start3A_882 = tpu.memref_squeeze %dma_start3A_881 : memref<1x36x64xi32, #tpu.memory_space<vmem>> -> memref<36x64xi32, #tpu.memory_space<vmem>>
      %dma_start3A_883 = arith.constant 0 : i32
      %dma_start3A_884 = arith.constant 0 : i32
      %dma_start3A_885 = tpu.memref_slice %arg3[%arg1, %dma_start3A_869, %dma_start3A_883, %dma_start3A_884] : memref<16x9x36x64xi32, #tpu.memory_space<hbm>> -> memref<1x1x36x64xi32, #tpu.memory_space<hbm>>
      %dma_start3A_886 = tpu.memref_squeeze %dma_start3A_885 : memref<1x1x36x64xi32, #tpu.memory_space<hbm>> -> memref<36x64xi32, #tpu.memory_space<hbm>>
      tpu.enqueue_dma source(%dma_start3A_886 : memref<36x64xi32, #tpu.memory_space<hbm>>) target(%dma_start3A_882 : memref<36x64xi32, #tpu.memory_space<vmem>>) target_semaphore(%arg17 : memref<!tpu.dma_semaphore, #tpu.memory_space<semaphore_mem>>)
      %dma_start3A_887 = arith.constant 7 : i32
      %dma_start3A_888 = arith.constant 1 : i32
      %dma_start3A_889 = arith.constant 0 : i32
      %dma_start3A_890 = arith.constant 0 : i32
      %dma_start3A_891 = tpu.memref_slice %arg8[%dma_start3A_888, %dma_start3A_889, %dma_start3A_890] : memref<2x36x64xi32, #tpu.memory_space<vmem>> -> memref<1x36x64xi32, #tpu.memory_space<vmem>>
      %dma_start3A_892 = tpu.memref_squeeze %dma_start3A_891 : memref<1x36x64xi32, #tpu.memory_space<vmem>> -> memref<36x64xi32, #tpu.memory_space<vmem>>
      %dma_start3A_893 = arith.constant 0 : i32
      %dma_start3A_894 = arith.constant 0 : i32
      %dma_start3A_895 = tpu.memref_slice %arg4[%arg1, %dma_start3A_887, %dma_start3A_893, %dma_start3A_894] : memref<16x9x36x64xi32, #tpu.memory_space<hbm>> -> memref<1x1x36x64xi32, #tpu.memory_space<hbm>>
      %dma_start3A_896 = tpu.memref_squeeze %dma_start3A_895 : memref<1x1x36x64xi32, #tpu.memory_space<hbm>> -> memref<36x64xi32, #tpu.memory_space<hbm>>
      %dma_start3A_897 = arith.constant 0 : i32
      %dma_start3A_898 = arith.constant 0 : i32
      %dma_start3A_899 = tpu.memref_slice %arg8[%dma_start3A_888, %dma_start3A_897, %dma_start3A_898] : memref<2x36x64xi32, #tpu.memory_space<vmem>> -> memref<1x36x64xi32, #tpu.memory_space<vmem>>
      %dma_start3A_900 = tpu.memref_squeeze %dma_start3A_899 : memref<1x36x64xi32, #tpu.memory_space<vmem>> -> memref<36x64xi32, #tpu.memory_space<vmem>>
      %dma_start3A_901 = arith.constant 0 : i32
      %dma_start3A_902 = arith.constant 0 : i32
      %dma_start3A_903 = tpu.memref_slice %arg4[%arg1, %dma_start3A_887, %dma_start3A_901, %dma_start3A_902] : memref<16x9x36x64xi32, #tpu.memory_space<hbm>> -> memref<1x1x36x64xi32, #tpu.memory_space<hbm>>
      %dma_start3A_904 = tpu.memref_squeeze %dma_start3A_903 : memref<1x1x36x64xi32, #tpu.memory_space<hbm>> -> memref<36x64xi32, #tpu.memory_space<hbm>>
      tpu.enqueue_dma source(%dma_start3A_904 : memref<36x64xi32, #tpu.memory_space<hbm>>) target(%dma_start3A_900 : memref<36x64xi32, #tpu.memory_space<vmem>>) target_semaphore(%arg17 : memref<!tpu.dma_semaphore, #tpu.memory_space<semaphore_mem>>)
      %dma_start3A_905 = arith.constant 0 : i32
      %dma_start3A_906 = arith.constant 0 : i32
      %dma_start3A_907 = arith.constant 0 : i32
      %dma_start3A_908 = tpu.memref_slice %arg7[%dma_start3A_905, %dma_start3A_906, %dma_start3A_907] : memref<2x36x64xi32, #tpu.memory_space<vmem>> -> memref<1x1x64xi32, #tpu.memory_space<vmem>>
      %dma_start3A_909 = tpu.memref_squeeze %dma_start3A_908 : memref<1x1x64xi32, #tpu.memory_space<vmem>> -> memref<64xi32, #tpu.memory_space<vmem>>
      %dma_start3A_910 = arith.constant 0 : i32
      %dma_start3A_911 = arith.constant 0 : i32
      %dma_start3A_912 = tpu.memref_slice %arg2[%dma_start3A_910, %dma_start3A_911] : memref<10000x128xf32, #tpu.memory_space<hbm>> -> memref<10000x128xf32, #tpu.memory_space<hbm>>
      tpu.enqueue_indirect_dma source(%dma_start3A_912 : memref<10000x128xf32, #tpu.memory_space<hbm>>) target(%arg9 : memref<64x128xf32, #tpu.memory_space<vmem>>) offsets(%dma_start3A_909 : memref<64xi32, #tpu.memory_space<vmem>>) semaphore(%arg13 : memref<!tpu.dma_semaphore, #tpu.memory_space<semaphore_mem>>)
      %dma_start3A_913 = arith.constant 0 : i32
      %dma_start3A_914 = arith.constant 1 : i32
      %dma_start3A_915 = arith.constant 0 : i32
      %dma_start3A_916 = tpu.memref_slice %arg7[%dma_start3A_913, %dma_start3A_914, %dma_start3A_915] : memref<2x36x64xi32, #tpu.memory_space<vmem>> -> memref<1x1x64xi32, #tpu.memory_space<vmem>>
      %dma_start3A_917 = tpu.memref_squeeze %dma_start3A_916 : memref<1x1x64xi32, #tpu.memory_space<vmem>> -> memref<64xi32, #tpu.memory_space<vmem>>
      %dma_start3A_918 = arith.constant 0 : i32
      %dma_start3A_919 = arith.constant 0 : i32
      %dma_start3A_920 = tpu.memref_slice %arg2[%dma_start3A_918, %dma_start3A_919] : memref<10000x128xf32, #tpu.memory_space<hbm>> -> memref<10000x128xf32, #tpu.memory_space<hbm>>
      tpu.enqueue_indirect_dma source(%dma_start3A_920 : memref<10000x128xf32, #tpu.memory_space<hbm>>) target(%arg10 : memref<64x128xf32, #tpu.memory_space<vmem>>) offsets(%dma_start3A_917 : memref<64xi32, #tpu.memory_space<vmem>>) semaphore(%arg14 : memref<!tpu.dma_semaphore, #tpu.memory_space<semaphore_mem>>)
      %dma_start3A_921 = arith.constant 0 : i32
      %dma_start3A_922 = arith.constant 2 : i32
      %dma_start3A_923 = arith.constant 0 : i32
      %dma_start3A_924 = tpu.memref_slice %arg7[%dma_start3A_921, %dma_start3A_922, %dma_start3A_923] : memref<2x36x64xi32, #tpu.memory_space<vmem>> -> memref<1x1x64xi32, #tpu.memory_space<vmem>>
      %dma_start3A_925 = tpu.memref_squeeze %dma_start3A_924 : memref<1x1x64xi32, #tpu.memory_space<vmem>> -> memref<64xi32, #tpu.memory_space<vmem>>
      %dma_start3A_926 = arith.constant 0 : i32
      %dma_start3A_927 = arith.constant 0 : i32
      %dma_start3A_928 = tpu.memref_slice %arg2[%dma_start3A_926, %dma_start3A_927] : memref<10000x128xf32, #tpu.memory_space<hbm>> -> memref<10000x128xf32, #tpu.memory_space<hbm>>
      tpu.enqueue_indirect_dma source(%dma_start3A_928 : memref<10000x128xf32, #tpu.memory_space<hbm>>) target(%arg11 : memref<64x128xf32, #tpu.memory_space<vmem>>) offsets(%dma_start3A_925 : memref<64xi32, #tpu.memory_space<vmem>>) semaphore(%arg15 : memref<!tpu.dma_semaphore, #tpu.memory_space<semaphore_mem>>)
      %scan3A_929 = arith.constant 0 : i32
      %scan3A_930 = arith.constant 11 : i32
      %scan3A_931 = arith.addi %scan3A_929, %scan3A_930 : i32
      %scan3A_932 = arith.constant 1 : i32
      scf.for %scan3A_1195 = %scan3A_929 to %scan3A_931 step %scan3A_932  : i32 {
        %mul3A_1196 = arith.constant 3 : i32
        %mul3A_1197 = arith.muli %scan3A_1195, %mul3A_1196 : i32
        %add3A = arith.constant 0 : i32
        %add3A_1198 = arith.addi %mul3A_1197, %add3A : i32
        %dma_wait3A_1199 = arith.constant 0 : i32
        %dma_wait3A_1200 = arith.constant 0 : i32
        %dma_wait3A_1201 = tpu.memref_slice %arg7[%dma_wait3A_1199, %add3A_1198, %dma_wait3A_1200] : memref<2x36x64xi32, #tpu.memory_space<vmem>> -> memref<1x1x64xi32, #tpu.memory_space<vmem>>
        %dma_wait3A_1202 = tpu.memref_squeeze %dma_wait3A_1201 : memref<1x1x64xi32, #tpu.memory_space<vmem>> -> memref<64xi32, #tpu.memory_space<vmem>>
        %dma_wait3A_1203 = arith.constant 0 : i32
        %dma_wait3A_1204 = arith.constant 0 : i32
        %dma_wait3A_1205 = tpu.memref_slice %arg2[%dma_wait3A_1203, %dma_wait3A_1204] : memref<10000x128xf32, #tpu.memory_space<hbm>> -> memref<10000x128xf32, #tpu.memory_space<hbm>>
        tpu.wait_indirect_dma semaphore(%arg13 : memref<!tpu.dma_semaphore, #tpu.memory_space<semaphore_mem>>) src(%dma_wait3A_1205 : memref<10000x128xf32, #tpu.memory_space<hbm>>) dst(%arg9 : memref<64x128xf32, #tpu.memory_space<vmem>>)
        %run_scoped3A_1206 = arith.constant 1 : i32
        "tpu.region"() ({
          %run_scoped3A_1258 = tpu.sem_alloc : memref<!tpu.dma_semaphore, #tpu.memory_space<semaphore_mem>>
          %dma_start3A_1259 = arith.constant 0 : i32
          %dma_start3A_1260 = tpu.memref_slice %arg7[%run_scoped3A_1206, %add3A_1198, %dma_start3A_1259] : memref<2x36x64xi32, #tpu.memory_space<vmem>> -> memref<1x1x64xi32, #tpu.memory_space<vmem>>
          %dma_start3A_1261 = tpu.memref_squeeze %dma_start3A_1260 : memref<1x1x64xi32, #tpu.memory_space<vmem>> -> memref<64xi32, #tpu.memory_space<vmem>>
          %dma_start3A_1262 = arith.constant 0 : i32
          %dma_start3A_1263 = arith.constant 0 : i32
          %dma_start3A_1264 = tpu.memref_slice %arg12[%dma_start3A_1262, %dma_start3A_1263] : memref<10240x128xf32, #tpu.memory_space<vmem_shared>> -> memref<10240x128xf32, #tpu.memory_space<vmem_shared>>
          tpu.enqueue_indirect_dma source(%arg9 : memref<64x128xf32, #tpu.memory_space<vmem>>) target(%dma_start3A_1264 : memref<10240x128xf32, #tpu.memory_space<vmem_shared>>) offsets(%dma_start3A_1261 : memref<64xi32, #tpu.memory_space<vmem>>) semaphore(%run_scoped3A_1258 : memref<!tpu.dma_semaphore, #tpu.memory_space<semaphore_mem>>) {add = true}
          %dma_wait3A_1265 = arith.constant 0 : i32
          %dma_wait3A_1266 = tpu.memref_slice %arg7[%run_scoped3A_1206, %add3A_1198, %dma_wait3A_1265] : memref<2x36x64xi32, #tpu.memory_space<vmem>> -> memref<1x1x64xi32, #tpu.memory_space<vmem>>
          %dma_wait3A_1267 = tpu.memref_squeeze %dma_wait3A_1266 : memref<1x1x64xi32, #tpu.memory_space<vmem>> -> memref<64xi32, #tpu.memory_space<vmem>>
          %dma_wait3A_1268 = arith.constant 0 : i32
          %dma_wait3A_1269 = arith.constant 0 : i32
          %dma_wait3A_1270 = tpu.memref_slice %arg12[%dma_wait3A_1268, %dma_wait3A_1269] : memref<10240x128xf32, #tpu.memory_space<vmem_shared>> -> memref<10240x128xf32, #tpu.memory_space<vmem_shared>>
          tpu.wait_indirect_dma semaphore(%run_scoped3A_1258 : memref<!tpu.dma_semaphore, #tpu.memory_space<semaphore_mem>>) src(%arg9 : memref<64x128xf32, #tpu.memory_space<vmem>>) dst(%dma_wait3A_1270 : memref<10240x128xf32, #tpu.memory_space<vmem_shared>>)
          tpu.yield
        }) : () -> ()
        %add3A_1207 = arith.constant 3 : i32
        %add3A_1208 = arith.addi %add3A_1198, %add3A_1207 : i32
        %dma_start3A_1209 = arith.constant 0 : i32
        %dma_start3A_1210 = arith.constant 0 : i32
        %dma_start3A_1211 = tpu.memref_slice %arg7[%dma_start3A_1209, %add3A_1208, %dma_start3A_1210] : memref<2x36x64xi32, #tpu.memory_space<vmem>> -> memref<1x1x64xi32, #tpu.memory_space<vmem>>
        %dma_start3A_1212 = tpu.memref_squeeze %dma_start3A_1211 : memref<1x1x64xi32, #tpu.memory_space<vmem>> -> memref<64xi32, #tpu.memory_space<vmem>>
        %dma_start3A_1213 = arith.constant 0 : i32
        %dma_start3A_1214 = arith.constant 0 : i32
        %dma_start3A_1215 = tpu.memref_slice %arg2[%dma_start3A_1213, %dma_start3A_1214] : memref<10000x128xf32, #tpu.memory_space<hbm>> -> memref<10000x128xf32, #tpu.memory_space<hbm>>
        tpu.enqueue_indirect_dma source(%dma_start3A_1215 : memref<10000x128xf32, #tpu.memory_space<hbm>>) target(%arg9 : memref<64x128xf32, #tpu.memory_space<vmem>>) offsets(%dma_start3A_1212 : memref<64xi32, #tpu.memory_space<vmem>>) semaphore(%arg13 : memref<!tpu.dma_semaphore, #tpu.memory_space<semaphore_mem>>)
        %mul3A_1216 = arith.constant 3 : i32
        %mul3A_1217 = arith.muli %scan3A_1195, %mul3A_1216 : i32
        %add3A_1218 = arith.constant 1 : i32
        %add3A_1219 = arith.addi %mul3A_1217, %add3A_1218 : i32
        %dma_wait3A_1220 = arith.constant 0 : i32
        %dma_wait3A_1221 = arith.constant 0 : i32
        %dma_wait3A_1222 = tpu.memref_slice %arg7[%dma_wait3A_1220, %add3A_1219, %dma_wait3A_1221] : memref<2x36x64xi32, #tpu.memory_space<vmem>> -> memref<1x1x64xi32, #tpu.memory_space<vmem>>
        %dma_wait3A_1223 = tpu.memref_squeeze %dma_wait3A_1222 : memref<1x1x64xi32, #tpu.memory_space<vmem>> -> memref<64xi32, #tpu.memory_space<vmem>>
        %dma_wait3A_1224 = arith.constant 0 : i32
        %dma_wait3A_1225 = arith.constant 0 : i32
        %dma_wait3A_1226 = tpu.memref_slice %arg2[%dma_wait3A_1224, %dma_wait3A_1225] : memref<10000x128xf32, #tpu.memory_space<hbm>> -> memref<10000x128xf32, #tpu.memory_space<hbm>>
        tpu.wait_indirect_dma semaphore(%arg14 : memref<!tpu.dma_semaphore, #tpu.memory_space<semaphore_mem>>) src(%dma_wait3A_1226 : memref<10000x128xf32, #tpu.memory_space<hbm>>) dst(%arg10 : memref<64x128xf32, #tpu.memory_space<vmem>>)
        %run_scoped3A_1227 = arith.constant 1 : i32
        "tpu.region"() ({
          %run_scoped3A_1258 = tpu.sem_alloc : memref<!tpu.dma_semaphore, #tpu.memory_space<semaphore_mem>>
          %dma_start3A_1259 = arith.constant 0 : i32
          %dma_start3A_1260 = tpu.memref_slice %arg7[%run_scoped3A_1227, %add3A_1219, %dma_start3A_1259] : memref<2x36x64xi32, #tpu.memory_space<vmem>> -> memref<1x1x64xi32, #tpu.memory_space<vmem>>
          %dma_start3A_1261 = tpu.memref_squeeze %dma_start3A_1260 : memref<1x1x64xi32, #tpu.memory_space<vmem>> -> memref<64xi32, #tpu.memory_space<vmem>>
          %dma_start3A_1262 = arith.constant 0 : i32
          %dma_start3A_1263 = arith.constant 0 : i32
          %dma_start3A_1264 = tpu.memref_slice %arg12[%dma_start3A_1262, %dma_start3A_1263] : memref<10240x128xf32, #tpu.memory_space<vmem_shared>> -> memref<10240x128xf32, #tpu.memory_space<vmem_shared>>
          tpu.enqueue_indirect_dma source(%arg10 : memref<64x128xf32, #tpu.memory_space<vmem>>) target(%dma_start3A_1264 : memref<10240x128xf32, #tpu.memory_space<vmem_shared>>) offsets(%dma_start3A_1261 : memref<64xi32, #tpu.memory_space<vmem>>) semaphore(%run_scoped3A_1258 : memref<!tpu.dma_semaphore, #tpu.memory_space<semaphore_mem>>) {add = true}
          %dma_wait3A_1265 = arith.constant 0 : i32
          %dma_wait3A_1266 = tpu.memref_slice %arg7[%run_scoped3A_1227, %add3A_1219, %dma_wait3A_1265] : memref<2x36x64xi32, #tpu.memory_space<vmem>> -> memref<1x1x64xi32, #tpu.memory_space<vmem>>
          %dma_wait3A_1267 = tpu.memref_squeeze %dma_wait3A_1266 : memref<1x1x64xi32, #tpu.memory_space<vmem>> -> memref<64xi32, #tpu.memory_space<vmem>>
          %dma_wait3A_1268 = arith.constant 0 : i32
          %dma_wait3A_1269 = arith.constant 0 : i32
          %dma_wait3A_1270 = tpu.memref_slice %arg12[%dma_wait3A_1268, %dma_wait3A_1269] : memref<10240x128xf32, #tpu.memory_space<vmem_shared>> -> memref<10240x128xf32, #tpu.memory_space<vmem_shared>>
          tpu.wait_indirect_dma semaphore(%run_scoped3A_1258 : memref<!tpu.dma_semaphore, #tpu.memory_space<semaphore_mem>>) src(%arg10 : memref<64x128xf32, #tpu.memory_space<vmem>>) dst(%dma_wait3A_1270 : memref<10240x128xf32, #tpu.memory_space<vmem_shared>>)
          tpu.yield
        }) : () -> ()
        %add3A_1228 = arith.constant 3 : i32
        %add3A_1229 = arith.addi %add3A_1219, %add3A_1228 : i32
        %dma_start3A_1230 = arith.constant 0 : i32
        %dma_start3A_1231 = arith.constant 0 : i32
        %dma_start3A_1232 = tpu.memref_slice %arg7[%dma_start3A_1230, %add3A_1229, %dma_start3A_1231] : memref<2x36x64xi32, #tpu.memory_space<vmem>> -> memref<1x1x64xi32, #tpu.memory_space<vmem>>
        %dma_start3A_1233 = tpu.memref_squeeze %dma_start3A_1232 : memref<1x1x64xi32, #tpu.memory_space<vmem>> -> memref<64xi32, #tpu.memory_space<vmem>>
        %dma_start3A_1234 = arith.constant 0 : i32
        %dma_start3A_1235 = arith.constant 0 : i32
        %dma_start3A_1236 = tpu.memref_slice %arg2[%dma_start3A_1234, %dma_start3A_1235] : memref<10000x128xf32, #tpu.memory_space<hbm>> -> memref<10000x128xf32, #tpu.memory_space<hbm>>
        tpu.enqueue_indirect_dma source(%dma_start3A_1236 : memref<10000x128xf32, #tpu.memory_space<hbm>>) target(%arg10 : memref<64x128xf32, #tpu.memory_space<vmem>>) offsets(%dma_start3A_1233 : memref<64xi32, #tpu.memory_space<vmem>>) semaphore(%arg14 : memref<!tpu.dma_semaphore, #tpu.memory_space<semaphore_mem>>)
        %mul3A_1237 = arith.constant 3 : i32
        %mul3A_1238 = arith.muli %scan3A_1195, %mul3A_1237 : i32
        %add3A_1239 = arith.constant 2 : i32
        %add3A_1240 = arith.addi %mul3A_1238, %add3A_1239 : i32
        %dma_wait3A_1241 = arith.constant 0 : i32
        %dma_wait3A_1242 = arith.constant 0 : i32
        %dma_wait3A_1243 = tpu.memref_slice %arg7[%dma_wait3A_1241, %add3A_1240, %dma_wait3A_1242] : memref<2x36x64xi32, #tpu.memory_space<vmem>> -> memref<1x1x64xi32, #tpu.memory_space<vmem>>
        %dma_wait3A_1244 = tpu.memref_squeeze %dma_wait3A_1243 : memref<1x1x64xi32, #tpu.memory_space<vmem>> -> memref<64xi32, #tpu.memory_space<vmem>>
        %dma_wait3A_1245 = arith.constant 0 : i32
        %dma_wait3A_1246 = arith.constant 0 : i32
        %dma_wait3A_1247 = tpu.memref_slice %arg2[%dma_wait3A_1245, %dma_wait3A_1246] : memref<10000x128xf32, #tpu.memory_space<hbm>> -> memref<10000x128xf32, #tpu.memory_space<hbm>>
        tpu.wait_indirect_dma semaphore(%arg15 : memref<!tpu.dma_semaphore, #tpu.memory_space<semaphore_mem>>) src(%dma_wait3A_1247 : memref<10000x128xf32, #tpu.memory_space<hbm>>) dst(%arg11 : memref<64x128xf32, #tpu.memory_space<vmem>>)
        %run_scoped3A_1248 = arith.constant 1 : i32
        "tpu.region"() ({
          %run_scoped3A_1258 = tpu.sem_alloc : memref<!tpu.dma_semaphore, #tpu.memory_space<semaphore_mem>>
          %dma_start3A_1259 = arith.constant 0 : i32
          %dma_start3A_1260 = tpu.memref_slice %arg7[%run_scoped3A_1248, %add3A_1240, %dma_start3A_1259] : memref<2x36x64xi32, #tpu.memory_space<vmem>> -> memref<1x1x64xi32, #tpu.memory_space<vmem>>
          %dma_start3A_1261 = tpu.memref_squeeze %dma_start3A_1260 : memref<1x1x64xi32, #tpu.memory_space<vmem>> -> memref<64xi32, #tpu.memory_space<vmem>>
          %dma_start3A_1262 = arith.constant 0 : i32
          %dma_start3A_1263 = arith.constant 0 : i32
          %dma_start3A_1264 = tpu.memref_slice %arg12[%dma_start3A_1262, %dma_start3A_1263] : memref<10240x128xf32, #tpu.memory_space<vmem_shared>> -> memref<10240x128xf32, #tpu.memory_space<vmem_shared>>
          tpu.enqueue_indirect_dma source(%arg11 : memref<64x128xf32, #tpu.memory_space<vmem>>) target(%dma_start3A_1264 : memref<10240x128xf32, #tpu.memory_space<vmem_shared>>) offsets(%dma_start3A_1261 : memref<64xi32, #tpu.memory_space<vmem>>) semaphore(%run_scoped3A_1258 : memref<!tpu.dma_semaphore, #tpu.memory_space<semaphore_mem>>) {add = true}
          %dma_wait3A_1265 = arith.constant 0 : i32
          %dma_wait3A_1266 = tpu.memref_slice %arg7[%run_scoped3A_1248, %add3A_1240, %dma_wait3A_1265] : memref<2x36x64xi32, #tpu.memory_space<vmem>> -> memref<1x1x64xi32, #tpu.memory_space<vmem>>
          %dma_wait3A_1267 = tpu.memref_squeeze %dma_wait3A_1266 : memref<1x1x64xi32, #tpu.memory_space<vmem>> -> memref<64xi32, #tpu.memory_space<vmem>>
          %dma_wait3A_1268 = arith.constant 0 : i32
          %dma_wait3A_1269 = arith.constant 0 : i32
          %dma_wait3A_1270 = tpu.memref_slice %arg12[%dma_wait3A_1268, %dma_wait3A_1269] : memref<10240x128xf32, #tpu.memory_space<vmem_shared>> -> memref<10240x128xf32, #tpu.memory_space<vmem_shared>>
          tpu.wait_indirect_dma semaphore(%run_scoped3A_1258 : memref<!tpu.dma_semaphore, #tpu.memory_space<semaphore_mem>>) src(%arg11 : memref<64x128xf32, #tpu.memory_space<vmem>>) dst(%dma_wait3A_1270 : memref<10240x128xf32, #tpu.memory_space<vmem_shared>>)
          tpu.yield
        }) : () -> ()
        %add3A_1249 = arith.constant 3 : i32
        %add3A_1250 = arith.addi %add3A_1240, %add3A_1249 : i32
        %dma_start3A_1251 = arith.constant 0 : i32
        %dma_start3A_1252 = arith.constant 0 : i32
        %dma_start3A_1253 = tpu.memref_slice %arg7[%dma_start3A_1251, %add3A_1250, %dma_start3A_1252] : memref<2x36x64xi32, #tpu.memory_space<vmem>> -> memref<1x1x64xi32, #tpu.memory_space<vmem>>
        %dma_start3A_1254 = tpu.memref_squeeze %dma_start3A_1253 : memref<1x1x64xi32, #tpu.memory_space<vmem>> -> memref<64xi32, #tpu.memory_space<vmem>>
        %dma_start3A_1255 = arith.constant 0 : i32
        %dma_start3A_1256 = arith.constant 0 : i32
        %dma_start3A_1257 = tpu.memref_slice %arg2[%dma_start3A_1255, %dma_start3A_1256] : memref<10000x128xf32, #tpu.memory_space<hbm>> -> memref<10000x128xf32, #tpu.memory_space<hbm>>
        tpu.enqueue_indirect_dma source(%dma_start3A_1257 : memref<10000x128xf32, #tpu.memory_space<hbm>>) target(%arg11 : memref<64x128xf32, #tpu.memory_space<vmem>>) offsets(%dma_start3A_1254 : memref<64xi32, #tpu.memory_space<vmem>>) semaphore(%arg15 : memref<!tpu.dma_semaphore, #tpu.memory_space<semaphore_mem>>)
      }
      %scan3A_933 = arith.constant 11 : i32
      %dma_wait3A_934 = arith.constant 0 : i32
      %dma_wait3A_935 = arith.constant 33 : i32
      %dma_wait3A_936 = arith.constant 0 : i32
      %dma_wait3A_937 = tpu.memref_slice %arg7[%dma_wait3A_934, %dma_wait3A_935, %dma_wait3A_936] : memref<2x36x64xi32, #tpu.memory_space<vmem>> -> memref<1x1x64xi32, #tpu.memory_space<vmem>>
      %dma_wait3A_938 = tpu.memref_squeeze %dma_wait3A_937 : memref<1x1x64xi32, #tpu.memory_space<vmem>> -> memref<64xi32, #tpu.memory_space<vmem>>
      %dma_wait3A_939 = arith.constant 0 : i32
      %dma_wait3A_940 = arith.constant 0 : i32
      %dma_wait3A_941 = tpu.memref_slice %arg2[%dma_wait3A_939, %dma_wait3A_940] : memref<10000x128xf32, #tpu.memory_space<hbm>> -> memref<10000x128xf32, #tpu.memory_space<hbm>>
      tpu.wait_indirect_dma semaphore(%arg13 : memref<!tpu.dma_semaphore, #tpu.memory_space<semaphore_mem>>) src(%dma_wait3A_941 : memref<10000x128xf32, #tpu.memory_space<hbm>>) dst(%arg9 : memref<64x128xf32, #tpu.memory_space<vmem>>)
      %run_scoped3A_942 = arith.constant 1 : i32
      %run_scoped3A_943 = arith.constant 33 : i32
      "tpu.region"() ({
        %run_scoped3A_1195 = tpu.sem_alloc : memref<!tpu.dma_semaphore, #tpu.memory_space<semaphore_mem>>
        %dma_start3A_1196 = arith.constant 0 : i32
        %dma_start3A_1197 = tpu.memref_slice %arg7[%run_scoped3A_942, %run_scoped3A_943, %dma_start3A_1196] : memref<2x36x64xi32, #tpu.memory_space<vmem>> -> memref<1x1x64xi32, #tpu.memory_space<vmem>>
        %dma_start3A_1198 = tpu.memref_squeeze %dma_start3A_1197 : memref<1x1x64xi32, #tpu.memory_space<vmem>> -> memref<64xi32, #tpu.memory_space<vmem>>
        %dma_start3A_1199 = arith.constant 0 : i32
        %dma_start3A_1200 = arith.constant 0 : i32
        %dma_start3A_1201 = tpu.memref_slice %arg12[%dma_start3A_1199, %dma_start3A_1200] : memref<10240x128xf32, #tpu.memory_space<vmem_shared>> -> memref<10240x128xf32, #tpu.memory_space<vmem_shared>>
        tpu.enqueue_indirect_dma source(%arg9 : memref<64x128xf32, #tpu.memory_space<vmem>>) target(%dma_start3A_1201 : memref<10240x128xf32, #tpu.memory_space<vmem_shared>>) offsets(%dma_start3A_1198 : memref<64xi32, #tpu.memory_space<vmem>>) semaphore(%run_scoped3A_1195 : memref<!tpu.dma_semaphore, #tpu.memory_space<semaphore_mem>>) {add = true}
        %dma_wait3A_1202 = arith.constant 0 : i32
        %dma_wait3A_1203 = tpu.memref_slice %arg7[%run_scoped3A_942, %run_scoped3A_943, %dma_wait3A_1202] : memref<2x36x64xi32, #tpu.memory_space<vmem>> -> memref<1x1x64xi32, #tpu.memory_space<vmem>>
        %dma_wait3A_1204 = tpu.memref_squeeze %dma_wait3A_1203 : memref<1x1x64xi32, #tpu.memory_space<vmem>> -> memref<64xi32, #tpu.memory_space<vmem>>
        %dma_wait3A_1205 = arith.constant 0 : i32
        %dma_wait3A_1206 = arith.constant 0 : i32
        %dma_wait3A_1207 = tpu.memref_slice %arg12[%dma_wait3A_1205, %dma_wait3A_1206] : memref<10240x128xf32, #tpu.memory_space<vmem_shared>> -> memref<10240x128xf32, #tpu.memory_space<vmem_shared>>
        tpu.wait_indirect_dma semaphore(%run_scoped3A_1195 : memref<!tpu.dma_semaphore, #tpu.memory_space<semaphore_mem>>) src(%arg9 : memref<64x128xf32, #tpu.memory_space<vmem>>) dst(%dma_wait3A_1207 : memref<10240x128xf32, #tpu.memory_space<vmem_shared>>)
        tpu.yield
      }) : () -> ()
      %dma_wait3A_944 = arith.constant 0 : i32
      %dma_wait3A_945 = arith.constant 34 : i32
      %dma_wait3A_946 = arith.constant 0 : i32
      %dma_wait3A_947 = tpu.memref_slice %arg7[%dma_wait3A_944, %dma_wait3A_945, %dma_wait3A_946] : memref<2x36x64xi32, #tpu.memory_space<vmem>> -> memref<1x1x64xi32, #tpu.memory_space<vmem>>
      %dma_wait3A_948 = tpu.memref_squeeze %dma_wait3A_947 : memref<1x1x64xi32, #tpu.memory_space<vmem>> -> memref<64xi32, #tpu.memory_space<vmem>>
      %dma_wait3A_949 = arith.constant 0 : i32
      %dma_wait3A_950 = arith.constant 0 : i32
      %dma_wait3A_951 = tpu.memref_slice %arg2[%dma_wait3A_949, %dma_wait3A_950] : memref<10000x128xf32, #tpu.memory_space<hbm>> -> memref<10000x128xf32, #tpu.memory_space<hbm>>
      tpu.wait_indirect_dma semaphore(%arg14 : memref<!tpu.dma_semaphore, #tpu.memory_space<semaphore_mem>>) src(%dma_wait3A_951 : memref<10000x128xf32, #tpu.memory_space<hbm>>) dst(%arg10 : memref<64x128xf32, #tpu.memory_space<vmem>>)
      %run_scoped3A_952 = arith.constant 1 : i32
      %run_scoped3A_953 = arith.constant 34 : i32
      "tpu.region"() ({
        %run_scoped3A_1195 = tpu.sem_alloc : memref<!tpu.dma_semaphore, #tpu.memory_space<semaphore_mem>>
        %dma_start3A_1196 = arith.constant 0 : i32
        %dma_start3A_1197 = tpu.memref_slice %arg7[%run_scoped3A_952, %run_scoped3A_953, %dma_start3A_1196] : memref<2x36x64xi32, #tpu.memory_space<vmem>> -> memref<1x1x64xi32, #tpu.memory_space<vmem>>
        %dma_start3A_1198 = tpu.memref_squeeze %dma_start3A_1197 : memref<1x1x64xi32, #tpu.memory_space<vmem>> -> memref<64xi32, #tpu.memory_space<vmem>>
        %dma_start3A_1199 = arith.constant 0 : i32
        %dma_start3A_1200 = arith.constant 0 : i32
        %dma_start3A_1201 = tpu.memref_slice %arg12[%dma_start3A_1199, %dma_start3A_1200] : memref<10240x128xf32, #tpu.memory_space<vmem_shared>> -> memref<10240x128xf32, #tpu.memory_space<vmem_shared>>
        tpu.enqueue_indirect_dma source(%arg10 : memref<64x128xf32, #tpu.memory_space<vmem>>) target(%dma_start3A_1201 : memref<10240x128xf32, #tpu.memory_space<vmem_shared>>) offsets(%dma_start3A_1198 : memref<64xi32, #tpu.memory_space<vmem>>) semaphore(%run_scoped3A_1195 : memref<!tpu.dma_semaphore, #tpu.memory_space<semaphore_mem>>) {add = true}
        %dma_wait3A_1202 = arith.constant 0 : i32
        %dma_wait3A_1203 = tpu.memref_slice %arg7[%run_scoped3A_952, %run_scoped3A_953, %dma_wait3A_1202] : memref<2x36x64xi32, #tpu.memory_space<vmem>> -> memref<1x1x64xi32, #tpu.memory_space<vmem>>
        %dma_wait3A_1204 = tpu.memref_squeeze %dma_wait3A_1203 : memref<1x1x64xi32, #tpu.memory_space<vmem>> -> memref<64xi32, #tpu.memory_space<vmem>>
        %dma_wait3A_1205 = arith.constant 0 : i32
        %dma_wait3A_1206 = arith.constant 0 : i32
        %dma_wait3A_1207 = tpu.memref_slice %arg12[%dma_wait3A_1205, %dma_wait3A_1206] : memref<10240x128xf32, #tpu.memory_space<vmem_shared>> -> memref<10240x128xf32, #tpu.memory_space<vmem_shared>>
        tpu.wait_indirect_dma semaphore(%run_scoped3A_1195 : memref<!tpu.dma_semaphore, #tpu.memory_space<semaphore_mem>>) src(%arg10 : memref<64x128xf32, #tpu.memory_space<vmem>>) dst(%dma_wait3A_1207 : memref<10240x128xf32, #tpu.memory_space<vmem_shared>>)
        tpu.yield
      }) : () -> ()
      %dma_wait3A_954 = arith.constant 0 : i32
      %dma_wait3A_955 = arith.constant 35 : i32
      %dma_wait3A_956 = arith.constant 0 : i32
      %dma_wait3A_957 = tpu.memref_slice %arg7[%dma_wait3A_954, %dma_wait3A_955, %dma_wait3A_956] : memref<2x36x64xi32, #tpu.memory_space<vmem>> -> memref<1x1x64xi32, #tpu.memory_space<vmem>>
      %dma_wait3A_958 = tpu.memref_squeeze %dma_wait3A_957 : memref<1x1x64xi32, #tpu.memory_space<vmem>> -> memref<64xi32, #tpu.memory_space<vmem>>
      %dma_wait3A_959 = arith.constant 0 : i32
      %dma_wait3A_960 = arith.constant 0 : i32
      %dma_wait3A_961 = tpu.memref_slice %arg2[%dma_wait3A_959, %dma_wait3A_960] : memref<10000x128xf32, #tpu.memory_space<hbm>> -> memref<10000x128xf32, #tpu.memory_space<hbm>>
      tpu.wait_indirect_dma semaphore(%arg15 : memref<!tpu.dma_semaphore, #tpu.memory_space<semaphore_mem>>) src(%dma_wait3A_961 : memref<10000x128xf32, #tpu.memory_space<hbm>>) dst(%arg11 : memref<64x128xf32, #tpu.memory_space<vmem>>)
      %run_scoped3A_962 = arith.constant 1 : i32
      %run_scoped3A_963 = arith.constant 35 : i32
      "tpu.region"() ({
        %run_scoped3A_1195 = tpu.sem_alloc : memref<!tpu.dma_semaphore, #tpu.memory_space<semaphore_mem>>
        %dma_start3A_1196 = arith.constant 0 : i32
        %dma_start3A_1197 = tpu.memref_slice %arg7[%run_scoped3A_962, %run_scoped3A_963, %dma_start3A_1196] : memref<2x36x64xi32, #tpu.memory_space<vmem>> -> memref<1x1x64xi32, #tpu.memory_space<vmem>>
        %dma_start3A_1198 = tpu.memref_squeeze %dma_start3A_1197 : memref<1x1x64xi32, #tpu.memory_space<vmem>> -> memref<64xi32, #tpu.memory_space<vmem>>
        %dma_start3A_1199 = arith.constant 0 : i32
        %dma_start3A_1200 = arith.constant 0 : i32
        %dma_start3A_1201 = tpu.memref_slice %arg12[%dma_start3A_1199, %dma_start3A_1200] : memref<10240x128xf32, #tpu.memory_space<vmem_shared>> -> memref<10240x128xf32, #tpu.memory_space<vmem_shared>>
        tpu.enqueue_indirect_dma source(%arg11 : memref<64x128xf32, #tpu.memory_space<vmem>>) target(%dma_start3A_1201 : memref<10240x128xf32, #tpu.memory_space<vmem_shared>>) offsets(%dma_start3A_1198 : memref<64xi32, #tpu.memory_space<vmem>>) semaphore(%run_scoped3A_1195 : memref<!tpu.dma_semaphore, #tpu.memory_space<semaphore_mem>>) {add = true}
        %dma_wait3A_1202 = arith.constant 0 : i32
        %dma_wait3A_1203 = tpu.memref_slice %arg7[%run_scoped3A_962, %run_scoped3A_963, %dma_wait3A_1202] : memref<2x36x64xi32, #tpu.memory_space<vmem>> -> memref<1x1x64xi32, #tpu.memory_space<vmem>>
        %dma_wait3A_1204 = tpu.memref_squeeze %dma_wait3A_1203 : memref<1x1x64xi32, #tpu.memory_space<vmem>> -> memref<64xi32, #tpu.memory_space<vmem>>
        %dma_wait3A_1205 = arith.constant 0 : i32
        %dma_wait3A_1206 = arith.constant 0 : i32
        %dma_wait3A_1207 = tpu.memref_slice %arg12[%dma_wait3A_1205, %dma_wait3A_1206] : memref<10240x128xf32, #tpu.memory_space<vmem_shared>> -> memref<10240x128xf32, #tpu.memory_space<vmem_shared>>
        tpu.wait_indirect_dma semaphore(%run_scoped3A_1195 : memref<!tpu.dma_semaphore, #tpu.memory_space<semaphore_mem>>) src(%arg11 : memref<64x128xf32, #tpu.memory_space<vmem>>) dst(%dma_wait3A_1207 : memref<10240x128xf32, #tpu.memory_space<vmem_shared>>)
        tpu.yield
      }) : () -> ()
      %dma_wait3A_964 = arith.constant 7 : i32
      %dma_wait3A_965 = arith.constant 0 : i32
      %dma_wait3A_966 = arith.constant 0 : i32
      %dma_wait3A_967 = arith.constant 0 : i32
      %dma_wait3A_968 = tpu.memref_slice %arg8[%dma_wait3A_965, %dma_wait3A_966, %dma_wait3A_967] : memref<2x36x64xi32, #tpu.memory_space<vmem>> -> memref<1x36x64xi32, #tpu.memory_space<vmem>>
      %dma_wait3A_969 = tpu.memref_squeeze %dma_wait3A_968 : memref<1x36x64xi32, #tpu.memory_space<vmem>> -> memref<36x64xi32, #tpu.memory_space<vmem>>
      %dma_wait3A_970 = arith.constant 0 : i32
      %dma_wait3A_971 = arith.constant 0 : i32
      %dma_wait3A_972 = tpu.memref_slice %arg3[%arg1, %dma_wait3A_964, %dma_wait3A_970, %dma_wait3A_971] : memref<16x9x36x64xi32, #tpu.memory_space<hbm>> -> memref<1x1x36x64xi32, #tpu.memory_space<hbm>>
      %dma_wait3A_973 = tpu.memref_squeeze %dma_wait3A_972 : memref<1x1x36x64xi32, #tpu.memory_space<hbm>> -> memref<36x64xi32, #tpu.memory_space<hbm>>
      %dma_wait3A_974 = arith.constant 0 : i32
      %dma_wait3A_975 = arith.constant 0 : i32
      %dma_wait3A_976 = tpu.memref_slice %arg8[%dma_wait3A_965, %dma_wait3A_974, %dma_wait3A_975] : memref<2x36x64xi32, #tpu.memory_space<vmem>> -> memref<1x36x64xi32, #tpu.memory_space<vmem>>
      %dma_wait3A_977 = tpu.memref_squeeze %dma_wait3A_976 : memref<1x36x64xi32, #tpu.memory_space<vmem>> -> memref<36x64xi32, #tpu.memory_space<vmem>>
      %dma_wait3A_978 = arith.constant 0 : i32
      %dma_wait3A_979 = arith.constant 0 : i32
      %dma_wait3A_980 = tpu.memref_slice %arg3[%arg1, %dma_wait3A_964, %dma_wait3A_978, %dma_wait3A_979] : memref<16x9x36x64xi32, #tpu.memory_space<hbm>> -> memref<1x1x36x64xi32, #tpu.memory_space<hbm>>
      %dma_wait3A_981 = tpu.memref_squeeze %dma_wait3A_980 : memref<1x1x36x64xi32, #tpu.memory_space<hbm>> -> memref<36x64xi32, #tpu.memory_space<hbm>>
      tpu.wait_dma2 semaphore(%arg17 : memref<!tpu.dma_semaphore, #tpu.memory_space<semaphore_mem>>) src(%dma_wait3A_981 : memref<36x64xi32, #tpu.memory_space<hbm>>) dst(%dma_wait3A_977 : memref<36x64xi32, #tpu.memory_space<vmem>>)
      %dma_wait3A_982 = arith.constant 7 : i32
      %dma_wait3A_983 = arith.constant 1 : i32
      %dma_wait3A_984 = arith.constant 0 : i32
      %dma_wait3A_985 = arith.constant 0 : i32
      %dma_wait3A_986 = tpu.memref_slice %arg8[%dma_wait3A_983, %dma_wait3A_984, %dma_wait3A_985] : memref<2x36x64xi32, #tpu.memory_space<vmem>> -> memref<1x36x64xi32, #tpu.memory_space<vmem>>
      %dma_wait3A_987 = tpu.memref_squeeze %dma_wait3A_986 : memref<1x36x64xi32, #tpu.memory_space<vmem>> -> memref<36x64xi32, #tpu.memory_space<vmem>>
      %dma_wait3A_988 = arith.constant 0 : i32
      %dma_wait3A_989 = arith.constant 0 : i32
      %dma_wait3A_990 = tpu.memref_slice %arg4[%arg1, %dma_wait3A_982, %dma_wait3A_988, %dma_wait3A_989] : memref<16x9x36x64xi32, #tpu.memory_space<hbm>> -> memref<1x1x36x64xi32, #tpu.memory_space<hbm>>
      %dma_wait3A_991 = tpu.memref_squeeze %dma_wait3A_990 : memref<1x1x36x64xi32, #tpu.memory_space<hbm>> -> memref<36x64xi32, #tpu.memory_space<hbm>>
      %dma_wait3A_992 = arith.constant 0 : i32
      %dma_wait3A_993 = arith.constant 0 : i32
      %dma_wait3A_994 = tpu.memref_slice %arg8[%dma_wait3A_983, %dma_wait3A_992, %dma_wait3A_993] : memref<2x36x64xi32, #tpu.memory_space<vmem>> -> memref<1x36x64xi32, #tpu.memory_space<vmem>>
      %dma_wait3A_995 = tpu.memref_squeeze %dma_wait3A_994 : memref<1x36x64xi32, #tpu.memory_space<vmem>> -> memref<36x64xi32, #tpu.memory_space<vmem>>
      %dma_wait3A_996 = arith.constant 0 : i32
      %dma_wait3A_997 = arith.constant 0 : i32
      %dma_wait3A_998 = tpu.memref_slice %arg4[%arg1, %dma_wait3A_982, %dma_wait3A_996, %dma_wait3A_997] : memref<16x9x36x64xi32, #tpu.memory_space<hbm>> -> memref<1x1x36x64xi32, #tpu.memory_space<hbm>>
      %dma_wait3A_999 = tpu.memref_squeeze %dma_wait3A_998 : memref<1x1x36x64xi32, #tpu.memory_space<hbm>> -> memref<36x64xi32, #tpu.memory_space<hbm>>
      tpu.wait_dma2 semaphore(%arg17 : memref<!tpu.dma_semaphore, #tpu.memory_space<semaphore_mem>>) src(%dma_wait3A_999 : memref<36x64xi32, #tpu.memory_space<hbm>>) dst(%dma_wait3A_995 : memref<36x64xi32, #tpu.memory_space<vmem>>)
      %dma_start3A_1000 = arith.constant 8 : i32
      %dma_start3A_1001 = arith.constant 0 : i32
      %dma_start3A_1002 = arith.constant 0 : i32
      %dma_start3A_1003 = arith.constant 0 : i32
      %dma_start3A_1004 = tpu.memref_slice %arg7[%dma_start3A_1001, %dma_start3A_1002, %dma_start3A_1003] : memref<2x36x64xi32, #tpu.memory_space<vmem>> -> memref<1x36x64xi32, #tpu.memory_space<vmem>>
      %dma_start3A_1005 = tpu.memref_squeeze %dma_start3A_1004 : memref<1x36x64xi32, #tpu.memory_space<vmem>> -> memref<36x64xi32, #tpu.memory_space<vmem>>
      %dma_start3A_1006 = arith.constant 0 : i32
      %dma_start3A_1007 = arith.constant 0 : i32
      %dma_start3A_1008 = tpu.memref_slice %arg3[%arg1, %dma_start3A_1000, %dma_start3A_1006, %dma_start3A_1007] : memref<16x9x36x64xi32, #tpu.memory_space<hbm>> -> memref<1x1x36x64xi32, #tpu.memory_space<hbm>>
      %dma_start3A_1009 = tpu.memref_squeeze %dma_start3A_1008 : memref<1x1x36x64xi32, #tpu.memory_space<hbm>> -> memref<36x64xi32, #tpu.memory_space<hbm>>
      %dma_start3A_1010 = arith.constant 0 : i32
      %dma_start3A_1011 = arith.constant 0 : i32
      %dma_start3A_1012 = tpu.memref_slice %arg7[%dma_start3A_1001, %dma_start3A_1010, %dma_start3A_1011] : memref<2x36x64xi32, #tpu.memory_space<vmem>> -> memref<1x36x64xi32, #tpu.memory_space<vmem>>
      %dma_start3A_1013 = tpu.memref_squeeze %dma_start3A_1012 : memref<1x36x64xi32, #tpu.memory_space<vmem>> -> memref<36x64xi32, #tpu.memory_space<vmem>>
      %dma_start3A_1014 = arith.constant 0 : i32
      %dma_start3A_1015 = arith.constant 0 : i32
      %dma_start3A_1016 = tpu.memref_slice %arg3[%arg1, %dma_start3A_1000, %dma_start3A_1014, %dma_start3A_1015] : memref<16x9x36x64xi32, #tpu.memory_space<hbm>> -> memref<1x1x36x64xi32, #tpu.memory_space<hbm>>
      %dma_start3A_1017 = tpu.memref_squeeze %dma_start3A_1016 : memref<1x1x36x64xi32, #tpu.memory_space<hbm>> -> memref<36x64xi32, #tpu.memory_space<hbm>>
      tpu.enqueue_dma source(%dma_start3A_1017 : memref<36x64xi32, #tpu.memory_space<hbm>>) target(%dma_start3A_1013 : memref<36x64xi32, #tpu.memory_space<vmem>>) target_semaphore(%arg16 : memref<!tpu.dma_semaphore, #tpu.memory_space<semaphore_mem>>)
      %dma_start3A_1018 = arith.constant 8 : i32
      %dma_start3A_1019 = arith.constant 1 : i32
      %dma_start3A_1020 = arith.constant 0 : i32
      %dma_start3A_1021 = arith.constant 0 : i32
      %dma_start3A_1022 = tpu.memref_slice %arg7[%dma_start3A_1019, %dma_start3A_1020, %dma_start3A_1021] : memref<2x36x64xi32, #tpu.memory_space<vmem>> -> memref<1x36x64xi32, #tpu.memory_space<vmem>>
      %dma_start3A_1023 = tpu.memref_squeeze %dma_start3A_1022 : memref<1x36x64xi32, #tpu.memory_space<vmem>> -> memref<36x64xi32, #tpu.memory_space<vmem>>
      %dma_start3A_1024 = arith.constant 0 : i32
      %dma_start3A_1025 = arith.constant 0 : i32
      %dma_start3A_1026 = tpu.memref_slice %arg4[%arg1, %dma_start3A_1018, %dma_start3A_1024, %dma_start3A_1025] : memref<16x9x36x64xi32, #tpu.memory_space<hbm>> -> memref<1x1x36x64xi32, #tpu.memory_space<hbm>>
      %dma_start3A_1027 = tpu.memref_squeeze %dma_start3A_1026 : memref<1x1x36x64xi32, #tpu.memory_space<hbm>> -> memref<36x64xi32, #tpu.memory_space<hbm>>
      %dma_start3A_1028 = arith.constant 0 : i32
      %dma_start3A_1029 = arith.constant 0 : i32
      %dma_start3A_1030 = tpu.memref_slice %arg7[%dma_start3A_1019, %dma_start3A_1028, %dma_start3A_1029] : memref<2x36x64xi32, #tpu.memory_space<vmem>> -> memref<1x36x64xi32, #tpu.memory_space<vmem>>
      %dma_start3A_1031 = tpu.memref_squeeze %dma_start3A_1030 : memref<1x36x64xi32, #tpu.memory_space<vmem>> -> memref<36x64xi32, #tpu.memory_space<vmem>>
      %dma_start3A_1032 = arith.constant 0 : i32
      %dma_start3A_1033 = arith.constant 0 : i32
      %dma_start3A_1034 = tpu.memref_slice %arg4[%arg1, %dma_start3A_1018, %dma_start3A_1032, %dma_start3A_1033] : memref<16x9x36x64xi32, #tpu.memory_space<hbm>> -> memref<1x1x36x64xi32, #tpu.memory_space<hbm>>
      %dma_start3A_1035 = tpu.memref_squeeze %dma_start3A_1034 : memref<1x1x36x64xi32, #tpu.memory_space<hbm>> -> memref<36x64xi32, #tpu.memory_space<hbm>>
      tpu.enqueue_dma source(%dma_start3A_1035 : memref<36x64xi32, #tpu.memory_space<hbm>>) target(%dma_start3A_1031 : memref<36x64xi32, #tpu.memory_space<vmem>>) target_semaphore(%arg16 : memref<!tpu.dma_semaphore, #tpu.memory_space<semaphore_mem>>)
      %dma_start3A_1036 = arith.constant 0 : i32
      %dma_start3A_1037 = arith.constant 0 : i32
      %dma_start3A_1038 = arith.constant 0 : i32
      %dma_start3A_1039 = tpu.memref_slice %arg8[%dma_start3A_1036, %dma_start3A_1037, %dma_start3A_1038] : memref<2x36x64xi32, #tpu.memory_space<vmem>> -> memref<1x1x64xi32, #tpu.memory_space<vmem>>
      %dma_start3A_1040 = tpu.memref_squeeze %dma_start3A_1039 : memref<1x1x64xi32, #tpu.memory_space<vmem>> -> memref<64xi32, #tpu.memory_space<vmem>>
      %dma_start3A_1041 = arith.constant 0 : i32
      %dma_start3A_1042 = arith.constant 0 : i32
      %dma_start3A_1043 = tpu.memref_slice %arg2[%dma_start3A_1041, %dma_start3A_1042] : memref<10000x128xf32, #tpu.memory_space<hbm>> -> memref<10000x128xf32, #tpu.memory_space<hbm>>
      tpu.enqueue_indirect_dma source(%dma_start3A_1043 : memref<10000x128xf32, #tpu.memory_space<hbm>>) target(%arg9 : memref<64x128xf32, #tpu.memory_space<vmem>>) offsets(%dma_start3A_1040 : memref<64xi32, #tpu.memory_space<vmem>>) semaphore(%arg13 : memref<!tpu.dma_semaphore, #tpu.memory_space<semaphore_mem>>)
      %dma_start3A_1044 = arith.constant 0 : i32
      %dma_start3A_1045 = arith.constant 1 : i32
      %dma_start3A_1046 = arith.constant 0 : i32
      %dma_start3A_1047 = tpu.memref_slice %arg8[%dma_start3A_1044, %dma_start3A_1045, %dma_start3A_1046] : memref<2x36x64xi32, #tpu.memory_space<vmem>> -> memref<1x1x64xi32, #tpu.memory_space<vmem>>
      %dma_start3A_1048 = tpu.memref_squeeze %dma_start3A_1047 : memref<1x1x64xi32, #tpu.memory_space<vmem>> -> memref<64xi32, #tpu.memory_space<vmem>>
      %dma_start3A_1049 = arith.constant 0 : i32
      %dma_start3A_1050 = arith.constant 0 : i32
      %dma_start3A_1051 = tpu.memref_slice %arg2[%dma_start3A_1049, %dma_start3A_1050] : memref<10000x128xf32, #tpu.memory_space<hbm>> -> memref<10000x128xf32, #tpu.memory_space<hbm>>
      tpu.enqueue_indirect_dma source(%dma_start3A_1051 : memref<10000x128xf32, #tpu.memory_space<hbm>>) target(%arg10 : memref<64x128xf32, #tpu.memory_space<vmem>>) offsets(%dma_start3A_1048 : memref<64xi32, #tpu.memory_space<vmem>>) semaphore(%arg14 : memref<!tpu.dma_semaphore, #tpu.memory_space<semaphore_mem>>)
      %dma_start3A_1052 = arith.constant 0 : i32
      %dma_start3A_1053 = arith.constant 2 : i32
      %dma_start3A_1054 = arith.constant 0 : i32
      %dma_start3A_1055 = tpu.memref_slice %arg8[%dma_start3A_1052, %dma_start3A_1053, %dma_start3A_1054] : memref<2x36x64xi32, #tpu.memory_space<vmem>> -> memref<1x1x64xi32, #tpu.memory_space<vmem>>
      %dma_start3A_1056 = tpu.memref_squeeze %dma_start3A_1055 : memref<1x1x64xi32, #tpu.memory_space<vmem>> -> memref<64xi32, #tpu.memory_space<vmem>>
      %dma_start3A_1057 = arith.constant 0 : i32
      %dma_start3A_1058 = arith.constant 0 : i32
      %dma_start3A_1059 = tpu.memref_slice %arg2[%dma_start3A_1057, %dma_start3A_1058] : memref<10000x128xf32, #tpu.memory_space<hbm>> -> memref<10000x128xf32, #tpu.memory_space<hbm>>
      tpu.enqueue_indirect_dma source(%dma_start3A_1059 : memref<10000x128xf32, #tpu.memory_space<hbm>>) target(%arg11 : memref<64x128xf32, #tpu.memory_space<vmem>>) offsets(%dma_start3A_1056 : memref<64xi32, #tpu.memory_space<vmem>>) semaphore(%arg15 : memref<!tpu.dma_semaphore, #tpu.memory_space<semaphore_mem>>)
      %scan3A_1060 = arith.constant 0 : i32
      %scan3A_1061 = arith.constant 11 : i32
      %scan3A_1062 = arith.addi %scan3A_1060, %scan3A_1061 : i32
      %scan3A_1063 = arith.constant 1 : i32
      scf.for %scan3A_1195 = %scan3A_1060 to %scan3A_1062 step %scan3A_1063  : i32 {
        %mul3A_1196 = arith.constant 3 : i32
        %mul3A_1197 = arith.muli %scan3A_1195, %mul3A_1196 : i32
        %add3A = arith.constant 0 : i32
        %add3A_1198 = arith.addi %mul3A_1197, %add3A : i32
        %dma_wait3A_1199 = arith.constant 0 : i32
        %dma_wait3A_1200 = arith.constant 0 : i32
        %dma_wait3A_1201 = tpu.memref_slice %arg8[%dma_wait3A_1199, %add3A_1198, %dma_wait3A_1200] : memref<2x36x64xi32, #tpu.memory_space<vmem>> -> memref<1x1x64xi32, #tpu.memory_space<vmem>>
        %dma_wait3A_1202 = tpu.memref_squeeze %dma_wait3A_1201 : memref<1x1x64xi32, #tpu.memory_space<vmem>> -> memref<64xi32, #tpu.memory_space<vmem>>
        %dma_wait3A_1203 = arith.constant 0 : i32
        %dma_wait3A_1204 = arith.constant 0 : i32
        %dma_wait3A_1205 = tpu.memref_slice %arg2[%dma_wait3A_1203, %dma_wait3A_1204] : memref<10000x128xf32, #tpu.memory_space<hbm>> -> memref<10000x128xf32, #tpu.memory_space<hbm>>
        tpu.wait_indirect_dma semaphore(%arg13 : memref<!tpu.dma_semaphore, #tpu.memory_space<semaphore_mem>>) src(%dma_wait3A_1205 : memref<10000x128xf32, #tpu.memory_space<hbm>>) dst(%arg9 : memref<64x128xf32, #tpu.memory_space<vmem>>)
        %run_scoped3A_1206 = arith.constant 1 : i32
        "tpu.region"() ({
          %run_scoped3A_1258 = tpu.sem_alloc : memref<!tpu.dma_semaphore, #tpu.memory_space<semaphore_mem>>
          %dma_start3A_1259 = arith.constant 0 : i32
          %dma_start3A_1260 = tpu.memref_slice %arg8[%run_scoped3A_1206, %add3A_1198, %dma_start3A_1259] : memref<2x36x64xi32, #tpu.memory_space<vmem>> -> memref<1x1x64xi32, #tpu.memory_space<vmem>>
          %dma_start3A_1261 = tpu.memref_squeeze %dma_start3A_1260 : memref<1x1x64xi32, #tpu.memory_space<vmem>> -> memref<64xi32, #tpu.memory_space<vmem>>
          %dma_start3A_1262 = arith.constant 0 : i32
          %dma_start3A_1263 = arith.constant 0 : i32
          %dma_start3A_1264 = tpu.memref_slice %arg12[%dma_start3A_1262, %dma_start3A_1263] : memref<10240x128xf32, #tpu.memory_space<vmem_shared>> -> memref<10240x128xf32, #tpu.memory_space<vmem_shared>>
          tpu.enqueue_indirect_dma source(%arg9 : memref<64x128xf32, #tpu.memory_space<vmem>>) target(%dma_start3A_1264 : memref<10240x128xf32, #tpu.memory_space<vmem_shared>>) offsets(%dma_start3A_1261 : memref<64xi32, #tpu.memory_space<vmem>>) semaphore(%run_scoped3A_1258 : memref<!tpu.dma_semaphore, #tpu.memory_space<semaphore_mem>>) {add = true}
          %dma_wait3A_1265 = arith.constant 0 : i32
          %dma_wait3A_1266 = tpu.memref_slice %arg8[%run_scoped3A_1206, %add3A_1198, %dma_wait3A_1265] : memref<2x36x64xi32, #tpu.memory_space<vmem>> -> memref<1x1x64xi32, #tpu.memory_space<vmem>>
          %dma_wait3A_1267 = tpu.memref_squeeze %dma_wait3A_1266 : memref<1x1x64xi32, #tpu.memory_space<vmem>> -> memref<64xi32, #tpu.memory_space<vmem>>
          %dma_wait3A_1268 = arith.constant 0 : i32
          %dma_wait3A_1269 = arith.constant 0 : i32
          %dma_wait3A_1270 = tpu.memref_slice %arg12[%dma_wait3A_1268, %dma_wait3A_1269] : memref<10240x128xf32, #tpu.memory_space<vmem_shared>> -> memref<10240x128xf32, #tpu.memory_space<vmem_shared>>
          tpu.wait_indirect_dma semaphore(%run_scoped3A_1258 : memref<!tpu.dma_semaphore, #tpu.memory_space<semaphore_mem>>) src(%arg9 : memref<64x128xf32, #tpu.memory_space<vmem>>) dst(%dma_wait3A_1270 : memref<10240x128xf32, #tpu.memory_space<vmem_shared>>)
          tpu.yield
        }) : () -> ()
        %add3A_1207 = arith.constant 3 : i32
        %add3A_1208 = arith.addi %add3A_1198, %add3A_1207 : i32
        %dma_start3A_1209 = arith.constant 0 : i32
        %dma_start3A_1210 = arith.constant 0 : i32
        %dma_start3A_1211 = tpu.memref_slice %arg8[%dma_start3A_1209, %add3A_1208, %dma_start3A_1210] : memref<2x36x64xi32, #tpu.memory_space<vmem>> -> memref<1x1x64xi32, #tpu.memory_space<vmem>>
        %dma_start3A_1212 = tpu.memref_squeeze %dma_start3A_1211 : memref<1x1x64xi32, #tpu.memory_space<vmem>> -> memref<64xi32, #tpu.memory_space<vmem>>
        %dma_start3A_1213 = arith.constant 0 : i32
        %dma_start3A_1214 = arith.constant 0 : i32
        %dma_start3A_1215 = tpu.memref_slice %arg2[%dma_start3A_1213, %dma_start3A_1214] : memref<10000x128xf32, #tpu.memory_space<hbm>> -> memref<10000x128xf32, #tpu.memory_space<hbm>>
        tpu.enqueue_indirect_dma source(%dma_start3A_1215 : memref<10000x128xf32, #tpu.memory_space<hbm>>) target(%arg9 : memref<64x128xf32, #tpu.memory_space<vmem>>) offsets(%dma_start3A_1212 : memref<64xi32, #tpu.memory_space<vmem>>) semaphore(%arg13 : memref<!tpu.dma_semaphore, #tpu.memory_space<semaphore_mem>>)
        %mul3A_1216 = arith.constant 3 : i32
        %mul3A_1217 = arith.muli %scan3A_1195, %mul3A_1216 : i32
        %add3A_1218 = arith.constant 1 : i32
        %add3A_1219 = arith.addi %mul3A_1217, %add3A_1218 : i32
        %dma_wait3A_1220 = arith.constant 0 : i32
        %dma_wait3A_1221 = arith.constant 0 : i32
        %dma_wait3A_1222 = tpu.memref_slice %arg8[%dma_wait3A_1220, %add3A_1219, %dma_wait3A_1221] : memref<2x36x64xi32, #tpu.memory_space<vmem>> -> memref<1x1x64xi32, #tpu.memory_space<vmem>>
        %dma_wait3A_1223 = tpu.memref_squeeze %dma_wait3A_1222 : memref<1x1x64xi32, #tpu.memory_space<vmem>> -> memref<64xi32, #tpu.memory_space<vmem>>
        %dma_wait3A_1224 = arith.constant 0 : i32
        %dma_wait3A_1225 = arith.constant 0 : i32
        %dma_wait3A_1226 = tpu.memref_slice %arg2[%dma_wait3A_1224, %dma_wait3A_1225] : memref<10000x128xf32, #tpu.memory_space<hbm>> -> memref<10000x128xf32, #tpu.memory_space<hbm>>
        tpu.wait_indirect_dma semaphore(%arg14 : memref<!tpu.dma_semaphore, #tpu.memory_space<semaphore_mem>>) src(%dma_wait3A_1226 : memref<10000x128xf32, #tpu.memory_space<hbm>>) dst(%arg10 : memref<64x128xf32, #tpu.memory_space<vmem>>)
        %run_scoped3A_1227 = arith.constant 1 : i32
        "tpu.region"() ({
          %run_scoped3A_1258 = tpu.sem_alloc : memref<!tpu.dma_semaphore, #tpu.memory_space<semaphore_mem>>
          %dma_start3A_1259 = arith.constant 0 : i32
          %dma_start3A_1260 = tpu.memref_slice %arg8[%run_scoped3A_1227, %add3A_1219, %dma_start3A_1259] : memref<2x36x64xi32, #tpu.memory_space<vmem>> -> memref<1x1x64xi32, #tpu.memory_space<vmem>>
          %dma_start3A_1261 = tpu.memref_squeeze %dma_start3A_1260 : memref<1x1x64xi32, #tpu.memory_space<vmem>> -> memref<64xi32, #tpu.memory_space<vmem>>
          %dma_start3A_1262 = arith.constant 0 : i32
          %dma_start3A_1263 = arith.constant 0 : i32
          %dma_start3A_1264 = tpu.memref_slice %arg12[%dma_start3A_1262, %dma_start3A_1263] : memref<10240x128xf32, #tpu.memory_space<vmem_shared>> -> memref<10240x128xf32, #tpu.memory_space<vmem_shared>>
          tpu.enqueue_indirect_dma source(%arg10 : memref<64x128xf32, #tpu.memory_space<vmem>>) target(%dma_start3A_1264 : memref<10240x128xf32, #tpu.memory_space<vmem_shared>>) offsets(%dma_start3A_1261 : memref<64xi32, #tpu.memory_space<vmem>>) semaphore(%run_scoped3A_1258 : memref<!tpu.dma_semaphore, #tpu.memory_space<semaphore_mem>>) {add = true}
          %dma_wait3A_1265 = arith.constant 0 : i32
          %dma_wait3A_1266 = tpu.memref_slice %arg8[%run_scoped3A_1227, %add3A_1219, %dma_wait3A_1265] : memref<2x36x64xi32, #tpu.memory_space<vmem>> -> memref<1x1x64xi32, #tpu.memory_space<vmem>>
          %dma_wait3A_1267 = tpu.memref_squeeze %dma_wait3A_1266 : memref<1x1x64xi32, #tpu.memory_space<vmem>> -> memref<64xi32, #tpu.memory_space<vmem>>
          %dma_wait3A_1268 = arith.constant 0 : i32
          %dma_wait3A_1269 = arith.constant 0 : i32
          %dma_wait3A_1270 = tpu.memref_slice %arg12[%dma_wait3A_1268, %dma_wait3A_1269] : memref<10240x128xf32, #tpu.memory_space<vmem_shared>> -> memref<10240x128xf32, #tpu.memory_space<vmem_shared>>
          tpu.wait_indirect_dma semaphore(%run_scoped3A_1258 : memref<!tpu.dma_semaphore, #tpu.memory_space<semaphore_mem>>) src(%arg10 : memref<64x128xf32, #tpu.memory_space<vmem>>) dst(%dma_wait3A_1270 : memref<10240x128xf32, #tpu.memory_space<vmem_shared>>)
          tpu.yield
        }) : () -> ()
        %add3A_1228 = arith.constant 3 : i32
        %add3A_1229 = arith.addi %add3A_1219, %add3A_1228 : i32
        %dma_start3A_1230 = arith.constant 0 : i32
        %dma_start3A_1231 = arith.constant 0 : i32
        %dma_start3A_1232 = tpu.memref_slice %arg8[%dma_start3A_1230, %add3A_1229, %dma_start3A_1231] : memref<2x36x64xi32, #tpu.memory_space<vmem>> -> memref<1x1x64xi32, #tpu.memory_space<vmem>>
        %dma_start3A_1233 = tpu.memref_squeeze %dma_start3A_1232 : memref<1x1x64xi32, #tpu.memory_space<vmem>> -> memref<64xi32, #tpu.memory_space<vmem>>
        %dma_start3A_1234 = arith.constant 0 : i32
        %dma_start3A_1235 = arith.constant 0 : i32
        %dma_start3A_1236 = tpu.memref_slice %arg2[%dma_start3A_1234, %dma_start3A_1235] : memref<10000x128xf32, #tpu.memory_space<hbm>> -> memref<10000x128xf32, #tpu.memory_space<hbm>>
        tpu.enqueue_indirect_dma source(%dma_start3A_1236 : memref<10000x128xf32, #tpu.memory_space<hbm>>) target(%arg10 : memref<64x128xf32, #tpu.memory_space<vmem>>) offsets(%dma_start3A_1233 : memref<64xi32, #tpu.memory_space<vmem>>) semaphore(%arg14 : memref<!tpu.dma_semaphore, #tpu.memory_space<semaphore_mem>>)
        %mul3A_1237 = arith.constant 3 : i32
        %mul3A_1238 = arith.muli %scan3A_1195, %mul3A_1237 : i32
        %add3A_1239 = arith.constant 2 : i32
        %add3A_1240 = arith.addi %mul3A_1238, %add3A_1239 : i32
        %dma_wait3A_1241 = arith.constant 0 : i32
        %dma_wait3A_1242 = arith.constant 0 : i32
        %dma_wait3A_1243 = tpu.memref_slice %arg8[%dma_wait3A_1241, %add3A_1240, %dma_wait3A_1242] : memref<2x36x64xi32, #tpu.memory_space<vmem>> -> memref<1x1x64xi32, #tpu.memory_space<vmem>>
        %dma_wait3A_1244 = tpu.memref_squeeze %dma_wait3A_1243 : memref<1x1x64xi32, #tpu.memory_space<vmem>> -> memref<64xi32, #tpu.memory_space<vmem>>
        %dma_wait3A_1245 = arith.constant 0 : i32
        %dma_wait3A_1246 = arith.constant 0 : i32
        %dma_wait3A_1247 = tpu.memref_slice %arg2[%dma_wait3A_1245, %dma_wait3A_1246] : memref<10000x128xf32, #tpu.memory_space<hbm>> -> memref<10000x128xf32, #tpu.memory_space<hbm>>
        tpu.wait_indirect_dma semaphore(%arg15 : memref<!tpu.dma_semaphore, #tpu.memory_space<semaphore_mem>>) src(%dma_wait3A_1247 : memref<10000x128xf32, #tpu.memory_space<hbm>>) dst(%arg11 : memref<64x128xf32, #tpu.memory_space<vmem>>)
        %run_scoped3A_1248 = arith.constant 1 : i32
        "tpu.region"() ({
          %run_scoped3A_1258 = tpu.sem_alloc : memref<!tpu.dma_semaphore, #tpu.memory_space<semaphore_mem>>
          %dma_start3A_1259 = arith.constant 0 : i32
          %dma_start3A_1260 = tpu.memref_slice %arg8[%run_scoped3A_1248, %add3A_1240, %dma_start3A_1259] : memref<2x36x64xi32, #tpu.memory_space<vmem>> -> memref<1x1x64xi32, #tpu.memory_space<vmem>>
          %dma_start3A_1261 = tpu.memref_squeeze %dma_start3A_1260 : memref<1x1x64xi32, #tpu.memory_space<vmem>> -> memref<64xi32, #tpu.memory_space<vmem>>
          %dma_start3A_1262 = arith.constant 0 : i32
          %dma_start3A_1263 = arith.constant 0 : i32
          %dma_start3A_1264 = tpu.memref_slice %arg12[%dma_start3A_1262, %dma_start3A_1263] : memref<10240x128xf32, #tpu.memory_space<vmem_shared>> -> memref<10240x128xf32, #tpu.memory_space<vmem_shared>>
          tpu.enqueue_indirect_dma source(%arg11 : memref<64x128xf32, #tpu.memory_space<vmem>>) target(%dma_start3A_1264 : memref<10240x128xf32, #tpu.memory_space<vmem_shared>>) offsets(%dma_start3A_1261 : memref<64xi32, #tpu.memory_space<vmem>>) semaphore(%run_scoped3A_1258 : memref<!tpu.dma_semaphore, #tpu.memory_space<semaphore_mem>>) {add = true}
          %dma_wait3A_1265 = arith.constant 0 : i32
          %dma_wait3A_1266 = tpu.memref_slice %arg8[%run_scoped3A_1248, %add3A_1240, %dma_wait3A_1265] : memref<2x36x64xi32, #tpu.memory_space<vmem>> -> memref<1x1x64xi32, #tpu.memory_space<vmem>>
          %dma_wait3A_1267 = tpu.memref_squeeze %dma_wait3A_1266 : memref<1x1x64xi32, #tpu.memory_space<vmem>> -> memref<64xi32, #tpu.memory_space<vmem>>
          %dma_wait3A_1268 = arith.constant 0 : i32
          %dma_wait3A_1269 = arith.constant 0 : i32
          %dma_wait3A_1270 = tpu.memref_slice %arg12[%dma_wait3A_1268, %dma_wait3A_1269] : memref<10240x128xf32, #tpu.memory_space<vmem_shared>> -> memref<10240x128xf32, #tpu.memory_space<vmem_shared>>
          tpu.wait_indirect_dma semaphore(%run_scoped3A_1258 : memref<!tpu.dma_semaphore, #tpu.memory_space<semaphore_mem>>) src(%arg11 : memref<64x128xf32, #tpu.memory_space<vmem>>) dst(%dma_wait3A_1270 : memref<10240x128xf32, #tpu.memory_space<vmem_shared>>)
          tpu.yield
        }) : () -> ()
        %add3A_1249 = arith.constant 3 : i32
        %add3A_1250 = arith.addi %add3A_1240, %add3A_1249 : i32
        %dma_start3A_1251 = arith.constant 0 : i32
        %dma_start3A_1252 = arith.constant 0 : i32
        %dma_start3A_1253 = tpu.memref_slice %arg8[%dma_start3A_1251, %add3A_1250, %dma_start3A_1252] : memref<2x36x64xi32, #tpu.memory_space<vmem>> -> memref<1x1x64xi32, #tpu.memory_space<vmem>>
        %dma_start3A_1254 = tpu.memref_squeeze %dma_start3A_1253 : memref<1x1x64xi32, #tpu.memory_space<vmem>> -> memref<64xi32, #tpu.memory_space<vmem>>
        %dma_start3A_1255 = arith.constant 0 : i32
        %dma_start3A_1256 = arith.constant 0 : i32
        %dma_start3A_1257 = tpu.memref_slice %arg2[%dma_start3A_1255, %dma_start3A_1256] : memref<10000x128xf32, #tpu.memory_space<hbm>> -> memref<10000x128xf32, #tpu.memory_space<hbm>>
        tpu.enqueue_indirect_dma source(%dma_start3A_1257 : memref<10000x128xf32, #tpu.memory_space<hbm>>) target(%arg11 : memref<64x128xf32, #tpu.memory_space<vmem>>) offsets(%dma_start3A_1254 : memref<64xi32, #tpu.memory_space<vmem>>) semaphore(%arg15 : memref<!tpu.dma_semaphore, #tpu.memory_space<semaphore_mem>>)
      }
      %scan3A_1064 = arith.constant 11 : i32
      %dma_wait3A_1065 = arith.constant 0 : i32
      %dma_wait3A_1066 = arith.constant 33 : i32
      %dma_wait3A_1067 = arith.constant 0 : i32
      %dma_wait3A_1068 = tpu.memref_slice %arg8[%dma_wait3A_1065, %dma_wait3A_1066, %dma_wait3A_1067] : memref<2x36x64xi32, #tpu.memory_space<vmem>> -> memref<1x1x64xi32, #tpu.memory_space<vmem>>
      %dma_wait3A_1069 = tpu.memref_squeeze %dma_wait3A_1068 : memref<1x1x64xi32, #tpu.memory_space<vmem>> -> memref<64xi32, #tpu.memory_space<vmem>>
      %dma_wait3A_1070 = arith.constant 0 : i32
      %dma_wait3A_1071 = arith.constant 0 : i32
      %dma_wait3A_1072 = tpu.memref_slice %arg2[%dma_wait3A_1070, %dma_wait3A_1071] : memref<10000x128xf32, #tpu.memory_space<hbm>> -> memref<10000x128xf32, #tpu.memory_space<hbm>>
      tpu.wait_indirect_dma semaphore(%arg13 : memref<!tpu.dma_semaphore, #tpu.memory_space<semaphore_mem>>) src(%dma_wait3A_1072 : memref<10000x128xf32, #tpu.memory_space<hbm>>) dst(%arg9 : memref<64x128xf32, #tpu.memory_space<vmem>>)
      %run_scoped3A_1073 = arith.constant 1 : i32
      %run_scoped3A_1074 = arith.constant 33 : i32
      "tpu.region"() ({
        %run_scoped3A_1195 = tpu.sem_alloc : memref<!tpu.dma_semaphore, #tpu.memory_space<semaphore_mem>>
        %dma_start3A_1196 = arith.constant 0 : i32
        %dma_start3A_1197 = tpu.memref_slice %arg8[%run_scoped3A_1073, %run_scoped3A_1074, %dma_start3A_1196] : memref<2x36x64xi32, #tpu.memory_space<vmem>> -> memref<1x1x64xi32, #tpu.memory_space<vmem>>
        %dma_start3A_1198 = tpu.memref_squeeze %dma_start3A_1197 : memref<1x1x64xi32, #tpu.memory_space<vmem>> -> memref<64xi32, #tpu.memory_space<vmem>>
        %dma_start3A_1199 = arith.constant 0 : i32
        %dma_start3A_1200 = arith.constant 0 : i32
        %dma_start3A_1201 = tpu.memref_slice %arg12[%dma_start3A_1199, %dma_start3A_1200] : memref<10240x128xf32, #tpu.memory_space<vmem_shared>> -> memref<10240x128xf32, #tpu.memory_space<vmem_shared>>
        tpu.enqueue_indirect_dma source(%arg9 : memref<64x128xf32, #tpu.memory_space<vmem>>) target(%dma_start3A_1201 : memref<10240x128xf32, #tpu.memory_space<vmem_shared>>) offsets(%dma_start3A_1198 : memref<64xi32, #tpu.memory_space<vmem>>) semaphore(%run_scoped3A_1195 : memref<!tpu.dma_semaphore, #tpu.memory_space<semaphore_mem>>) {add = true}
        %dma_wait3A_1202 = arith.constant 0 : i32
        %dma_wait3A_1203 = tpu.memref_slice %arg8[%run_scoped3A_1073, %run_scoped3A_1074, %dma_wait3A_1202] : memref<2x36x64xi32, #tpu.memory_space<vmem>> -> memref<1x1x64xi32, #tpu.memory_space<vmem>>
        %dma_wait3A_1204 = tpu.memref_squeeze %dma_wait3A_1203 : memref<1x1x64xi32, #tpu.memory_space<vmem>> -> memref<64xi32, #tpu.memory_space<vmem>>
        %dma_wait3A_1205 = arith.constant 0 : i32
        %dma_wait3A_1206 = arith.constant 0 : i32
        %dma_wait3A_1207 = tpu.memref_slice %arg12[%dma_wait3A_1205, %dma_wait3A_1206] : memref<10240x128xf32, #tpu.memory_space<vmem_shared>> -> memref<10240x128xf32, #tpu.memory_space<vmem_shared>>
        tpu.wait_indirect_dma semaphore(%run_scoped3A_1195 : memref<!tpu.dma_semaphore, #tpu.memory_space<semaphore_mem>>) src(%arg9 : memref<64x128xf32, #tpu.memory_space<vmem>>) dst(%dma_wait3A_1207 : memref<10240x128xf32, #tpu.memory_space<vmem_shared>>)
        tpu.yield
      }) : () -> ()
      %dma_wait3A_1075 = arith.constant 0 : i32
      %dma_wait3A_1076 = arith.constant 34 : i32
      %dma_wait3A_1077 = arith.constant 0 : i32
      %dma_wait3A_1078 = tpu.memref_slice %arg8[%dma_wait3A_1075, %dma_wait3A_1076, %dma_wait3A_1077] : memref<2x36x64xi32, #tpu.memory_space<vmem>> -> memref<1x1x64xi32, #tpu.memory_space<vmem>>
      %dma_wait3A_1079 = tpu.memref_squeeze %dma_wait3A_1078 : memref<1x1x64xi32, #tpu.memory_space<vmem>> -> memref<64xi32, #tpu.memory_space<vmem>>
      %dma_wait3A_1080 = arith.constant 0 : i32
      %dma_wait3A_1081 = arith.constant 0 : i32
      %dma_wait3A_1082 = tpu.memref_slice %arg2[%dma_wait3A_1080, %dma_wait3A_1081] : memref<10000x128xf32, #tpu.memory_space<hbm>> -> memref<10000x128xf32, #tpu.memory_space<hbm>>
      tpu.wait_indirect_dma semaphore(%arg14 : memref<!tpu.dma_semaphore, #tpu.memory_space<semaphore_mem>>) src(%dma_wait3A_1082 : memref<10000x128xf32, #tpu.memory_space<hbm>>) dst(%arg10 : memref<64x128xf32, #tpu.memory_space<vmem>>)
      %run_scoped3A_1083 = arith.constant 1 : i32
      %run_scoped3A_1084 = arith.constant 34 : i32
      "tpu.region"() ({
        %run_scoped3A_1195 = tpu.sem_alloc : memref<!tpu.dma_semaphore, #tpu.memory_space<semaphore_mem>>
        %dma_start3A_1196 = arith.constant 0 : i32
        %dma_start3A_1197 = tpu.memref_slice %arg8[%run_scoped3A_1083, %run_scoped3A_1084, %dma_start3A_1196] : memref<2x36x64xi32, #tpu.memory_space<vmem>> -> memref<1x1x64xi32, #tpu.memory_space<vmem>>
        %dma_start3A_1198 = tpu.memref_squeeze %dma_start3A_1197 : memref<1x1x64xi32, #tpu.memory_space<vmem>> -> memref<64xi32, #tpu.memory_space<vmem>>
        %dma_start3A_1199 = arith.constant 0 : i32
        %dma_start3A_1200 = arith.constant 0 : i32
        %dma_start3A_1201 = tpu.memref_slice %arg12[%dma_start3A_1199, %dma_start3A_1200] : memref<10240x128xf32, #tpu.memory_space<vmem_shared>> -> memref<10240x128xf32, #tpu.memory_space<vmem_shared>>
        tpu.enqueue_indirect_dma source(%arg10 : memref<64x128xf32, #tpu.memory_space<vmem>>) target(%dma_start3A_1201 : memref<10240x128xf32, #tpu.memory_space<vmem_shared>>) offsets(%dma_start3A_1198 : memref<64xi32, #tpu.memory_space<vmem>>) semaphore(%run_scoped3A_1195 : memref<!tpu.dma_semaphore, #tpu.memory_space<semaphore_mem>>) {add = true}
        %dma_wait3A_1202 = arith.constant 0 : i32
        %dma_wait3A_1203 = tpu.memref_slice %arg8[%run_scoped3A_1083, %run_scoped3A_1084, %dma_wait3A_1202] : memref<2x36x64xi32, #tpu.memory_space<vmem>> -> memref<1x1x64xi32, #tpu.memory_space<vmem>>
        %dma_wait3A_1204 = tpu.memref_squeeze %dma_wait3A_1203 : memref<1x1x64xi32, #tpu.memory_space<vmem>> -> memref<64xi32, #tpu.memory_space<vmem>>
        %dma_wait3A_1205 = arith.constant 0 : i32
        %dma_wait3A_1206 = arith.constant 0 : i32
        %dma_wait3A_1207 = tpu.memref_slice %arg12[%dma_wait3A_1205, %dma_wait3A_1206] : memref<10240x128xf32, #tpu.memory_space<vmem_shared>> -> memref<10240x128xf32, #tpu.memory_space<vmem_shared>>
        tpu.wait_indirect_dma semaphore(%run_scoped3A_1195 : memref<!tpu.dma_semaphore, #tpu.memory_space<semaphore_mem>>) src(%arg10 : memref<64x128xf32, #tpu.memory_space<vmem>>) dst(%dma_wait3A_1207 : memref<10240x128xf32, #tpu.memory_space<vmem_shared>>)
        tpu.yield
      }) : () -> ()
      %dma_wait3A_1085 = arith.constant 0 : i32
      %dma_wait3A_1086 = arith.constant 35 : i32
      %dma_wait3A_1087 = arith.constant 0 : i32
      %dma_wait3A_1088 = tpu.memref_slice %arg8[%dma_wait3A_1085, %dma_wait3A_1086, %dma_wait3A_1087] : memref<2x36x64xi32, #tpu.memory_space<vmem>> -> memref<1x1x64xi32, #tpu.memory_space<vmem>>
      %dma_wait3A_1089 = tpu.memref_squeeze %dma_wait3A_1088 : memref<1x1x64xi32, #tpu.memory_space<vmem>> -> memref<64xi32, #tpu.memory_space<vmem>>
      %dma_wait3A_1090 = arith.constant 0 : i32
      %dma_wait3A_1091 = arith.constant 0 : i32
      %dma_wait3A_1092 = tpu.memref_slice %arg2[%dma_wait3A_1090, %dma_wait3A_1091] : memref<10000x128xf32, #tpu.memory_space<hbm>> -> memref<10000x128xf32, #tpu.memory_space<hbm>>
      tpu.wait_indirect_dma semaphore(%arg15 : memref<!tpu.dma_semaphore, #tpu.memory_space<semaphore_mem>>) src(%dma_wait3A_1092 : memref<10000x128xf32, #tpu.memory_space<hbm>>) dst(%arg11 : memref<64x128xf32, #tpu.memory_space<vmem>>)
      %run_scoped3A_1093 = arith.constant 1 : i32
      %run_scoped3A_1094 = arith.constant 35 : i32
      "tpu.region"() ({
        %run_scoped3A_1195 = tpu.sem_alloc : memref<!tpu.dma_semaphore, #tpu.memory_space<semaphore_mem>>
        %dma_start3A_1196 = arith.constant 0 : i32
        %dma_start3A_1197 = tpu.memref_slice %arg8[%run_scoped3A_1093, %run_scoped3A_1094, %dma_start3A_1196] : memref<2x36x64xi32, #tpu.memory_space<vmem>> -> memref<1x1x64xi32, #tpu.memory_space<vmem>>
        %dma_start3A_1198 = tpu.memref_squeeze %dma_start3A_1197 : memref<1x1x64xi32, #tpu.memory_space<vmem>> -> memref<64xi32, #tpu.memory_space<vmem>>
        %dma_start3A_1199 = arith.constant 0 : i32
        %dma_start3A_1200 = arith.constant 0 : i32
        %dma_start3A_1201 = tpu.memref_slice %arg12[%dma_start3A_1199, %dma_start3A_1200] : memref<10240x128xf32, #tpu.memory_space<vmem_shared>> -> memref<10240x128xf32, #tpu.memory_space<vmem_shared>>
        tpu.enqueue_indirect_dma source(%arg11 : memref<64x128xf32, #tpu.memory_space<vmem>>) target(%dma_start3A_1201 : memref<10240x128xf32, #tpu.memory_space<vmem_shared>>) offsets(%dma_start3A_1198 : memref<64xi32, #tpu.memory_space<vmem>>) semaphore(%run_scoped3A_1195 : memref<!tpu.dma_semaphore, #tpu.memory_space<semaphore_mem>>) {add = true}
        %dma_wait3A_1202 = arith.constant 0 : i32
        %dma_wait3A_1203 = tpu.memref_slice %arg8[%run_scoped3A_1093, %run_scoped3A_1094, %dma_wait3A_1202] : memref<2x36x64xi32, #tpu.memory_space<vmem>> -> memref<1x1x64xi32, #tpu.memory_space<vmem>>
        %dma_wait3A_1204 = tpu.memref_squeeze %dma_wait3A_1203 : memref<1x1x64xi32, #tpu.memory_space<vmem>> -> memref<64xi32, #tpu.memory_space<vmem>>
        %dma_wait3A_1205 = arith.constant 0 : i32
        %dma_wait3A_1206 = arith.constant 0 : i32
        %dma_wait3A_1207 = tpu.memref_slice %arg12[%dma_wait3A_1205, %dma_wait3A_1206] : memref<10240x128xf32, #tpu.memory_space<vmem_shared>> -> memref<10240x128xf32, #tpu.memory_space<vmem_shared>>
        tpu.wait_indirect_dma semaphore(%run_scoped3A_1195 : memref<!tpu.dma_semaphore, #tpu.memory_space<semaphore_mem>>) src(%arg11 : memref<64x128xf32, #tpu.memory_space<vmem>>) dst(%dma_wait3A_1207 : memref<10240x128xf32, #tpu.memory_space<vmem_shared>>)
        tpu.yield
      }) : () -> ()
      %dma_wait3A_1095 = arith.constant 8 : i32
      %dma_wait3A_1096 = arith.constant 0 : i32
      %dma_wait3A_1097 = arith.constant 0 : i32
      %dma_wait3A_1098 = arith.constant 0 : i32
      %dma_wait3A_1099 = tpu.memref_slice %arg7[%dma_wait3A_1096, %dma_wait3A_1097, %dma_wait3A_1098] : memref<2x36x64xi32, #tpu.memory_space<vmem>> -> memref<1x36x64xi32, #tpu.memory_space<vmem>>
      %dma_wait3A_1100 = tpu.memref_squeeze %dma_wait3A_1099 : memref<1x36x64xi32, #tpu.memory_space<vmem>> -> memref<36x64xi32, #tpu.memory_space<vmem>>
      %dma_wait3A_1101 = arith.constant 0 : i32
      %dma_wait3A_1102 = arith.constant 0 : i32
      %dma_wait3A_1103 = tpu.memref_slice %arg3[%arg1, %dma_wait3A_1095, %dma_wait3A_1101, %dma_wait3A_1102] : memref<16x9x36x64xi32, #tpu.memory_space<hbm>> -> memref<1x1x36x64xi32, #tpu.memory_space<hbm>>
      %dma_wait3A_1104 = tpu.memref_squeeze %dma_wait3A_1103 : memref<1x1x36x64xi32, #tpu.memory_space<hbm>> -> memref<36x64xi32, #tpu.memory_space<hbm>>
      %dma_wait3A_1105 = arith.constant 0 : i32
      %dma_wait3A_1106 = arith.constant 0 : i32
      %dma_wait3A_1107 = tpu.memref_slice %arg7[%dma_wait3A_1096, %dma_wait3A_1105, %dma_wait3A_1106] : memref<2x36x64xi32, #tpu.memory_space<vmem>> -> memref<1x36x64xi32, #tpu.memory_space<vmem>>
      %dma_wait3A_1108 = tpu.memref_squeeze %dma_wait3A_1107 : memref<1x36x64xi32, #tpu.memory_space<vmem>> -> memref<36x64xi32, #tpu.memory_space<vmem>>
      %dma_wait3A_1109 = arith.constant 0 : i32
      %dma_wait3A_1110 = arith.constant 0 : i32
      %dma_wait3A_1111 = tpu.memref_slice %arg3[%arg1, %dma_wait3A_1095, %dma_wait3A_1109, %dma_wait3A_1110] : memref<16x9x36x64xi32, #tpu.memory_space<hbm>> -> memref<1x1x36x64xi32, #tpu.memory_space<hbm>>
      %dma_wait3A_1112 = tpu.memref_squeeze %dma_wait3A_1111 : memref<1x1x36x64xi32, #tpu.memory_space<hbm>> -> memref<36x64xi32, #tpu.memory_space<hbm>>
      tpu.wait_dma2 semaphore(%arg16 : memref<!tpu.dma_semaphore, #tpu.memory_space<semaphore_mem>>) src(%dma_wait3A_1112 : memref<36x64xi32, #tpu.memory_space<hbm>>) dst(%dma_wait3A_1108 : memref<36x64xi32, #tpu.memory_space<vmem>>)
      %dma_wait3A_1113 = arith.constant 8 : i32
      %dma_wait3A_1114 = arith.constant 1 : i32
      %dma_wait3A_1115 = arith.constant 0 : i32
      %dma_wait3A_1116 = arith.constant 0 : i32
      %dma_wait3A_1117 = tpu.memref_slice %arg7[%dma_wait3A_1114, %dma_wait3A_1115, %dma_wait3A_1116] : memref<2x36x64xi32, #tpu.memory_space<vmem>> -> memref<1x36x64xi32, #tpu.memory_space<vmem>>
      %dma_wait3A_1118 = tpu.memref_squeeze %dma_wait3A_1117 : memref<1x36x64xi32, #tpu.memory_space<vmem>> -> memref<36x64xi32, #tpu.memory_space<vmem>>
      %dma_wait3A_1119 = arith.constant 0 : i32
      %dma_wait3A_1120 = arith.constant 0 : i32
      %dma_wait3A_1121 = tpu.memref_slice %arg4[%arg1, %dma_wait3A_1113, %dma_wait3A_1119, %dma_wait3A_1120] : memref<16x9x36x64xi32, #tpu.memory_space<hbm>> -> memref<1x1x36x64xi32, #tpu.memory_space<hbm>>
      %dma_wait3A_1122 = tpu.memref_squeeze %dma_wait3A_1121 : memref<1x1x36x64xi32, #tpu.memory_space<hbm>> -> memref<36x64xi32, #tpu.memory_space<hbm>>
      %dma_wait3A_1123 = arith.constant 0 : i32
      %dma_wait3A_1124 = arith.constant 0 : i32
      %dma_wait3A_1125 = tpu.memref_slice %arg7[%dma_wait3A_1114, %dma_wait3A_1123, %dma_wait3A_1124] : memref<2x36x64xi32, #tpu.memory_space<vmem>> -> memref<1x36x64xi32, #tpu.memory_space<vmem>>
      %dma_wait3A_1126 = tpu.memref_squeeze %dma_wait3A_1125 : memref<1x36x64xi32, #tpu.memory_space<vmem>> -> memref<36x64xi32, #tpu.memory_space<vmem>>
      %dma_wait3A_1127 = arith.constant 0 : i32
      %dma_wait3A_1128 = arith.constant 0 : i32
      %dma_wait3A_1129 = tpu.memref_slice %arg4[%arg1, %dma_wait3A_1113, %dma_wait3A_1127, %dma_wait3A_1128] : memref<16x9x36x64xi32, #tpu.memory_space<hbm>> -> memref<1x1x36x64xi32, #tpu.memory_space<hbm>>
      %dma_wait3A_1130 = tpu.memref_squeeze %dma_wait3A_1129 : memref<1x1x36x64xi32, #tpu.memory_space<hbm>> -> memref<36x64xi32, #tpu.memory_space<hbm>>
      tpu.wait_dma2 semaphore(%arg16 : memref<!tpu.dma_semaphore, #tpu.memory_space<semaphore_mem>>) src(%dma_wait3A_1130 : memref<36x64xi32, #tpu.memory_space<hbm>>) dst(%dma_wait3A_1126 : memref<36x64xi32, #tpu.memory_space<vmem>>)
      %dma_start3A_1131 = arith.constant 0 : i32
      %dma_start3A_1132 = arith.constant 0 : i32
      %dma_start3A_1133 = arith.constant 0 : i32
      %dma_start3A_1134 = tpu.memref_slice %arg7[%dma_start3A_1131, %dma_start3A_1132, %dma_start3A_1133] : memref<2x36x64xi32, #tpu.memory_space<vmem>> -> memref<1x1x64xi32, #tpu.memory_space<vmem>>
      %dma_start3A_1135 = tpu.memref_squeeze %dma_start3A_1134 : memref<1x1x64xi32, #tpu.memory_space<vmem>> -> memref<64xi32, #tpu.memory_space<vmem>>
      %dma_start3A_1136 = arith.constant 0 : i32
      %dma_start3A_1137 = arith.constant 0 : i32
      %dma_start3A_1138 = tpu.memref_slice %arg2[%dma_start3A_1136, %dma_start3A_1137] : memref<10000x128xf32, #tpu.memory_space<hbm>> -> memref<10000x128xf32, #tpu.memory_space<hbm>>
      tpu.enqueue_indirect_dma source(%dma_start3A_1138 : memref<10000x128xf32, #tpu.memory_space<hbm>>) target(%arg9 : memref<64x128xf32, #tpu.memory_space<vmem>>) offsets(%dma_start3A_1135 : memref<64xi32, #tpu.memory_space<vmem>>) semaphore(%arg13 : memref<!tpu.dma_semaphore, #tpu.memory_space<semaphore_mem>>)
      %dma_start3A_1139 = arith.constant 0 : i32
      %dma_start3A_1140 = arith.constant 1 : i32
      %dma_start3A_1141 = arith.constant 0 : i32
      %dma_start3A_1142 = tpu.memref_slice %arg7[%dma_start3A_1139, %dma_start3A_1140, %dma_start3A_1141] : memref<2x36x64xi32, #tpu.memory_space<vmem>> -> memref<1x1x64xi32, #tpu.memory_space<vmem>>
      %dma_start3A_1143 = tpu.memref_squeeze %dma_start3A_1142 : memref<1x1x64xi32, #tpu.memory_space<vmem>> -> memref<64xi32, #tpu.memory_space<vmem>>
      %dma_start3A_1144 = arith.constant 0 : i32
      %dma_start3A_1145 = arith.constant 0 : i32
      %dma_start3A_1146 = tpu.memref_slice %arg2[%dma_start3A_1144, %dma_start3A_1145] : memref<10000x128xf32, #tpu.memory_space<hbm>> -> memref<10000x128xf32, #tpu.memory_space<hbm>>
      tpu.enqueue_indirect_dma source(%dma_start3A_1146 : memref<10000x128xf32, #tpu.memory_space<hbm>>) target(%arg10 : memref<64x128xf32, #tpu.memory_space<vmem>>) offsets(%dma_start3A_1143 : memref<64xi32, #tpu.memory_space<vmem>>) semaphore(%arg14 : memref<!tpu.dma_semaphore, #tpu.memory_space<semaphore_mem>>)
      %dma_start3A_1147 = arith.constant 0 : i32
      %dma_start3A_1148 = arith.constant 2 : i32
      %dma_start3A_1149 = arith.constant 0 : i32
      %dma_start3A_1150 = tpu.memref_slice %arg7[%dma_start3A_1147, %dma_start3A_1148, %dma_start3A_1149] : memref<2x36x64xi32, #tpu.memory_space<vmem>> -> memref<1x1x64xi32, #tpu.memory_space<vmem>>
      %dma_start3A_1151 = tpu.memref_squeeze %dma_start3A_1150 : memref<1x1x64xi32, #tpu.memory_space<vmem>> -> memref<64xi32, #tpu.memory_space<vmem>>
      %dma_start3A_1152 = arith.constant 0 : i32
      %dma_start3A_1153 = arith.constant 0 : i32
      %dma_start3A_1154 = tpu.memref_slice %arg2[%dma_start3A_1152, %dma_start3A_1153] : memref<10000x128xf32, #tpu.memory_space<hbm>> -> memref<10000x128xf32, #tpu.memory_space<hbm>>
      tpu.enqueue_indirect_dma source(%dma_start3A_1154 : memref<10000x128xf32, #tpu.memory_space<hbm>>) target(%arg11 : memref<64x128xf32, #tpu.memory_space<vmem>>) offsets(%dma_start3A_1151 : memref<64xi32, #tpu.memory_space<vmem>>) semaphore(%arg15 : memref<!tpu.dma_semaphore, #tpu.memory_space<semaphore_mem>>)
      %scan3A_1155 = arith.constant 0 : i32
      %scan3A_1156 = arith.constant 11 : i32
      %scan3A_1157 = arith.addi %scan3A_1155, %scan3A_1156 : i32
      %scan3A_1158 = arith.constant 1 : i32
      scf.for %scan3A_1195 = %scan3A_1155 to %scan3A_1157 step %scan3A_1158  : i32 {
        %mul3A_1196 = arith.constant 3 : i32
        %mul3A_1197 = arith.muli %scan3A_1195, %mul3A_1196 : i32
        %add3A = arith.constant 0 : i32
        %add3A_1198 = arith.addi %mul3A_1197, %add3A : i32
        %dma_wait3A_1199 = arith.constant 0 : i32
        %dma_wait3A_1200 = arith.constant 0 : i32
        %dma_wait3A_1201 = tpu.memref_slice %arg7[%dma_wait3A_1199, %add3A_1198, %dma_wait3A_1200] : memref<2x36x64xi32, #tpu.memory_space<vmem>> -> memref<1x1x64xi32, #tpu.memory_space<vmem>>
        %dma_wait3A_1202 = tpu.memref_squeeze %dma_wait3A_1201 : memref<1x1x64xi32, #tpu.memory_space<vmem>> -> memref<64xi32, #tpu.memory_space<vmem>>
        %dma_wait3A_1203 = arith.constant 0 : i32
        %dma_wait3A_1204 = arith.constant 0 : i32
        %dma_wait3A_1205 = tpu.memref_slice %arg2[%dma_wait3A_1203, %dma_wait3A_1204] : memref<10000x128xf32, #tpu.memory_space<hbm>> -> memref<10000x128xf32, #tpu.memory_space<hbm>>
        tpu.wait_indirect_dma semaphore(%arg13 : memref<!tpu.dma_semaphore, #tpu.memory_space<semaphore_mem>>) src(%dma_wait3A_1205 : memref<10000x128xf32, #tpu.memory_space<hbm>>) dst(%arg9 : memref<64x128xf32, #tpu.memory_space<vmem>>)
        %run_scoped3A_1206 = arith.constant 1 : i32
        "tpu.region"() ({
          %run_scoped3A_1258 = tpu.sem_alloc : memref<!tpu.dma_semaphore, #tpu.memory_space<semaphore_mem>>
          %dma_start3A_1259 = arith.constant 0 : i32
          %dma_start3A_1260 = tpu.memref_slice %arg7[%run_scoped3A_1206, %add3A_1198, %dma_start3A_1259] : memref<2x36x64xi32, #tpu.memory_space<vmem>> -> memref<1x1x64xi32, #tpu.memory_space<vmem>>
          %dma_start3A_1261 = tpu.memref_squeeze %dma_start3A_1260 : memref<1x1x64xi32, #tpu.memory_space<vmem>> -> memref<64xi32, #tpu.memory_space<vmem>>
          %dma_start3A_1262 = arith.constant 0 : i32
          %dma_start3A_1263 = arith.constant 0 : i32
          %dma_start3A_1264 = tpu.memref_slice %arg12[%dma_start3A_1262, %dma_start3A_1263] : memref<10240x128xf32, #tpu.memory_space<vmem_shared>> -> memref<10240x128xf32, #tpu.memory_space<vmem_shared>>
          tpu.enqueue_indirect_dma source(%arg9 : memref<64x128xf32, #tpu.memory_space<vmem>>) target(%dma_start3A_1264 : memref<10240x128xf32, #tpu.memory_space<vmem_shared>>) offsets(%dma_start3A_1261 : memref<64xi32, #tpu.memory_space<vmem>>) semaphore(%run_scoped3A_1258 : memref<!tpu.dma_semaphore, #tpu.memory_space<semaphore_mem>>) {add = true}
          %dma_wait3A_1265 = arith.constant 0 : i32
          %dma_wait3A_1266 = tpu.memref_slice %arg7[%run_scoped3A_1206, %add3A_1198, %dma_wait3A_1265] : memref<2x36x64xi32, #tpu.memory_space<vmem>> -> memref<1x1x64xi32, #tpu.memory_space<vmem>>
          %dma_wait3A_1267 = tpu.memref_squeeze %dma_wait3A_1266 : memref<1x1x64xi32, #tpu.memory_space<vmem>> -> memref<64xi32, #tpu.memory_space<vmem>>
          %dma_wait3A_1268 = arith.constant 0 : i32
          %dma_wait3A_1269 = arith.constant 0 : i32
          %dma_wait3A_1270 = tpu.memref_slice %arg12[%dma_wait3A_1268, %dma_wait3A_1269] : memref<10240x128xf32, #tpu.memory_space<vmem_shared>> -> memref<10240x128xf32, #tpu.memory_space<vmem_shared>>
          tpu.wait_indirect_dma semaphore(%run_scoped3A_1258 : memref<!tpu.dma_semaphore, #tpu.memory_space<semaphore_mem>>) src(%arg9 : memref<64x128xf32, #tpu.memory_space<vmem>>) dst(%dma_wait3A_1270 : memref<10240x128xf32, #tpu.memory_space<vmem_shared>>)
          tpu.yield
        }) : () -> ()
        %add3A_1207 = arith.constant 3 : i32
        %add3A_1208 = arith.addi %add3A_1198, %add3A_1207 : i32
        %dma_start3A_1209 = arith.constant 0 : i32
        %dma_start3A_1210 = arith.constant 0 : i32
        %dma_start3A_1211 = tpu.memref_slice %arg7[%dma_start3A_1209, %add3A_1208, %dma_start3A_1210] : memref<2x36x64xi32, #tpu.memory_space<vmem>> -> memref<1x1x64xi32, #tpu.memory_space<vmem>>
        %dma_start3A_1212 = tpu.memref_squeeze %dma_start3A_1211 : memref<1x1x64xi32, #tpu.memory_space<vmem>> -> memref<64xi32, #tpu.memory_space<vmem>>
        %dma_start3A_1213 = arith.constant 0 : i32
        %dma_start3A_1214 = arith.constant 0 : i32
        %dma_start3A_1215 = tpu.memref_slice %arg2[%dma_start3A_1213, %dma_start3A_1214] : memref<10000x128xf32, #tpu.memory_space<hbm>> -> memref<10000x128xf32, #tpu.memory_space<hbm>>
        tpu.enqueue_indirect_dma source(%dma_start3A_1215 : memref<10000x128xf32, #tpu.memory_space<hbm>>) target(%arg9 : memref<64x128xf32, #tpu.memory_space<vmem>>) offsets(%dma_start3A_1212 : memref<64xi32, #tpu.memory_space<vmem>>) semaphore(%arg13 : memref<!tpu.dma_semaphore, #tpu.memory_space<semaphore_mem>>)
        %mul3A_1216 = arith.constant 3 : i32
        %mul3A_1217 = arith.muli %scan3A_1195, %mul3A_1216 : i32
        %add3A_1218 = arith.constant 1 : i32
        %add3A_1219 = arith.addi %mul3A_1217, %add3A_1218 : i32
        %dma_wait3A_1220 = arith.constant 0 : i32
        %dma_wait3A_1221 = arith.constant 0 : i32
        %dma_wait3A_1222 = tpu.memref_slice %arg7[%dma_wait3A_1220, %add3A_1219, %dma_wait3A_1221] : memref<2x36x64xi32, #tpu.memory_space<vmem>> -> memref<1x1x64xi32, #tpu.memory_space<vmem>>
        %dma_wait3A_1223 = tpu.memref_squeeze %dma_wait3A_1222 : memref<1x1x64xi32, #tpu.memory_space<vmem>> -> memref<64xi32, #tpu.memory_space<vmem>>
        %dma_wait3A_1224 = arith.constant 0 : i32
        %dma_wait3A_1225 = arith.constant 0 : i32
        %dma_wait3A_1226 = tpu.memref_slice %arg2[%dma_wait3A_1224, %dma_wait3A_1225] : memref<10000x128xf32, #tpu.memory_space<hbm>> -> memref<10000x128xf32, #tpu.memory_space<hbm>>
        tpu.wait_indirect_dma semaphore(%arg14 : memref<!tpu.dma_semaphore, #tpu.memory_space<semaphore_mem>>) src(%dma_wait3A_1226 : memref<10000x128xf32, #tpu.memory_space<hbm>>) dst(%arg10 : memref<64x128xf32, #tpu.memory_space<vmem>>)
        %run_scoped3A_1227 = arith.constant 1 : i32
        "tpu.region"() ({
          %run_scoped3A_1258 = tpu.sem_alloc : memref<!tpu.dma_semaphore, #tpu.memory_space<semaphore_mem>>
          %dma_start3A_1259 = arith.constant 0 : i32
          %dma_start3A_1260 = tpu.memref_slice %arg7[%run_scoped3A_1227, %add3A_1219, %dma_start3A_1259] : memref<2x36x64xi32, #tpu.memory_space<vmem>> -> memref<1x1x64xi32, #tpu.memory_space<vmem>>
          %dma_start3A_1261 = tpu.memref_squeeze %dma_start3A_1260 : memref<1x1x64xi32, #tpu.memory_space<vmem>> -> memref<64xi32, #tpu.memory_space<vmem>>
          %dma_start3A_1262 = arith.constant 0 : i32
          %dma_start3A_1263 = arith.constant 0 : i32
          %dma_start3A_1264 = tpu.memref_slice %arg12[%dma_start3A_1262, %dma_start3A_1263] : memref<10240x128xf32, #tpu.memory_space<vmem_shared>> -> memref<10240x128xf32, #tpu.memory_space<vmem_shared>>
          tpu.enqueue_indirect_dma source(%arg10 : memref<64x128xf32, #tpu.memory_space<vmem>>) target(%dma_start3A_1264 : memref<10240x128xf32, #tpu.memory_space<vmem_shared>>) offsets(%dma_start3A_1261 : memref<64xi32, #tpu.memory_space<vmem>>) semaphore(%run_scoped3A_1258 : memref<!tpu.dma_semaphore, #tpu.memory_space<semaphore_mem>>) {add = true}
          %dma_wait3A_1265 = arith.constant 0 : i32
          %dma_wait3A_1266 = tpu.memref_slice %arg7[%run_scoped3A_1227, %add3A_1219, %dma_wait3A_1265] : memref<2x36x64xi32, #tpu.memory_space<vmem>> -> memref<1x1x64xi32, #tpu.memory_space<vmem>>
          %dma_wait3A_1267 = tpu.memref_squeeze %dma_wait3A_1266 : memref<1x1x64xi32, #tpu.memory_space<vmem>> -> memref<64xi32, #tpu.memory_space<vmem>>
          %dma_wait3A_1268 = arith.constant 0 : i32
          %dma_wait3A_1269 = arith.constant 0 : i32
          %dma_wait3A_1270 = tpu.memref_slice %arg12[%dma_wait3A_1268, %dma_wait3A_1269] : memref<10240x128xf32, #tpu.memory_space<vmem_shared>> -> memref<10240x128xf32, #tpu.memory_space<vmem_shared>>
          tpu.wait_indirect_dma semaphore(%run_scoped3A_1258 : memref<!tpu.dma_semaphore, #tpu.memory_space<semaphore_mem>>) src(%arg10 : memref<64x128xf32, #tpu.memory_space<vmem>>) dst(%dma_wait3A_1270 : memref<10240x128xf32, #tpu.memory_space<vmem_shared>>)
          tpu.yield
        }) : () -> ()
        %add3A_1228 = arith.constant 3 : i32
        %add3A_1229 = arith.addi %add3A_1219, %add3A_1228 : i32
        %dma_start3A_1230 = arith.constant 0 : i32
        %dma_start3A_1231 = arith.constant 0 : i32
        %dma_start3A_1232 = tpu.memref_slice %arg7[%dma_start3A_1230, %add3A_1229, %dma_start3A_1231] : memref<2x36x64xi32, #tpu.memory_space<vmem>> -> memref<1x1x64xi32, #tpu.memory_space<vmem>>
        %dma_start3A_1233 = tpu.memref_squeeze %dma_start3A_1232 : memref<1x1x64xi32, #tpu.memory_space<vmem>> -> memref<64xi32, #tpu.memory_space<vmem>>
        %dma_start3A_1234 = arith.constant 0 : i32
        %dma_start3A_1235 = arith.constant 0 : i32
        %dma_start3A_1236 = tpu.memref_slice %arg2[%dma_start3A_1234, %dma_start3A_1235] : memref<10000x128xf32, #tpu.memory_space<hbm>> -> memref<10000x128xf32, #tpu.memory_space<hbm>>
        tpu.enqueue_indirect_dma source(%dma_start3A_1236 : memref<10000x128xf32, #tpu.memory_space<hbm>>) target(%arg10 : memref<64x128xf32, #tpu.memory_space<vmem>>) offsets(%dma_start3A_1233 : memref<64xi32, #tpu.memory_space<vmem>>) semaphore(%arg14 : memref<!tpu.dma_semaphore, #tpu.memory_space<semaphore_mem>>)
        %mul3A_1237 = arith.constant 3 : i32
        %mul3A_1238 = arith.muli %scan3A_1195, %mul3A_1237 : i32
        %add3A_1239 = arith.constant 2 : i32
        %add3A_1240 = arith.addi %mul3A_1238, %add3A_1239 : i32
        %dma_wait3A_1241 = arith.constant 0 : i32
        %dma_wait3A_1242 = arith.constant 0 : i32
        %dma_wait3A_1243 = tpu.memref_slice %arg7[%dma_wait3A_1241, %add3A_1240, %dma_wait3A_1242] : memref<2x36x64xi32, #tpu.memory_space<vmem>> -> memref<1x1x64xi32, #tpu.memory_space<vmem>>
        %dma_wait3A_1244 = tpu.memref_squeeze %dma_wait3A_1243 : memref<1x1x64xi32, #tpu.memory_space<vmem>> -> memref<64xi32, #tpu.memory_space<vmem>>
        %dma_wait3A_1245 = arith.constant 0 : i32
        %dma_wait3A_1246 = arith.constant 0 : i32
        %dma_wait3A_1247 = tpu.memref_slice %arg2[%dma_wait3A_1245, %dma_wait3A_1246] : memref<10000x128xf32, #tpu.memory_space<hbm>> -> memref<10000x128xf32, #tpu.memory_space<hbm>>
        tpu.wait_indirect_dma semaphore(%arg15 : memref<!tpu.dma_semaphore, #tpu.memory_space<semaphore_mem>>) src(%dma_wait3A_1247 : memref<10000x128xf32, #tpu.memory_space<hbm>>) dst(%arg11 : memref<64x128xf32, #tpu.memory_space<vmem>>)
        %run_scoped3A_1248 = arith.constant 1 : i32
        "tpu.region"() ({
          %run_scoped3A_1258 = tpu.sem_alloc : memref<!tpu.dma_semaphore, #tpu.memory_space<semaphore_mem>>
          %dma_start3A_1259 = arith.constant 0 : i32
          %dma_start3A_1260 = tpu.memref_slice %arg7[%run_scoped3A_1248, %add3A_1240, %dma_start3A_1259] : memref<2x36x64xi32, #tpu.memory_space<vmem>> -> memref<1x1x64xi32, #tpu.memory_space<vmem>>
          %dma_start3A_1261 = tpu.memref_squeeze %dma_start3A_1260 : memref<1x1x64xi32, #tpu.memory_space<vmem>> -> memref<64xi32, #tpu.memory_space<vmem>>
          %dma_start3A_1262 = arith.constant 0 : i32
          %dma_start3A_1263 = arith.constant 0 : i32
          %dma_start3A_1264 = tpu.memref_slice %arg12[%dma_start3A_1262, %dma_start3A_1263] : memref<10240x128xf32, #tpu.memory_space<vmem_shared>> -> memref<10240x128xf32, #tpu.memory_space<vmem_shared>>
          tpu.enqueue_indirect_dma source(%arg11 : memref<64x128xf32, #tpu.memory_space<vmem>>) target(%dma_start3A_1264 : memref<10240x128xf32, #tpu.memory_space<vmem_shared>>) offsets(%dma_start3A_1261 : memref<64xi32, #tpu.memory_space<vmem>>) semaphore(%run_scoped3A_1258 : memref<!tpu.dma_semaphore, #tpu.memory_space<semaphore_mem>>) {add = true}
          %dma_wait3A_1265 = arith.constant 0 : i32
          %dma_wait3A_1266 = tpu.memref_slice %arg7[%run_scoped3A_1248, %add3A_1240, %dma_wait3A_1265] : memref<2x36x64xi32, #tpu.memory_space<vmem>> -> memref<1x1x64xi32, #tpu.memory_space<vmem>>
          %dma_wait3A_1267 = tpu.memref_squeeze %dma_wait3A_1266 : memref<1x1x64xi32, #tpu.memory_space<vmem>> -> memref<64xi32, #tpu.memory_space<vmem>>
          %dma_wait3A_1268 = arith.constant 0 : i32
          %dma_wait3A_1269 = arith.constant 0 : i32
          %dma_wait3A_1270 = tpu.memref_slice %arg12[%dma_wait3A_1268, %dma_wait3A_1269] : memref<10240x128xf32, #tpu.memory_space<vmem_shared>> -> memref<10240x128xf32, #tpu.memory_space<vmem_shared>>
          tpu.wait_indirect_dma semaphore(%run_scoped3A_1258 : memref<!tpu.dma_semaphore, #tpu.memory_space<semaphore_mem>>) src(%arg11 : memref<64x128xf32, #tpu.memory_space<vmem>>) dst(%dma_wait3A_1270 : memref<10240x128xf32, #tpu.memory_space<vmem_shared>>)
          tpu.yield
        }) : () -> ()
        %add3A_1249 = arith.constant 3 : i32
        %add3A_1250 = arith.addi %add3A_1240, %add3A_1249 : i32
        %dma_start3A_1251 = arith.constant 0 : i32
        %dma_start3A_1252 = arith.constant 0 : i32
        %dma_start3A_1253 = tpu.memref_slice %arg7[%dma_start3A_1251, %add3A_1250, %dma_start3A_1252] : memref<2x36x64xi32, #tpu.memory_space<vmem>> -> memref<1x1x64xi32, #tpu.memory_space<vmem>>
        %dma_start3A_1254 = tpu.memref_squeeze %dma_start3A_1253 : memref<1x1x64xi32, #tpu.memory_space<vmem>> -> memref<64xi32, #tpu.memory_space<vmem>>
        %dma_start3A_1255 = arith.constant 0 : i32
        %dma_start3A_1256 = arith.constant 0 : i32
        %dma_start3A_1257 = tpu.memref_slice %arg2[%dma_start3A_1255, %dma_start3A_1256] : memref<10000x128xf32, #tpu.memory_space<hbm>> -> memref<10000x128xf32, #tpu.memory_space<hbm>>
        tpu.enqueue_indirect_dma source(%dma_start3A_1257 : memref<10000x128xf32, #tpu.memory_space<hbm>>) target(%arg11 : memref<64x128xf32, #tpu.memory_space<vmem>>) offsets(%dma_start3A_1254 : memref<64xi32, #tpu.memory_space<vmem>>) semaphore(%arg15 : memref<!tpu.dma_semaphore, #tpu.memory_space<semaphore_mem>>)
      }
      %scan3A_1159 = arith.constant 11 : i32
      %dma_wait3A_1160 = arith.constant 0 : i32
      %dma_wait3A_1161 = arith.constant 33 : i32
      %dma_wait3A_1162 = arith.constant 0 : i32
      %dma_wait3A_1163 = tpu.memref_slice %arg7[%dma_wait3A_1160, %dma_wait3A_1161, %dma_wait3A_1162] : memref<2x36x64xi32, #tpu.memory_space<vmem>> -> memref<1x1x64xi32, #tpu.memory_space<vmem>>
      %dma_wait3A_1164 = tpu.memref_squeeze %dma_wait3A_1163 : memref<1x1x64xi32, #tpu.memory_space<vmem>> -> memref<64xi32, #tpu.memory_space<vmem>>
      %dma_wait3A_1165 = arith.constant 0 : i32
      %dma_wait3A_1166 = arith.constant 0 : i32
      %dma_wait3A_1167 = tpu.memref_slice %arg2[%dma_wait3A_1165, %dma_wait3A_1166] : memref<10000x128xf32, #tpu.memory_space<hbm>> -> memref<10000x128xf32, #tpu.memory_space<hbm>>
      tpu.wait_indirect_dma semaphore(%arg13 : memref<!tpu.dma_semaphore, #tpu.memory_space<semaphore_mem>>) src(%dma_wait3A_1167 : memref<10000x128xf32, #tpu.memory_space<hbm>>) dst(%arg9 : memref<64x128xf32, #tpu.memory_space<vmem>>)
      %run_scoped3A_1168 = arith.constant 1 : i32
      %run_scoped3A_1169 = arith.constant 33 : i32
      "tpu.region"() ({
        %run_scoped3A_1195 = tpu.sem_alloc : memref<!tpu.dma_semaphore, #tpu.memory_space<semaphore_mem>>
        %dma_start3A_1196 = arith.constant 0 : i32
        %dma_start3A_1197 = tpu.memref_slice %arg7[%run_scoped3A_1168, %run_scoped3A_1169, %dma_start3A_1196] : memref<2x36x64xi32, #tpu.memory_space<vmem>> -> memref<1x1x64xi32, #tpu.memory_space<vmem>>
        %dma_start3A_1198 = tpu.memref_squeeze %dma_start3A_1197 : memref<1x1x64xi32, #tpu.memory_space<vmem>> -> memref<64xi32, #tpu.memory_space<vmem>>
        %dma_start3A_1199 = arith.constant 0 : i32
        %dma_start3A_1200 = arith.constant 0 : i32
        %dma_start3A_1201 = tpu.memref_slice %arg12[%dma_start3A_1199, %dma_start3A_1200] : memref<10240x128xf32, #tpu.memory_space<vmem_shared>> -> memref<10240x128xf32, #tpu.memory_space<vmem_shared>>
        tpu.enqueue_indirect_dma source(%arg9 : memref<64x128xf32, #tpu.memory_space<vmem>>) target(%dma_start3A_1201 : memref<10240x128xf32, #tpu.memory_space<vmem_shared>>) offsets(%dma_start3A_1198 : memref<64xi32, #tpu.memory_space<vmem>>) semaphore(%run_scoped3A_1195 : memref<!tpu.dma_semaphore, #tpu.memory_space<semaphore_mem>>) {add = true}
        %dma_wait3A_1202 = arith.constant 0 : i32
        %dma_wait3A_1203 = tpu.memref_slice %arg7[%run_scoped3A_1168, %run_scoped3A_1169, %dma_wait3A_1202] : memref<2x36x64xi32, #tpu.memory_space<vmem>> -> memref<1x1x64xi32, #tpu.memory_space<vmem>>
        %dma_wait3A_1204 = tpu.memref_squeeze %dma_wait3A_1203 : memref<1x1x64xi32, #tpu.memory_space<vmem>> -> memref<64xi32, #tpu.memory_space<vmem>>
        %dma_wait3A_1205 = arith.constant 0 : i32
        %dma_wait3A_1206 = arith.constant 0 : i32
        %dma_wait3A_1207 = tpu.memref_slice %arg12[%dma_wait3A_1205, %dma_wait3A_1206] : memref<10240x128xf32, #tpu.memory_space<vmem_shared>> -> memref<10240x128xf32, #tpu.memory_space<vmem_shared>>
        tpu.wait_indirect_dma semaphore(%run_scoped3A_1195 : memref<!tpu.dma_semaphore, #tpu.memory_space<semaphore_mem>>) src(%arg9 : memref<64x128xf32, #tpu.memory_space<vmem>>) dst(%dma_wait3A_1207 : memref<10240x128xf32, #tpu.memory_space<vmem_shared>>)
        tpu.yield
      }) : () -> ()
      %dma_wait3A_1170 = arith.constant 0 : i32
      %dma_wait3A_1171 = arith.constant 34 : i32
      %dma_wait3A_1172 = arith.constant 0 : i32
      %dma_wait3A_1173 = tpu.memref_slice %arg7[%dma_wait3A_1170, %dma_wait3A_1171, %dma_wait3A_1172] : memref<2x36x64xi32, #tpu.memory_space<vmem>> -> memref<1x1x64xi32, #tpu.memory_space<vmem>>
      %dma_wait3A_1174 = tpu.memref_squeeze %dma_wait3A_1173 : memref<1x1x64xi32, #tpu.memory_space<vmem>> -> memref<64xi32, #tpu.memory_space<vmem>>
      %dma_wait3A_1175 = arith.constant 0 : i32
      %dma_wait3A_1176 = arith.constant 0 : i32
      %dma_wait3A_1177 = tpu.memref_slice %arg2[%dma_wait3A_1175, %dma_wait3A_1176] : memref<10000x128xf32, #tpu.memory_space<hbm>> -> memref<10000x128xf32, #tpu.memory_space<hbm>>
      tpu.wait_indirect_dma semaphore(%arg14 : memref<!tpu.dma_semaphore, #tpu.memory_space<semaphore_mem>>) src(%dma_wait3A_1177 : memref<10000x128xf32, #tpu.memory_space<hbm>>) dst(%arg10 : memref<64x128xf32, #tpu.memory_space<vmem>>)
      %run_scoped3A_1178 = arith.constant 1 : i32
      %run_scoped3A_1179 = arith.constant 34 : i32
      "tpu.region"() ({
        %run_scoped3A_1195 = tpu.sem_alloc : memref<!tpu.dma_semaphore, #tpu.memory_space<semaphore_mem>>
        %dma_start3A_1196 = arith.constant 0 : i32
        %dma_start3A_1197 = tpu.memref_slice %arg7[%run_scoped3A_1178, %run_scoped3A_1179, %dma_start3A_1196] : memref<2x36x64xi32, #tpu.memory_space<vmem>> -> memref<1x1x64xi32, #tpu.memory_space<vmem>>
        %dma_start3A_1198 = tpu.memref_squeeze %dma_start3A_1197 : memref<1x1x64xi32, #tpu.memory_space<vmem>> -> memref<64xi32, #tpu.memory_space<vmem>>
        %dma_start3A_1199 = arith.constant 0 : i32
        %dma_start3A_1200 = arith.constant 0 : i32
        %dma_start3A_1201 = tpu.memref_slice %arg12[%dma_start3A_1199, %dma_start3A_1200] : memref<10240x128xf32, #tpu.memory_space<vmem_shared>> -> memref<10240x128xf32, #tpu.memory_space<vmem_shared>>
        tpu.enqueue_indirect_dma source(%arg10 : memref<64x128xf32, #tpu.memory_space<vmem>>) target(%dma_start3A_1201 : memref<10240x128xf32, #tpu.memory_space<vmem_shared>>) offsets(%dma_start3A_1198 : memref<64xi32, #tpu.memory_space<vmem>>) semaphore(%run_scoped3A_1195 : memref<!tpu.dma_semaphore, #tpu.memory_space<semaphore_mem>>) {add = true}
        %dma_wait3A_1202 = arith.constant 0 : i32
        %dma_wait3A_1203 = tpu.memref_slice %arg7[%run_scoped3A_1178, %run_scoped3A_1179, %dma_wait3A_1202] : memref<2x36x64xi32, #tpu.memory_space<vmem>> -> memref<1x1x64xi32, #tpu.memory_space<vmem>>
        %dma_wait3A_1204 = tpu.memref_squeeze %dma_wait3A_1203 : memref<1x1x64xi32, #tpu.memory_space<vmem>> -> memref<64xi32, #tpu.memory_space<vmem>>
        %dma_wait3A_1205 = arith.constant 0 : i32
        %dma_wait3A_1206 = arith.constant 0 : i32
        %dma_wait3A_1207 = tpu.memref_slice %arg12[%dma_wait3A_1205, %dma_wait3A_1206] : memref<10240x128xf32, #tpu.memory_space<vmem_shared>> -> memref<10240x128xf32, #tpu.memory_space<vmem_shared>>
        tpu.wait_indirect_dma semaphore(%run_scoped3A_1195 : memref<!tpu.dma_semaphore, #tpu.memory_space<semaphore_mem>>) src(%arg10 : memref<64x128xf32, #tpu.memory_space<vmem>>) dst(%dma_wait3A_1207 : memref<10240x128xf32, #tpu.memory_space<vmem_shared>>)
        tpu.yield
      }) : () -> ()
      %dma_wait3A_1180 = arith.constant 0 : i32
      %dma_wait3A_1181 = arith.constant 35 : i32
      %dma_wait3A_1182 = arith.constant 0 : i32
      %dma_wait3A_1183 = tpu.memref_slice %arg7[%dma_wait3A_1180, %dma_wait3A_1181, %dma_wait3A_1182] : memref<2x36x64xi32, #tpu.memory_space<vmem>> -> memref<1x1x64xi32, #tpu.memory_space<vmem>>
      %dma_wait3A_1184 = tpu.memref_squeeze %dma_wait3A_1183 : memref<1x1x64xi32, #tpu.memory_space<vmem>> -> memref<64xi32, #tpu.memory_space<vmem>>
      %dma_wait3A_1185 = arith.constant 0 : i32
      %dma_wait3A_1186 = arith.constant 0 : i32
      %dma_wait3A_1187 = tpu.memref_slice %arg2[%dma_wait3A_1185, %dma_wait3A_1186] : memref<10000x128xf32, #tpu.memory_space<hbm>> -> memref<10000x128xf32, #tpu.memory_space<hbm>>
      tpu.wait_indirect_dma semaphore(%arg15 : memref<!tpu.dma_semaphore, #tpu.memory_space<semaphore_mem>>) src(%dma_wait3A_1187 : memref<10000x128xf32, #tpu.memory_space<hbm>>) dst(%arg11 : memref<64x128xf32, #tpu.memory_space<vmem>>)
      %run_scoped3A_1188 = arith.constant 1 : i32
      %run_scoped3A_1189 = arith.constant 35 : i32
      "tpu.region"() ({
        %run_scoped3A_1195 = tpu.sem_alloc : memref<!tpu.dma_semaphore, #tpu.memory_space<semaphore_mem>>
        %dma_start3A_1196 = arith.constant 0 : i32
        %dma_start3A_1197 = tpu.memref_slice %arg7[%run_scoped3A_1188, %run_scoped3A_1189, %dma_start3A_1196] : memref<2x36x64xi32, #tpu.memory_space<vmem>> -> memref<1x1x64xi32, #tpu.memory_space<vmem>>
        %dma_start3A_1198 = tpu.memref_squeeze %dma_start3A_1197 : memref<1x1x64xi32, #tpu.memory_space<vmem>> -> memref<64xi32, #tpu.memory_space<vmem>>
        %dma_start3A_1199 = arith.constant 0 : i32
        %dma_start3A_1200 = arith.constant 0 : i32
        %dma_start3A_1201 = tpu.memref_slice %arg12[%dma_start3A_1199, %dma_start3A_1200] : memref<10240x128xf32, #tpu.memory_space<vmem_shared>> -> memref<10240x128xf32, #tpu.memory_space<vmem_shared>>
        tpu.enqueue_indirect_dma source(%arg11 : memref<64x128xf32, #tpu.memory_space<vmem>>) target(%dma_start3A_1201 : memref<10240x128xf32, #tpu.memory_space<vmem_shared>>) offsets(%dma_start3A_1198 : memref<64xi32, #tpu.memory_space<vmem>>) semaphore(%run_scoped3A_1195 : memref<!tpu.dma_semaphore, #tpu.memory_space<semaphore_mem>>) {add = true}
        %dma_wait3A_1202 = arith.constant 0 : i32
        %dma_wait3A_1203 = tpu.memref_slice %arg7[%run_scoped3A_1188, %run_scoped3A_1189, %dma_wait3A_1202] : memref<2x36x64xi32, #tpu.memory_space<vmem>> -> memref<1x1x64xi32, #tpu.memory_space<vmem>>
        %dma_wait3A_1204 = tpu.memref_squeeze %dma_wait3A_1203 : memref<1x1x64xi32, #tpu.memory_space<vmem>> -> memref<64xi32, #tpu.memory_space<vmem>>
        %dma_wait3A_1205 = arith.constant 0 : i32
        %dma_wait3A_1206 = arith.constant 0 : i32
        %dma_wait3A_1207 = tpu.memref_slice %arg12[%dma_wait3A_1205, %dma_wait3A_1206] : memref<10240x128xf32, #tpu.memory_space<vmem_shared>> -> memref<10240x128xf32, #tpu.memory_space<vmem_shared>>
        tpu.wait_indirect_dma semaphore(%run_scoped3A_1195 : memref<!tpu.dma_semaphore, #tpu.memory_space<semaphore_mem>>) src(%arg11 : memref<64x128xf32, #tpu.memory_space<vmem>>) dst(%dma_wait3A_1207 : memref<10240x128xf32, #tpu.memory_space<vmem_shared>>)
        tpu.yield
      }) : () -> ()
      %barrier3A_1190 = arith.constant 0 : index
      tpu.barrier barrier_id(%barrier3A_1190)
      %mul3A_1191 = arith.constant 640 : i32
      %mul3A_1192 = arith.muli %arg1, %mul3A_1191 : i32
      %mul3A_1193 = arith.constant 640 : i32
      %mul3A_1194 = arith.muli %arg1, %mul3A_1193 : i32
      "tpu.region"() ({
        %run_scoped3A_1195 = tpu.sem_alloc : memref<!tpu.dma_semaphore, #tpu.memory_space<semaphore_mem>>
        %dma_start3A_1196 = arith.constant 0 : i32
        %dma_start3A_1197 = tpu.memref_slice %arg6[%mul3A_1194, %dma_start3A_1196] : memref<10240x128xf32, #tpu.memory_space<hbm>> -> memref<640x128xf32, #tpu.memory_space<hbm>>
        %dma_start3A_1198 = arith.constant 0 : i32
        %dma_start3A_1199 = tpu.memref_slice %arg12[%mul3A_1192, %dma_start3A_1198] : memref<10240x128xf32, #tpu.memory_space<vmem_shared>> -> memref<640x128xf32, #tpu.memory_space<vmem_shared>>
        tpu.enqueue_dma source(%dma_start3A_1199 : memref<640x128xf32, #tpu.memory_space<vmem_shared>>) target(%dma_start3A_1197 : memref<640x128xf32, #tpu.memory_space<hbm>>) target_semaphore(%run_scoped3A_1195 : memref<!tpu.dma_semaphore, #tpu.memory_space<semaphore_mem>>)
        %dma_wait3A_1200 = arith.constant 0 : i32
        %dma_wait3A_1201 = tpu.memref_slice %arg6[%mul3A_1194, %dma_wait3A_1200] : memref<10240x128xf32, #tpu.memory_space<hbm>> -> memref<640x128xf32, #tpu.memory_space<hbm>>
        %dma_wait3A_1202 = arith.constant 0 : i32
        %dma_wait3A_1203 = tpu.memref_slice %arg12[%mul3A_1192, %dma_wait3A_1202] : memref<10240x128xf32, #tpu.memory_space<vmem_shared>> -> memref<640x128xf32, #tpu.memory_space<vmem_shared>>
        tpu.wait_dma2 semaphore(%run_scoped3A_1195 : memref<!tpu.dma_semaphore, #tpu.memory_space<semaphore_mem>>) src(%dma_wait3A_1203 : memref<640x128xf32, #tpu.memory_space<vmem_shared>>) dst(%dma_wait3A_1201 : memref<640x128xf32, #tpu.memory_space<hbm>>)
        tpu.yield
      }) : () -> ()
    } else {
    }
    return
  }
}

module attributes {stable_mosaic.version = 14 : i64} {
  func.func @body(%arg0: i32, %arg1: memref<1000x128xf32, #tpu.memory_space<vmem>>, %arg2: memref<128x128xf32, #tpu.memory_space<vmem>>, %arg3: memref<1x128xf32, #tpu.memory_space<vmem>>, %arg4: memref<1000x128xf32, #tpu.memory_space<vmem>>) attributes {dimension_semantics = [#tpu.dimension_semantics<arbitrary>], iteration_bounds = array<i64: 10>, scalar_prefetch = 0 : i64, scratch_operands = 0 : i64, tpu.core_type = #tpu.core_type<tc>, window_params = [{transform_indices = @transform_0, window_bounds = array<i64: 1000, 128>}, {pipeline_mode = #tpu.pipeline_mode<synchronous>, transform_indices = @transform_1, window_bounds = array<i64: 128, 128>}, {pipeline_mode = #tpu.pipeline_mode<synchronous>, transform_indices = @transform_2, window_bounds = array<i64: 1, 128>}, {transform_indices = @transform_3, window_bounds = array<i64: 1000, 128>}]} {
    %get3A = arith.constant 0 : index
    %get3A_0 = arith.constant 0 : index
    %get3A_1 = vector.load %arg1[%get3A, %get3A_0] : memref<1000x128xf32, #tpu.memory_space<vmem>>, vector<1000x128xf32>
    %get3A_2 = arith.constant 0 : index
    %get3A_3 = arith.constant 0 : index
    %get3A_4 = vector.load %arg2[%get3A_2, %get3A_3] : memref<128x128xf32, #tpu.memory_space<vmem>>, vector<128x128xf32>
    %dot_general3A = arith.constant dense<0.000000e+00> : vector<1000x128xf32>
    %dot_general3A_5 = tpu.matmul %get3A_1, %get3A_4, %dot_general3A {dimension_numbers = #tpu.dot_dimension_numbers<[1], [1], [0], [0], [0, 0, 1, 0], [], []>, transpose_lhs_hint = false} : vector<1000x128xf32>, vector<128x128xf32>, vector<1000x128xf32> -> vector<1000x128xf32>
    %get3A_6 = arith.constant 0 : index
    %get3A_7 = arith.constant 0 : index
    %get3A_8 = vector.load %arg3[%get3A_6, %get3A_7] : memref<1x128xf32, #tpu.memory_space<vmem>>, vector<1x128xf32>
    %add3A = vector.broadcast %get3A_8 : vector<1x128xf32> to vector<1000x128xf32>
    %add3A_9 = arith.addf %dot_general3A_5, %add3A : vector<1000x128xf32>
    %swap3A = arith.constant 0 : index
    %swap3A_10 = arith.constant 0 : index
    %swap3A_11 = vector.load %arg4[%swap3A, %swap3A_10] : memref<1000x128xf32, #tpu.memory_space<vmem>>, vector<1000x128xf32>
    tpu.vector_store %arg4[%swap3A, %swap3A_10], %add3A_9 {strides = array<i32>} : memref<1000x128xf32, #tpu.memory_space<vmem>>, vector<1000x128xf32>,
    return
  }
  func.func @transform_0(%arg0: i32) -> (i32, i32) {
    %c0_i32 = arith.constant 0 : i32
    %c0_i32_0 = arith.constant 0 : i32
    return %arg0, %c0_i32 : i32, i32
  }
  func.func @transform_1(%arg0: i32) -> (i32, i32) {
    %c0_i32 = arith.constant 0 : i32
    %c0_i32_0 = arith.constant 0 : i32
    %c0_i32_1 = arith.constant 0 : i32
    return %c0_i32, %c0_i32_0 : i32, i32
  }
  func.func @transform_2(%arg0: i32) -> (i32, i32) {
    %c0_i32 = arith.constant 0 : i32
    %c0_i32_0 = arith.constant 0 : i32
    %c0_i32_1 = arith.constant 0 : i32
    return %c0_i32, %c0_i32_0 : i32, i32
  }
  func.func @transform_3(%arg0: i32) -> (i32, i32) {
    %c0_i32 = arith.constant 0 : i32
    %c0_i32_0 = arith.constant 0 : i32
    return %arg0, %c0_i32 : i32, i32
  }
}

</mosaic_0001>

<sc_bundles>
// kernel: kernel.4.cloned.1.call-start
scs
__scs_entry_jumppad:
0x0: {  	(pc) =	sbr.rel $0x88, $3  }
0x1: {  	(tag) =	ssettag $0x0;
	lr =	simm.s32 $0x1  }
0x2: {  	[smem:$0x3F9D] =	sst lr;
	_ =	strace $0xD0000000  }
0x3: {  	_ = 	snop  }
0x4: {  	_ = 	snop  }
0x5: {  	_ = 	snop  }
0x6: {  	_ = 	snop  }
0x7: {  	_ = 	snop  }
__scs_overlays_trampoline_lowered:
0x8: {  	[smem:$0x3FAC] =	sst s0  }
0x9: {  	[smem:$0x3FAD] =	sst s1  }
0xa: {  	[smem:$0x3FAE] =	sst s2  }
0xb: {  	[smem:$0x3FAF] =	sst s3  }
0xc: {  	[smem:$0x3FB0] =	sst s4  }
0xd: {  	[smem:$0x3FB1] =	sst s5  }
0xe: {  	[smem:$0x3FB2] =	sst s6  }
0xf: {  	[smem:$0x3FB3] =	sst s7  }
0x10: {  	[smem:$0x3FB4] =	sst s8  }
0x11: {  	[smem:$0x3FB5] =	sst s9;
	s0 =	simm.s32 @!p0 $0x0  }
0x12: {  	s1 =	sld [smem:$0x3F9B];
	s0 =	simm.s32 @p0 $0x1  }
0x13: {  	[smem:$0x3FB6] =	sst s0;
	s0 =	simm.s32 @!p1 $0x0  }
0x14: {  	s2 =	sld [smem:$0x3F9A];
	s0 =	simm.s32 @p1 $0x1  }
0x15: {  	[smem:$0x3FB7] =	sst s0;
	s0 =	simm.s32 @!p2 $0x0  }
0x16: {  	s3 =	sld [smem:$0x3FDB];
	s0 =	simm.s32 @p2 $0x1  }
0x17: {  	s4 =	simm.s32 $0x1BF5;
	[smem:$0x3FB9] =	sst s0  }
0x18: {  	s0 =	sld [smem:$0x3F9C];
	_ =	swait.ge [sflag:s4], $0x0  }
0x19: {  	s7 =	sld [smem:$0x3F9D]  }
0x1a: {  	s8 =	sadd.s32 $0xFFFFE003, lr  }
0x1b: {  	s9 =	sadd.s32 $0xFFFFFEF7, lr;
	s5 =	simm.s32 $0xFFFFFFFF;
	p2 =	slt.u32 s8, $0xFFFFF086  }
0x1c: {  	p1 =	slt.u32 s9, $0xF7A;
	s5 =	simm.s32 @!p2 $0x0  }
0x1d: {  	s5 =	simm.s32 @p1 $0x1;
	p0 =	seq.s32 s7, s2  }
0x1e: {  	s7 =	smul.u32 @!p0 $0xF7A, s2;
	p2 =	seq.s32 @!p0 s5, $0x0  }
0x1f: {  	s9 =	smul.u32 $0xF7A, s1;
	s8 =	simm.s32 @!p0 $0x1BF5;
	p2 =	por !p2, p0  }
0x20: {  	[sflag:s8] =	ssyncset.s32 @!p0 $0xFFFFF086;
	s6 =	sadd.s32 @!p0 s3, s7;
	s7 =	simm.s32 @!p0 $0x108  }
0x21: {  	s3 =	sadd.s32 s3, s9;
	s6 =	sadd.s32 @!p0 $0x88, s6;
	s7 =	simm.s32 @p2 $0x1082  }
0x22: {  	[simem:s7], [sflag:s8] =	dma.local @!p0 [hbm:s6], $0xF7A  }
0x23: {  	s9 =	sor.u32 $0xD0000000, s2;
	s6 =	simm.s32 $0x108;
	_ =	swait.ge @!p0 [sflag:s8], $0x0  }
0x24: {  	s3 =	sadd.s32 $0x88, s3;
	s6 =	simm.s32 @!p1 $0x1082;
	[sflag:s4] =	ssyncset.s32 $0xFFFFF086  }
0x25: {  	[simem:s6], [sflag:s4] =	dma.local [hbm:s3], $0xF7A  }
0x26: {  	[smem:$0x3F9D] =	sst s1;
	(tag) =	ssettag s2;
	_ =	strace s9  }
0x27: {  	s1 =	sld [smem:$0x3FAD]  }
0x28: {  	s2 =	sld [smem:$0x3FAE]  }
0x29: {  	s4 =	sld [smem:$0x3FB0]  }
0x2a: {  	p0 =	seq.s32 s5, $0x0;
	s5 =	sld [smem:$0x3FB1]  }
0x2b: {  	s6 =	sld [smem:$0x3FB2]  }
0x2c: {  	s7 =	sld [smem:$0x3FB3]  }
0x2d: {  	s3 =	simm.s32 $0x108;
	s8 =	sld [smem:$0x3FB4]  }
0x2e: {  	s3 =	simm.s32 @!p0 $0x1082;
	s9 =	sld [smem:$0x3FB5]  }
0x2f: {  	lr =	sadd.s32 s0, s3;
	s0 =	sld [smem:$0x3FAC]  }
0x30: {  	s3 =	sld [smem:$0x3FAF]  }
0x31: {  	[smem:$0x3FB8] =	sst s10  }
0x32: {  	s10 =	sld [smem:$0x3FB6];
	_ =	sdelay $0x3  }
0x33: {  	p0 =	seq.s32 s10, $0x1;
	s10 =	sld [smem:$0x3FB8];
	_ =	sdelay $0x3  }
0x34: {  	[smem:$0x3FB8] =	sst s10  }
0x35: {  	s10 =	sld [smem:$0x3FB7];
	_ =	sdelay $0x3  }
0x36: {  	p1 =	seq.s32 s10, $0x1;
	s10 =	sld [smem:$0x3FB8];
	_ =	sdelay $0x3  }
0x37: {  	[smem:$0x3FB8] =	sst s10  }
0x38: {  	s10 =	sld [smem:$0x3FB9]  }
0x39: {  	_ = 	snop;
	(pc) =	sbr.ind lr, $3  }
0x3a: {  	_ = 	snop  }
0x3b: {  	_ = 	snop  }
0x3c: {  	p2 =	seq.s32 s10, $0x1;
	s10 =	sld [smem:$0x3FB8]  }
0x3d: {  	_ =	shalt  }
0x3e: {  	_ =	shalt  }
0x3f: {  	_ =	shalt  }
0x40: {  	_ =	shalt  }
0x41: {  	_ =	shalt  }
0x42: {  	_ =	shalt  }
0x43: {  	_ =	shalt  }
0x44: {  	_ =	shalt  }
0x45: {  	_ =	shalt  }
0x46: {  	_ =	shalt  }
0x47: {  	_ =	shalt  }
0x48: {  	_ =	shalt  }
0x49: {  	_ =	shalt  }
0x4a: {  	_ =	shalt  }
0x4b: {  	_ =	shalt  }
0x4c: {  	_ =	shalt  }
0x4d: {  	_ =	shalt  }
0x4e: {  	_ =	shalt  }
0x4f: {  	_ =	shalt  }
0x50: {  	_ =	shalt  }
0x51: {  	_ =	shalt  }
0x52: {  	_ =	shalt  }
0x53: {  	_ =	shalt  }
0x54: {  	_ =	shalt  }
0x55: {  	_ =	shalt  }
0x56: {  	_ =	shalt  }
0x57: {  	_ =	shalt  }
0x58: {  	_ =	shalt  }
0x59: {  	_ =	shalt  }
0x5a: {  	_ =	shalt  }
0x5b: {  	_ =	shalt  }
0x5c: {  	_ =	shalt  }
0x5d: {  	_ =	shalt  }
0x5e: {  	_ =	shalt  }
0x5f: {  	_ =	shalt  }
0x60: {  	_ =	shalt  }
0x61: {  	_ =	shalt  }
0x62: {  	_ =	shalt  }
0x63: {  	_ =	shalt  }
0x64: {  	_ =	shalt  }
0x65: {  	_ =	shalt  }
0x66: {  	_ =	shalt  }
0x67: {  	_ =	shalt  }
0x68: {  	_ =	shalt  }
0x69: {  	_ =	shalt  }
0x6a: {  	_ =	shalt  }
0x6b: {  	_ =	shalt  }
0x6c: {  	_ =	shalt  }
0x6d: {  	_ =	shalt  }
0x6e: {  	_ =	shalt  }
0x6f: {  	_ =	shalt  }
0x70: {  	_ =	shalt  }
0x71: {  	_ =	shalt  }
0x72: {  	_ =	shalt  }
0x73: {  	_ =	shalt  }
0x74: {  	_ =	shalt  }
0x75: {  	_ =	shalt  }
0x76: {  	_ =	shalt  }
0x77: {  	_ =	shalt  }
0x78: {  	_ =	shalt  }
0x79: {  	_ =	shalt  }
0x7a: {  	_ =	shalt  }
0x7b: {  	_ =	shalt  }
0x7c: {  	_ =	shalt  }
0x7d: {  	_ =	shalt  }
0x7e: {  	_ =	shalt  }
0x7f: {  	_ =	shalt  }
0x80: {  	_ =	shalt  }
0x81: {  	_ =	shalt  }
0x82: {  	_ =	shalt  }
0x83: {  	_ =	shalt  }
0x84: {  	_ =	shalt  }
0x85: {  	_ =	shalt  }
0x86: {  	_ =	shalt  }
0x87: {  	_ =	shalt  }
.Lfunc_end0:
.L_simem_size_0:
called_computation_lowered:
.L_overlay_start_0:
0x88: {  	s2 =	sld [smem:$0x3FD9]  }
0x89: {  	s3 =	sld [smem:$0x3FFE];
	_ =	sdelay $0x1  }
0x8a: {  	s1 =	srdreg.scid  }
0x8b: {  	s0 =	sand.u32 $0x1, s1  }
0x8c: {  	s17 =	sshll.u32 s0, $0xA;
	s2 =	sadd.s32 s3, s2  }
0x8d: {  	s2 =	sadd.s32 s2, s17  }
0x8e: {  	[smem:$0x3FC4] =	sst s2  }
0x8f: {  	_ = 	snop  }
0x90: {  	s2 =	sld [smem:$0x3FC9]  }
0x91: {  	s18 =	sld [smem:$0x3FD0];
	(tm) =	ssettm $0x1  }
0x92: {  	s4 =	sld [smem:$0x3FFB];
	_ =	sdelay $0x3  }
0x93: {  	_ =	strace s4  }
0x94: {  	s4 =	sld [smem:$0x3FFC];
	_ =	sdelay $0x3  }
0x95: {  	_ =	strace s4  }
0x96: {  	s4 =	sld [smem:$0x3FFD];
	_ =	sdelay $0x3  }
0x97: {  	_ =	strace s4  }
0x98: {  	_ =	strace $0x8FFFFFFF  }
0x99: {  	s19 =	sld [smem:$0x3FDB];
	_ =	sdelay $0x1  }
0x9a: {  	s5 =	simm.s32 $_scs_section_size  }
0x9b: {  	s6 =	simm.s32 $_size__tile_overlayer_lowered;
	s7 =	simm.s32 $_tile_overlayer_lowered  }
0x9c: {  	s22 =	simm.s32 $0x1BFF;
	s21 =	sshll.u32 s7, $0x1;
	s4 =	sadd.s32 s5, s19  }
0x9d: {  	s8 =	simm.s32 $0x0;
	s20 =	sshll.u32 s6, $0x1;
	s6 =	sadd.s32 s21, s4  }
0x9e: {  	[timem:s8], [sflag:s22] =	dma.local [hbm:s6], s20  }
0x9f: {  	_ =	swait.ge [sflag:s22], s20  }
0xa0: {  	s5 =	ssub.s32 $0x0, s20;
	[sflag:s22] =	ssyncset.done $0x0  }
0xa1: {  	[sflag:s22] =	ssyncadd.s32 s5;
	_ =	sdelay $0x1  }
0xa2: {  	s23 =	simm.s32 $0x1B8B  }
0xa3: {  	_ =	swait.ge [sflag:s23], $0x1  }
0xa4: {  	[sflag:s23] =	ssyncset.done $0x0  }
0xa5: {  	s25 =	simm.s32 $0x1B8E;
	s24 =	sld [smem:$0x3FFE];
	[sflag:s23] =	ssyncadd.s32 $0xFFFFFFFF  }
0xa6: {  	s26 =	simm.s32 $execute0_lowered;
	[smem:$0x3FD2] =	sst s25  }
0xa7: {  	s6 =	sshll.u32 s26, $0x1;
	_ =	strace $0x80000046;
	[dreg:$0x1] =	wrdreg $0xFFFFFFFF  }
0xa8: {  	s28 =	simm.s32 $_size_execute0_lowered;
	s4 =	sadd.s32 s4, s6;
	[dreg:$0x0] =	wrdreg $0x0  }
0xa9: {  	s6 =	sshll.u32 s28, $0x1;
	[dreg:$0x2] =	wrdreg s4  }
0xaa: {  	[dreg:$0x3] =	wrdreg s6  }
0xab: {  	[dreg:$0x4] =	wrdreg $0xC0  }
0xac: {  	_ =	task [dreg:s8], $0x5FFFF  }
0xad: {  	[dreg:$0x1] =	wrdreg $0xFFFFFFFF  }
0xae: {  	[dreg:$0x0] =	wrdreg $0x60  }
0xaf: {  	[dreg:$0x2] =	wrdreg s2  }
0xb0: {  	[dreg:$0x3] =	wrdreg s18  }
0xb1: {  	[dreg:$0x4] =	wrdreg s24  }
0xb2: {  	[dreg:$0x5] =	wrdreg $0xB0000  }
0xb3: {  	[dreg:$0x6] =	wrdreg $0x9  }
0xb4: {  	_ =	task.clear_ibuf [dreg:s8], $0x7FFFF;
	_ =	strace $0x90000046  }
0xb5: {  	s29 =	simm.s32 $0x9;
	_ =	strace $0x80000048  }
0xb6: {  	_ =	swait.ge [sflag:s29], $0x1  }
0xb7: {  	[sflag:s29] =	ssyncadd.s32 $0xFFFFFFFF  }
0xb8: {  	_ =	strace $0x90000048  }
0xb9: {  	_ =	sfence  }
0xba: {  	s30 =	sld [smem:$0x0];
	_ =	sdelay $0x2  }
0xbb: {  	s31 =	sshll.u32 s1, $0xD;
	s1 =	sshrl.u32 s1, $0x2  }
0xbc: {  	s3 =	sand.u32 $0x4000, s31;
	s1 =	sadd.s32 s1, s30  }
0xbd: {  	s0 =	sor.u32 s3, s0;
	s1 =	sshll.u32 s1, $0x11  }
0xbe: {  	s0 =	sor.u32 s1, s0  }
0xbf: {  	s0 =	sadd.s32 $0x8F2B, s0  }
0xc0: {  	[sflag:s0] =	ssyncadd.remote.s32 $0x1  }
0xc1: {  	_ =	sfence.sel $0xFFFF  }
0xc2: {  	[dreg:$0x0] =	wrdreg $0xFFFFFFFF;
	(pc) =	sbr.abs _section_cstart, $3  }
0xc3: {  	[dreg:$0x1] =	wrdreg $0xFFFFFFFF  }
0xc4: {  	_ =	task.clear_ibuf [dreg:s8], $0x2FFFF;
	_ =	strace $0x9FFFFFFF  }
0xc5: {  	(tm) =	ssettm $0x7FFFFFFF  }
tec
execute0_lowered:
.L_overlay_start_1:
0x0: {  	(tag) =	ssettag $0x1  }
0x1: {  	s1 =	srdreg.scid  }
0x2: {  	s1 =	sand.u32 $0x1, s1  }
0x3: {  	s5 =	rddreg [dreg:$0x0];
	p0 =	seq.s32 s1, $0x1  }
.Ltmp0:
0x4: {  	s6 =	rddreg [dreg:$0x1];
	(pc) =	sbr.rel @p0 .LBB2_20-.Ltmp0, $4  }
0x5: {  	s9 =	rddreg [dreg:$0x2]  }
0x6: {  	s2 =	rddreg [dreg:$0x3];
	s10 =	simm.s32 $0x0  }
0x7: {  	[smem:$0x7FF] =	sst s10  }
0x8: {  	s0 =	rddreg [dreg:$0x4];
	_ =	strace $0x80000047;
	s1 =	stileid.u32  }
0x9: {  	s3 =	smul.u32 $0x50000, s1  }
0xa: {  	s4 =	smul.u32 $0xB400, s1  }
0xb: {  	s8 =	sadd.s32 $0x400, s9;
	s12 =	smul.u32 $0x2800, s1  }
0xc: {  	s11 =	sadd.s32 $0x16C00, s9;
	s3 =	sshrl.u32 s3, $0x2;
	s7 =	sshrl.u32 s4, $0x3  }
0xd: {  	s11 =	sadd.s32 s11, s12;
	s16 =	sadd.s32 s3, s2;
	s3 =	sshll.u32 s1, $0x6  }
0xe: {  	s13 =	sadd.s32 s6, s7;
	s14 =	sor.u32 $0x1C05, s3;
	s4 =	sshrl.u32 s16, $0x3  }
0xf: {  	[spmem:s4], [sflag:s14] =	dma.local [hbm:s11], $0x2800  }
0x10: {  	[tilespmem:s10], [sflag:$0x4] =	stream.linear.gather [hbm4b:s13+s10], $0x1200, $0x38;
	[tilespmem:$0x1F000] =	vst v63  }
0x11: {  	s18 =	simm.s32 $0x1400;
	s19 =	simm.s32 $0x4;
	s17 =	sadd.s32 s8, s7  }
0x12: {  	[tilespmem:s18], [sflag:$0x4] =	stream.linear.gather [hbm4b:s17+s10], $0x1200, $0x38;
	[tilespmem:$0x1F000] =	vst v63  }
0x13: {  	_ =	swait.ge [sflag:s19], $0x1200  }
0x14: {  	[sflag:s19] =	ssyncset.done $0x0  }
0x15: {  	[sflag:s19] =	ssyncadd.s32 $0xFFFFEE00  }
0x16: {  	_ =	swait.ge [sflag:s19], $0x1200  }
0x17: {  	[sflag:s19] =	ssyncset.done $0x0  }
0x18: {  	s20 =	simm.s32 $0x5;
	[sflag:s19] =	ssyncadd.s32 $0xFFFFEE00  }
0x19: {  	_ =	swait.ge [sflag:s20], $0x2800  }
0x1a: {  	[sflag:s20] =	ssyncset.done $0x0  }
0x1b: {  	s21 =	sadd.s32 $0x280, s7;
	[sflag:s20] =	ssyncadd.s32 $0xFFFFD800  }
0x1c: {  	s23 =	simm.s32 $0x2800;
	s22 =	sadd.s32 s6, s21;
	[bflag:$0x0] =	sbarrier.arrive $0xFFFF  }
0x1d: {  	[tilespmem:s23], [sflag:$0x5] =	stream.linear.gather [hbm4b:s22+s10], $0x1200, $0x38;
	[tilespmem:$0x1F000] =	vst v63  }
0x1e: {  	s25 =	simm.s32 $0x3C00;
	s24 =	sadd.s32 s8, s21  }
0x1f: {  	[tilespmem:s25], [sflag:$0x5] =	stream.linear.gather [hbm4b:s24+s10], $0x1200, $0x38;
	[tilespmem:$0x1F000] =	vst v63  }
0x20: {  	s21 =	simm.s32 $0x40;
	s22 =	simm.s32 $0x5000  }
0x21: {  	[tilespmem:s22], [sflag:$0x1] =	stream.indirect.gather [hbm4b:s5+s21], $0x80, s10, s21, $0xb8;
	[tilespmem:$0x1F000] =	vst v63  }
0x22: {  	s26 =	simm.s32 $0x80;
	s23 =	simm.s32 $0x7000  }
0x23: {  	[tilespmem:s23], [sflag:$0x2] =	stream.indirect.gather [hbm4b:s5+s21], $0x80, s26, s21, $0xb8;
	[tilespmem:$0x1F000] =	vst v63  }
0x24: {  	s0 =	simm.s32 $0x100;
	s24 =	simm.s32 $0x9000;
	s25 =	simm.s32 $0x1  }
0x25: {  	[tilespmem:s24], [sflag:$0x3] =	stream.indirect.gather [hbm4b:s5+s21], $0x80, s0, s21, $0xb8;
	[tilespmem:$0x1F000] =	vst v63  }
0x26: {  	_ =	swait.ge [sflag:s25], $0x2000  }
0x27: {  	s28 =	simm.s32 $0x2;
	[sflag:s25] =	ssyncset.done $0x0  }
0x28: {  	s11 =	simm.s32 $0x1400;
	s26 =	simm.s32 $0x6;
	[sflag:s25] =	ssyncadd.s32 $0xFFFFE000  }
0x29: {  	[spmem:s2] =	stream.indirect.scatter.add.f32 [tilespmem:s22], [sflag:$0x6], $0x80, s11, s21, $0xb8;
	[tilespmem:$0x1F000] =	vst v63  }
0x2a: {  	s29 =	simm.s32 $0x3;
	s30 =	sadd.s32 s12, s9;
	_ =	swait.ge [sflag:s26], $0x2000  }
0x2b: {  	s15 =	sadd.s32 $0x780, s7;
	s12 =	sadd.s32 $0xC80, s7;
	[sflag:s26] =	ssyncset.done $0x0  }
0x2c: {  	s31 =	sadd.s32 $0x1180, s7;
	s14 =	simm.s32 $0x180;
	[sflag:s26] =	ssyncadd.s32 $0xFFFFE000  }
0x2d: {  	[tilespmem:s22], [sflag:$0x1] =	stream.indirect.gather [hbm4b:s5+s21], $0x80, s14, s21, $0xb8;
	[tilespmem:$0x1F000] =	vst v63  }
0x2e: {  	s16 =	sadd.s32 $0xA00, s7;
	s9 =	sadd.s32 s6, s31;
	_ =	swait.ge [sflag:s28], $0x2000  }
0x2f: {  	s13 =	sadd.s32 $0x500, s7;
	s17 =	sadd.s32 s6, s15;
	[sflag:s28] =	ssyncset.done $0x0  }
0x30: {  	s18 =	sadd.s32 s8, s15;
	s0 =	simm.s32 $0x1480;
	[sflag:s28] =	ssyncadd.s32 $0xFFFFE000  }
0x31: {  	[spmem:s2] =	stream.indirect.scatter.add.f32 [tilespmem:s23], [sflag:$0x6], $0x80, s0, s21, $0xb8;
	[tilespmem:$0x1F000] =	vst v63  }
0x32: {  	s15 =	sadd.s32 s6, s16;
	s16 =	sadd.s32 s8, s16;
	_ =	swait.ge [sflag:s26], $0x2000  }
0x33: {  	s19 =	sadd.s32 s6, s13;
	s20 =	sadd.s32 s8, s13;
	[sflag:s26] =	ssyncset.done $0x0  }
0x34: {  	s13 =	sadd.s32 s6, s12;
	s14 =	simm.s32 $0x200;
	[sflag:s26] =	ssyncadd.s32 $0xFFFFE000  }
0x35: {  	[tilespmem:s23], [sflag:$0x2] =	stream.indirect.gather [hbm4b:s5+s21], $0x80, s14, s21, $0xb8;
	[tilespmem:$0x1F000] =	vst v63  }
0x36: {  	s10 =	sadd.s32 s8, s31;
	s0 =	sadd.s32 $0xF00, s7;
	_ =	swait.ge [sflag:s29], $0x2000  }
0x37: {  	s31 =	simm.s32 $0x280;
	s11 =	sadd.s32 s6, s0;
	[sflag:s29] =	ssyncset.done $0x0  }
0x38: {  	s14 =	sadd.s32 s8, s12;
	s12 =	simm.s32 $0x1500;
	[sflag:s29] =	ssyncadd.s32 $0xFFFFE000  }
0x39: {  	[spmem:s2] =	stream.indirect.scatter.add.f32 [tilespmem:s24], [sflag:$0x6], $0x80, s12, s21, $0xb8;
	[tilespmem:$0x1F000] =	vst v63  }
0x3a: {  	s12 =	sadd.s32 s8, s0;
	s0 =	sadd.s32 $0x1400, s7;
	_ =	swait.ge [sflag:s26], $0x2000  }
0x3b: {  	s7 =	sadd.s32 s6, s0;
	s8 =	sadd.s32 s8, s0;
	[sflag:s26] =	ssyncset.done $0x0  }
0x3c: {  	s6 =	sadd.s32 $0x3EC00, s30;
	s30 =	simm.s32 $0x600;
	[sflag:s26] =	ssyncadd.s32 $0xFFFFE000  }
.LBB2_2:
0x3d: {  	[tilespmem:s24], [sflag:$0x3] =	stream.indirect.gather [hbm4b:s5+s21], $0x80, s31, s21, $0xb8;
	[tilespmem:$0x1F000] =	vst v63  }
0x3e: {  	s0 =	smov.u32 s30  }
0x3f: {  	p0 =	sne.s32 s30, $0x3C00;
	s30 =	sadd.s32 $0x600, s30;
	_ =	swait.ge [sflag:s25], $0x2000  }
0x40: {  	s0 =	sshra.s32 s0, $0x2;
	[sflag:s25] =	ssyncset.done $0x0  }
0x41: {  	s31 =	sadd.s32 $0x1400, s0;
	[sflag:s25] =	ssyncadd.s32 $0xFFFFE000  }
0x42: {  	[spmem:s2] =	stream.indirect.scatter.add.f32 [tilespmem:s22], [sflag:$0x6], $0x80, s31, s21, $0xb8;
	[tilespmem:$0x1F000] =	vst v63  }
0x43: {  	_ =	swait.ge [sflag:s26], $0x2000  }
0x44: {  	[sflag:s26] =	ssyncset.done $0x0  }
0x45: {  	s31 =	sadd.s32 $0x180, s0;
	[sflag:s26] =	ssyncadd.s32 $0xFFFFE000  }
0x46: {  	[tilespmem:s22], [sflag:$0x1] =	stream.indirect.gather [hbm4b:s5+s21], $0x80, s31, s21, $0xb8;
	[tilespmem:$0x1F000] =	vst v63  }
0x47: {  	_ =	swait.ge [sflag:s28], $0x2000  }
0x48: {  	[sflag:s28] =	ssyncset.done $0x0  }
0x49: {  	s31 =	sadd.s32 $0x1480, s0;
	[sflag:s28] =	ssyncadd.s32 $0xFFFFE000  }
0x4a: {  	[spmem:s2] =	stream.indirect.scatter.add.f32 [tilespmem:s23], [sflag:$0x6], $0x80, s31, s21, $0xb8;
	[tilespmem:$0x1F000] =	vst v63  }
0x4b: {  	_ =	swait.ge [sflag:s26], $0x2000  }
0x4c: {  	[sflag:s26] =	ssyncset.done $0x0  }
0x4d: {  	s31 =	sadd.s32 $0x200, s0;
	[sflag:s26] =	ssyncadd.s32 $0xFFFFE000  }
0x4e: {  	[tilespmem:s23], [sflag:$0x2] =	stream.indirect.gather [hbm4b:s5+s21], $0x80, s31, s21, $0xb8;
	[tilespmem:$0x1F000] =	vst v63  }
0x4f: {  	_ =	swait.ge [sflag:s29], $0x2000  }
0x50: {  	[sflag:s29] =	ssyncset.done $0x0  }
.Ltmp1:
0x51: {  	s31 =	sadd.s32 $0x1500, s0;
	[sflag:s29] =	ssyncadd.s32 $0xFFFFE000;
	(pc) =	sbr.rel @p0 .LBB2_2-.Ltmp1, $4  }
0x52: {  	[spmem:s2] =	stream.indirect.scatter.add.f32 [tilespmem:s24], [sflag:$0x6], $0x80, s31, s21, $0xb8;
	[tilespmem:$0x1F000] =	vst v63  }
0x53: {  	_ =	swait.ge [sflag:s26], $0x2000  }
0x54: {  	[sflag:s26] =	ssyncset.done $0x0  }
0x55: {  	s31 =	sadd.s32 $0x280, s0;
	[sflag:s26] =	ssyncadd.s32 $0xFFFFE000  }
0x56: {  	[tilespmem:s24], [sflag:$0x3] =	stream.indirect.gather [hbm4b:s5+s21], $0x80, s31, s21, $0xb8;
	[tilespmem:$0x1F000] =	vst v63  }
0x57: {  	s21 =	simm.s32 $0x1  }
0x58: {  	_ =	swait.ge [sflag:s21], $0x2000  }
0x59: {  	s22 =	simm.s32 $0x40;
	s0 =	simm.s32 $0x2480;
	[sflag:s21] =	ssyncset.done $0x0  }
0x5a: {  	s23 =	simm.s32 $0x5000;
	s24 =	simm.s32 $0x6;
	[sflag:s21] =	ssyncadd.s32 $0xFFFFE000  }
0x5b: {  	[spmem:s2] =	stream.indirect.scatter.add.f32 [tilespmem:s23], [sflag:$0x6], $0x80, s0, s22, $0xb8;
	[tilespmem:$0x1F000] =	vst v63  }
0x5c: {  	_ =	swait.ge [sflag:s24], $0x2000  }
0x5d: {  	[sflag:s24] =	ssyncset.done $0x0  }
0x5e: {  	s25 =	simm.s32 $0x2;
	[sflag:s24] =	ssyncadd.s32 $0xFFFFE000  }
0x5f: {  	_ =	swait.ge [sflag:s25], $0x2000  }
0x60: {  	[sflag:s25] =	ssyncset.done $0x0  }
0x61: {  	s31 =	simm.s32 $0x2500;
	s26 =	simm.s32 $0x7000;
	[sflag:s25] =	ssyncadd.s32 $0xFFFFE000  }
0x62: {  	[spmem:s2] =	stream.indirect.scatter.add.f32 [tilespmem:s26], [sflag:$0x6], $0x80, s31, s22, $0xb8;
	[tilespmem:$0x1F000] =	vst v63  }
0x63: {  	_ =	swait.ge [sflag:s24], $0x2000  }
0x64: {  	[sflag:s24] =	ssyncset.done $0x0  }
0x65: {  	s28 =	simm.s32 $0x3;
	[sflag:s24] =	ssyncadd.s32 $0xFFFFE000  }
0x66: {  	_ =	swait.ge [sflag:s28], $0x2000  }
0x67: {  	[sflag:s28] =	ssyncset.done $0x0  }
0x68: {  	s30 =	simm.s32 $0x2580;
	s29 =	simm.s32 $0x9000;
	[sflag:s28] =	ssyncadd.s32 $0xFFFFE000  }
0x69: {  	[spmem:s2] =	stream.indirect.scatter.add.f32 [tilespmem:s29], [sflag:$0x6], $0x80, s30, s22, $0xb8;
	[tilespmem:$0x1F000] =	vst v63  }
0x6a: {  	_ =	swait.ge [sflag:s24], $0x2000  }
0x6b: {  	[sflag:s24] =	ssyncset.done $0x0  }
0x6c: {  	s31 =	simm.s32 $0x5;
	[sflag:s24] =	ssyncadd.s32 $0xFFFFE000  }
0x6d: {  	_ =	swait.ge [sflag:s31], $0x1200  }
0x6e: {  	[sflag:s31] =	ssyncset.done $0x0  }
0x6f: {  	[sflag:s31] =	ssyncadd.s32 $0xFFFFEE00  }
0x70: {  	_ =	swait.ge [sflag:s31], $0x1200  }
0x71: {  	[sflag:s31] =	ssyncset.done $0x0  }
0x72: {  	s30 =	simm.s32 $0x0;
	[sflag:s31] =	ssyncadd.s32 $0xFFFFEE00  }
0x73: {  	[tilespmem:s30], [sflag:$0x4] =	stream.linear.gather [hbm4b:s19+s30], $0x1200, $0x38;
	[tilespmem:$0x1F000] =	vst v63  }
0x74: {  	s31 =	simm.s32 $0x1400  }
0x75: {  	[tilespmem:s31], [sflag:$0x4] =	stream.linear.gather [hbm4b:s20+s30], $0x1200, $0x38;
	[tilespmem:$0x1F000] =	vst v63  }
0x76: {  	s19 =	simm.s32 $0x2800  }
0x77: {  	[tilespmem:s23], [sflag:$0x1] =	stream.indirect.gather [hbm4b:s5+s22], $0x80, s19, s22, $0xb8;
	[tilespmem:$0x1F000] =	vst v63  }
0x78: {  	s20 =	simm.s32 $0x2880  }
0x79: {  	[tilespmem:s26], [sflag:$0x2] =	stream.indirect.gather [hbm4b:s5+s22], $0x80, s20, s22, $0xb8;
	[tilespmem:$0x1F000] =	vst v63  }
0x7a: {  	s30 =	simm.s32 $0x2900  }
0x7b: {  	[tilespmem:s29], [sflag:$0x3] =	stream.indirect.gather [hbm4b:s5+s22], $0x80, s30, s22, $0xb8;
	[tilespmem:$0x1F000] =	vst v63  }
0x7c: {  	_ =	swait.ge [sflag:s21], $0x2000  }
0x7d: {  	[sflag:s21] =	ssyncset.done $0x0  }
0x7e: {  	s31 =	simm.s32 $0x3C00;
	[sflag:s21] =	ssyncadd.s32 $0xFFFFE000  }
0x7f: {  	[spmem:s2] =	stream.indirect.scatter.add.f32 [tilespmem:s23], [sflag:$0x6], $0x80, s31, s22, $0xb8;
	[tilespmem:$0x1F000] =	vst v63  }
0x80: {  	_ =	swait.ge [sflag:s24], $0x2000  }
0x81: {  	[sflag:s24] =	ssyncset.done $0x0  }
0x82: {  	s19 =	simm.s32 $0x2980;
	[sflag:s24] =	ssyncadd.s32 $0xFFFFE000  }
0x83: {  	[tilespmem:s23], [sflag:$0x1] =	stream.indirect.gather [hbm4b:s5+s22], $0x80, s19, s22, $0xb8;
	[tilespmem:$0x1F000] =	vst v63  }
0x84: {  	_ =	swait.ge [sflag:s25], $0x2000  }
0x85: {  	[sflag:s25] =	ssyncset.done $0x0  }
0x86: {  	s20 =	simm.s32 $0x3C80;
	[sflag:s25] =	ssyncadd.s32 $0xFFFFE000  }
0x87: {  	[spmem:s2] =	stream.indirect.scatter.add.f32 [tilespmem:s26], [sflag:$0x6], $0x80, s20, s22, $0xb8;
	[tilespmem:$0x1F000] =	vst v63  }
0x88: {  	_ =	swait.ge [sflag:s24], $0x2000  }
0x89: {  	[sflag:s24] =	ssyncset.done $0x0  }
0x8a: {  	s30 =	simm.s32 $0x2A00;
	[sflag:s24] =	ssyncadd.s32 $0xFFFFE000  }
0x8b: {  	[tilespmem:s26], [sflag:$0x2] =	stream.indirect.gather [hbm4b:s5+s22], $0x80, s30, s22, $0xb8;
	[tilespmem:$0x1F000] =	vst v63  }
0x8c: {  	_ =	swait.ge [sflag:s28], $0x2000  }
0x8d: {  	[sflag:s28] =	ssyncset.done $0x0  }
0x8e: {  	s31 =	simm.s32 $0x3D00;
	[sflag:s28] =	ssyncadd.s32 $0xFFFFE000  }
0x8f: {  	[spmem:s2] =	stream.indirect.scatter.add.f32 [tilespmem:s29], [sflag:$0x6], $0x80, s31, s22, $0xb8;
	[tilespmem:$0x1F000] =	vst v63  }
0x90: {  	_ =	swait.ge [sflag:s24], $0x2000  }
0x91: {  	[sflag:s24] =	ssyncset.done $0x0  }
0x92: {  	s19 =	simm.s32 $0x600;
	s20 =	simm.s32 $0x2A80;
	[sflag:s24] =	ssyncadd.s32 $0xFFFFE000  }
.LBB2_4:
0x93: {  	[tilespmem:s29], [sflag:$0x3] =	stream.indirect.gather [hbm4b:s5+s22], $0x80, s20, s22, $0xb8;
	[tilespmem:$0x1F000] =	vst v63  }
0x94: {  	s0 =	smov.u32 s19  }
0x95: {  	p0 =	sne.s32 s19, $0x3C00;
	s19 =	sadd.s32 $0x600, s19;
	_ =	swait.ge [sflag:s21], $0x2000  }
0x96: {  	s0 =	sshra.s32 s0, $0x2;
	[sflag:s21] =	ssyncset.done $0x0  }
0x97: {  	s20 =	sadd.s32 $0x3C00, s0;
	[sflag:s21] =	ssyncadd.s32 $0xFFFFE000  }
0x98: {  	[spmem:s2] =	stream.indirect.scatter.add.f32 [tilespmem:s23], [sflag:$0x6], $0x80, s20, s22, $0xb8;
	[tilespmem:$0x1F000] =	vst v63  }
0x99: {  	_ =	swait.ge [sflag:s24], $0x2000  }
0x9a: {  	[sflag:s24] =	ssyncset.done $0x0  }
0x9b: {  	s20 =	sadd.s32 $0x2980, s0;
	[sflag:s24] =	ssyncadd.s32 $0xFFFFE000  }
0x9c: {  	[tilespmem:s23], [sflag:$0x1] =	stream.indirect.gather [hbm4b:s5+s22], $0x80, s20, s22, $0xb8;
	[tilespmem:$0x1F000] =	vst v63  }
0x9d: {  	_ =	swait.ge [sflag:s25], $0x2000  }
0x9e: {  	[sflag:s25] =	ssyncset.done $0x0  }
0x9f: {  	s20 =	sadd.s32 $0x3C80, s0;
	[sflag:s25] =	ssyncadd.s32 $0xFFFFE000  }
0xa0: {  	[spmem:s2] =	stream.indirect.scatter.add.f32 [tilespmem:s26], [sflag:$0x6], $0x80, s20, s22, $0xb8;
	[tilespmem:$0x1F000] =	vst v63  }
0xa1: {  	_ =	swait.ge [sflag:s24], $0x2000  }
0xa2: {  	[sflag:s24] =	ssyncset.done $0x0  }
0xa3: {  	s20 =	sadd.s32 $0x2A00, s0;
	[sflag:s24] =	ssyncadd.s32 $0xFFFFE000  }
0xa4: {  	[tilespmem:s26], [sflag:$0x2] =	stream.indirect.gather [hbm4b:s5+s22], $0x80, s20, s22, $0xb8;
	[tilespmem:$0x1F000] =	vst v63  }
0xa5: {  	_ =	swait.ge [sflag:s28], $0x2000  }
0xa6: {  	[sflag:s28] =	ssyncset.done $0x0  }
.Ltmp2:
0xa7: {  	s20 =	sadd.s32 $0x3D00, s0;
	[sflag:s28] =	ssyncadd.s32 $0xFFFFE000;
	(pc) =	sbr.rel @p0 .LBB2_4-.Ltmp2, $4  }
0xa8: {  	[spmem:s2] =	stream.indirect.scatter.add.f32 [tilespmem:s29], [sflag:$0x6], $0x80, s20, s22, $0xb8;
	[tilespmem:$0x1F000] =	vst v63  }
0xa9: {  	_ =	swait.ge [sflag:s24], $0x2000  }
0xaa: {  	[sflag:s24] =	ssyncset.done $0x0  }
0xab: {  	s20 =	sadd.s32 $0x2A80, s0;
	[sflag:s24] =	ssyncadd.s32 $0xFFFFE000  }
0xac: {  	[tilespmem:s29], [sflag:$0x3] =	stream.indirect.gather [hbm4b:s5+s22], $0x80, s20, s22, $0xb8;
	[tilespmem:$0x1F000] =	vst v63  }
0xad: {  	s19 =	simm.s32 $0x1  }
0xae: {  	_ =	swait.ge [sflag:s19], $0x2000  }
0xaf: {  	s20 =	simm.s32 $0x40;
	s0 =	simm.s32 $0x4C80;
	[sflag:s19] =	ssyncset.done $0x0  }
0xb0: {  	s21 =	simm.s32 $0x5000;
	s22 =	simm.s32 $0x6;
	[sflag:s19] =	ssyncadd.s32 $0xFFFFE000  }
0xb1: {  	[spmem:s2] =	stream.indirect.scatter.add.f32 [tilespmem:s21], [sflag:$0x6], $0x80, s0, s20, $0xb8;
	[tilespmem:$0x1F000] =	vst v63  }
0xb2: {  	_ =	swait.ge [sflag:s22], $0x2000  }
0xb3: {  	[sflag:s22] =	ssyncset.done $0x0  }
0xb4: {  	s23 =	simm.s32 $0x2;
	[sflag:s22] =	ssyncadd.s32 $0xFFFFE000  }
0xb5: {  	_ =	swait.ge [sflag:s23], $0x2000  }
0xb6: {  	[sflag:s23] =	ssyncset.done $0x0  }
0xb7: {  	s30 =	simm.s32 $0x4D00;
	s24 =	simm.s32 $0x7000;
	[sflag:s23] =	ssyncadd.s32 $0xFFFFE000  }
0xb8: {  	[spmem:s2] =	stream.indirect.scatter.add.f32 [tilespmem:s24], [sflag:$0x6], $0x80, s30, s20, $0xb8;
	[tilespmem:$0x1F000] =	vst v63  }
0xb9: {  	_ =	swait.ge [sflag:s22], $0x2000  }
0xba: {  	[sflag:s22] =	ssyncset.done $0x0  }
0xbb: {  	s25 =	simm.s32 $0x3;
	[sflag:s22] =	ssyncadd.s32 $0xFFFFE000  }
0xbc: {  	_ =	swait.ge [sflag:s25], $0x2000  }
0xbd: {  	[sflag:s25] =	ssyncset.done $0x0  }
0xbe: {  	s31 =	simm.s32 $0x4D80;
	s26 =	simm.s32 $0x9000;
	[sflag:s25] =	ssyncadd.s32 $0xFFFFE000  }
0xbf: {  	[spmem:s2] =	stream.indirect.scatter.add.f32 [tilespmem:s26], [sflag:$0x6], $0x80, s31, s20, $0xb8;
	[tilespmem:$0x1F000] =	vst v63  }
0xc0: {  	_ =	swait.ge [sflag:s22], $0x2000  }
0xc1: {  	[sflag:s22] =	ssyncset.done $0x0  }
0xc2: {  	s28 =	simm.s32 $0x4;
	[sflag:s22] =	ssyncadd.s32 $0xFFFFE000  }
0xc3: {  	_ =	swait.ge [sflag:s28], $0x1200  }
0xc4: {  	[sflag:s28] =	ssyncset.done $0x0  }
0xc5: {  	[sflag:s28] =	ssyncadd.s32 $0xFFFFEE00  }
0xc6: {  	_ =	swait.ge [sflag:s28], $0x1200  }
0xc7: {  	[sflag:s28] =	ssyncset.done $0x0  }
0xc8: {  	s29 =	simm.s32 $0x0;
	[sflag:s28] =	ssyncadd.s32 $0xFFFFEE00;
	s28 =	simm.s32 $0x2800  }
0xc9: {  	[tilespmem:s28], [sflag:$0x5] =	stream.linear.gather [hbm4b:s17+s29], $0x1200, $0x38;
	[tilespmem:$0x1F000] =	vst v63  }
0xca: {  	s30 =	simm.s32 $0x3C00  }
0xcb: {  	[tilespmem:s30], [sflag:$0x5] =	stream.linear.gather [hbm4b:s18+s29], $0x1200, $0x38;
	[tilespmem:$0x1F000] =	vst v63  }
0xcc: {  	_ = 	snop  }
0xcd: {  	[tilespmem:s21], [sflag:$0x1] =	stream.indirect.gather [hbm4b:s5+s20], $0x80, s29, s20, $0xb8;
	[tilespmem:$0x1F000] =	vst v63  }
0xce: {  	s31 =	simm.s32 $0x80  }
0xcf: {  	[tilespmem:s24], [sflag:$0x2] =	stream.indirect.gather [hbm4b:s5+s20], $0x80, s31, s20, $0xb8;
	[tilespmem:$0x1F000] =	vst v63  }
0xd0: {  	s17 =	simm.s32 $0x100  }
0xd1: {  	[tilespmem:s26], [sflag:$0x3] =	stream.indirect.gather [hbm4b:s5+s20], $0x80, s17, s20, $0xb8;
	[tilespmem:$0x1F000] =	vst v63  }
0xd2: {  	_ =	swait.ge [sflag:s19], $0x2000  }
0xd3: {  	[sflag:s19] =	ssyncset.done $0x0  }
0xd4: {  	s18 =	simm.s32 $0x1400;
	[sflag:s19] =	ssyncadd.s32 $0xFFFFE000  }
0xd5: {  	[spmem:s2] =	stream.indirect.scatter.add.f32 [tilespmem:s21], [sflag:$0x6], $0x80, s18, s20, $0xb8;
	[tilespmem:$0x1F000] =	vst v63  }
0xd6: {  	_ =	swait.ge [sflag:s22], $0x2000  }
0xd7: {  	[sflag:s22] =	ssyncset.done $0x0  }
0xd8: {  	s28 =	simm.s32 $0x180;
	[sflag:s22] =	ssyncadd.s32 $0xFFFFE000  }
0xd9: {  	[tilespmem:s21], [sflag:$0x1] =	stream.indirect.gather [hbm4b:s5+s20], $0x80, s28, s20, $0xb8;
	[tilespmem:$0x1F000] =	vst v63  }
0xda: {  	_ =	swait.ge [sflag:s23], $0x2000  }
0xdb: {  	[sflag:s23] =	ssyncset.done $0x0  }
0xdc: {  	s29 =	simm.s32 $0x1480;
	[sflag:s23] =	ssyncadd.s32 $0xFFFFE000  }
0xdd: {  	[spmem:s2] =	stream.indirect.scatter.add.f32 [tilespmem:s24], [sflag:$0x6], $0x80, s29, s20, $0xb8;
	[tilespmem:$0x1F000] =	vst v63  }
0xde: {  	_ =	swait.ge [sflag:s22], $0x2000  }
0xdf: {  	[sflag:s22] =	ssyncset.done $0x0  }
0xe0: {  	s30 =	simm.s32 $0x200;
	[sflag:s22] =	ssyncadd.s32 $0xFFFFE000  }
0xe1: {  	[tilespmem:s24], [sflag:$0x2] =	stream.indirect.gather [hbm4b:s5+s20], $0x80, s30, s20, $0xb8;
	[tilespmem:$0x1F000] =	vst v63  }
0xe2: {  	_ =	swait.ge [sflag:s25], $0x2000  }
0xe3: {  	[sflag:s25] =	ssyncset.done $0x0  }
0xe4: {  	s31 =	simm.s32 $0x1500;
	[sflag:s25] =	ssyncadd.s32 $0xFFFFE000  }
0xe5: {  	[spmem:s2] =	stream.indirect.scatter.add.f32 [tilespmem:s26], [sflag:$0x6], $0x80, s31, s20, $0xb8;
	[tilespmem:$0x1F000] =	vst v63  }
0xe6: {  	_ =	swait.ge [sflag:s22], $0x2000  }
0xe7: {  	[sflag:s22] =	ssyncset.done $0x0  }
0xe8: {  	s17 =	simm.s32 $0x600;
	s18 =	simm.s32 $0x280;
	[sflag:s22] =	ssyncadd.s32 $0xFFFFE000  }
.LBB2_6:
0xe9: {  	[tilespmem:s26], [sflag:$0x3] =	stream.indirect.gather [hbm4b:s5+s20], $0x80, s18, s20, $0xb8;
	[tilespmem:$0x1F000] =	vst v63  }
0xea: {  	s0 =	smov.u32 s17  }
0xeb: {  	p0 =	sne.s32 s17, $0x3C00;
	s17 =	sadd.s32 $0x600, s17;
	_ =	swait.ge [sflag:s19], $0x2000  }
0xec: {  	s0 =	sshra.s32 s0, $0x2;
	[sflag:s19] =	ssyncset.done $0x0  }
0xed: {  	s18 =	sadd.s32 $0x1400, s0;
	[sflag:s19] =	ssyncadd.s32 $0xFFFFE000  }
0xee: {  	[spmem:s2] =	stream.indirect.scatter.add.f32 [tilespmem:s21], [sflag:$0x6], $0x80, s18, s20, $0xb8;
	[tilespmem:$0x1F000] =	vst v63  }
0xef: {  	_ =	swait.ge [sflag:s22], $0x2000  }
0xf0: {  	[sflag:s22] =	ssyncset.done $0x0  }
0xf1: {  	s18 =	sadd.s32 $0x180, s0;
	[sflag:s22] =	ssyncadd.s32 $0xFFFFE000  }
0xf2: {  	[tilespmem:s21], [sflag:$0x1] =	stream.indirect.gather [hbm4b:s5+s20], $0x80, s18, s20, $0xb8;
	[tilespmem:$0x1F000] =	vst v63  }
0xf3: {  	_ =	swait.ge [sflag:s23], $0x2000  }
0xf4: {  	[sflag:s23] =	ssyncset.done $0x0  }
0xf5: {  	s18 =	sadd.s32 $0x1480, s0;
	[sflag:s23] =	ssyncadd.s32 $0xFFFFE000  }
0xf6: {  	[spmem:s2] =	stream.indirect.scatter.add.f32 [tilespmem:s24], [sflag:$0x6], $0x80, s18, s20, $0xb8;
	[tilespmem:$0x1F000] =	vst v63  }
0xf7: {  	_ =	swait.ge [sflag:s22], $0x2000  }
0xf8: {  	[sflag:s22] =	ssyncset.done $0x0  }
0xf9: {  	s18 =	sadd.s32 $0x200, s0;
	[sflag:s22] =	ssyncadd.s32 $0xFFFFE000  }
0xfa: {  	[tilespmem:s24], [sflag:$0x2] =	stream.indirect.gather [hbm4b:s5+s20], $0x80, s18, s20, $0xb8;
	[tilespmem:$0x1F000] =	vst v63  }
0xfb: {  	_ =	swait.ge [sflag:s25], $0x2000  }
0xfc: {  	[sflag:s25] =	ssyncset.done $0x0  }
.Ltmp3:
0xfd: {  	s18 =	sadd.s32 $0x1500, s0;
	[sflag:s25] =	ssyncadd.s32 $0xFFFFE000;
	(pc) =	sbr.rel @p0 .LBB2_6-.Ltmp3, $4  }
0xfe: {  	[spmem:s2] =	stream.indirect.scatter.add.f32 [tilespmem:s26], [sflag:$0x6], $0x80, s18, s20, $0xb8;
	[tilespmem:$0x1F000] =	vst v63  }
0xff: {  	_ =	swait.ge [sflag:s22], $0x2000  }
0x100: {  	[sflag:s22] =	ssyncset.done $0x0  }
0x101: {  	s18 =	sadd.s32 $0x280, s0;
	[sflag:s22] =	ssyncadd.s32 $0xFFFFE000  }
0x102: {  	[tilespmem:s26], [sflag:$0x3] =	stream.indirect.gather [hbm4b:s5+s20], $0x80, s18, s20, $0xb8;
	[tilespmem:$0x1F000] =	vst v63  }
0x103: {  	s17 =	simm.s32 $0x1  }
0x104: {  	_ =	swait.ge [sflag:s17], $0x2000  }
0x105: {  	s18 =	simm.s32 $0x40;
	s0 =	simm.s32 $0x2480;
	[sflag:s17] =	ssyncset.done $0x0  }
0x106: {  	s19 =	simm.s32 $0x5000;
	s20 =	simm.s32 $0x6;
	[sflag:s17] =	ssyncadd.s32 $0xFFFFE000  }
0x107: {  	[spmem:s2] =	stream.indirect.scatter.add.f32 [tilespmem:s19], [sflag:$0x6], $0x80, s0, s18, $0xb8;
	[tilespmem:$0x1F000] =	vst v63  }
0x108: {  	_ =	swait.ge [sflag:s20], $0x2000  }
0x109: {  	[sflag:s20] =	ssyncset.done $0x0  }
0x10a: {  	s21 =	simm.s32 $0x2;
	[sflag:s20] =	ssyncadd.s32 $0xFFFFE000  }
0x10b: {  	_ =	swait.ge [sflag:s21], $0x2000  }
0x10c: {  	[sflag:s21] =	ssyncset.done $0x0  }
0x10d: {  	s26 =	simm.s32 $0x2500;
	s22 =	simm.s32 $0x7000;
	[sflag:s21] =	ssyncadd.s32 $0xFFFFE000  }
0x10e: {  	[spmem:s2] =	stream.indirect.scatter.add.f32 [tilespmem:s22], [sflag:$0x6], $0x80, s26, s18, $0xb8;
	[tilespmem:$0x1F000] =	vst v63  }
0x10f: {  	_ =	swait.ge [sflag:s20], $0x2000  }
0x110: {  	[sflag:s20] =	ssyncset.done $0x0  }
0x111: {  	s23 =	simm.s32 $0x3;
	[sflag:s20] =	ssyncadd.s32 $0xFFFFE000  }
0x112: {  	_ =	swait.ge [sflag:s23], $0x2000  }
0x113: {  	[sflag:s23] =	ssyncset.done $0x0  }
0x114: {  	s28 =	simm.s32 $0x2580;
	s24 =	simm.s32 $0x9000;
	[sflag:s23] =	ssyncadd.s32 $0xFFFFE000  }
0x115: {  	[spmem:s2] =	stream.indirect.scatter.add.f32 [tilespmem:s24], [sflag:$0x6], $0x80, s28, s18, $0xb8;
	[tilespmem:$0x1F000] =	vst v63  }
0x116: {  	_ =	swait.ge [sflag:s20], $0x2000  }
0x117: {  	[sflag:s20] =	ssyncset.done $0x0  }
0x118: {  	s29 =	simm.s32 $0x5;
	[sflag:s20] =	ssyncadd.s32 $0xFFFFE000  }
0x119: {  	_ =	swait.ge [sflag:s29], $0x1200  }
0x11a: {  	[sflag:s29] =	ssyncset.done $0x0  }
0x11b: {  	[sflag:s29] =	ssyncadd.s32 $0xFFFFEE00  }
0x11c: {  	_ =	swait.ge [sflag:s29], $0x1200  }
0x11d: {  	[sflag:s29] =	ssyncset.done $0x0  }
0x11e: {  	s30 =	simm.s32 $0x0;
	[sflag:s29] =	ssyncadd.s32 $0xFFFFEE00  }
0x11f: {  	[tilespmem:s30], [sflag:$0x4] =	stream.linear.gather [hbm4b:s15+s30], $0x1200, $0x38;
	[tilespmem:$0x1F000] =	vst v63  }
0x120: {  	s31 =	simm.s32 $0x1400  }
0x121: {  	[tilespmem:s31], [sflag:$0x4] =	stream.linear.gather [hbm4b:s16+s30], $0x1200, $0x38;
	[tilespmem:$0x1F000] =	vst v63  }
0x122: {  	s15 =	simm.s32 $0x2800  }
0x123: {  	[tilespmem:s19], [sflag:$0x1] =	stream.indirect.gather [hbm4b:s5+s18], $0x80, s15, s18, $0xb8;
	[tilespmem:$0x1F000] =	vst v63  }
0x124: {  	s16 =	simm.s32 $0x2880  }
0x125: {  	[tilespmem:s22], [sflag:$0x2] =	stream.indirect.gather [hbm4b:s5+s18], $0x80, s16, s18, $0xb8;
	[tilespmem:$0x1F000] =	vst v63  }
0x126: {  	s25 =	simm.s32 $0x2900  }
0x127: {  	[tilespmem:s24], [sflag:$0x3] =	stream.indirect.gather [hbm4b:s5+s18], $0x80, s25, s18, $0xb8;
	[tilespmem:$0x1F000] =	vst v63  }
0x128: {  	_ =	swait.ge [sflag:s17], $0x2000  }
0x129: {  	[sflag:s17] =	ssyncset.done $0x0  }
0x12a: {  	s26 =	simm.s32 $0x3C00;
	[sflag:s17] =	ssyncadd.s32 $0xFFFFE000  }
0x12b: {  	[spmem:s2] =	stream.indirect.scatter.add.f32 [tilespmem:s19], [sflag:$0x6], $0x80, s26, s18, $0xb8;
	[tilespmem:$0x1F000] =	vst v63  }
0x12c: {  	_ =	swait.ge [sflag:s20], $0x2000  }
0x12d: {  	[sflag:s20] =	ssyncset.done $0x0  }
0x12e: {  	s28 =	simm.s32 $0x2980;
	[sflag:s20] =	ssyncadd.s32 $0xFFFFE000  }
0x12f: {  	[tilespmem:s19], [sflag:$0x1] =	stream.indirect.gather [hbm4b:s5+s18], $0x80, s28, s18, $0xb8;
	[tilespmem:$0x1F000] =	vst v63  }
0x130: {  	_ =	swait.ge [sflag:s21], $0x2000  }
0x131: {  	[sflag:s21] =	ssyncset.done $0x0  }
0x132: {  	s29 =	simm.s32 $0x3C80;
	[sflag:s21] =	ssyncadd.s32 $0xFFFFE000  }
0x133: {  	[spmem:s2] =	stream.indirect.scatter.add.f32 [tilespmem:s22], [sflag:$0x6], $0x80, s29, s18, $0xb8;
	[tilespmem:$0x1F000] =	vst v63  }
0x134: {  	_ =	swait.ge [sflag:s20], $0x2000  }
0x135: {  	[sflag:s20] =	ssyncset.done $0x0  }
0x136: {  	s30 =	simm.s32 $0x2A00;
	[sflag:s20] =	ssyncadd.s32 $0xFFFFE000  }
0x137: {  	[tilespmem:s22], [sflag:$0x2] =	stream.indirect.gather [hbm4b:s5+s18], $0x80, s30, s18, $0xb8;
	[tilespmem:$0x1F000] =	vst v63  }
0x138: {  	_ =	swait.ge [sflag:s23], $0x2000  }
0x139: {  	[sflag:s23] =	ssyncset.done $0x0  }
0x13a: {  	s31 =	simm.s32 $0x3D00;
	[sflag:s23] =	ssyncadd.s32 $0xFFFFE000  }
0x13b: {  	[spmem:s2] =	stream.indirect.scatter.add.f32 [tilespmem:s24], [sflag:$0x6], $0x80, s31, s18, $0xb8;
	[tilespmem:$0x1F000] =	vst v63  }
0x13c: {  	_ =	swait.ge [sflag:s20], $0x2000  }
0x13d: {  	[sflag:s20] =	ssyncset.done $0x0  }
0x13e: {  	s15 =	simm.s32 $0x600;
	s16 =	simm.s32 $0x2A80;
	[sflag:s20] =	ssyncadd.s32 $0xFFFFE000  }
.LBB2_8:
0x13f: {  	[tilespmem:s24], [sflag:$0x3] =	stream.indirect.gather [hbm4b:s5+s18], $0x80, s16, s18, $0xb8;
	[tilespmem:$0x1F000] =	vst v63  }
0x140: {  	s0 =	smov.u32 s15  }
0x141: {  	p0 =	sne.s32 s15, $0x3C00;
	s15 =	sadd.s32 $0x600, s15;
	_ =	swait.ge [sflag:s17], $0x2000  }
0x142: {  	s0 =	sshra.s32 s0, $0x2;
	[sflag:s17] =	ssyncset.done $0x0  }
0x143: {  	s16 =	sadd.s32 $0x3C00, s0;
	[sflag:s17] =	ssyncadd.s32 $0xFFFFE000  }
0x144: {  	[spmem:s2] =	stream.indirect.scatter.add.f32 [tilespmem:s19], [sflag:$0x6], $0x80, s16, s18, $0xb8;
	[tilespmem:$0x1F000] =	vst v63  }
0x145: {  	_ =	swait.ge [sflag:s20], $0x2000  }
0x146: {  	[sflag:s20] =	ssyncset.done $0x0  }
0x147: {  	s16 =	sadd.s32 $0x2980, s0;
	[sflag:s20] =	ssyncadd.s32 $0xFFFFE000  }
0x148: {  	[tilespmem:s19], [sflag:$0x1] =	stream.indirect.gather [hbm4b:s5+s18], $0x80, s16, s18, $0xb8;
	[tilespmem:$0x1F000] =	vst v63  }
0x149: {  	_ =	swait.ge [sflag:s21], $0x2000  }
0x14a: {  	[sflag:s21] =	ssyncset.done $0x0  }
0x14b: {  	s16 =	sadd.s32 $0x3C80, s0;
	[sflag:s21] =	ssyncadd.s32 $0xFFFFE000  }
0x14c: {  	[spmem:s2] =	stream.indirect.scatter.add.f32 [tilespmem:s22], [sflag:$0x6], $0x80, s16, s18, $0xb8;
	[tilespmem:$0x1F000] =	vst v63  }
0x14d: {  	_ =	swait.ge [sflag:s20], $0x2000  }
0x14e: {  	[sflag:s20] =	ssyncset.done $0x0  }
0x14f: {  	s16 =	sadd.s32 $0x2A00, s0;
	[sflag:s20] =	ssyncadd.s32 $0xFFFFE000  }
0x150: {  	[tilespmem:s22], [sflag:$0x2] =	stream.indirect.gather [hbm4b:s5+s18], $0x80, s16, s18, $0xb8;
	[tilespmem:$0x1F000] =	vst v63  }
0x151: {  	_ =	swait.ge [sflag:s23], $0x2000  }
0x152: {  	[sflag:s23] =	ssyncset.done $0x0  }
.Ltmp4:
0x153: {  	s16 =	sadd.s32 $0x3D00, s0;
	[sflag:s23] =	ssyncadd.s32 $0xFFFFE000;
	(pc) =	sbr.rel @p0 .LBB2_8-.Ltmp4, $4  }
0x154: {  	[spmem:s2] =	stream.indirect.scatter.add.f32 [tilespmem:s24], [sflag:$0x6], $0x80, s16, s18, $0xb8;
	[tilespmem:$0x1F000] =	vst v63  }
0x155: {  	_ =	swait.ge [sflag:s20], $0x2000  }
0x156: {  	[sflag:s20] =	ssyncset.done $0x0  }
0x157: {  	s16 =	sadd.s32 $0x2A80, s0;
	[sflag:s20] =	ssyncadd.s32 $0xFFFFE000  }
0x158: {  	[tilespmem:s24], [sflag:$0x3] =	stream.indirect.gather [hbm4b:s5+s18], $0x80, s16, s18, $0xb8;
	[tilespmem:$0x1F000] =	vst v63  }
0x159: {  	s15 =	simm.s32 $0x1  }
0x15a: {  	_ =	swait.ge [sflag:s15], $0x2000  }
0x15b: {  	s16 =	simm.s32 $0x40;
	s0 =	simm.s32 $0x4C80;
	[sflag:s15] =	ssyncset.done $0x0  }
0x15c: {  	s17 =	simm.s32 $0x5000;
	s18 =	simm.s32 $0x6;
	[sflag:s15] =	ssyncadd.s32 $0xFFFFE000  }
0x15d: {  	[spmem:s2] =	stream.indirect.scatter.add.f32 [tilespmem:s17], [sflag:$0x6], $0x80, s0, s16, $0xb8;
	[tilespmem:$0x1F000] =	vst v63  }
0x15e: {  	_ =	swait.ge [sflag:s18], $0x2000  }
0x15f: {  	[sflag:s18] =	ssyncset.done $0x0  }
0x160: {  	s19 =	simm.s32 $0x2;
	[sflag:s18] =	ssyncadd.s32 $0xFFFFE000  }
0x161: {  	_ =	swait.ge [sflag:s19], $0x2000  }
0x162: {  	[sflag:s19] =	ssyncset.done $0x0  }
0x163: {  	s28 =	simm.s32 $0x4D00;
	s20 =	simm.s32 $0x7000;
	[sflag:s19] =	ssyncadd.s32 $0xFFFFE000  }
0x164: {  	[spmem:s2] =	stream.indirect.scatter.add.f32 [tilespmem:s20], [sflag:$0x6], $0x80, s28, s16, $0xb8;
	[tilespmem:$0x1F000] =	vst v63  }
0x165: {  	_ =	swait.ge [sflag:s18], $0x2000  }
0x166: {  	[sflag:s18] =	ssyncset.done $0x0  }
0x167: {  	s21 =	simm.s32 $0x3;
	[sflag:s18] =	ssyncadd.s32 $0xFFFFE000  }
0x168: {  	_ =	swait.ge [sflag:s21], $0x2000  }
0x169: {  	[sflag:s21] =	ssyncset.done $0x0  }
0x16a: {  	s29 =	simm.s32 $0x4D80;
	s22 =	simm.s32 $0x9000;
	[sflag:s21] =	ssyncadd.s32 $0xFFFFE000  }
0x16b: {  	[spmem:s2] =	stream.indirect.scatter.add.f32 [tilespmem:s22], [sflag:$0x6], $0x80, s29, s16, $0xb8;
	[tilespmem:$0x1F000] =	vst v63  }
0x16c: {  	_ =	swait.ge [sflag:s18], $0x2000  }
0x16d: {  	[sflag:s18] =	ssyncset.done $0x0  }
0x16e: {  	s30 =	simm.s32 $0x4;
	[sflag:s18] =	ssyncadd.s32 $0xFFFFE000  }
0x16f: {  	_ =	swait.ge [sflag:s30], $0x1200  }
0x170: {  	[sflag:s30] =	ssyncset.done $0x0  }
0x171: {  	[sflag:s30] =	ssyncadd.s32 $0xFFFFEE00  }
0x172: {  	_ =	swait.ge [sflag:s30], $0x1200  }
0x173: {  	[sflag:s30] =	ssyncset.done $0x0  }
0x174: {  	s31 =	simm.s32 $0x0;
	s23 =	simm.s32 $0x2800;
	[sflag:s30] =	ssyncadd.s32 $0xFFFFEE00  }
0x175: {  	[tilespmem:s23], [sflag:$0x5] =	stream.linear.gather [hbm4b:s13+s31], $0x1200, $0x38;
	[tilespmem:$0x1F000] =	vst v63  }
0x176: {  	s23 =	simm.s32 $0x3C00  }
0x177: {  	[tilespmem:s23], [sflag:$0x5] =	stream.linear.gather [hbm4b:s14+s31], $0x1200, $0x38;
	[tilespmem:$0x1F000] =	vst v63  }
0x178: {  	_ = 	snop  }
0x179: {  	[tilespmem:s17], [sflag:$0x1] =	stream.indirect.gather [hbm4b:s5+s16], $0x80, s31, s16, $0xb8;
	[tilespmem:$0x1F000] =	vst v63  }
0x17a: {  	s24 =	simm.s32 $0x80  }
0x17b: {  	[tilespmem:s20], [sflag:$0x2] =	stream.indirect.gather [hbm4b:s5+s16], $0x80, s24, s16, $0xb8;
	[tilespmem:$0x1F000] =	vst v63  }
0x17c: {  	s25 =	simm.s32 $0x100  }
0x17d: {  	[tilespmem:s22], [sflag:$0x3] =	stream.indirect.gather [hbm4b:s5+s16], $0x80, s25, s16, $0xb8;
	[tilespmem:$0x1F000] =	vst v63  }
0x17e: {  	_ =	swait.ge [sflag:s15], $0x2000  }
0x17f: {  	[sflag:s15] =	ssyncset.done $0x0  }
0x180: {  	s26 =	simm.s32 $0x1400;
	[sflag:s15] =	ssyncadd.s32 $0xFFFFE000  }
0x181: {  	[spmem:s2] =	stream.indirect.scatter.add.f32 [tilespmem:s17], [sflag:$0x6], $0x80, s26, s16, $0xb8;
	[tilespmem:$0x1F000] =	vst v63  }
0x182: {  	_ =	swait.ge [sflag:s18], $0x2000  }
0x183: {  	[sflag:s18] =	ssyncset.done $0x0  }
0x184: {  	s28 =	simm.s32 $0x180;
	[sflag:s18] =	ssyncadd.s32 $0xFFFFE000  }
0x185: {  	[tilespmem:s17], [sflag:$0x1] =	stream.indirect.gather [hbm4b:s5+s16], $0x80, s28, s16, $0xb8;
	[tilespmem:$0x1F000] =	vst v63  }
0x186: {  	_ =	swait.ge [sflag:s19], $0x2000  }
0x187: {  	[sflag:s19] =	ssyncset.done $0x0  }
0x188: {  	s29 =	simm.s32 $0x1480;
	[sflag:s19] =	ssyncadd.s32 $0xFFFFE000  }
0x189: {  	[spmem:s2] =	stream.indirect.scatter.add.f32 [tilespmem:s20], [sflag:$0x6], $0x80, s29, s16, $0xb8;
	[tilespmem:$0x1F000] =	vst v63  }
0x18a: {  	_ =	swait.ge [sflag:s18], $0x2000  }
0x18b: {  	[sflag:s18] =	ssyncset.done $0x0  }
0x18c: {  	s30 =	simm.s32 $0x200;
	[sflag:s18] =	ssyncadd.s32 $0xFFFFE000  }
0x18d: {  	[tilespmem:s20], [sflag:$0x2] =	stream.indirect.gather [hbm4b:s5+s16], $0x80, s30, s16, $0xb8;
	[tilespmem:$0x1F000] =	vst v63  }
0x18e: {  	_ =	swait.ge [sflag:s21], $0x2000  }
0x18f: {  	[sflag:s21] =	ssyncset.done $0x0  }
0x190: {  	s31 =	simm.s32 $0x1500;
	[sflag:s21] =	ssyncadd.s32 $0xFFFFE000  }
0x191: {  	[spmem:s2] =	stream.indirect.scatter.add.f32 [tilespmem:s22], [sflag:$0x6], $0x80, s31, s16, $0xb8;
	[tilespmem:$0x1F000] =	vst v63  }
0x192: {  	_ =	swait.ge [sflag:s18], $0x2000  }
0x193: {  	[sflag:s18] =	ssyncset.done $0x0  }
0x194: {  	s13 =	simm.s32 $0x600;
	s14 =	simm.s32 $0x280;
	[sflag:s18] =	ssyncadd.s32 $0xFFFFE000  }
.LBB2_10:
0x195: {  	[tilespmem:s22], [sflag:$0x3] =	stream.indirect.gather [hbm4b:s5+s16], $0x80, s14, s16, $0xb8;
	[tilespmem:$0x1F000] =	vst v63  }
0x196: {  	s0 =	smov.u32 s13  }
0x197: {  	p0 =	sne.s32 s13, $0x3C00;
	s13 =	sadd.s32 $0x600, s13;
	_ =	swait.ge [sflag:s15], $0x2000  }
0x198: {  	s0 =	sshra.s32 s0, $0x2;
	[sflag:s15] =	ssyncset.done $0x0  }
0x199: {  	s14 =	sadd.s32 $0x1400, s0;
	[sflag:s15] =	ssyncadd.s32 $0xFFFFE000  }
0x19a: {  	[spmem:s2] =	stream.indirect.scatter.add.f32 [tilespmem:s17], [sflag:$0x6], $0x80, s14, s16, $0xb8;
	[tilespmem:$0x1F000] =	vst v63  }
0x19b: {  	_ =	swait.ge [sflag:s18], $0x2000  }
0x19c: {  	[sflag:s18] =	ssyncset.done $0x0  }
0x19d: {  	s14 =	sadd.s32 $0x180, s0;
	[sflag:s18] =	ssyncadd.s32 $0xFFFFE000  }
0x19e: {  	[tilespmem:s17], [sflag:$0x1] =	stream.indirect.gather [hbm4b:s5+s16], $0x80, s14, s16, $0xb8;
	[tilespmem:$0x1F000] =	vst v63  }
0x19f: {  	_ =	swait.ge [sflag:s19], $0x2000  }
0x1a0: {  	[sflag:s19] =	ssyncset.done $0x0  }
0x1a1: {  	s14 =	sadd.s32 $0x1480, s0;
	[sflag:s19] =	ssyncadd.s32 $0xFFFFE000  }
0x1a2: {  	[spmem:s2] =	stream.indirect.scatter.add.f32 [tilespmem:s20], [sflag:$0x6], $0x80, s14, s16, $0xb8;
	[tilespmem:$0x1F000] =	vst v63  }
0x1a3: {  	_ =	swait.ge [sflag:s18], $0x2000  }
0x1a4: {  	[sflag:s18] =	ssyncset.done $0x0  }
0x1a5: {  	s14 =	sadd.s32 $0x200, s0;
	[sflag:s18] =	ssyncadd.s32 $0xFFFFE000  }
0x1a6: {  	[tilespmem:s20], [sflag:$0x2] =	stream.indirect.gather [hbm4b:s5+s16], $0x80, s14, s16, $0xb8;
	[tilespmem:$0x1F000] =	vst v63  }
0x1a7: {  	_ =	swait.ge [sflag:s21], $0x2000  }
0x1a8: {  	[sflag:s21] =	ssyncset.done $0x0  }
.Ltmp5:
0x1a9: {  	s14 =	sadd.s32 $0x1500, s0;
	[sflag:s21] =	ssyncadd.s32 $0xFFFFE000;
	(pc) =	sbr.rel @p0 .LBB2_10-.Ltmp5, $4  }
0x1aa: {  	[spmem:s2] =	stream.indirect.scatter.add.f32 [tilespmem:s22], [sflag:$0x6], $0x80, s14, s16, $0xb8;
	[tilespmem:$0x1F000] =	vst v63  }
0x1ab: {  	_ =	swait.ge [sflag:s18], $0x2000  }
0x1ac: {  	[sflag:s18] =	ssyncset.done $0x0  }
0x1ad: {  	s14 =	sadd.s32 $0x280, s0;
	[sflag:s18] =	ssyncadd.s32 $0xFFFFE000  }
0x1ae: {  	[tilespmem:s22], [sflag:$0x3] =	stream.indirect.gather [hbm4b:s5+s16], $0x80, s14, s16, $0xb8;
	[tilespmem:$0x1F000] =	vst v63  }
0x1af: {  	s13 =	simm.s32 $0x1  }
0x1b0: {  	_ =	swait.ge [sflag:s13], $0x2000  }
0x1b1: {  	s14 =	simm.s32 $0x40;
	s0 =	simm.s32 $0x2480;
	[sflag:s13] =	ssyncset.done $0x0  }
0x1b2: {  	s15 =	simm.s32 $0x5000;
	s16 =	simm.s32 $0x6;
	[sflag:s13] =	ssyncadd.s32 $0xFFFFE000  }
0x1b3: {  	[spmem:s2] =	stream.indirect.scatter.add.f32 [tilespmem:s15], [sflag:$0x6], $0x80, s0, s14, $0xb8;
	[tilespmem:$0x1F000] =	vst v63  }
0x1b4: {  	_ =	swait.ge [sflag:s16], $0x2000  }
0x1b5: {  	[sflag:s16] =	ssyncset.done $0x0  }
0x1b6: {  	s17 =	simm.s32 $0x2;
	[sflag:s16] =	ssyncadd.s32 $0xFFFFE000  }
0x1b7: {  	_ =	swait.ge [sflag:s17], $0x2000  }
0x1b8: {  	[sflag:s17] =	ssyncset.done $0x0  }
0x1b9: {  	s29 =	simm.s32 $0x2500;
	s18 =	simm.s32 $0x7000;
	[sflag:s17] =	ssyncadd.s32 $0xFFFFE000  }
0x1ba: {  	[spmem:s2] =	stream.indirect.scatter.add.f32 [tilespmem:s18], [sflag:$0x6], $0x80, s29, s14, $0xb8;
	[tilespmem:$0x1F000] =	vst v63  }
0x1bb: {  	_ =	swait.ge [sflag:s16], $0x2000  }
0x1bc: {  	[sflag:s16] =	ssyncset.done $0x0  }
0x1bd: {  	s19 =	simm.s32 $0x3;
	[sflag:s16] =	ssyncadd.s32 $0xFFFFE000  }
0x1be: {  	_ =	swait.ge [sflag:s19], $0x2000  }
0x1bf: {  	[sflag:s19] =	ssyncset.done $0x0  }
0x1c0: {  	s30 =	simm.s32 $0x2580;
	s20 =	simm.s32 $0x9000;
	[sflag:s19] =	ssyncadd.s32 $0xFFFFE000  }
0x1c1: {  	[spmem:s2] =	stream.indirect.scatter.add.f32 [tilespmem:s20], [sflag:$0x6], $0x80, s30, s14, $0xb8;
	[tilespmem:$0x1F000] =	vst v63  }
0x1c2: {  	_ =	swait.ge [sflag:s16], $0x2000  }
0x1c3: {  	[sflag:s16] =	ssyncset.done $0x0  }
0x1c4: {  	s31 =	simm.s32 $0x5;
	[sflag:s16] =	ssyncadd.s32 $0xFFFFE000  }
0x1c5: {  	_ =	swait.ge [sflag:s31], $0x1200  }
0x1c6: {  	[sflag:s31] =	ssyncset.done $0x0  }
0x1c7: {  	[sflag:s31] =	ssyncadd.s32 $0xFFFFEE00  }
0x1c8: {  	_ =	swait.ge [sflag:s31], $0x1200  }
0x1c9: {  	[sflag:s31] =	ssyncset.done $0x0  }
0x1ca: {  	s21 =	simm.s32 $0x0;
	[sflag:s31] =	ssyncadd.s32 $0xFFFFEE00  }
0x1cb: {  	[tilespmem:s21], [sflag:$0x4] =	stream.linear.gather [hbm4b:s11+s21], $0x1200, $0x38;
	[tilespmem:$0x1F000] =	vst v63  }
0x1cc: {  	s22 =	simm.s32 $0x1400  }
0x1cd: {  	[tilespmem:s22], [sflag:$0x4] =	stream.linear.gather [hbm4b:s12+s21], $0x1200, $0x38;
	[tilespmem:$0x1F000] =	vst v63  }
0x1ce: {  	s23 =	simm.s32 $0x2800  }
0x1cf: {  	[tilespmem:s15], [sflag:$0x1] =	stream.indirect.gather [hbm4b:s5+s14], $0x80, s23, s14, $0xb8;
	[tilespmem:$0x1F000] =	vst v63  }
0x1d0: {  	s24 =	simm.s32 $0x2880  }
0x1d1: {  	[tilespmem:s18], [sflag:$0x2] =	stream.indirect.gather [hbm4b:s5+s14], $0x80, s24, s14, $0xb8;
	[tilespmem:$0x1F000] =	vst v63  }
0x1d2: {  	s25 =	simm.s32 $0x2900  }
0x1d3: {  	[tilespmem:s20], [sflag:$0x3] =	stream.indirect.gather [hbm4b:s5+s14], $0x80, s25, s14, $0xb8;
	[tilespmem:$0x1F000] =	vst v63  }
0x1d4: {  	_ =	swait.ge [sflag:s13], $0x2000  }
0x1d5: {  	[sflag:s13] =	ssyncset.done $0x0  }
0x1d6: {  	s26 =	simm.s32 $0x3C00;
	[sflag:s13] =	ssyncadd.s32 $0xFFFFE000  }
0x1d7: {  	[spmem:s2] =	stream.indirect.scatter.add.f32 [tilespmem:s15], [sflag:$0x6], $0x80, s26, s14, $0xb8;
	[tilespmem:$0x1F000] =	vst v63  }
0x1d8: {  	_ =	swait.ge [sflag:s16], $0x2000  }
0x1d9: {  	[sflag:s16] =	ssyncset.done $0x0  }
0x1da: {  	s28 =	simm.s32 $0x2980;
	[sflag:s16] =	ssyncadd.s32 $0xFFFFE000  }
0x1db: {  	[tilespmem:s15], [sflag:$0x1] =	stream.indirect.gather [hbm4b:s5+s14], $0x80, s28, s14, $0xb8;
	[tilespmem:$0x1F000] =	vst v63  }
0x1dc: {  	_ =	swait.ge [sflag:s17], $0x2000  }
0x1dd: {  	[sflag:s17] =	ssyncset.done $0x0  }
0x1de: {  	s29 =	simm.s32 $0x3C80;
	[sflag:s17] =	ssyncadd.s32 $0xFFFFE000  }
0x1df: {  	[spmem:s2] =	stream.indirect.scatter.add.f32 [tilespmem:s18], [sflag:$0x6], $0x80, s29, s14, $0xb8;
	[tilespmem:$0x1F000] =	vst v63  }
0x1e0: {  	_ =	swait.ge [sflag:s16], $0x2000  }
0x1e1: {  	[sflag:s16] =	ssyncset.done $0x0  }
0x1e2: {  	s30 =	simm.s32 $0x2A00;
	[sflag:s16] =	ssyncadd.s32 $0xFFFFE000  }
0x1e3: {  	[tilespmem:s18], [sflag:$0x2] =	stream.indirect.gather [hbm4b:s5+s14], $0x80, s30, s14, $0xb8;
	[tilespmem:$0x1F000] =	vst v63  }
0x1e4: {  	_ =	swait.ge [sflag:s19], $0x2000  }
0x1e5: {  	[sflag:s19] =	ssyncset.done $0x0  }
0x1e6: {  	s31 =	simm.s32 $0x3D00;
	[sflag:s19] =	ssyncadd.s32 $0xFFFFE000  }
0x1e7: {  	[spmem:s2] =	stream.indirect.scatter.add.f32 [tilespmem:s20], [sflag:$0x6], $0x80, s31, s14, $0xb8;
	[tilespmem:$0x1F000] =	vst v63  }
0x1e8: {  	_ =	swait.ge [sflag:s16], $0x2000  }
0x1e9: {  	[sflag:s16] =	ssyncset.done $0x0  }
0x1ea: {  	s11 =	simm.s32 $0x600;
	s12 =	simm.s32 $0x2A80;
	[sflag:s16] =	ssyncadd.s32 $0xFFFFE000  }
.LBB2_12:
0x1eb: {  	[tilespmem:s20], [sflag:$0x3] =	stream.indirect.gather [hbm4b:s5+s14], $0x80, s12, s14, $0xb8;
	[tilespmem:$0x1F000] =	vst v63  }
0x1ec: {  	s0 =	smov.u32 s11  }
0x1ed: {  	p0 =	sne.s32 s11, $0x3C00;
	s11 =	sadd.s32 $0x600, s11;
	_ =	swait.ge [sflag:s13], $0x2000  }
0x1ee: {  	s0 =	sshra.s32 s0, $0x2;
	[sflag:s13] =	ssyncset.done $0x0  }
0x1ef: {  	s12 =	sadd.s32 $0x3C00, s0;
	[sflag:s13] =	ssyncadd.s32 $0xFFFFE000  }
0x1f0: {  	[spmem:s2] =	stream.indirect.scatter.add.f32 [tilespmem:s15], [sflag:$0x6], $0x80, s12, s14, $0xb8;
	[tilespmem:$0x1F000] =	vst v63  }
0x1f1: {  	_ =	swait.ge [sflag:s16], $0x2000  }
0x1f2: {  	[sflag:s16] =	ssyncset.done $0x0  }
0x1f3: {  	s12 =	sadd.s32 $0x2980, s0;
	[sflag:s16] =	ssyncadd.s32 $0xFFFFE000  }
0x1f4: {  	[tilespmem:s15], [sflag:$0x1] =	stream.indirect.gather [hbm4b:s5+s14], $0x80, s12, s14, $0xb8;
	[tilespmem:$0x1F000] =	vst v63  }
0x1f5: {  	_ =	swait.ge [sflag:s17], $0x2000  }
0x1f6: {  	[sflag:s17] =	ssyncset.done $0x0  }
0x1f7: {  	s12 =	sadd.s32 $0x3C80, s0;
	[sflag:s17] =	ssyncadd.s32 $0xFFFFE000  }
0x1f8: {  	[spmem:s2] =	stream.indirect.scatter.add.f32 [tilespmem:s18], [sflag:$0x6], $0x80, s12, s14, $0xb8;
	[tilespmem:$0x1F000] =	vst v63  }
0x1f9: {  	_ =	swait.ge [sflag:s16], $0x2000  }
0x1fa: {  	[sflag:s16] =	ssyncset.done $0x0  }
0x1fb: {  	s12 =	sadd.s32 $0x2A00, s0;
	[sflag:s16] =	ssyncadd.s32 $0xFFFFE000  }
0x1fc: {  	[tilespmem:s18], [sflag:$0x2] =	stream.indirect.gather [hbm4b:s5+s14], $0x80, s12, s14, $0xb8;
	[tilespmem:$0x1F000] =	vst v63  }
0x1fd: {  	_ =	swait.ge [sflag:s19], $0x2000  }
0x1fe: {  	[sflag:s19] =	ssyncset.done $0x0  }
.Ltmp6:
0x1ff: {  	s12 =	sadd.s32 $0x3D00, s0;
	[sflag:s19] =	ssyncadd.s32 $0xFFFFE000;
	(pc) =	sbr.rel @p0 .LBB2_12-.Ltmp6, $4  }
0x200: {  	[spmem:s2] =	stream.indirect.scatter.add.f32 [tilespmem:s20], [sflag:$0x6], $0x80, s12, s14, $0xb8;
	[tilespmem:$0x1F000] =	vst v63  }
0x201: {  	_ =	swait.ge [sflag:s16], $0x2000  }
0x202: {  	[sflag:s16] =	ssyncset.done $0x0  }
0x203: {  	s12 =	sadd.s32 $0x2A80, s0;
	[sflag:s16] =	ssyncadd.s32 $0xFFFFE000  }
0x204: {  	[tilespmem:s20], [sflag:$0x3] =	stream.indirect.gather [hbm4b:s5+s14], $0x80, s12, s14, $0xb8;
	[tilespmem:$0x1F000] =	vst v63  }
0x205: {  	s11 =	simm.s32 $0x1  }
0x206: {  	_ =	swait.ge [sflag:s11], $0x2000  }
0x207: {  	s12 =	simm.s32 $0x40;
	s0 =	simm.s32 $0x4C80;
	[sflag:s11] =	ssyncset.done $0x0  }
0x208: {  	s13 =	simm.s32 $0x5000;
	s14 =	simm.s32 $0x6;
	[sflag:s11] =	ssyncadd.s32 $0xFFFFE000  }
0x209: {  	[spmem:s2] =	stream.indirect.scatter.add.f32 [tilespmem:s13], [sflag:$0x6], $0x80, s0, s12, $0xb8;
	[tilespmem:$0x1F000] =	vst v63  }
0x20a: {  	_ =	swait.ge [sflag:s14], $0x2000  }
0x20b: {  	[sflag:s14] =	ssyncset.done $0x0  }
0x20c: {  	s15 =	simm.s32 $0x2;
	[sflag:s14] =	ssyncadd.s32 $0xFFFFE000  }
0x20d: {  	_ =	swait.ge [sflag:s15], $0x2000  }
0x20e: {  	[sflag:s15] =	ssyncset.done $0x0  }
0x20f: {  	s19 =	simm.s32 $0x4D00;
	s16 =	simm.s32 $0x7000;
	[sflag:s15] =	ssyncadd.s32 $0xFFFFE000  }
0x210: {  	[spmem:s2] =	stream.indirect.scatter.add.f32 [tilespmem:s16], [sflag:$0x6], $0x80, s19, s12, $0xb8;
	[tilespmem:$0x1F000] =	vst v63  }
0x211: {  	_ =	swait.ge [sflag:s14], $0x2000  }
0x212: {  	[sflag:s14] =	ssyncset.done $0x0  }
0x213: {  	s17 =	simm.s32 $0x3;
	[sflag:s14] =	ssyncadd.s32 $0xFFFFE000  }
0x214: {  	_ =	swait.ge [sflag:s17], $0x2000  }
0x215: {  	[sflag:s17] =	ssyncset.done $0x0  }
0x216: {  	s20 =	simm.s32 $0x4D80;
	s18 =	simm.s32 $0x9000;
	[sflag:s17] =	ssyncadd.s32 $0xFFFFE000  }
0x217: {  	[spmem:s2] =	stream.indirect.scatter.add.f32 [tilespmem:s18], [sflag:$0x6], $0x80, s20, s12, $0xb8;
	[tilespmem:$0x1F000] =	vst v63  }
0x218: {  	_ =	swait.ge [sflag:s14], $0x2000  }
0x219: {  	[sflag:s14] =	ssyncset.done $0x0  }
0x21a: {  	s21 =	simm.s32 $0x4;
	[sflag:s14] =	ssyncadd.s32 $0xFFFFE000  }
0x21b: {  	_ =	swait.ge [sflag:s21], $0x1200  }
0x21c: {  	[sflag:s21] =	ssyncset.done $0x0  }
0x21d: {  	[sflag:s21] =	ssyncadd.s32 $0xFFFFEE00  }
0x21e: {  	_ =	swait.ge [sflag:s21], $0x1200  }
0x21f: {  	[sflag:s21] =	ssyncset.done $0x0  }
0x220: {  	s22 =	simm.s32 $0x0;
	s19 =	simm.s32 $0x2800;
	[sflag:s21] =	ssyncadd.s32 $0xFFFFEE00  }
0x221: {  	[tilespmem:s19], [sflag:$0x5] =	stream.linear.gather [hbm4b:s9+s22], $0x1200, $0x38;
	[tilespmem:$0x1F000] =	vst v63  }
0x222: {  	s23 =	simm.s32 $0x3C00  }
0x223: {  	[tilespmem:s23], [sflag:$0x5] =	stream.linear.gather [hbm4b:s10+s22], $0x1200, $0x38;
	[tilespmem:$0x1F000] =	vst v63  }
0x224: {  	_ = 	snop  }
0x225: {  	[tilespmem:s13], [sflag:$0x1] =	stream.indirect.gather [hbm4b:s5+s12], $0x80, s22, s12, $0xb8;
	[tilespmem:$0x1F000] =	vst v63  }
0x226: {  	s24 =	simm.s32 $0x80  }
0x227: {  	[tilespmem:s16], [sflag:$0x2] =	stream.indirect.gather [hbm4b:s5+s12], $0x80, s24, s12, $0xb8;
	[tilespmem:$0x1F000] =	vst v63  }
0x228: {  	s25 =	simm.s32 $0x100  }
0x229: {  	[tilespmem:s18], [sflag:$0x3] =	stream.indirect.gather [hbm4b:s5+s12], $0x80, s25, s12, $0xb8;
	[tilespmem:$0x1F000] =	vst v63  }
0x22a: {  	_ =	swait.ge [sflag:s11], $0x2000  }
0x22b: {  	[sflag:s11] =	ssyncset.done $0x0  }
0x22c: {  	s26 =	simm.s32 $0x1400;
	[sflag:s11] =	ssyncadd.s32 $0xFFFFE000  }
0x22d: {  	[spmem:s2] =	stream.indirect.scatter.add.f32 [tilespmem:s13], [sflag:$0x6], $0x80, s26, s12, $0xb8;
	[tilespmem:$0x1F000] =	vst v63  }
0x22e: {  	_ =	swait.ge [sflag:s14], $0x2000  }
0x22f: {  	[sflag:s14] =	ssyncset.done $0x0  }
0x230: {  	s28 =	simm.s32 $0x180;
	[sflag:s14] =	ssyncadd.s32 $0xFFFFE000  }
0x231: {  	[tilespmem:s13], [sflag:$0x1] =	stream.indirect.gather [hbm4b:s5+s12], $0x80, s28, s12, $0xb8;
	[tilespmem:$0x1F000] =	vst v63  }
0x232: {  	_ =	swait.ge [sflag:s15], $0x2000  }
0x233: {  	[sflag:s15] =	ssyncset.done $0x0  }
0x234: {  	s29 =	simm.s32 $0x1480;
	[sflag:s15] =	ssyncadd.s32 $0xFFFFE000  }
0x235: {  	[spmem:s2] =	stream.indirect.scatter.add.f32 [tilespmem:s16], [sflag:$0x6], $0x80, s29, s12, $0xb8;
	[tilespmem:$0x1F000] =	vst v63  }
0x236: {  	_ =	swait.ge [sflag:s14], $0x2000  }
0x237: {  	[sflag:s14] =	ssyncset.done $0x0  }
0x238: {  	s30 =	simm.s32 $0x200;
	[sflag:s14] =	ssyncadd.s32 $0xFFFFE000  }
0x239: {  	[tilespmem:s16], [sflag:$0x2] =	stream.indirect.gather [hbm4b:s5+s12], $0x80, s30, s12, $0xb8;
	[tilespmem:$0x1F000] =	vst v63  }
0x23a: {  	_ =	swait.ge [sflag:s17], $0x2000  }
0x23b: {  	[sflag:s17] =	ssyncset.done $0x0  }
0x23c: {  	s31 =	simm.s32 $0x1500;
	[sflag:s17] =	ssyncadd.s32 $0xFFFFE000  }
0x23d: {  	[spmem:s2] =	stream.indirect.scatter.add.f32 [tilespmem:s18], [sflag:$0x6], $0x80, s31, s12, $0xb8;
	[tilespmem:$0x1F000] =	vst v63  }
0x23e: {  	_ =	swait.ge [sflag:s14], $0x2000  }
0x23f: {  	[sflag:s14] =	ssyncset.done $0x0  }
0x240: {  	s9 =	simm.s32 $0x600;
	s10 =	simm.s32 $0x280;
	[sflag:s14] =	ssyncadd.s32 $0xFFFFE000  }
.LBB2_14:
0x241: {  	[tilespmem:s18], [sflag:$0x3] =	stream.indirect.gather [hbm4b:s5+s12], $0x80, s10, s12, $0xb8;
	[tilespmem:$0x1F000] =	vst v63  }
0x242: {  	s0 =	smov.u32 s9  }
0x243: {  	p0 =	sne.s32 s9, $0x3C00;
	s9 =	sadd.s32 $0x600, s9;
	_ =	swait.ge [sflag:s11], $0x2000  }
0x244: {  	s0 =	sshra.s32 s0, $0x2;
	[sflag:s11] =	ssyncset.done $0x0  }
0x245: {  	s10 =	sadd.s32 $0x1400, s0;
	[sflag:s11] =	ssyncadd.s32 $0xFFFFE000  }
0x246: {  	[spmem:s2] =	stream.indirect.scatter.add.f32 [tilespmem:s13], [sflag:$0x6], $0x80, s10, s12, $0xb8;
	[tilespmem:$0x1F000] =	vst v63  }
0x247: {  	_ =	swait.ge [sflag:s14], $0x2000  }
0x248: {  	[sflag:s14] =	ssyncset.done $0x0  }
0x249: {  	s10 =	sadd.s32 $0x180, s0;
	[sflag:s14] =	ssyncadd.s32 $0xFFFFE000  }
0x24a: {  	[tilespmem:s13], [sflag:$0x1] =	stream.indirect.gather [hbm4b:s5+s12], $0x80, s10, s12, $0xb8;
	[tilespmem:$0x1F000] =	vst v63  }
0x24b: {  	_ =	swait.ge [sflag:s15], $0x2000  }
0x24c: {  	[sflag:s15] =	ssyncset.done $0x0  }
0x24d: {  	s10 =	sadd.s32 $0x1480, s0;
	[sflag:s15] =	ssyncadd.s32 $0xFFFFE000  }
0x24e: {  	[spmem:s2] =	stream.indirect.scatter.add.f32 [tilespmem:s16], [sflag:$0x6], $0x80, s10, s12, $0xb8;
	[tilespmem:$0x1F000] =	vst v63  }
0x24f: {  	_ =	swait.ge [sflag:s14], $0x2000  }
0x250: {  	[sflag:s14] =	ssyncset.done $0x0  }
0x251: {  	s10 =	sadd.s32 $0x200, s0;
	[sflag:s14] =	ssyncadd.s32 $0xFFFFE000  }
0x252: {  	[tilespmem:s16], [sflag:$0x2] =	stream.indirect.gather [hbm4b:s5+s12], $0x80, s10, s12, $0xb8;
	[tilespmem:$0x1F000] =	vst v63  }
0x253: {  	_ =	swait.ge [sflag:s17], $0x2000  }
0x254: {  	[sflag:s17] =	ssyncset.done $0x0  }
.Ltmp7:
0x255: {  	s10 =	sadd.s32 $0x1500, s0;
	[sflag:s17] =	ssyncadd.s32 $0xFFFFE000;
	(pc) =	sbr.rel @p0 .LBB2_14-.Ltmp7, $4  }
0x256: {  	[spmem:s2] =	stream.indirect.scatter.add.f32 [tilespmem:s18], [sflag:$0x6], $0x80, s10, s12, $0xb8;
	[tilespmem:$0x1F000] =	vst v63  }
0x257: {  	_ =	swait.ge [sflag:s14], $0x2000  }
0x258: {  	[sflag:s14] =	ssyncset.done $0x0  }
0x259: {  	s10 =	sadd.s32 $0x280, s0;
	[sflag:s14] =	ssyncadd.s32 $0xFFFFE000  }
0x25a: {  	[tilespmem:s18], [sflag:$0x3] =	stream.indirect.gather [hbm4b:s5+s12], $0x80, s10, s12, $0xb8;
	[tilespmem:$0x1F000] =	vst v63  }
0x25b: {  	s9 =	simm.s32 $0x1  }
0x25c: {  	_ =	swait.ge [sflag:s9], $0x2000  }
0x25d: {  	s10 =	simm.s32 $0x40;
	s0 =	simm.s32 $0x2480;
	[sflag:s9] =	ssyncset.done $0x0  }
0x25e: {  	s11 =	simm.s32 $0x5000;
	s12 =	simm.s32 $0x6;
	[sflag:s9] =	ssyncadd.s32 $0xFFFFE000  }
0x25f: {  	[spmem:s2] =	stream.indirect.scatter.add.f32 [tilespmem:s11], [sflag:$0x6], $0x80, s0, s10, $0xb8;
	[tilespmem:$0x1F000] =	vst v63  }
0x260: {  	_ =	swait.ge [sflag:s12], $0x2000  }
0x261: {  	[sflag:s12] =	ssyncset.done $0x0  }
0x262: {  	s13 =	simm.s32 $0x2;
	[sflag:s12] =	ssyncadd.s32 $0xFFFFE000  }
0x263: {  	_ =	swait.ge [sflag:s13], $0x2000  }
0x264: {  	[sflag:s13] =	ssyncset.done $0x0  }
0x265: {  	s18 =	simm.s32 $0x2500;
	s14 =	simm.s32 $0x7000;
	[sflag:s13] =	ssyncadd.s32 $0xFFFFE000  }
0x266: {  	[spmem:s2] =	stream.indirect.scatter.add.f32 [tilespmem:s14], [sflag:$0x6], $0x80, s18, s10, $0xb8;
	[tilespmem:$0x1F000] =	vst v63  }
0x267: {  	_ =	swait.ge [sflag:s12], $0x2000  }
0x268: {  	[sflag:s12] =	ssyncset.done $0x0  }
0x269: {  	s15 =	simm.s32 $0x3;
	[sflag:s12] =	ssyncadd.s32 $0xFFFFE000  }
0x26a: {  	_ =	swait.ge [sflag:s15], $0x2000  }
0x26b: {  	[sflag:s15] =	ssyncset.done $0x0  }
0x26c: {  	s19 =	simm.s32 $0x2580;
	s16 =	simm.s32 $0x9000;
	[sflag:s15] =	ssyncadd.s32 $0xFFFFE000  }
0x26d: {  	[spmem:s2] =	stream.indirect.scatter.add.f32 [tilespmem:s16], [sflag:$0x6], $0x80, s19, s10, $0xb8;
	[tilespmem:$0x1F000] =	vst v63  }
0x26e: {  	_ =	swait.ge [sflag:s12], $0x2000  }
0x26f: {  	[sflag:s12] =	ssyncset.done $0x0  }
0x270: {  	s20 =	simm.s32 $0x5;
	[sflag:s12] =	ssyncadd.s32 $0xFFFFE000  }
0x271: {  	_ =	swait.ge [sflag:s20], $0x1200  }
0x272: {  	[sflag:s20] =	ssyncset.done $0x0  }
0x273: {  	[sflag:s20] =	ssyncadd.s32 $0xFFFFEE00  }
0x274: {  	_ =	swait.ge [sflag:s20], $0x1200  }
0x275: {  	[sflag:s20] =	ssyncset.done $0x0  }
0x276: {  	s21 =	simm.s32 $0x0;
	[sflag:s20] =	ssyncadd.s32 $0xFFFFEE00  }
0x277: {  	[tilespmem:s21], [sflag:$0x4] =	stream.linear.gather [hbm4b:s7+s21], $0x1200, $0x38;
	[tilespmem:$0x1F000] =	vst v63  }
0x278: {  	s22 =	simm.s32 $0x1400  }
0x279: {  	[tilespmem:s22], [sflag:$0x4] =	stream.linear.gather [hbm4b:s8+s21], $0x1200, $0x38;
	[tilespmem:$0x1F000] =	vst v63  }
0x27a: {  	s23 =	simm.s32 $0x2800  }
0x27b: {  	[tilespmem:s11], [sflag:$0x1] =	stream.indirect.gather [hbm4b:s5+s10], $0x80, s23, s10, $0xb8;
	[tilespmem:$0x1F000] =	vst v63  }
0x27c: {  	s24 =	simm.s32 $0x2880  }
0x27d: {  	[tilespmem:s14], [sflag:$0x2] =	stream.indirect.gather [hbm4b:s5+s10], $0x80, s24, s10, $0xb8;
	[tilespmem:$0x1F000] =	vst v63  }
0x27e: {  	s25 =	simm.s32 $0x2900  }
0x27f: {  	[tilespmem:s16], [sflag:$0x3] =	stream.indirect.gather [hbm4b:s5+s10], $0x80, s25, s10, $0xb8;
	[tilespmem:$0x1F000] =	vst v63  }
0x280: {  	_ =	swait.ge [sflag:s9], $0x2000  }
0x281: {  	[sflag:s9] =	ssyncset.done $0x0  }
0x282: {  	s26 =	simm.s32 $0x3C00;
	[sflag:s9] =	ssyncadd.s32 $0xFFFFE000  }
0x283: {  	[spmem:s2] =	stream.indirect.scatter.add.f32 [tilespmem:s11], [sflag:$0x6], $0x80, s26, s10, $0xb8;
	[tilespmem:$0x1F000] =	vst v63  }
0x284: {  	_ =	swait.ge [sflag:s12], $0x2000  }
0x285: {  	[sflag:s12] =	ssyncset.done $0x0  }
0x286: {  	s28 =	simm.s32 $0x2980;
	[sflag:s12] =	ssyncadd.s32 $0xFFFFE000  }
0x287: {  	[tilespmem:s11], [sflag:$0x1] =	stream.indirect.gather [hbm4b:s5+s10], $0x80, s28, s10, $0xb8;
	[tilespmem:$0x1F000] =	vst v63  }
0x288: {  	_ =	swait.ge [sflag:s13], $0x2000  }
0x289: {  	[sflag:s13] =	ssyncset.done $0x0  }
0x28a: {  	s29 =	simm.s32 $0x3C80;
	[sflag:s13] =	ssyncadd.s32 $0xFFFFE000  }
0x28b: {  	[spmem:s2] =	stream.indirect.scatter.add.f32 [tilespmem:s14], [sflag:$0x6], $0x80, s29, s10, $0xb8;
	[tilespmem:$0x1F000] =	vst v63  }
0x28c: {  	_ =	swait.ge [sflag:s12], $0x2000  }
0x28d: {  	[sflag:s12] =	ssyncset.done $0x0  }
0x28e: {  	s30 =	simm.s32 $0x2A00;
	[sflag:s12] =	ssyncadd.s32 $0xFFFFE000  }
0x28f: {  	[tilespmem:s14], [sflag:$0x2] =	stream.indirect.gather [hbm4b:s5+s10], $0x80, s30, s10, $0xb8;
	[tilespmem:$0x1F000] =	vst v63  }
0x290: {  	_ =	swait.ge [sflag:s15], $0x2000  }
0x291: {  	[sflag:s15] =	ssyncset.done $0x0  }
0x292: {  	s31 =	simm.s32 $0x3D00;
	[sflag:s15] =	ssyncadd.s32 $0xFFFFE000  }
0x293: {  	[spmem:s2] =	stream.indirect.scatter.add.f32 [tilespmem:s16], [sflag:$0x6], $0x80, s31, s10, $0xb8;
	[tilespmem:$0x1F000] =	vst v63  }
0x294: {  	_ =	swait.ge [sflag:s12], $0x2000  }
0x295: {  	[sflag:s12] =	ssyncset.done $0x0  }
0x296: {  	s7 =	simm.s32 $0x600;
	s8 =	simm.s32 $0x2A80;
	[sflag:s12] =	ssyncadd.s32 $0xFFFFE000  }
.LBB2_16:
0x297: {  	[tilespmem:s16], [sflag:$0x3] =	stream.indirect.gather [hbm4b:s5+s10], $0x80, s8, s10, $0xb8;
	[tilespmem:$0x1F000] =	vst v63  }
0x298: {  	s0 =	smov.u32 s7  }
0x299: {  	p0 =	sne.s32 s7, $0x3C00;
	s7 =	sadd.s32 $0x600, s7;
	_ =	swait.ge [sflag:s9], $0x2000  }
0x29a: {  	s0 =	sshra.s32 s0, $0x2;
	[sflag:s9] =	ssyncset.done $0x0  }
0x29b: {  	s8 =	sadd.s32 $0x3C00, s0;
	[sflag:s9] =	ssyncadd.s32 $0xFFFFE000  }
0x29c: {  	[spmem:s2] =	stream.indirect.scatter.add.f32 [tilespmem:s11], [sflag:$0x6], $0x80, s8, s10, $0xb8;
	[tilespmem:$0x1F000] =	vst v63  }
0x29d: {  	_ =	swait.ge [sflag:s12], $0x2000  }
0x29e: {  	[sflag:s12] =	ssyncset.done $0x0  }
0x29f: {  	s8 =	sadd.s32 $0x2980, s0;
	[sflag:s12] =	ssyncadd.s32 $0xFFFFE000  }
0x2a0: {  	[tilespmem:s11], [sflag:$0x1] =	stream.indirect.gather [hbm4b:s5+s10], $0x80, s8, s10, $0xb8;
	[tilespmem:$0x1F000] =	vst v63  }
0x2a1: {  	_ =	swait.ge [sflag:s13], $0x2000  }
0x2a2: {  	[sflag:s13] =	ssyncset.done $0x0  }
0x2a3: {  	s8 =	sadd.s32 $0x3C80, s0;
	[sflag:s13] =	ssyncadd.s32 $0xFFFFE000  }
0x2a4: {  	[spmem:s2] =	stream.indirect.scatter.add.f32 [tilespmem:s14], [sflag:$0x6], $0x80, s8, s10, $0xb8;
	[tilespmem:$0x1F000] =	vst v63  }
0x2a5: {  	_ =	swait.ge [sflag:s12], $0x2000  }
0x2a6: {  	[sflag:s12] =	ssyncset.done $0x0  }
0x2a7: {  	s8 =	sadd.s32 $0x2A00, s0;
	[sflag:s12] =	ssyncadd.s32 $0xFFFFE000  }
0x2a8: {  	[tilespmem:s14], [sflag:$0x2] =	stream.indirect.gather [hbm4b:s5+s10], $0x80, s8, s10, $0xb8;
	[tilespmem:$0x1F000] =	vst v63  }
0x2a9: {  	_ =	swait.ge [sflag:s15], $0x2000  }
0x2aa: {  	[sflag:s15] =	ssyncset.done $0x0  }
.Ltmp8:
0x2ab: {  	s8 =	sadd.s32 $0x3D00, s0;
	[sflag:s15] =	ssyncadd.s32 $0xFFFFE000;
	(pc) =	sbr.rel @p0 .LBB2_16-.Ltmp8, $4  }
0x2ac: {  	[spmem:s2] =	stream.indirect.scatter.add.f32 [tilespmem:s16], [sflag:$0x6], $0x80, s8, s10, $0xb8;
	[tilespmem:$0x1F000] =	vst v63  }
0x2ad: {  	_ =	swait.ge [sflag:s12], $0x2000  }
0x2ae: {  	[sflag:s12] =	ssyncset.done $0x0  }
0x2af: {  	s8 =	sadd.s32 $0x2A80, s0;
	[sflag:s12] =	ssyncadd.s32 $0xFFFFE000  }
0x2b0: {  	[tilespmem:s16], [sflag:$0x3] =	stream.indirect.gather [hbm4b:s5+s10], $0x80, s8, s10, $0xb8;
	[tilespmem:$0x1F000] =	vst v63  }
0x2b1: {  	s7 =	simm.s32 $0x1  }
0x2b2: {  	_ =	swait.ge [sflag:s7], $0x2000  }
0x2b3: {  	s8 =	simm.s32 $0x40;
	s0 =	simm.s32 $0x4C80;
	[sflag:s7] =	ssyncset.done $0x0  }
0x2b4: {  	s9 =	simm.s32 $0x5000;
	s10 =	simm.s32 $0x6;
	[sflag:s7] =	ssyncadd.s32 $0xFFFFE000  }
0x2b5: {  	[spmem:s2] =	stream.indirect.scatter.add.f32 [tilespmem:s9], [sflag:$0x6], $0x80, s0, s8, $0xb8;
	[tilespmem:$0x1F000] =	vst v63  }
0x2b6: {  	_ =	swait.ge [sflag:s10], $0x2000  }
0x2b7: {  	[sflag:s10] =	ssyncset.done $0x0  }
0x2b8: {  	s11 =	simm.s32 $0x2;
	[sflag:s10] =	ssyncadd.s32 $0xFFFFE000  }
0x2b9: {  	_ =	swait.ge [sflag:s11], $0x2000  }
0x2ba: {  	[sflag:s11] =	ssyncset.done $0x0  }
0x2bb: {  	s20 =	simm.s32 $0x4D00;
	s12 =	simm.s32 $0x7000;
	[sflag:s11] =	ssyncadd.s32 $0xFFFFE000  }
0x2bc: {  	[spmem:s2] =	stream.indirect.scatter.add.f32 [tilespmem:s12], [sflag:$0x6], $0x80, s20, s8, $0xb8;
	[tilespmem:$0x1F000] =	vst v63  }
0x2bd: {  	_ =	swait.ge [sflag:s10], $0x2000  }
0x2be: {  	[sflag:s10] =	ssyncset.done $0x0  }
0x2bf: {  	s13 =	simm.s32 $0x3;
	[sflag:s10] =	ssyncadd.s32 $0xFFFFE000  }
0x2c0: {  	_ =	swait.ge [sflag:s13], $0x2000  }
0x2c1: {  	[sflag:s13] =	ssyncset.done $0x0  }
0x2c2: {  	s21 =	simm.s32 $0x4D80;
	s14 =	simm.s32 $0x9000;
	[sflag:s13] =	ssyncadd.s32 $0xFFFFE000  }
0x2c3: {  	[spmem:s2] =	stream.indirect.scatter.add.f32 [tilespmem:s14], [sflag:$0x6], $0x80, s21, s8, $0xb8;
	[tilespmem:$0x1F000] =	vst v63  }
0x2c4: {  	_ =	swait.ge [sflag:s10], $0x2000  }
0x2c5: {  	[sflag:s10] =	ssyncset.done $0x0  }
0x2c6: {  	s22 =	simm.s32 $0x4;
	[sflag:s10] =	ssyncadd.s32 $0xFFFFE000  }
0x2c7: {  	_ =	swait.ge [sflag:s22], $0x1200  }
0x2c8: {  	[sflag:s22] =	ssyncset.done $0x0  }
0x2c9: {  	[sflag:s22] =	ssyncadd.s32 $0xFFFFEE00  }
0x2ca: {  	_ =	swait.ge [sflag:s22], $0x1200  }
0x2cb: {  	[sflag:s22] =	ssyncset.done $0x0  }
0x2cc: {  	s23 =	simm.s32 $0x0;
	[sflag:s22] =	ssyncadd.s32 $0xFFFFEE00  }
0x2cd: {  	[tilespmem:s9], [sflag:$0x1] =	stream.indirect.gather [hbm4b:s5+s8], $0x80, s23, s8, $0xb8;
	[tilespmem:$0x1F000] =	vst v63  }
0x2ce: {  	s24 =	simm.s32 $0x80  }
0x2cf: {  	[tilespmem:s12], [sflag:$0x2] =	stream.indirect.gather [hbm4b:s5+s8], $0x80, s24, s8, $0xb8;
	[tilespmem:$0x1F000] =	vst v63  }
0x2d0: {  	s25 =	simm.s32 $0x100  }
0x2d1: {  	[tilespmem:s14], [sflag:$0x3] =	stream.indirect.gather [hbm4b:s5+s8], $0x80, s25, s8, $0xb8;
	[tilespmem:$0x1F000] =	vst v63  }
0x2d2: {  	_ =	swait.ge [sflag:s7], $0x2000  }
0x2d3: {  	[sflag:s7] =	ssyncset.done $0x0  }
0x2d4: {  	s26 =	simm.s32 $0x1400;
	[sflag:s7] =	ssyncadd.s32 $0xFFFFE000  }
0x2d5: {  	[spmem:s2] =	stream.indirect.scatter.add.f32 [tilespmem:s9], [sflag:$0x6], $0x80, s26, s8, $0xb8;
	[tilespmem:$0x1F000] =	vst v63  }
0x2d6: {  	_ =	swait.ge [sflag:s10], $0x2000  }
0x2d7: {  	[sflag:s10] =	ssyncset.done $0x0  }
0x2d8: {  	s28 =	simm.s32 $0x180;
	[sflag:s10] =	ssyncadd.s32 $0xFFFFE000  }
0x2d9: {  	[tilespmem:s9], [sflag:$0x1] =	stream.indirect.gather [hbm4b:s5+s8], $0x80, s28, s8, $0xb8;
	[tilespmem:$0x1F000] =	vst v63  }
0x2da: {  	_ =	swait.ge [sflag:s11], $0x2000  }
0x2db: {  	[sflag:s11] =	ssyncset.done $0x0  }
0x2dc: {  	s29 =	simm.s32 $0x1480;
	[sflag:s11] =	ssyncadd.s32 $0xFFFFE000  }
0x2dd: {  	[spmem:s2] =	stream.indirect.scatter.add.f32 [tilespmem:s12], [sflag:$0x6], $0x80, s29, s8, $0xb8;
	[tilespmem:$0x1F000] =	vst v63  }
0x2de: {  	_ =	swait.ge [sflag:s10], $0x2000  }
0x2df: {  	[sflag:s10] =	ssyncset.done $0x0  }
0x2e0: {  	s30 =	simm.s32 $0x200;
	[sflag:s10] =	ssyncadd.s32 $0xFFFFE000  }
0x2e1: {  	[tilespmem:s12], [sflag:$0x2] =	stream.indirect.gather [hbm4b:s5+s8], $0x80, s30, s8, $0xb8;
	[tilespmem:$0x1F000] =	vst v63  }
0x2e2: {  	_ =	swait.ge [sflag:s13], $0x2000  }
0x2e3: {  	[sflag:s13] =	ssyncset.done $0x0  }
0x2e4: {  	s31 =	simm.s32 $0x1500;
	[sflag:s13] =	ssyncadd.s32 $0xFFFFE000  }
0x2e5: {  	[spmem:s2] =	stream.indirect.scatter.add.f32 [tilespmem:s14], [sflag:$0x6], $0x80, s31, s8, $0xb8;
	[tilespmem:$0x1F000] =	vst v63  }
0x2e6: {  	_ =	swait.ge [sflag:s10], $0x2000  }
0x2e7: {  	[sflag:s10] =	ssyncset.done $0x0  }
0x2e8: {  	s15 =	simm.s32 $0x600;
	s16 =	simm.s32 $0x280;
	[sflag:s10] =	ssyncadd.s32 $0xFFFFE000  }
.LBB2_18:
0x2e9: {  	[tilespmem:s14], [sflag:$0x3] =	stream.indirect.gather [hbm4b:s5+s8], $0x80, s16, s8, $0xb8;
	[tilespmem:$0x1F000] =	vst v63  }
0x2ea: {  	s0 =	smov.u32 s15  }
0x2eb: {  	p0 =	sne.s32 s15, $0x3C00;
	s15 =	sadd.s32 $0x600, s15;
	_ =	swait.ge [sflag:s7], $0x2000  }
0x2ec: {  	s0 =	sshra.s32 s0, $0x2;
	[sflag:s7] =	ssyncset.done $0x0  }
0x2ed: {  	s16 =	sadd.s32 $0x1400, s0;
	[sflag:s7] =	ssyncadd.s32 $0xFFFFE000  }
0x2ee: {  	[spmem:s2] =	stream.indirect.scatter.add.f32 [tilespmem:s9], [sflag:$0x6], $0x80, s16, s8, $0xb8;
	[tilespmem:$0x1F000] =	vst v63  }
0x2ef: {  	_ =	swait.ge [sflag:s10], $0x2000  }
0x2f0: {  	[sflag:s10] =	ssyncset.done $0x0  }
0x2f1: {  	s16 =	sadd.s32 $0x180, s0;
	[sflag:s10] =	ssyncadd.s32 $0xFFFFE000  }
0x2f2: {  	[tilespmem:s9], [sflag:$0x1] =	stream.indirect.gather [hbm4b:s5+s8], $0x80, s16, s8, $0xb8;
	[tilespmem:$0x1F000] =	vst v63  }
0x2f3: {  	_ =	swait.ge [sflag:s11], $0x2000  }
0x2f4: {  	[sflag:s11] =	ssyncset.done $0x0  }
0x2f5: {  	s16 =	sadd.s32 $0x1480, s0;
	[sflag:s11] =	ssyncadd.s32 $0xFFFFE000  }
0x2f6: {  	[spmem:s2] =	stream.indirect.scatter.add.f32 [tilespmem:s12], [sflag:$0x6], $0x80, s16, s8, $0xb8;
	[tilespmem:$0x1F000] =	vst v63  }
0x2f7: {  	_ =	swait.ge [sflag:s10], $0x2000  }
0x2f8: {  	[sflag:s10] =	ssyncset.done $0x0  }
0x2f9: {  	s16 =	sadd.s32 $0x200, s0;
	[sflag:s10] =	ssyncadd.s32 $0xFFFFE000  }
0x2fa: {  	[tilespmem:s12], [sflag:$0x2] =	stream.indirect.gather [hbm4b:s5+s8], $0x80, s16, s8, $0xb8;
	[tilespmem:$0x1F000] =	vst v63  }
0x2fb: {  	_ =	swait.ge [sflag:s13], $0x2000  }
0x2fc: {  	[sflag:s13] =	ssyncset.done $0x0  }
.Ltmp9:
0x2fd: {  	s16 =	sadd.s32 $0x1500, s0;
	[sflag:s13] =	ssyncadd.s32 $0xFFFFE000;
	(pc) =	sbr.rel @p0 .LBB2_18-.Ltmp9, $4  }
0x2fe: {  	[spmem:s2] =	stream.indirect.scatter.add.f32 [tilespmem:s14], [sflag:$0x6], $0x80, s16, s8, $0xb8;
	[tilespmem:$0x1F000] =	vst v63  }
0x2ff: {  	_ =	swait.ge [sflag:s10], $0x2000  }
0x300: {  	[sflag:s10] =	ssyncset.done $0x0  }
0x301: {  	s16 =	sadd.s32 $0x280, s0;
	[sflag:s10] =	ssyncadd.s32 $0xFFFFE000  }
0x302: {  	[tilespmem:s14], [sflag:$0x3] =	stream.indirect.gather [hbm4b:s5+s8], $0x80, s16, s8, $0xb8;
	[tilespmem:$0x1F000] =	vst v63  }
0x303: {  	s0 =	simm.s32 $0x1  }
0x304: {  	_ =	swait.ge [sflag:s0], $0x2000  }
0x305: {  	s21 =	simm.s32 $0x40;
	s22 =	simm.s32 $0x2480;
	[sflag:s0] =	ssyncset.done $0x0  }
0x306: {  	s7 =	simm.s32 $0x5000;
	s23 =	simm.s32 $0x6;
	[sflag:s0] =	ssyncadd.s32 $0xFFFFE000  }
0x307: {  	[spmem:s2] =	stream.indirect.scatter.add.f32 [tilespmem:s7], [sflag:$0x6], $0x80, s22, s21, $0xb8;
	[tilespmem:$0x1F000] =	vst v63  }
0x308: {  	_ =	swait.ge [sflag:s23], $0x2000  }
0x309: {  	[sflag:s23] =	ssyncset.done $0x0  }
0x30a: {  	s24 =	simm.s32 $0x2;
	[sflag:s23] =	ssyncadd.s32 $0xFFFFE000  }
0x30b: {  	_ =	swait.ge [sflag:s24], $0x2000  }
0x30c: {  	[sflag:s24] =	ssyncset.done $0x0  }
0x30d: {  	s25 =	simm.s32 $0x2500;
	s26 =	simm.s32 $0x7000;
	[sflag:s24] =	ssyncadd.s32 $0xFFFFE000  }
0x30e: {  	[spmem:s2] =	stream.indirect.scatter.add.f32 [tilespmem:s26], [sflag:$0x6], $0x80, s25, s21, $0xb8;
	[tilespmem:$0x1F000] =	vst v63  }
0x30f: {  	_ =	swait.ge [sflag:s23], $0x2000  }
0x310: {  	[sflag:s23] =	ssyncset.done $0x0  }
0x311: {  	s28 =	simm.s32 $0x3;
	[sflag:s23] =	ssyncadd.s32 $0xFFFFE000  }
0x312: {  	_ =	swait.ge [sflag:s28], $0x2000  }
0x313: {  	[sflag:s28] =	ssyncset.done $0x0  }
0x314: {  	s29 =	simm.s32 $0x2580;
	s30 =	simm.s32 $0x9000;
	[sflag:s28] =	ssyncadd.s32 $0xFFFFE000  }
0x315: {  	[spmem:s2] =	stream.indirect.scatter.add.f32 [tilespmem:s30], [sflag:$0x6], $0x80, s29, s21, $0xb8;
	[tilespmem:$0x1F000] =	vst v63  }
0x316: {  	_ =	swait.ge [sflag:s23], $0x2000  }
0x317: {  	[sflag:s23] =	ssyncset.done $0x0  }
0x318: {  	[sflag:s23] =	ssyncadd.s32 $0xFFFFE000  }
0x319: {  	s31 =	sor.u32 $0x1C06, s3;
	[bflag:$0x0] =	sbarrier.arrive $0xFFFF  }
0x31a: {  	[hbm:s6], [sflag:s31] =	dma.local [spmem:s4], $0x2800  }
0x31b: {  	_ =	swait.ge [sflag:s23], $0x2800  }
0x31c: {  	[sflag:s23] =	ssyncset.done $0x0  }
0x31d: {  	[sflag:s23] =	ssyncadd.s32 $0xFFFFD800  }
0x31e: {  	s0 =	rddreg [dreg:$0x4]  }
.LBB2_20:
0x31f: {  	_ =	sfence.sel $0x180000  }
0x320: {  	[bflag:$0x0] =	sbarrier.arrive $0xFFFF  }
0x321: {  	p0 =	sne.s32 s1, $0x0;
	_ =	strace $0x90000047  }
0x322: {  	s0 =	sadd.s32 @!p0 $0x100000, s0;
	[bflag:$0x2] =	sbarrier.arrive $0xFFFF  }
0x323: {  	[sflag:s0] =	ssyncadd.tile.s32 @!p0 $0x1;
	_ =	shalt  }
.Lfunc_end2:
_tile_overlayer_lowered:
.L_overlay_start_2:
0x324: {  	(tag) =	ssettag $0x2  }
0x325: {  	s0 =	rddreg [dreg:$0x0];
	s2 =	stileid.u32  }
0x326: {  	s1 =	rddreg [dreg:$0x1];
	p0 =	sne.s32 s2, $0x0  }
0x327: {  	s3 =	rddreg [dreg:$0x2];
	[bflag:$0x3] =	sbarrier.arrive $0xFFFF;
	s2 =	simm.s32 @!p0 $0x1C06  }
0x328: {  	[timem:s3], [sflag:s2] =	dma.local @!p0 [hbm:s0], s1  }
0x329: {  	s0 =	simm.s32 @!p0 $0x6  }
0x32a: {  	_ =	swait.ge @!p0 [sflag:s0], s1  }
0x32b: {  	s1 =	ssub.s32 @!p0 $0x0, s1;
	[sflag:s0] =	ssyncset.done @!p0 $0x0  }
0x32c: {  	[sflag:s0] =	ssyncadd.s32 @!p0 s1  }
0x32d: {  	[bflag:$0x3] =	sbarrier.arrive $0xFFFF  }
0x32e: {  	_ =	shalt  }

</sc_bundles>
